<compile_context>
chip_gen: v7x
topology: tpu7x:2x2x1
jax: 0.10.2.dev20260603
libtpu: 0.0.44.dev20260713+nightly
codegen_flags: <defaults>
</compile_context>

<pallas_src>
import jax
import jax.numpy as jnp
from jax import lax
from jax.experimental import pallas as pl
from jax.experimental.pallas import tpu as pltpu
from jax.experimental.pallas import tpu_sc as plsc

N = 10000
E = 320000
D = 128
H = 128
A = 2

CB = 128
NCHUNK = 2560
E_PAD = NCHUNK * CB
NSUB = 16
ND = NCHUNK // NSUB
HALFC = NCHUNK // 2
NH = HALFC // NSUB
NPAD = 10240
RPT = NPAD // NSUB
R = 640
G = NPAD // R


ND_T = NCHUNK // NSUB


def _sc_body(x_hbm, src_hbm, srcc_hbm, dst_hbm,
             agg_hbm, c_hbm, invd_hbm,
             widx_rs, widx_rd, widx_d, widx_cd, widx_cs, rows_st, vals_st,
             ones_st, zb1,
             deg_sh, invd_sh, c_sh, agg_sh,
             sem_ws, sem_rd, sem_gr, sem_sr, sem_dw, sem_ds,
             sem_cd, sem_cs, sem_sc):
    cid = lax.axis_index("c")
    sid = lax.axis_index("s")
    z16 = jnp.zeros((16,), jnp.float32)
    o16 = jnp.ones((16,), jnp.float32)

    def _z1(i, carry):
        zb1[pl.ds(i * 16, 16)] = z16
        return carry
    lax.fori_loop(0, RPT // 16, _z1, 0)
    for j in range(CB // 16):
        ones_st[pl.ds(j * 16, 16)] = o16

    def _zr(i, carry):
        for j in range(D // 16):
            rows_st[0, i, pl.ds(j * 16, 16)] = z16
        return carry
    lax.fori_loop(0, CB, _zr, 0)

    r0 = sid * RPT
    for k in range(RPT // CB):
        pltpu.sync_copy(rows_st.at[0], agg_sh.at[pl.ds(r0 + k * CB, CB)])
    pltpu.sync_copy(zb1, deg_sh.at[pl.ds(r0, RPT)])
    pltpu.sync_copy(zb1, c_sh.at[pl.ds(r0, RPT)])
    plsc.subcore_barrier()

    base = (cid * HALFC + sid * NH) * CB
    dbase = sid * ND_T * CB

    def _wait(desc_src, dst, sem):
        pltpu.make_async_copy(desc_src, dst, sem).wait()

    def _fire_sfetch(j, s):
        pltpu.async_copy(src_hbm.at[pl.ds(base + j * CB, CB)],
                         widx_rs.at[s], sem_ws.at[s])

    def _fire_dfetch(j, s):
        pltpu.async_copy(dst_hbm.at[pl.ds(base + j * CB, CB)],
                         widx_rd.at[s], sem_rd.at[s])

    def _fire_degf(dg, s):
        pltpu.async_copy(dst_hbm.at[pl.ds(dbase + dg * CB, CB)],
                         widx_d.at[s], sem_dw.at[s])

    for s in range(4):
        _fire_sfetch(s, s)
        _fire_dfetch(s, s)
        _fire_degf(s, s)
    for b in range(2):
        _wait(src_hbm.at[pl.ds(0, CB)], widx_rs.at[b], sem_ws.at[b])
        pltpu.async_copy(x_hbm.at[widx_rs.at[b]], rows_st.at[b],
                         sem_gr.at[b])

    def _phase_a(oo, carry):
        for t in range(8):
            j = oo * 8 + t
            b = t % 2
            s = t % 4
            s2 = (t + 2) % 4
            _wait(x_hbm.at[widx_rs.at[s]], rows_st.at[b], sem_gr.at[b])
            _wait(dst_hbm.at[pl.ds(0, CB)], widx_rd.at[s], sem_rd.at[s])
            pltpu.async_copy(rows_st.at[b], agg_sh.at[widx_rd.at[s]],
                             sem_sr.at[b], add=True)
            _wait(rows_st.at[b], agg_sh.at[widx_rd.at[s]], sem_sr.at[b])

            @pl.when(j + 4 < NH)
            def _():
                _fire_sfetch(j + 4, s)
                _fire_dfetch(j + 4, s)

            @pl.when(j + 2 < NH)
            def _():
                _wait(src_hbm.at[pl.ds(0, CB)], widx_rs.at[s2], sem_ws.at[s2])
                pltpu.async_copy(x_hbm.at[widx_rs.at[s2]],
                                 rows_st.at[b], sem_gr.at[b])
            for u in range(2):
                dg = j * 2 + u
                db = (t * 2 + u) % 4
                db2 = (t * 2 + u + 2) % 4
                _wait(dst_hbm.at[pl.ds(0, CB)], widx_d.at[db], sem_dw.at[db])
                pltpu.async_copy(ones_st, deg_sh.at[widx_d.at[db]],
                                 sem_ds.at[db], add=True)

                @pl.when(dg >= 2)
                def _():
                    _wait(ones_st, deg_sh.at[widx_d.at[db2]], sem_ds.at[db2])

                @pl.when((dg + 2 >= 4) & (dg + 2 < ND_T))
                def _():
                    _fire_degf(dg + 2, db2)
        return carry
    lax.fori_loop(0, NH // 8, _phase_a, 0)
    for u in range(2):
        db = (ND_T - 2 + u) % 4
        _wait(ones_st, deg_sh.at[widx_d.at[db]], sem_ds.at[db])
    plsc.subcore_barrier()

    pltpu.sync_copy(deg_sh.at[pl.ds(r0, RPT)], zb1)

    def _inv(i, carry):
        v = zb1[pl.ds(i * 16, 16)]
        zb1[pl.ds(i * 16, 16)] = 1.0 / jnp.maximum(v, 1.0)
        return carry
    lax.fori_loop(0, RPT // 16, _inv, 0)
    pltpu.sync_copy(zb1, invd_sh.at[pl.ds(r0, RPT)])
    plsc.subcore_barrier()

    def _fire_cdf(g, s):
        pltpu.async_copy(dst_hbm.at[pl.ds(base + g * CB, CB)],
                         widx_cd.at[s], sem_cd.at[s])

    def _fire_csf(g, s):
        pltpu.async_copy(srcc_hbm.at[pl.ds(base + g * CB, CB)],
                         widx_cs.at[s], sem_cs.at[s])

    for s in range(2):
        _fire_cdf(s, s)
        _fire_csf(s, s)

    def _phase_b(gg, carry):
        for u in range(4):
            g = gg * 4 + u
            vb = u % 2
            scd = u % 2
            scs = u
            scs2 = (u + 2) % 4

            @pl.when(g >= 2)
            def _():
                _wait(vals_st.at[vb], c_sh.at[widx_cs.at[scs2]],
                      sem_sc.at[vb])

            @pl.when(g + 2 < NH)
            def _():
                _fire_csf(g + 2, scs2)
            _wait(dst_hbm.at[pl.ds(0, CB)], widx_cd.at[scd], sem_cd.at[scd])
            pltpu.async_copy(invd_sh.at[widx_cd.at[scd]], vals_st.at[vb],
                             sem_gr.at[vb])
            _wait(invd_sh.at[widx_cd.at[scd]], vals_st.at[vb], sem_gr.at[vb])
            _wait(srcc_hbm.at[pl.ds(0, CB)], widx_cs.at[scs], sem_cs.at[scs])
            pltpu.async_copy(vals_st.at[vb], c_sh.at[widx_cs.at[scs]],
                             sem_sc.at[vb], add=True)

            @pl.when(g + 2 < NH)
            def _():
                _fire_cdf(g + 2, scd)
        return carry
    lax.fori_loop(0, NH // 4, _phase_b, 0)
    for u in range(2):
        g = NH - 2 + u
        _wait(vals_st.at[g % 2], c_sh.at[widx_cs.at[g % 4]], sem_sc.at[g % 2])
    plsc.subcore_barrier()

    pltpu.sync_copy(agg_sh.at[pl.ds(r0, RPT)], agg_hbm.at[cid, pl.ds(r0, RPT)])
    pltpu.sync_copy(c_sh.at[pl.ds(r0, RPT)], c_hbm.at[cid, pl.ds(r0, RPT)])

    @pl.when(cid == 0)
    def _():
        pltpu.sync_copy(invd_sh.at[pl.ds(r0, RPT)], invd_hbm.at[pl.ds(r0, RPT)])


_sc_call = pl.kernel(
    _sc_body,
    out_type=(jax.ShapeDtypeStruct((2, NPAD, D), jnp.float32),
              jax.ShapeDtypeStruct((2, NPAD), jnp.float32),
              jax.ShapeDtypeStruct((NPAD,), jnp.float32)),
    mesh=plsc.VectorSubcoreMesh(core_axis_name="c", subcore_axis_name="s"),
    scratch_types=[
        pltpu.VMEM((4, CB), jnp.int32),
        pltpu.VMEM((4, CB), jnp.int32),
        pltpu.VMEM((4, CB), jnp.int32),
        pltpu.VMEM((4, CB), jnp.int32),
        pltpu.VMEM((4, CB), jnp.int32),
        pltpu.VMEM((2, CB, D), jnp.float32),
        pltpu.VMEM((2, CB), jnp.float32),
        pltpu.VMEM((CB,), jnp.float32),
        pltpu.VMEM((RPT,), jnp.float32),
        pltpu.VMEM_SHARED((NPAD,), jnp.float32),
        pltpu.VMEM_SHARED((NPAD,), jnp.float32),
        pltpu.VMEM_SHARED((NPAD,), jnp.float32),
        pltpu.VMEM_SHARED((NPAD, D), jnp.float32),
        pltpu.SemaphoreType.DMA((4,)),
        pltpu.SemaphoreType.DMA((4,)),
        pltpu.SemaphoreType.DMA((2,)),
        pltpu.SemaphoreType.DMA((2,)),
        pltpu.SemaphoreType.DMA((4,)),
        pltpu.SemaphoreType.DMA((4,)),
        pltpu.SemaphoreType.DMA((2,)),
        pltpu.SemaphoreType.DMA((4,)),
        pltpu.SemaphoreType.DMA((2,)),
    ],)


def _bfsplit(a):
    hi = a.astype(jnp.bfloat16)
    lo = (a - hi.astype(jnp.float32)).astype(jnp.bfloat16)
    return hi, lo


def _bfdot(a, b):
    ahi, alo = _bfsplit(a)
    bhi, blo = _bfsplit(b)
    r = jnp.dot(ahi, bhi, preferred_element_type=jnp.float32)
    r += jnp.dot(ahi, blo, preferred_element_type=jnp.float32)
    r += jnp.dot(alo, bhi, preferred_element_type=jnp.float32)
    return r


def _tc_body(x_ref, agg_ref, c_ref, invd_ref, w1r_ref, w1n_ref, b1_ref,
             w2r_ref, w2n_ref, b2_ref, wp_ref, bp_ref,
             out_ref, s0_acc, s1_acc):
    i = pl.program_id(0)

    @pl.when(i == 0)
    def _():
        s0_acc[...] = jnp.zeros_like(s0_acc)
        s1_acc[...] = jnp.zeros_like(s1_acc)

    ri = lax.broadcasted_iota(jnp.int32, (R, R), 0)
    ci = lax.broadcasted_iota(jnp.int32, (R, R), 1)
    dinv = jnp.where(ri == ci, invd_ref[...], 0.0)
    t = _bfdot(dinv, agg_ref[0] + agg_ref[1])
    h = jnp.dot(x_ref[...].astype(jnp.bfloat16),
                w1r_ref[...].astype(jnp.bfloat16),
                preferred_element_type=jnp.float32)
    h += jnp.dot(t.astype(jnp.bfloat16),
                 w1n_ref[...].astype(jnp.bfloat16),
                 preferred_element_type=jnp.float32)
    h += b1_ref[...]
    h = jnp.maximum(h, 0.0)
    rid = i * R + lax.broadcasted_iota(jnp.int32, (R, 1), 0)
    h = jnp.where(rid < N, h, 0.0)
    cv = c_ref[0] + c_ref[1]
    hb = h.astype(jnp.bfloat16).astype(jnp.float32)
    s0_acc[...] += jnp.sum(hb, axis=0, keepdims=True)
    s1_acc[...] += _bfdot(cv, h)

    @pl.when(i == G - 1)
    def _():
        out_ref[...] = jnp.concatenate(
            [s0_acc[...], s1_acc[...],
             jnp.zeros((6, 128), jnp.float32)], axis=0)


_tc_call = pl.pallas_call(
    _tc_body,
    grid=(G,),
    in_specs=[
        pl.BlockSpec((R, D), lambda i: (i, 0)),
        pl.BlockSpec((2, R, D), lambda i: (0, i, 0)),
        pl.BlockSpec((2, 1, R), lambda i: (0, 0, i)),
        pl.BlockSpec((1, R), lambda i: (0, i)),
        pl.BlockSpec((D, H), lambda i: (0, 0)),
        pl.BlockSpec((D, H), lambda i: (0, 0)),
        pl.BlockSpec((1, H), lambda i: (0, 0)),
        pl.BlockSpec((H, H), lambda i: (0, 0)),
        pl.BlockSpec((H, H), lambda i: (0, 0)),
        pl.BlockSpec((1, H), lambda i: (0, 0)),
        pl.BlockSpec((H, 128), lambda i: (0, 0)),
        pl.BlockSpec((1, 128), lambda i: (0, 0)),
    ],
    out_specs=pl.BlockSpec((8, 128), lambda i: (0, 0)),
    out_shape=jax.ShapeDtypeStruct((8, 128), jnp.float32),
    scratch_shapes=[
        pltpu.VMEM((1, H), jnp.float32),
        pltpu.VMEM((1, H), jnp.float32),
    ],
)


def kernel(x, edge_index, W1r, W1n, b1, W2r, W2n, b2, Wp, bp):
    npd = E_PAD - E
    pad_s = jnp.arange(npd, dtype=jnp.int32) % N
    pad_d = N + (jnp.arange(npd, dtype=jnp.int32) % (NPAD - N))
    src_p = jnp.concatenate([edge_index[0], pad_s])
    src_c = jnp.concatenate([edge_index[0], pad_d])
    dst_p = jnp.concatenate([edge_index[1], pad_d])
    agg, cpart, invd = _sc_call(x, src_p, src_c, dst_p)
    x_pad = jnp.pad(x, ((0, NPAD - N), (0, 0)))
    c3 = cpart.reshape(2, 1, NPAD)
    w2r_b = W2r.astype(jnp.bfloat16).astype(W2r.dtype)
    w2n_b = W2n.astype(jnp.bfloat16).astype(W2n.dtype)
    wp_b = Wp.astype(jnp.bfloat16).astype(Wp.dtype)
    wp_pad = jnp.zeros((H, 128), Wp.dtype).at[:, :A].set(wp_b)
    bp_pad = jnp.zeros((1, 128), bp.dtype).at[0, :A].set(bp)
    out = _tc_call(x_pad, agg, c3, invd.reshape(1, NPAD), W1r, W1n,
                   b1.reshape(1, H), w2r_b, w2n_b, b2.reshape(1, H),
                   wp_pad, bp_pad)
    s0 = out[0]
    s1 = out[1]
    hp = lax.Precision.HIGHEST
    pooled = (jnp.dot(s0 / N, w2r_b, precision=hp)
              + jnp.dot(s1 / N, w2n_b, precision=hp) + b2)
    wp_b = Wp.astype(jnp.bfloat16).astype(Wp.dtype)
    pooled_b = pooled.astype(jnp.bfloat16).astype(pooled.dtype)
    return jnp.dot(pooled_b, wp_b, precision=hp) + bp

# --- scband reference (transcript-rebuilt; emitter-appended) ---
"""Pipeline reference for scband-strategy-graph-controller-88476326297692 (READ-ONLY COPY).

The authoritative reference and input builder live on the scoring server;
editing this copy changes nothing except your own understanding.
"""

import jax, jax.numpy as jnp
import numpy as np

N = 10000
E = 320000
D = 128
H = 128
A = 2


def setup_inputs(seed: int = 0) -> dict:
    key = jax.random.key(seed)
    ks = jax.random.split(key, 12)
    x = jax.random.normal(ks[0], (N, D), dtype=jnp.float32)
    edge_index = jax.random.randint(ks[1], (2, E), 0, N, dtype=jnp.int32)
    s_in = 1.0 / np.sqrt(D)
    s_h = 1.0 / np.sqrt(H)
    W1r = jax.random.normal(ks[2], (D, H), dtype=jnp.float32) * s_in
    W1n = jax.random.normal(ks[3], (D, H), dtype=jnp.float32) * s_in
    b1 = jnp.zeros((H,), dtype=jnp.float32)
    W2r = jax.random.normal(ks[4], (H, H), dtype=jnp.float32) * s_h
    W2n = jax.random.normal(ks[5], (H, H), dtype=jnp.float32) * s_h
    b2 = jnp.zeros((H,), dtype=jnp.float32)
    Wp = jax.random.normal(ks[6], (H, A), dtype=jnp.float32) * s_h
    bp = jnp.zeros((A,), dtype=jnp.float32)
    return {"x": x, "edge_index": edge_index, "W1r": W1r, "W1n": W1n, "b1": b1,
            "W2r": W2r, "W2n": W2n, "b2": b2, "Wp": Wp, "bp": bp}


def _graph_layer(h, src, dst, Wr, Wn, b):
    # message passing: gather source node features, mean-aggregate at dst
    msg = jnp.take(h, src, axis=0)
    agg = jax.ops.segment_sum(msg, dst, num_segments=N)
    deg = jax.ops.segment_sum(jnp.ones((E,), dtype=h.dtype), dst, num_segments=N)
    agg = agg / jnp.clip(deg, 1.0, None)[:, None]
    return h @ Wr + agg @ Wn + b


def reference(x, edge_index, W1r, W1n, b1, W2r, W2n, b2, Wp, bp):
    src = edge_index[0]
    dst = edge_index[1]
    # GraphNet: 2-layer message-passing GNN (GraphConv-style, mean aggregation)
    h = jax.nn.relu(_graph_layer(x, src, dst, W1r, W1n, b1))
    h = _graph_layer(h, src, dst, W2r, W2n, b2)
    # mean pooling over all nodes
    pooled = jnp.mean(h, axis=0)
    # policy head
    logits = pooled @ Wp + bp
    return logits

if __name__ == "__main__":
    import jax
    _d = setup_inputs()
    print(jax.jit(kernel)(*tuple(_d.values())))

</pallas_src>

<mosaic_0001>
#map = affine_map<(d0, d1) -> (0, 0)>
#map1 = affine_map<(d0, d1) -> (0)>
#map2 = affine_map<(d0, d1) -> (0, 0, 0)>
module attributes {stable_mosaic.version = 14 : i64} {
  func.func @_sc_body(%arg0: i32, %arg1: i32, %arg2: memref<10000x128xf32, #tpu.memory_space<hbm>>, %arg3: memref<327680xi32, #tpu.memory_space<hbm>>, %arg4: memref<327680xi32, #tpu.memory_space<hbm>>, %arg5: memref<327680xi32, #tpu.memory_space<hbm>>, %arg6: memref<2x10240x128xf32, #tpu.memory_space<hbm>>, %arg7: memref<2x10240xf32, #tpu.memory_space<hbm>>, %arg8: memref<10240xf32, #tpu.memory_space<hbm>>, %arg9: memref<4x128xi32, #tpu.memory_space<vmem>>, %arg10: memref<4x128xi32, #tpu.memory_space<vmem>>, %arg11: memref<4x128xi32, #tpu.memory_space<vmem>>, %arg12: memref<4x128xi32, #tpu.memory_space<vmem>>, %arg13: memref<4x128xi32, #tpu.memory_space<vmem>>, %arg14: memref<2x128x128xf32, #tpu.memory_space<vmem>>, %arg15: memref<2x128xf32, #tpu.memory_space<vmem>>, %arg16: memref<128xf32, #tpu.memory_space<vmem>>, %arg17: memref<640xf32, #tpu.memory_space<vmem>>, %arg18: memref<10240xf32, #tpu.memory_space<vmem_shared>>, %arg19: memref<10240xf32, #tpu.memory_space<vmem_shared>>, %arg20: memref<10240xf32, #tpu.memory_space<vmem_shared>>, %arg21: memref<10240x128xf32, #tpu.memory_space<vmem_shared>>, %arg22: memref<4x!tpu.dma_semaphore, #tpu.memory_space<semaphore_mem>>, %arg23: memref<4x!tpu.dma_semaphore, #tpu.memory_space<semaphore_mem>>, %arg24: memref<2x!tpu.dma_semaphore, #tpu.memory_space<semaphore_mem>>, %arg25: memref<2x!tpu.dma_semaphore, #tpu.memory_space<semaphore_mem>>, %arg26: memref<4x!tpu.dma_semaphore, #tpu.memory_space<semaphore_mem>>, %arg27: memref<4x!tpu.dma_semaphore, #tpu.memory_space<semaphore_mem>>, %arg28: memref<2x!tpu.dma_semaphore, #tpu.memory_space<semaphore_mem>>, %arg29: memref<4x!tpu.dma_semaphore, #tpu.memory_space<semaphore_mem>>, %arg30: memref<2x!tpu.dma_semaphore, #tpu.memory_space<semaphore_mem>>) attributes {dimension_semantics = [#tpu.dimension_semantics<core_parallel>, #tpu.dimension_semantics<subcore_parallel>], iteration_bounds = array<i64: 2, 16>, scalar_prefetch = 0 : i64, scratch_operands = 22 : i64, tpu.core_type = #tpu.core_type<sc_vector_subcore>, window_params = [{transform_indices = #map}, {transform_indices = #map1}, {transform_indices = #map1}, {transform_indices = #map1}, {transform_indices = #map2}, {transform_indices = #map}, {transform_indices = #map1}]} {
    %broadcast_in_dim3A = arith.constant 0.000000e+00 : f32
    %broadcast_in_dim3A_0 = vector.broadcast %broadcast_in_dim3A : f32 to vector<16xf32>
    %broadcast_in_dim3A_1 = arith.constant 1.000000e+00 : f32
    %broadcast_in_dim3A_2 = vector.broadcast %broadcast_in_dim3A_1 : f32 to vector<16xf32>
    %scan3A = arith.constant 0 : i32
    %scan3A_3 = arith.constant 0 : i32
    %scan3A_4 = arith.constant 40 : i32
    %scan3A_5 = arith.addi %scan3A_3, %scan3A_4 : i32
    %scan3A_6 = arith.constant 1 : i32
    scf.for %scan3A_417 = %scan3A_3 to %scan3A_5 step %scan3A_6  : i32 {
      %mul3A_418 = arith.constant 16 : i32
      %mul3A_419 = arith.muli %scan3A_417, %mul3A_418 : i32
      %swap3A_420 = arith.index_cast %mul3A_419 : i32 to index
      %swap3A_421 = tpu.vector_load %arg17[%swap3A_420] {strides = array<i32>} : memref<640xf32, #tpu.memory_space<vmem>>, vector<16xf32>,
      %swap3A_422 = vector.shape_cast %swap3A_421 : vector<16xf32> to vector<16xf32>
      %swap3A_423 = vector.shape_cast %broadcast_in_dim3A_0 : vector<16xf32> to vector<16xf32>
      tpu.vector_store %arg17[%swap3A_420], %swap3A_423 {strides = array<i32>} : memref<640xf32, #tpu.memory_space<vmem>>, vector<16xf32>,
    }
    %scan3A_7 = arith.constant 40 : i32
    %swap3A = arith.constant 0 : index
    %swap3A_8 = tpu.vector_load %arg16[%swap3A] {strides = array<i32>} : memref<128xf32, #tpu.memory_space<vmem>>, vector<16xf32>,
    %swap3A_9 = vector.shape_cast %swap3A_8 : vector<16xf32> to vector<16xf32>
    %swap3A_10 = vector.shape_cast %broadcast_in_dim3A_2 : vector<16xf32> to vector<16xf32>
    tpu.vector_store %arg16[%swap3A], %swap3A_10 {strides = array<i32>} : memref<128xf32, #tpu.memory_space<vmem>>, vector<16xf32>,
    %swap3A_11 = arith.constant 16 : index
    %swap3A_12 = tpu.vector_load %arg16[%swap3A_11] {strides = array<i32>} : memref<128xf32, #tpu.memory_space<vmem>>, vector<16xf32>,
    %swap3A_13 = vector.shape_cast %swap3A_12 : vector<16xf32> to vector<16xf32>
    %swap3A_14 = vector.shape_cast %broadcast_in_dim3A_2 : vector<16xf32> to vector<16xf32>
    tpu.vector_store %arg16[%swap3A_11], %swap3A_14 {strides = array<i32>} : memref<128xf32, #tpu.memory_space<vmem>>, vector<16xf32>,
    %swap3A_15 = arith.constant 32 : index
    %swap3A_16 = tpu.vector_load %arg16[%swap3A_15] {strides = array<i32>} : memref<128xf32, #tpu.memory_space<vmem>>, vector<16xf32>,
    %swap3A_17 = vector.shape_cast %swap3A_16 : vector<16xf32> to vector<16xf32>
    %swap3A_18 = vector.shape_cast %broadcast_in_dim3A_2 : vector<16xf32> to vector<16xf32>
    tpu.vector_store %arg16[%swap3A_15], %swap3A_18 {strides = array<i32>} : memref<128xf32, #tpu.memory_space<vmem>>, vector<16xf32>,
    %swap3A_19 = arith.constant 48 : index
    %swap3A_20 = tpu.vector_load %arg16[%swap3A_19] {strides = array<i32>} : memref<128xf32, #tpu.memory_space<vmem>>, vector<16xf32>,
    %swap3A_21 = vector.shape_cast %swap3A_20 : vector<16xf32> to vector<16xf32>
    %swap3A_22 = vector.shape_cast %broadcast_in_dim3A_2 : vector<16xf32> to vector<16xf32>
    tpu.vector_store %arg16[%swap3A_19], %swap3A_22 {strides = array<i32>} : memref<128xf32, #tpu.memory_space<vmem>>, vector<16xf32>,
    %swap3A_23 = arith.constant 64 : index
    %swap3A_24 = tpu.vector_load %arg16[%swap3A_23] {strides = array<i32>} : memref<128xf32, #tpu.memory_space<vmem>>, vector<16xf32>,
    %swap3A_25 = vector.shape_cast %swap3A_24 : vector<16xf32> to vector<16xf32>
    %swap3A_26 = vector.shape_cast %broadcast_in_dim3A_2 : vector<16xf32> to vector<16xf32>
    tpu.vector_store %arg16[%swap3A_23], %swap3A_26 {strides = array<i32>} : memref<128xf32, #tpu.memory_space<vmem>>, vector<16xf32>,
    %swap3A_27 = arith.constant 80 : index
    %swap3A_28 = tpu.vector_load %arg16[%swap3A_27] {strides = array<i32>} : memref<128xf32, #tpu.memory_space<vmem>>, vector<16xf32>,
    %swap3A_29 = vector.shape_cast %swap3A_28 : vector<16xf32> to vector<16xf32>
    %swap3A_30 = vector.shape_cast %broadcast_in_dim3A_2 : vector<16xf32> to vector<16xf32>
    tpu.vector_store %arg16[%swap3A_27], %swap3A_30 {strides = array<i32>} : memref<128xf32, #tpu.memory_space<vmem>>, vector<16xf32>,
    %swap3A_31 = arith.constant 96 : index
    %swap3A_32 = tpu.vector_load %arg16[%swap3A_31] {strides = array<i32>} : memref<128xf32, #tpu.memory_space<vmem>>, vector<16xf32>,
    %swap3A_33 = vector.shape_cast %swap3A_32 : vector<16xf32> to vector<16xf32>
    %swap3A_34 = vector.shape_cast %broadcast_in_dim3A_2 : vector<16xf32> to vector<16xf32>
    tpu.vector_store %arg16[%swap3A_31], %swap3A_34 {strides = array<i32>} : memref<128xf32, #tpu.memory_space<vmem>>, vector<16xf32>,
    %swap3A_35 = arith.constant 112 : index
    %swap3A_36 = tpu.vector_load %arg16[%swap3A_35] {strides = array<i32>} : memref<128xf32, #tpu.memory_space<vmem>>, vector<16xf32>,
    %swap3A_37 = vector.shape_cast %swap3A_36 : vector<16xf32> to vector<16xf32>
    %swap3A_38 = vector.shape_cast %broadcast_in_dim3A_2 : vector<16xf32> to vector<16xf32>
    tpu.vector_store %arg16[%swap3A_35], %swap3A_38 {strides = array<i32>} : memref<128xf32, #tpu.memory_space<vmem>>, vector<16xf32>,
    %scan3A_39 = arith.constant 0 : i32
    %scan3A_40 = arith.constant 0 : i32
    %scan3A_41 = arith.constant 128 : i32
    %scan3A_42 = arith.addi %scan3A_40, %scan3A_41 : i32
    %scan3A_43 = arith.constant 1 : i32
    scf.for %scan3A_417 = %scan3A_40 to %scan3A_42 step %scan3A_43  : i32 {
      %swap3A_418 = arith.constant 0 : i32
      %swap3A_419 = arith.index_cast %swap3A_418 : i32 to index
      %swap3A_420 = arith.index_cast %scan3A_417 : i32 to index
      %swap3A_421 = arith.constant 0 : index
      %swap3A_422 = tpu.vector_load %arg14[%swap3A_419, %swap3A_420, %swap3A_421] {strides = array<i32>} : memref<2x128x128xf32, #tpu.memory_space<vmem>>, vector<1x1x16xf32>,
      %swap3A_423 = vector.shape_cast %swap3A_422 : vector<1x1x16xf32> to vector<16xf32>
      %swap3A_424 = vector.shape_cast %broadcast_in_dim3A_0 : vector<16xf32> to vector<1x1x16xf32>
      tpu.vector_store %arg14[%swap3A_419, %swap3A_420, %swap3A_421], %swap3A_424 {strides = array<i32>} : memref<2x128x128xf32, #tpu.memory_space<vmem>>, vector<1x1x16xf32>,
      %swap3A_425 = arith.constant 0 : i32
      %swap3A_426 = arith.index_cast %swap3A_425 : i32 to index
      %swap3A_427 = arith.index_cast %scan3A_417 : i32 to index
      %swap3A_428 = arith.constant 16 : index
      %swap3A_429 = tpu.vector_load %arg14[%swap3A_426, %swap3A_427, %swap3A_428] {strides = array<i32>} : memref<2x128x128xf32, #tpu.memory_space<vmem>>, vector<1x1x16xf32>,
      %swap3A_430 = vector.shape_cast %swap3A_429 : vector<1x1x16xf32> to vector<16xf32>
      %swap3A_431 = vector.shape_cast %broadcast_in_dim3A_0 : vector<16xf32> to vector<1x1x16xf32>
      tpu.vector_store %arg14[%swap3A_426, %swap3A_427, %swap3A_428], %swap3A_431 {strides = array<i32>} : memref<2x128x128xf32, #tpu.memory_space<vmem>>, vector<1x1x16xf32>,
      %swap3A_432 = arith.constant 0 : i32
      %swap3A_433 = arith.index_cast %swap3A_432 : i32 to index
      %swap3A_434 = arith.index_cast %scan3A_417 : i32 to index
      %swap3A_435 = arith.constant 32 : index
      %swap3A_436 = tpu.vector_load %arg14[%swap3A_433, %swap3A_434, %swap3A_435] {strides = array<i32>} : memref<2x128x128xf32, #tpu.memory_space<vmem>>, vector<1x1x16xf32>,
      %swap3A_437 = vector.shape_cast %swap3A_436 : vector<1x1x16xf32> to vector<16xf32>
      %swap3A_438 = vector.shape_cast %broadcast_in_dim3A_0 : vector<16xf32> to vector<1x1x16xf32>
      tpu.vector_store %arg14[%swap3A_433, %swap3A_434, %swap3A_435], %swap3A_438 {strides = array<i32>} : memref<2x128x128xf32, #tpu.memory_space<vmem>>, vector<1x1x16xf32>,
      %swap3A_439 = arith.constant 0 : i32
      %swap3A_440 = arith.index_cast %swap3A_439 : i32 to index
      %swap3A_441 = arith.index_cast %scan3A_417 : i32 to index
      %swap3A_442 = arith.constant 48 : index
      %swap3A_443 = tpu.vector_load %arg14[%swap3A_440, %swap3A_441, %swap3A_442] {strides = array<i32>} : memref<2x128x128xf32, #tpu.memory_space<vmem>>, vector<1x1x16xf32>,
      %swap3A_444 = vector.shape_cast %swap3A_443 : vector<1x1x16xf32> to vector<16xf32>
      %swap3A_445 = vector.shape_cast %broadcast_in_dim3A_0 : vector<16xf32> to vector<1x1x16xf32>
      tpu.vector_store %arg14[%swap3A_440, %swap3A_441, %swap3A_442], %swap3A_445 {strides = array<i32>} : memref<2x128x128xf32, #tpu.memory_space<vmem>>, vector<1x1x16xf32>,
      %swap3A_446 = arith.constant 0 : i32
      %swap3A_447 = arith.index_cast %swap3A_446 : i32 to index
      %swap3A_448 = arith.index_cast %scan3A_417 : i32 to index
      %swap3A_449 = arith.constant 64 : index
      %swap3A_450 = tpu.vector_load %arg14[%swap3A_447, %swap3A_448, %swap3A_449] {strides = array<i32>} : memref<2x128x128xf32, #tpu.memory_space<vmem>>, vector<1x1x16xf32>,
      %swap3A_451 = vector.shape_cast %swap3A_450 : vector<1x1x16xf32> to vector<16xf32>
      %swap3A_452 = vector.shape_cast %broadcast_in_dim3A_0 : vector<16xf32> to vector<1x1x16xf32>
      tpu.vector_store %arg14[%swap3A_447, %swap3A_448, %swap3A_449], %swap3A_452 {strides = array<i32>} : memref<2x128x128xf32, #tpu.memory_space<vmem>>, vector<1x1x16xf32>,
      %swap3A_453 = arith.constant 0 : i32
      %swap3A_454 = arith.index_cast %swap3A_453 : i32 to index
      %swap3A_455 = arith.index_cast %scan3A_417 : i32 to index
      %swap3A_456 = arith.constant 80 : index
      %swap3A_457 = tpu.vector_load %arg14[%swap3A_454, %swap3A_455, %swap3A_456] {strides = array<i32>} : memref<2x128x128xf32, #tpu.memory_space<vmem>>, vector<1x1x16xf32>,
      %swap3A_458 = vector.shape_cast %swap3A_457 : vector<1x1x16xf32> to vector<16xf32>
      %swap3A_459 = vector.shape_cast %broadcast_in_dim3A_0 : vector<16xf32> to vector<1x1x16xf32>
      tpu.vector_store %arg14[%swap3A_454, %swap3A_455, %swap3A_456], %swap3A_459 {strides = array<i32>} : memref<2x128x128xf32, #tpu.memory_space<vmem>>, vector<1x1x16xf32>,
      %swap3A_460 = arith.constant 0 : i32
      %swap3A_461 = arith.index_cast %swap3A_460 : i32 to index
      %swap3A_462 = arith.index_cast %scan3A_417 : i32 to index
      %swap3A_463 = arith.constant 96 : index
      %swap3A_464 = tpu.vector_load %arg14[%swap3A_461, %swap3A_462, %swap3A_463] {strides = array<i32>} : memref<2x128x128xf32, #tpu.memory_space<vmem>>, vector<1x1x16xf32>,
      %swap3A_465 = vector.shape_cast %swap3A_464 : vector<1x1x16xf32> to vector<16xf32>
      %swap3A_466 = vector.shape_cast %broadcast_in_dim3A_0 : vector<16xf32> to vector<1x1x16xf32>
      tpu.vector_store %arg14[%swap3A_461, %swap3A_462, %swap3A_463], %swap3A_466 {strides = array<i32>} : memref<2x128x128xf32, #tpu.memory_space<vmem>>, vector<1x1x16xf32>,
      %swap3A_467 = arith.constant 0 : i32
      %swap3A_468 = arith.index_cast %swap3A_467 : i32 to index
      %swap3A_469 = arith.index_cast %scan3A_417 : i32 to index
      %swap3A_470 = arith.constant 112 : index
      %swap3A_471 = tpu.vector_load %arg14[%swap3A_468, %swap3A_469, %swap3A_470] {strides = array<i32>} : memref<2x128x128xf32, #tpu.memory_space<vmem>>, vector<1x1x16xf32>,
      %swap3A_472 = vector.shape_cast %swap3A_471 : vector<1x1x16xf32> to vector<16xf32>
      %swap3A_473 = vector.shape_cast %broadcast_in_dim3A_0 : vector<16xf32> to vector<1x1x16xf32>
      tpu.vector_store %arg14[%swap3A_468, %swap3A_469, %swap3A_470], %swap3A_473 {strides = array<i32>} : memref<2x128x128xf32, #tpu.memory_space<vmem>>, vector<1x1x16xf32>,
    }
    %scan3A_44 = arith.constant 128 : i32
    %mul3A = arith.constant 640 : i32
    %mul3A_45 = arith.muli %arg1, %mul3A : i32
    %add3A = arith.constant 0 : i32
    %add3A_46 = arith.addi %mul3A_45, %add3A : i32
    %run_scoped3A = arith.constant 0 : i32
    "tpu.region"() ({
      %run_scoped3A_417 = tpu.sem_alloc : memref<!tpu.dma_semaphore, #tpu.memory_space<semaphore_mem>>
      %dma_start3A_418 = arith.constant 0 : i32
      %dma_start3A_419 = arith.constant 0 : i32
      %dma_start3A_420 = tpu.memref_slice %arg14[%run_scoped3A, %dma_start3A_418, %dma_start3A_419] : memref<2x128x128xf32, #tpu.memory_space<vmem>> -> memref<1x128x128xf32, #tpu.memory_space<vmem>>
      %dma_start3A_421 = tpu.memref_squeeze %dma_start3A_420 : memref<1x128x128xf32, #tpu.memory_space<vmem>> -> memref<128x128xf32, #tpu.memory_space<vmem>>
      %dma_start3A_422 = arith.constant 0 : i32
      %dma_start3A_423 = tpu.memref_slice %arg21[%add3A_46, %dma_start3A_422] : memref<10240x128xf32, #tpu.memory_space<vmem_shared>> -> memref<128x128xf32, #tpu.memory_space<vmem_shared>>
      %dma_start3A_424 = arith.constant 0 : i32
      %dma_start3A_425 = tpu.memref_slice %arg21[%add3A_46, %dma_start3A_424] : memref<10240x128xf32, #tpu.memory_space<vmem_shared>> -> memref<128x128xf32, #tpu.memory_space<vmem_shared>>
      %dma_start3A_426 = arith.constant 0 : i32
      %dma_start3A_427 = arith.constant 0 : i32
      %dma_start3A_428 = tpu.memref_slice %arg14[%run_scoped3A, %dma_start3A_426, %dma_start3A_427] : memref<2x128x128xf32, #tpu.memory_space<vmem>> -> memref<1x128x128xf32, #tpu.memory_space<vmem>>
      %dma_start3A_429 = tpu.memref_squeeze %dma_start3A_428 : memref<1x128x128xf32, #tpu.memory_space<vmem>> -> memref<128x128xf32, #tpu.memory_space<vmem>>
      tpu.enqueue_dma source(%dma_start3A_429 : memref<128x128xf32, #tpu.memory_space<vmem>>) target(%dma_start3A_425 : memref<128x128xf32, #tpu.memory_space<vmem_shared>>) target_semaphore(%run_scoped3A_417 : memref<!tpu.dma_semaphore, #tpu.memory_space<semaphore_mem>>)
      %dma_wait3A_430 = arith.constant 0 : i32
      %dma_wait3A_431 = arith.constant 0 : i32
      %dma_wait3A_432 = tpu.memref_slice %arg14[%run_scoped3A, %dma_wait3A_430, %dma_wait3A_431] : memref<2x128x128xf32, #tpu.memory_space<vmem>> -> memref<1x128x128xf32, #tpu.memory_space<vmem>>
      %dma_wait3A_433 = tpu.memref_squeeze %dma_wait3A_432 : memref<1x128x128xf32, #tpu.memory_space<vmem>> -> memref<128x128xf32, #tpu.memory_space<vmem>>
      %dma_wait3A_434 = arith.constant 0 : i32
      %dma_wait3A_435 = tpu.memref_slice %arg21[%add3A_46, %dma_wait3A_434] : memref<10240x128xf32, #tpu.memory_space<vmem_shared>> -> memref<128x128xf32, #tpu.memory_space<vmem_shared>>
      %dma_wait3A_436 = arith.constant 0 : i32
      %dma_wait3A_437 = tpu.memref_slice %arg21[%add3A_46, %dma_wait3A_436] : memref<10240x128xf32, #tpu.memory_space<vmem_shared>> -> memref<128x128xf32, #tpu.memory_space<vmem_shared>>
      %dma_wait3A_438 = arith.constant 0 : i32
      %dma_wait3A_439 = arith.constant 0 : i32
      %dma_wait3A_440 = tpu.memref_slice %arg14[%run_scoped3A, %dma_wait3A_438, %dma_wait3A_439] : memref<2x128x128xf32, #tpu.memory_space<vmem>> -> memref<1x128x128xf32, #tpu.memory_space<vmem>>
      %dma_wait3A_441 = tpu.memref_squeeze %dma_wait3A_440 : memref<1x128x128xf32, #tpu.memory_space<vmem>> -> memref<128x128xf32, #tpu.memory_space<vmem>>
      tpu.wait_dma2 semaphore(%run_scoped3A_417 : memref<!tpu.dma_semaphore, #tpu.memory_space<semaphore_mem>>) src(%dma_wait3A_441 : memref<128x128xf32, #tpu.memory_space<vmem>>) dst(%dma_wait3A_437 : memref<128x128xf32, #tpu.memory_space<vmem_shared>>)
      tpu.yield
    }) : () -> ()
    %add3A_47 = arith.constant 128 : i32
    %add3A_48 = arith.addi %mul3A_45, %add3A_47 : i32
    %run_scoped3A_49 = arith.constant 0 : i32
    "tpu.region"() ({
      %run_scoped3A_417 = tpu.sem_alloc : memref<!tpu.dma_semaphore, #tpu.memory_space<semaphore_mem>>
      %dma_start3A_418 = arith.constant 0 : i32
      %dma_start3A_419 = arith.constant 0 : i32
      %dma_start3A_420 = tpu.memref_slice %arg14[%run_scoped3A_49, %dma_start3A_418, %dma_start3A_419] : memref<2x128x128xf32, #tpu.memory_space<vmem>> -> memref<1x128x128xf32, #tpu.memory_space<vmem>>
      %dma_start3A_421 = tpu.memref_squeeze %dma_start3A_420 : memref<1x128x128xf32, #tpu.memory_space<vmem>> -> memref<128x128xf32, #tpu.memory_space<vmem>>
      %dma_start3A_422 = arith.constant 0 : i32
      %dma_start3A_423 = tpu.memref_slice %arg21[%add3A_48, %dma_start3A_422] : memref<10240x128xf32, #tpu.memory_space<vmem_shared>> -> memref<128x128xf32, #tpu.memory_space<vmem_shared>>
      %dma_start3A_424 = arith.constant 0 : i32
      %dma_start3A_425 = tpu.memref_slice %arg21[%add3A_48, %dma_start3A_424] : memref<10240x128xf32, #tpu.memory_space<vmem_shared>> -> memref<128x128xf32, #tpu.memory_space<vmem_shared>>
      %dma_start3A_426 = arith.constant 0 : i32
      %dma_start3A_427 = arith.constant 0 : i32
      %dma_start3A_428 = tpu.memref_slice %arg14[%run_scoped3A_49, %dma_start3A_426, %dma_start3A_427] : memref<2x128x128xf32, #tpu.memory_space<vmem>> -> memref<1x128x128xf32, #tpu.memory_space<vmem>>
      %dma_start3A_429 = tpu.memref_squeeze %dma_start3A_428 : memref<1x128x128xf32, #tpu.memory_space<vmem>> -> memref<128x128xf32, #tpu.memory_space<vmem>>
      tpu.enqueue_dma source(%dma_start3A_429 : memref<128x128xf32, #tpu.memory_space<vmem>>) target(%dma_start3A_425 : memref<128x128xf32, #tpu.memory_space<vmem_shared>>) target_semaphore(%run_scoped3A_417 : memref<!tpu.dma_semaphore, #tpu.memory_space<semaphore_mem>>)
      %dma_wait3A_430 = arith.constant 0 : i32
      %dma_wait3A_431 = arith.constant 0 : i32
      %dma_wait3A_432 = tpu.memref_slice %arg14[%run_scoped3A_49, %dma_wait3A_430, %dma_wait3A_431] : memref<2x128x128xf32, #tpu.memory_space<vmem>> -> memref<1x128x128xf32, #tpu.memory_space<vmem>>
      %dma_wait3A_433 = tpu.memref_squeeze %dma_wait3A_432 : memref<1x128x128xf32, #tpu.memory_space<vmem>> -> memref<128x128xf32, #tpu.memory_space<vmem>>
      %dma_wait3A_434 = arith.constant 0 : i32
      %dma_wait3A_435 = tpu.memref_slice %arg21[%add3A_48, %dma_wait3A_434] : memref<10240x128xf32, #tpu.memory_space<vmem_shared>> -> memref<128x128xf32, #tpu.memory_space<vmem_shared>>
      %dma_wait3A_436 = arith.constant 0 : i32
      %dma_wait3A_437 = tpu.memref_slice %arg21[%add3A_48, %dma_wait3A_436] : memref<10240x128xf32, #tpu.memory_space<vmem_shared>> -> memref<128x128xf32, #tpu.memory_space<vmem_shared>>
      %dma_wait3A_438 = arith.constant 0 : i32
      %dma_wait3A_439 = arith.constant 0 : i32
      %dma_wait3A_440 = tpu.memref_slice %arg14[%run_scoped3A_49, %dma_wait3A_438, %dma_wait3A_439] : memref<2x128x128xf32, #tpu.memory_space<vmem>> -> memref<1x128x128xf32, #tpu.memory_space<vmem>>
      %dma_wait3A_441 = tpu.memref_squeeze %dma_wait3A_440 : memref<1x128x128xf32, #tpu.memory_space<vmem>> -> memref<128x128xf32, #tpu.memory_space<vmem>>
      tpu.wait_dma2 semaphore(%run_scoped3A_417 : memref<!tpu.dma_semaphore, #tpu.memory_space<semaphore_mem>>) src(%dma_wait3A_441 : memref<128x128xf32, #tpu.memory_space<vmem>>) dst(%dma_wait3A_437 : memref<128x128xf32, #tpu.memory_space<vmem_shared>>)
      tpu.yield
    }) : () -> ()
    %add3A_50 = arith.constant 256 : i32
    %add3A_51 = arith.addi %mul3A_45, %add3A_50 : i32
    %run_scoped3A_52 = arith.constant 0 : i32
    "tpu.region"() ({
      %run_scoped3A_417 = tpu.sem_alloc : memref<!tpu.dma_semaphore, #tpu.memory_space<semaphore_mem>>
      %dma_start3A_418 = arith.constant 0 : i32
      %dma_start3A_419 = arith.constant 0 : i32
      %dma_start3A_420 = tpu.memref_slice %arg14[%run_scoped3A_52, %dma_start3A_418, %dma_start3A_419] : memref<2x128x128xf32, #tpu.memory_space<vmem>> -> memref<1x128x128xf32, #tpu.memory_space<vmem>>
      %dma_start3A_421 = tpu.memref_squeeze %dma_start3A_420 : memref<1x128x128xf32, #tpu.memory_space<vmem>> -> memref<128x128xf32, #tpu.memory_space<vmem>>
      %dma_start3A_422 = arith.constant 0 : i32
      %dma_start3A_423 = tpu.memref_slice %arg21[%add3A_51, %dma_start3A_422] : memref<10240x128xf32, #tpu.memory_space<vmem_shared>> -> memref<128x128xf32, #tpu.memory_space<vmem_shared>>
      %dma_start3A_424 = arith.constant 0 : i32
      %dma_start3A_425 = tpu.memref_slice %arg21[%add3A_51, %dma_start3A_424] : memref<10240x128xf32, #tpu.memory_space<vmem_shared>> -> memref<128x128xf32, #tpu.memory_space<vmem_shared>>
      %dma_start3A_426 = arith.constant 0 : i32
      %dma_start3A_427 = arith.constant 0 : i32
      %dma_start3A_428 = tpu.memref_slice %arg14[%run_scoped3A_52, %dma_start3A_426, %dma_start3A_427] : memref<2x128x128xf32, #tpu.memory_space<vmem>> -> memref<1x128x128xf32, #tpu.memory_space<vmem>>
      %dma_start3A_429 = tpu.memref_squeeze %dma_start3A_428 : memref<1x128x128xf32, #tpu.memory_space<vmem>> -> memref<128x128xf32, #tpu.memory_space<vmem>>
      tpu.enqueue_dma source(%dma_start3A_429 : memref<128x128xf32, #tpu.memory_space<vmem>>) target(%dma_start3A_425 : memref<128x128xf32, #tpu.memory_space<vmem_shared>>) target_semaphore(%run_scoped3A_417 : memref<!tpu.dma_semaphore, #tpu.memory_space<semaphore_mem>>)
      %dma_wait3A_430 = arith.constant 0 : i32
      %dma_wait3A_431 = arith.constant 0 : i32
      %dma_wait3A_432 = tpu.memref_slice %arg14[%run_scoped3A_52, %dma_wait3A_430, %dma_wait3A_431] : memref<2x128x128xf32, #tpu.memory_space<vmem>> -> memref<1x128x128xf32, #tpu.memory_space<vmem>>
      %dma_wait3A_433 = tpu.memref_squeeze %dma_wait3A_432 : memref<1x128x128xf32, #tpu.memory_space<vmem>> -> memref<128x128xf32, #tpu.memory_space<vmem>>
      %dma_wait3A_434 = arith.constant 0 : i32
      %dma_wait3A_435 = tpu.memref_slice %arg21[%add3A_51, %dma_wait3A_434] : memref<10240x128xf32, #tpu.memory_space<vmem_shared>> -> memref<128x128xf32, #tpu.memory_space<vmem_shared>>
      %dma_wait3A_436 = arith.constant 0 : i32
      %dma_wait3A_437 = tpu.memref_slice %arg21[%add3A_51, %dma_wait3A_436] : memref<10240x128xf32, #tpu.memory_space<vmem_shared>> -> memref<128x128xf32, #tpu.memory_space<vmem_shared>>
      %dma_wait3A_438 = arith.constant 0 : i32
      %dma_wait3A_439 = arith.constant 0 : i32
      %dma_wait3A_440 = tpu.memref_slice %arg14[%run_scoped3A_52, %dma_wait3A_438, %dma_wait3A_439] : memref<2x128x128xf32, #tpu.memory_space<vmem>> -> memref<1x128x128xf32, #tpu.memory_space<vmem>>
      %dma_wait3A_441 = tpu.memref_squeeze %dma_wait3A_440 : memref<1x128x128xf32, #tpu.memory_space<vmem>> -> memref<128x128xf32, #tpu.memory_space<vmem>>
      tpu.wait_dma2 semaphore(%run_scoped3A_417 : memref<!tpu.dma_semaphore, #tpu.memory_space<semaphore_mem>>) src(%dma_wait3A_441 : memref<128x128xf32, #tpu.memory_space<vmem>>) dst(%dma_wait3A_437 : memref<128x128xf32, #tpu.memory_space<vmem_shared>>)
      tpu.yield
    }) : () -> ()
    %add3A_53 = arith.constant 384 : i32
    %add3A_54 = arith.addi %mul3A_45, %add3A_53 : i32
    %run_scoped3A_55 = arith.constant 0 : i32
    "tpu.region"() ({
      %run_scoped3A_417 = tpu.sem_alloc : memref<!tpu.dma_semaphore, #tpu.memory_space<semaphore_mem>>
      %dma_start3A_418 = arith.constant 0 : i32
      %dma_start3A_419 = arith.constant 0 : i32
      %dma_start3A_420 = tpu.memref_slice %arg14[%run_scoped3A_55, %dma_start3A_418, %dma_start3A_419] : memref<2x128x128xf32, #tpu.memory_space<vmem>> -> memref<1x128x128xf32, #tpu.memory_space<vmem>>
      %dma_start3A_421 = tpu.memref_squeeze %dma_start3A_420 : memref<1x128x128xf32, #tpu.memory_space<vmem>> -> memref<128x128xf32, #tpu.memory_space<vmem>>
      %dma_start3A_422 = arith.constant 0 : i32
      %dma_start3A_423 = tpu.memref_slice %arg21[%add3A_54, %dma_start3A_422] : memref<10240x128xf32, #tpu.memory_space<vmem_shared>> -> memref<128x128xf32, #tpu.memory_space<vmem_shared>>
      %dma_start3A_424 = arith.constant 0 : i32
      %dma_start3A_425 = tpu.memref_slice %arg21[%add3A_54, %dma_start3A_424] : memref<10240x128xf32, #tpu.memory_space<vmem_shared>> -> memref<128x128xf32, #tpu.memory_space<vmem_shared>>
      %dma_start3A_426 = arith.constant 0 : i32
      %dma_start3A_427 = arith.constant 0 : i32
      %dma_start3A_428 = tpu.memref_slice %arg14[%run_scoped3A_55, %dma_start3A_426, %dma_start3A_427] : memref<2x128x128xf32, #tpu.memory_space<vmem>> -> memref<1x128x128xf32, #tpu.memory_space<vmem>>
      %dma_start3A_429 = tpu.memref_squeeze %dma_start3A_428 : memref<1x128x128xf32, #tpu.memory_space<vmem>> -> memref<128x128xf32, #tpu.memory_space<vmem>>
      tpu.enqueue_dma source(%dma_start3A_429 : memref<128x128xf32, #tpu.memory_space<vmem>>) target(%dma_start3A_425 : memref<128x128xf32, #tpu.memory_space<vmem_shared>>) target_semaphore(%run_scoped3A_417 : memref<!tpu.dma_semaphore, #tpu.memory_space<semaphore_mem>>)
      %dma_wait3A_430 = arith.constant 0 : i32
      %dma_wait3A_431 = arith.constant 0 : i32
      %dma_wait3A_432 = tpu.memref_slice %arg14[%run_scoped3A_55, %dma_wait3A_430, %dma_wait3A_431] : memref<2x128x128xf32, #tpu.memory_space<vmem>> -> memref<1x128x128xf32, #tpu.memory_space<vmem>>
      %dma_wait3A_433 = tpu.memref_squeeze %dma_wait3A_432 : memref<1x128x128xf32, #tpu.memory_space<vmem>> -> memref<128x128xf32, #tpu.memory_space<vmem>>
      %dma_wait3A_434 = arith.constant 0 : i32
      %dma_wait3A_435 = tpu.memref_slice %arg21[%add3A_54, %dma_wait3A_434] : memref<10240x128xf32, #tpu.memory_space<vmem_shared>> -> memref<128x128xf32, #tpu.memory_space<vmem_shared>>
      %dma_wait3A_436 = arith.constant 0 : i32
      %dma_wait3A_437 = tpu.memref_slice %arg21[%add3A_54, %dma_wait3A_436] : memref<10240x128xf32, #tpu.memory_space<vmem_shared>> -> memref<128x128xf32, #tpu.memory_space<vmem_shared>>
      %dma_wait3A_438 = arith.constant 0 : i32
      %dma_wait3A_439 = arith.constant 0 : i32
      %dma_wait3A_440 = tpu.memref_slice %arg14[%run_scoped3A_55, %dma_wait3A_438, %dma_wait3A_439] : memref<2x128x128xf32, #tpu.memory_space<vmem>> -> memref<1x128x128xf32, #tpu.memory_space<vmem>>
      %dma_wait3A_441 = tpu.memref_squeeze %dma_wait3A_440 : memref<1x128x128xf32, #tpu.memory_space<vmem>> -> memref<128x128xf32, #tpu.memory_space<vmem>>
      tpu.wait_dma2 semaphore(%run_scoped3A_417 : memref<!tpu.dma_semaphore, #tpu.memory_space<semaphore_mem>>) src(%dma_wait3A_441 : memref<128x128xf32, #tpu.memory_space<vmem>>) dst(%dma_wait3A_437 : memref<128x128xf32, #tpu.memory_space<vmem_shared>>)
      tpu.yield
    }) : () -> ()
    %add3A_56 = arith.constant 512 : i32
    %add3A_57 = arith.addi %mul3A_45, %add3A_56 : i32
    %run_scoped3A_58 = arith.constant 0 : i32
    "tpu.region"() ({
      %run_scoped3A_417 = tpu.sem_alloc : memref<!tpu.dma_semaphore, #tpu.memory_space<semaphore_mem>>
      %dma_start3A_418 = arith.constant 0 : i32
      %dma_start3A_419 = arith.constant 0 : i32
      %dma_start3A_420 = tpu.memref_slice %arg14[%run_scoped3A_58, %dma_start3A_418, %dma_start3A_419] : memref<2x128x128xf32, #tpu.memory_space<vmem>> -> memref<1x128x128xf32, #tpu.memory_space<vmem>>
      %dma_start3A_421 = tpu.memref_squeeze %dma_start3A_420 : memref<1x128x128xf32, #tpu.memory_space<vmem>> -> memref<128x128xf32, #tpu.memory_space<vmem>>
      %dma_start3A_422 = arith.constant 0 : i32
      %dma_start3A_423 = tpu.memref_slice %arg21[%add3A_57, %dma_start3A_422] : memref<10240x128xf32, #tpu.memory_space<vmem_shared>> -> memref<128x128xf32, #tpu.memory_space<vmem_shared>>
      %dma_start3A_424 = arith.constant 0 : i32
      %dma_start3A_425 = tpu.memref_slice %arg21[%add3A_57, %dma_start3A_424] : memref<10240x128xf32, #tpu.memory_space<vmem_shared>> -> memref<128x128xf32, #tpu.memory_space<vmem_shared>>
      %dma_start3A_426 = arith.constant 0 : i32
      %dma_start3A_427 = arith.constant 0 : i32
      %dma_start3A_428 = tpu.memref_slice %arg14[%run_scoped3A_58, %dma_start3A_426, %dma_start3A_427] : memref<2x128x128xf32, #tpu.memory_space<vmem>> -> memref<1x128x128xf32, #tpu.memory_space<vmem>>
      %dma_start3A_429 = tpu.memref_squeeze %dma_start3A_428 : memref<1x128x128xf32, #tpu.memory_space<vmem>> -> memref<128x128xf32, #tpu.memory_space<vmem>>
      tpu.enqueue_dma source(%dma_start3A_429 : memref<128x128xf32, #tpu.memory_space<vmem>>) target(%dma_start3A_425 : memref<128x128xf32, #tpu.memory_space<vmem_shared>>) target_semaphore(%run_scoped3A_417 : memref<!tpu.dma_semaphore, #tpu.memory_space<semaphore_mem>>)
      %dma_wait3A_430 = arith.constant 0 : i32
      %dma_wait3A_431 = arith.constant 0 : i32
      %dma_wait3A_432 = tpu.memref_slice %arg14[%run_scoped3A_58, %dma_wait3A_430, %dma_wait3A_431] : memref<2x128x128xf32, #tpu.memory_space<vmem>> -> memref<1x128x128xf32, #tpu.memory_space<vmem>>
      %dma_wait3A_433 = tpu.memref_squeeze %dma_wait3A_432 : memref<1x128x128xf32, #tpu.memory_space<vmem>> -> memref<128x128xf32, #tpu.memory_space<vmem>>
      %dma_wait3A_434 = arith.constant 0 : i32
      %dma_wait3A_435 = tpu.memref_slice %arg21[%add3A_57, %dma_wait3A_434] : memref<10240x128xf32, #tpu.memory_space<vmem_shared>> -> memref<128x128xf32, #tpu.memory_space<vmem_shared>>
      %dma_wait3A_436 = arith.constant 0 : i32
      %dma_wait3A_437 = tpu.memref_slice %arg21[%add3A_57, %dma_wait3A_436] : memref<10240x128xf32, #tpu.memory_space<vmem_shared>> -> memref<128x128xf32, #tpu.memory_space<vmem_shared>>
      %dma_wait3A_438 = arith.constant 0 : i32
      %dma_wait3A_439 = arith.constant 0 : i32
      %dma_wait3A_440 = tpu.memref_slice %arg14[%run_scoped3A_58, %dma_wait3A_438, %dma_wait3A_439] : memref<2x128x128xf32, #tpu.memory_space<vmem>> -> memref<1x128x128xf32, #tpu.memory_space<vmem>>
      %dma_wait3A_441 = tpu.memref_squeeze %dma_wait3A_440 : memref<1x128x128xf32, #tpu.memory_space<vmem>> -> memref<128x128xf32, #tpu.memory_space<vmem>>
      tpu.wait_dma2 semaphore(%run_scoped3A_417 : memref<!tpu.dma_semaphore, #tpu.memory_space<semaphore_mem>>) src(%dma_wait3A_441 : memref<128x128xf32, #tpu.memory_space<vmem>>) dst(%dma_wait3A_437 : memref<128x128xf32, #tpu.memory_space<vmem_shared>>)
      tpu.yield
    }) : () -> ()
    "tpu.region"() ({
      %run_scoped3A_417 = tpu.sem_alloc : memref<!tpu.dma_semaphore, #tpu.memory_space<semaphore_mem>>
      %dma_start3A_418 = tpu.memref_slice %arg18[%mul3A_45] : memref<10240xf32, #tpu.memory_space<vmem_shared>> -> memref<640xf32, #tpu.memory_space<vmem_shared>>
      %dma_start3A_419 = tpu.memref_slice %arg18[%mul3A_45] : memref<10240xf32, #tpu.memory_space<vmem_shared>> -> memref<640xf32, #tpu.memory_space<vmem_shared>>
      tpu.enqueue_dma source(%arg17 : memref<640xf32, #tpu.memory_space<vmem>>) target(%dma_start3A_419 : memref<640xf32, #tpu.memory_space<vmem_shared>>) target_semaphore(%run_scoped3A_417 : memref<!tpu.dma_semaphore, #tpu.memory_space<semaphore_mem>>)
      %dma_wait3A_420 = tpu.memref_slice %arg18[%mul3A_45] : memref<10240xf32, #tpu.memory_space<vmem_shared>> -> memref<640xf32, #tpu.memory_space<vmem_shared>>
      %dma_wait3A_421 = tpu.memref_slice %arg18[%mul3A_45] : memref<10240xf32, #tpu.memory_space<vmem_shared>> -> memref<640xf32, #tpu.memory_space<vmem_shared>>
      tpu.wait_dma2 semaphore(%run_scoped3A_417 : memref<!tpu.dma_semaphore, #tpu.memory_space<semaphore_mem>>) src(%arg17 : memref<640xf32, #tpu.memory_space<vmem>>) dst(%dma_wait3A_421 : memref<640xf32, #tpu.memory_space<vmem_shared>>)
      tpu.yield
    }) : () -> ()
    "tpu.region"() ({
      %run_scoped3A_417 = tpu.sem_alloc : memref<!tpu.dma_semaphore, #tpu.memory_space<semaphore_mem>>
      %dma_start3A_418 = tpu.memref_slice %arg20[%mul3A_45] : memref<10240xf32, #tpu.memory_space<vmem_shared>> -> memref<640xf32, #tpu.memory_space<vmem_shared>>
      %dma_start3A_419 = tpu.memref_slice %arg20[%mul3A_45] : memref<10240xf32, #tpu.memory_space<vmem_shared>> -> memref<640xf32, #tpu.memory_space<vmem_shared>>
      tpu.enqueue_dma source(%arg17 : memref<640xf32, #tpu.memory_space<vmem>>) target(%dma_start3A_419 : memref<640xf32, #tpu.memory_space<vmem_shared>>) target_semaphore(%run_scoped3A_417 : memref<!tpu.dma_semaphore, #tpu.memory_space<semaphore_mem>>)
      %dma_wait3A_420 = tpu.memref_slice %arg20[%mul3A_45] : memref<10240xf32, #tpu.memory_space<vmem_shared>> -> memref<640xf32, #tpu.memory_space<vmem_shared>>
      %dma_wait3A_421 = tpu.memref_slice %arg20[%mul3A_45] : memref<10240xf32, #tpu.memory_space<vmem_shared>> -> memref<640xf32, #tpu.memory_space<vmem_shared>>
      tpu.wait_dma2 semaphore(%run_scoped3A_417 : memref<!tpu.dma_semaphore, #tpu.memory_space<semaphore_mem>>) src(%arg17 : memref<640xf32, #tpu.memory_space<vmem>>) dst(%dma_wait3A_421 : memref<640xf32, #tpu.memory_space<vmem_shared>>)
      tpu.yield
    }) : () -> ()
    %barrier3A = arith.constant 0 : index
    tpu.barrier barrier_id(%barrier3A)
    %mul3A_59 = arith.constant 1280 : i32
    %mul3A_60 = arith.muli %arg0, %mul3A_59 : i32
    %mul3A_61 = arith.constant 80 : i32
    %mul3A_62 = arith.muli %arg1, %mul3A_61 : i32
    %add3A_63 = arith.addi %mul3A_60, %mul3A_62 : i32
    %mul3A_64 = arith.constant 128 : i32
    %mul3A_65 = arith.muli %add3A_63, %mul3A_64 : i32
    %mul3A_66 = arith.constant 160 : i32
    %mul3A_67 = arith.muli %arg1, %mul3A_66 : i32
    %mul3A_68 = arith.constant 128 : i32
    %mul3A_69 = arith.muli %mul3A_67, %mul3A_68 : i32
    %add3A_70 = arith.constant 0 : i32
    %add3A_71 = arith.addi %mul3A_65, %add3A_70 : i32
    %dma_start3A = arith.constant 0 : i32
    %dma_start3A_72 = arith.constant 0 : i32
    %dma_start3A_73 = arith.constant 0 : i32
    %dma_start3A_74 = tpu.memref_slice %arg9[%dma_start3A, %dma_start3A_73] : memref<4x128xi32, #tpu.memory_space<vmem>> -> memref<1x128xi32, #tpu.memory_space<vmem>>
    %dma_start3A_75 = tpu.memref_squeeze %dma_start3A_74 : memref<1x128xi32, #tpu.memory_space<vmem>> -> memref<128xi32, #tpu.memory_space<vmem>>
    %dma_start3A_76 = tpu.memref_slice %arg3[%add3A_71] : memref<327680xi32, #tpu.memory_space<hbm>> -> memref<128xi32, #tpu.memory_space<hbm>>
    %dma_start3A_77 = tpu.memref_slice %arg22[%dma_start3A_72] : memref<4x!tpu.dma_semaphore, #tpu.memory_space<semaphore_mem>> -> memref<1x!tpu.dma_semaphore, #tpu.memory_space<semaphore_mem>>
    %dma_start3A_78 = tpu.memref_squeeze %dma_start3A_77 : memref<1x!tpu.dma_semaphore, #tpu.memory_space<semaphore_mem>> -> memref<!tpu.dma_semaphore, #tpu.memory_space<semaphore_mem>>
    %dma_start3A_79 = arith.constant 0 : i32
    %dma_start3A_80 = tpu.memref_slice %arg9[%dma_start3A, %dma_start3A_79] : memref<4x128xi32, #tpu.memory_space<vmem>> -> memref<1x128xi32, #tpu.memory_space<vmem>>
    %dma_start3A_81 = tpu.memref_squeeze %dma_start3A_80 : memref<1x128xi32, #tpu.memory_space<vmem>> -> memref<128xi32, #tpu.memory_space<vmem>>
    %dma_start3A_82 = tpu.memref_slice %arg3[%add3A_71] : memref<327680xi32, #tpu.memory_space<hbm>> -> memref<128xi32, #tpu.memory_space<hbm>>
    tpu.enqueue_dma source(%dma_start3A_82 : memref<128xi32, #tpu.memory_space<hbm>>) target(%dma_start3A_81 : memref<128xi32, #tpu.memory_space<vmem>>) target_semaphore(%dma_start3A_78 : memref<!tpu.dma_semaphore, #tpu.memory_space<semaphore_mem>>)
    %add3A_83 = arith.constant 0 : i32
    %add3A_84 = arith.addi %mul3A_65, %add3A_83 : i32
    %dma_start3A_85 = arith.constant 0 : i32
    %dma_start3A_86 = arith.constant 0 : i32
    %dma_start3A_87 = arith.constant 0 : i32
    %dma_start3A_88 = tpu.memref_slice %arg10[%dma_start3A_85, %dma_start3A_87] : memref<4x128xi32, #tpu.memory_space<vmem>> -> memref<1x128xi32, #tpu.memory_space<vmem>>
    %dma_start3A_89 = tpu.memref_squeeze %dma_start3A_88 : memref<1x128xi32, #tpu.memory_space<vmem>> -> memref<128xi32, #tpu.memory_space<vmem>>
    %dma_start3A_90 = tpu.memref_slice %arg5[%add3A_84] : memref<327680xi32, #tpu.memory_space<hbm>> -> memref<128xi32, #tpu.memory_space<hbm>>
    %dma_start3A_91 = tpu.memref_slice %arg23[%dma_start3A_86] : memref<4x!tpu.dma_semaphore, #tpu.memory_space<semaphore_mem>> -> memref<1x!tpu.dma_semaphore, #tpu.memory_space<semaphore_mem>>
    %dma_start3A_92 = tpu.memref_squeeze %dma_start3A_91 : memref<1x!tpu.dma_semaphore, #tpu.memory_space<semaphore_mem>> -> memref<!tpu.dma_semaphore, #tpu.memory_space<semaphore_mem>>
    %dma_start3A_93 = arith.constant 0 : i32
    %dma_start3A_94 = tpu.memref_slice %arg10[%dma_start3A_85, %dma_start3A_93] : memref<4x128xi32, #tpu.memory_space<vmem>> -> memref<1x128xi32, #tpu.memory_space<vmem>>
    %dma_start3A_95 = tpu.memref_squeeze %dma_start3A_94 : memref<1x128xi32, #tpu.memory_space<vmem>> -> memref<128xi32, #tpu.memory_space<vmem>>
    %dma_start3A_96 = tpu.memref_slice %arg5[%add3A_84] : memref<327680xi32, #tpu.memory_space<hbm>> -> memref<128xi32, #tpu.memory_space<hbm>>
    tpu.enqueue_dma source(%dma_start3A_96 : memref<128xi32, #tpu.memory_space<hbm>>) target(%dma_start3A_95 : memref<128xi32, #tpu.memory_space<vmem>>) target_semaphore(%dma_start3A_92 : memref<!tpu.dma_semaphore, #tpu.memory_space<semaphore_mem>>)
    %add3A_97 = arith.constant 0 : i32
    %add3A_98 = arith.addi %mul3A_69, %add3A_97 : i32
    %dma_start3A_99 = arith.constant 0 : i32
    %dma_start3A_100 = arith.constant 0 : i32
    %dma_start3A_101 = arith.constant 0 : i32
    %dma_start3A_102 = tpu.memref_slice %arg11[%dma_start3A_99, %dma_start3A_101] : memref<4x128xi32, #tpu.memory_space<vmem>> -> memref<1x128xi32, #tpu.memory_space<vmem>>
    %dma_start3A_103 = tpu.memref_squeeze %dma_start3A_102 : memref<1x128xi32, #tpu.memory_space<vmem>> -> memref<128xi32, #tpu.memory_space<vmem>>
    %dma_start3A_104 = tpu.memref_slice %arg5[%add3A_98] : memref<327680xi32, #tpu.memory_space<hbm>> -> memref<128xi32, #tpu.memory_space<hbm>>
    %dma_start3A_105 = tpu.memref_slice %arg26[%dma_start3A_100] : memref<4x!tpu.dma_semaphore, #tpu.memory_space<semaphore_mem>> -> memref<1x!tpu.dma_semaphore, #tpu.memory_space<semaphore_mem>>
    %dma_start3A_106 = tpu.memref_squeeze %dma_start3A_105 : memref<1x!tpu.dma_semaphore, #tpu.memory_space<semaphore_mem>> -> memref<!tpu.dma_semaphore, #tpu.memory_space<semaphore_mem>>
    %dma_start3A_107 = arith.constant 0 : i32
    %dma_start3A_108 = tpu.memref_slice %arg11[%dma_start3A_99, %dma_start3A_107] : memref<4x128xi32, #tpu.memory_space<vmem>> -> memref<1x128xi32, #tpu.memory_space<vmem>>
    %dma_start3A_109 = tpu.memref_squeeze %dma_start3A_108 : memref<1x128xi32, #tpu.memory_space<vmem>> -> memref<128xi32, #tpu.memory_space<vmem>>
    %dma_start3A_110 = tpu.memref_slice %arg5[%add3A_98] : memref<327680xi32, #tpu.memory_space<hbm>> -> memref<128xi32, #tpu.memory_space<hbm>>
    tpu.enqueue_dma source(%dma_start3A_110 : memref<128xi32, #tpu.memory_space<hbm>>) target(%dma_start3A_109 : memref<128xi32, #tpu.memory_space<vmem>>) target_semaphore(%dma_start3A_106 : memref<!tpu.dma_semaphore, #tpu.memory_space<semaphore_mem>>)
    %add3A_111 = arith.constant 128 : i32
    %add3A_112 = arith.addi %mul3A_65, %add3A_111 : i32
    %dma_start3A_113 = arith.constant 1 : i32
    %dma_start3A_114 = arith.constant 1 : i32
    %dma_start3A_115 = arith.constant 0 : i32
    %dma_start3A_116 = tpu.memref_slice %arg9[%dma_start3A_113, %dma_start3A_115] : memref<4x128xi32, #tpu.memory_space<vmem>> -> memref<1x128xi32, #tpu.memory_space<vmem>>
    %dma_start3A_117 = tpu.memref_squeeze %dma_start3A_116 : memref<1x128xi32, #tpu.memory_space<vmem>> -> memref<128xi32, #tpu.memory_space<vmem>>
    %dma_start3A_118 = tpu.memref_slice %arg3[%add3A_112] : memref<327680xi32, #tpu.memory_space<hbm>> -> memref<128xi32, #tpu.memory_space<hbm>>
    %dma_start3A_119 = tpu.memref_slice %arg22[%dma_start3A_114] : memref<4x!tpu.dma_semaphore, #tpu.memory_space<semaphore_mem>> -> memref<1x!tpu.dma_semaphore, #tpu.memory_space<semaphore_mem>>
    %dma_start3A_120 = tpu.memref_squeeze %dma_start3A_119 : memref<1x!tpu.dma_semaphore, #tpu.memory_space<semaphore_mem>> -> memref<!tpu.dma_semaphore, #tpu.memory_space<semaphore_mem>>
    %dma_start3A_121 = arith.constant 0 : i32
    %dma_start3A_122 = tpu.memref_slice %arg9[%dma_start3A_113, %dma_start3A_121] : memref<4x128xi32, #tpu.memory_space<vmem>> -> memref<1x128xi32, #tpu.memory_space<vmem>>
    %dma_start3A_123 = tpu.memref_squeeze %dma_start3A_122 : memref<1x128xi32, #tpu.memory_space<vmem>> -> memref<128xi32, #tpu.memory_space<vmem>>
    %dma_start3A_124 = tpu.memref_slice %arg3[%add3A_112] : memref<327680xi32, #tpu.memory_space<hbm>> -> memref<128xi32, #tpu.memory_space<hbm>>
    tpu.enqueue_dma source(%dma_start3A_124 : memref<128xi32, #tpu.memory_space<hbm>>) target(%dma_start3A_123 : memref<128xi32, #tpu.memory_space<vmem>>) target_semaphore(%dma_start3A_120 : memref<!tpu.dma_semaphore, #tpu.memory_space<semaphore_mem>>)
    %add3A_125 = arith.constant 128 : i32
    %add3A_126 = arith.addi %mul3A_65, %add3A_125 : i32
    %dma_start3A_127 = arith.constant 1 : i32
    %dma_start3A_128 = arith.constant 1 : i32
    %dma_start3A_129 = arith.constant 0 : i32
    %dma_start3A_130 = tpu.memref_slice %arg10[%dma_start3A_127, %dma_start3A_129] : memref<4x128xi32, #tpu.memory_space<vmem>> -> memref<1x128xi32, #tpu.memory_space<vmem>>
    %dma_start3A_131 = tpu.memref_squeeze %dma_start3A_130 : memref<1x128xi32, #tpu.memory_space<vmem>> -> memref<128xi32, #tpu.memory_space<vmem>>
    %dma_start3A_132 = tpu.memref_slice %arg5[%add3A_126] : memref<327680xi32, #tpu.memory_space<hbm>> -> memref<128xi32, #tpu.memory_space<hbm>>
    %dma_start3A_133 = tpu.memref_slice %arg23[%dma_start3A_128] : memref<4x!tpu.dma_semaphore, #tpu.memory_space<semaphore_mem>> -> memref<1x!tpu.dma_semaphore, #tpu.memory_space<semaphore_mem>>
    %dma_start3A_134 = tpu.memref_squeeze %dma_start3A_133 : memref<1x!tpu.dma_semaphore, #tpu.memory_space<semaphore_mem>> -> memref<!tpu.dma_semaphore, #tpu.memory_space<semaphore_mem>>
    %dma_start3A_135 = arith.constant 0 : i32
    %dma_start3A_136 = tpu.memref_slice %arg10[%dma_start3A_127, %dma_start3A_135] : memref<4x128xi32, #tpu.memory_space<vmem>> -> memref<1x128xi32, #tpu.memory_space<vmem>>
    %dma_start3A_137 = tpu.memref_squeeze %dma_start3A_136 : memref<1x128xi32, #tpu.memory_space<vmem>> -> memref<128xi32, #tpu.memory_space<vmem>>
    %dma_start3A_138 = tpu.memref_slice %arg5[%add3A_126] : memref<327680xi32, #tpu.memory_space<hbm>> -> memref<128xi32, #tpu.memory_space<hbm>>
    tpu.enqueue_dma source(%dma_start3A_138 : memref<128xi32, #tpu.memory_space<hbm>>) target(%dma_start3A_137 : memref<128xi32, #tpu.memory_space<vmem>>) target_semaphore(%dma_start3A_134 : memref<!tpu.dma_semaphore, #tpu.memory_space<semaphore_mem>>)
    %add3A_139 = arith.constant 128 : i32
    %add3A_140 = arith.addi %mul3A_69, %add3A_139 : i32
    %dma_start3A_141 = arith.constant 1 : i32
    %dma_start3A_142 = arith.constant 1 : i32
    %dma_start3A_143 = arith.constant 0 : i32
    %dma_start3A_144 = tpu.memref_slice %arg11[%dma_start3A_141, %dma_start3A_143] : memref<4x128xi32, #tpu.memory_space<vmem>> -> memref<1x128xi32, #tpu.memory_space<vmem>>
    %dma_start3A_145 = tpu.memref_squeeze %dma_start3A_144 : memref<1x128xi32, #tpu.memory_space<vmem>> -> memref<128xi32, #tpu.memory_space<vmem>>
    %dma_start3A_146 = tpu.memref_slice %arg5[%add3A_140] : memref<327680xi32, #tpu.memory_space<hbm>> -> memref<128xi32, #tpu.memory_space<hbm>>
    %dma_start3A_147 = tpu.memref_slice %arg26[%dma_start3A_142] : memref<4x!tpu.dma_semaphore, #tpu.memory_space<semaphore_mem>> -> memref<1x!tpu.dma_semaphore, #tpu.memory_space<semaphore_mem>>
    %dma_start3A_148 = tpu.memref_squeeze %dma_start3A_147 : memref<1x!tpu.dma_semaphore, #tpu.memory_space<semaphore_mem>> -> memref<!tpu.dma_semaphore, #tpu.memory_space<semaphore_mem>>
    %dma_start3A_149 = arith.constant 0 : i32
    %dma_start3A_150 = tpu.memref_slice %arg11[%dma_start3A_141, %dma_start3A_149] : memref<4x128xi32, #tpu.memory_space<vmem>> -> memref<1x128xi32, #tpu.memory_space<vmem>>
    %dma_start3A_151 = tpu.memref_squeeze %dma_start3A_150 : memref<1x128xi32, #tpu.memory_space<vmem>> -> memref<128xi32, #tpu.memory_space<vmem>>
    %dma_start3A_152 = tpu.memref_slice %arg5[%add3A_140] : memref<327680xi32, #tpu.memory_space<hbm>> -> memref<128xi32, #tpu.memory_space<hbm>>
    tpu.enqueue_dma source(%dma_start3A_152 : memref<128xi32, #tpu.memory_space<hbm>>) target(%dma_start3A_151 : memref<128xi32, #tpu.memory_space<vmem>>) target_semaphore(%dma_start3A_148 : memref<!tpu.dma_semaphore, #tpu.memory_space<semaphore_mem>>)
    %add3A_153 = arith.constant 256 : i32
    %add3A_154 = arith.addi %mul3A_65, %add3A_153 : i32
    %dma_start3A_155 = arith.constant 2 : i32
    %dma_start3A_156 = arith.constant 2 : i32
    %dma_start3A_157 = arith.constant 0 : i32
    %dma_start3A_158 = tpu.memref_slice %arg9[%dma_start3A_155, %dma_start3A_157] : memref<4x128xi32, #tpu.memory_space<vmem>> -> memref<1x128xi32, #tpu.memory_space<vmem>>
    %dma_start3A_159 = tpu.memref_squeeze %dma_start3A_158 : memref<1x128xi32, #tpu.memory_space<vmem>> -> memref<128xi32, #tpu.memory_space<vmem>>
    %dma_start3A_160 = tpu.memref_slice %arg3[%add3A_154] : memref<327680xi32, #tpu.memory_space<hbm>> -> memref<128xi32, #tpu.memory_space<hbm>>
    %dma_start3A_161 = tpu.memref_slice %arg22[%dma_start3A_156] : memref<4x!tpu.dma_semaphore, #tpu.memory_space<semaphore_mem>> -> memref<1x!tpu.dma_semaphore, #tpu.memory_space<semaphore_mem>>
    %dma_start3A_162 = tpu.memref_squeeze %dma_start3A_161 : memref<1x!tpu.dma_semaphore, #tpu.memory_space<semaphore_mem>> -> memref<!tpu.dma_semaphore, #tpu.memory_space<semaphore_mem>>
    %dma_start3A_163 = arith.constant 0 : i32
    %dma_start3A_164 = tpu.memref_slice %arg9[%dma_start3A_155, %dma_start3A_163] : memref<4x128xi32, #tpu.memory_space<vmem>> -> memref<1x128xi32, #tpu.memory_space<vmem>>
    %dma_start3A_165 = tpu.memref_squeeze %dma_start3A_164 : memref<1x128xi32, #tpu.memory_space<vmem>> -> memref<128xi32, #tpu.memory_space<vmem>>
    %dma_start3A_166 = tpu.memref_slice %arg3[%add3A_154] : memref<327680xi32, #tpu.memory_space<hbm>> -> memref<128xi32, #tpu.memory_space<hbm>>
    tpu.enqueue_dma source(%dma_start3A_166 : memref<128xi32, #tpu.memory_space<hbm>>) target(%dma_start3A_165 : memref<128xi32, #tpu.memory_space<vmem>>) target_semaphore(%dma_start3A_162 : memref<!tpu.dma_semaphore, #tpu.memory_space<semaphore_mem>>)
    %add3A_167 = arith.constant 256 : i32
    %add3A_168 = arith.addi %mul3A_65, %add3A_167 : i32
    %dma_start3A_169 = arith.constant 2 : i32
    %dma_start3A_170 = arith.constant 2 : i32
    %dma_start3A_171 = arith.constant 0 : i32
    %dma_start3A_172 = tpu.memref_slice %arg10[%dma_start3A_169, %dma_start3A_171] : memref<4x128xi32, #tpu.memory_space<vmem>> -> memref<1x128xi32, #tpu.memory_space<vmem>>
    %dma_start3A_173 = tpu.memref_squeeze %dma_start3A_172 : memref<1x128xi32, #tpu.memory_space<vmem>> -> memref<128xi32, #tpu.memory_space<vmem>>
    %dma_start3A_174 = tpu.memref_slice %arg5[%add3A_168] : memref<327680xi32, #tpu.memory_space<hbm>> -> memref<128xi32, #tpu.memory_space<hbm>>
    %dma_start3A_175 = tpu.memref_slice %arg23[%dma_start3A_170] : memref<4x!tpu.dma_semaphore, #tpu.memory_space<semaphore_mem>> -> memref<1x!tpu.dma_semaphore, #tpu.memory_space<semaphore_mem>>
    %dma_start3A_176 = tpu.memref_squeeze %dma_start3A_175 : memref<1x!tpu.dma_semaphore, #tpu.memory_space<semaphore_mem>> -> memref<!tpu.dma_semaphore, #tpu.memory_space<semaphore_mem>>
    %dma_start3A_177 = arith.constant 0 : i32
    %dma_start3A_178 = tpu.memref_slice %arg10[%dma_start3A_169, %dma_start3A_177] : memref<4x128xi32, #tpu.memory_space<vmem>> -> memref<1x128xi32, #tpu.memory_space<vmem>>
    %dma_start3A_179 = tpu.memref_squeeze %dma_start3A_178 : memref<1x128xi32, #tpu.memory_space<vmem>> -> memref<128xi32, #tpu.memory_space<vmem>>
    %dma_start3A_180 = tpu.memref_slice %arg5[%add3A_168] : memref<327680xi32, #tpu.memory_space<hbm>> -> memref<128xi32, #tpu.memory_space<hbm>>
    tpu.enqueue_dma source(%dma_start3A_180 : memref<128xi32, #tpu.memory_space<hbm>>) target(%dma_start3A_179 : memref<128xi32, #tpu.memory_space<vmem>>) target_semaphore(%dma_start3A_176 : memref<!tpu.dma_semaphore, #tpu.memory_space<semaphore_mem>>)
    %add3A_181 = arith.constant 256 : i32
    %add3A_182 = arith.addi %mul3A_69, %add3A_181 : i32
    %dma_start3A_183 = arith.constant 2 : i32
    %dma_start3A_184 = arith.constant 2 : i32
    %dma_start3A_185 = arith.constant 0 : i32
    %dma_start3A_186 = tpu.memref_slice %arg11[%dma_start3A_183, %dma_start3A_185] : memref<4x128xi32, #tpu.memory_space<vmem>> -> memref<1x128xi32, #tpu.memory_space<vmem>>
    %dma_start3A_187 = tpu.memref_squeeze %dma_start3A_186 : memref<1x128xi32, #tpu.memory_space<vmem>> -> memref<128xi32, #tpu.memory_space<vmem>>
    %dma_start3A_188 = tpu.memref_slice %arg5[%add3A_182] : memref<327680xi32, #tpu.memory_space<hbm>> -> memref<128xi32, #tpu.memory_space<hbm>>
    %dma_start3A_189 = tpu.memref_slice %arg26[%dma_start3A_184] : memref<4x!tpu.dma_semaphore, #tpu.memory_space<semaphore_mem>> -> memref<1x!tpu.dma_semaphore, #tpu.memory_space<semaphore_mem>>
    %dma_start3A_190 = tpu.memref_squeeze %dma_start3A_189 : memref<1x!tpu.dma_semaphore, #tpu.memory_space<semaphore_mem>> -> memref<!tpu.dma_semaphore, #tpu.memory_space<semaphore_mem>>
    %dma_start3A_191 = arith.constant 0 : i32
    %dma_start3A_192 = tpu.memref_slice %arg11[%dma_start3A_183, %dma_start3A_191] : memref<4x128xi32, #tpu.memory_space<vmem>> -> memref<1x128xi32, #tpu.memory_space<vmem>>
    %dma_start3A_193 = tpu.memref_squeeze %dma_start3A_192 : memref<1x128xi32, #tpu.memory_space<vmem>> -> memref<128xi32, #tpu.memory_space<vmem>>
    %dma_start3A_194 = tpu.memref_slice %arg5[%add3A_182] : memref<327680xi32, #tpu.memory_space<hbm>> -> memref<128xi32, #tpu.memory_space<hbm>>
    tpu.enqueue_dma source(%dma_start3A_194 : memref<128xi32, #tpu.memory_space<hbm>>) target(%dma_start3A_193 : memref<128xi32, #tpu.memory_space<vmem>>) target_semaphore(%dma_start3A_190 : memref<!tpu.dma_semaphore, #tpu.memory_space<semaphore_mem>>)
    %add3A_195 = arith.constant 384 : i32
    %add3A_196 = arith.addi %mul3A_65, %add3A_195 : i32
    %dma_start3A_197 = arith.constant 3 : i32
    %dma_start3A_198 = arith.constant 3 : i32
    %dma_start3A_199 = arith.constant 0 : i32
    %dma_start3A_200 = tpu.memref_slice %arg9[%dma_start3A_197, %dma_start3A_199] : memref<4x128xi32, #tpu.memory_space<vmem>> -> memref<1x128xi32, #tpu.memory_space<vmem>>
    %dma_start3A_201 = tpu.memref_squeeze %dma_start3A_200 : memref<1x128xi32, #tpu.memory_space<vmem>> -> memref<128xi32, #tpu.memory_space<vmem>>
    %dma_start3A_202 = tpu.memref_slice %arg3[%add3A_196] : memref<327680xi32, #tpu.memory_space<hbm>> -> memref<128xi32, #tpu.memory_space<hbm>>
    %dma_start3A_203 = tpu.memref_slice %arg22[%dma_start3A_198] : memref<4x!tpu.dma_semaphore, #tpu.memory_space<semaphore_mem>> -> memref<1x!tpu.dma_semaphore, #tpu.memory_space<semaphore_mem>>
    %dma_start3A_204 = tpu.memref_squeeze %dma_start3A_203 : memref<1x!tpu.dma_semaphore, #tpu.memory_space<semaphore_mem>> -> memref<!tpu.dma_semaphore, #tpu.memory_space<semaphore_mem>>
    %dma_start3A_205 = arith.constant 0 : i32
    %dma_start3A_206 = tpu.memref_slice %arg9[%dma_start3A_197, %dma_start3A_205] : memref<4x128xi32, #tpu.memory_space<vmem>> -> memref<1x128xi32, #tpu.memory_space<vmem>>
    %dma_start3A_207 = tpu.memref_squeeze %dma_start3A_206 : memref<1x128xi32, #tpu.memory_space<vmem>> -> memref<128xi32, #tpu.memory_space<vmem>>
    %dma_start3A_208 = tpu.memref_slice %arg3[%add3A_196] : memref<327680xi32, #tpu.memory_space<hbm>> -> memref<128xi32, #tpu.memory_space<hbm>>
    tpu.enqueue_dma source(%dma_start3A_208 : memref<128xi32, #tpu.memory_space<hbm>>) target(%dma_start3A_207 : memref<128xi32, #tpu.memory_space<vmem>>) target_semaphore(%dma_start3A_204 : memref<!tpu.dma_semaphore, #tpu.memory_space<semaphore_mem>>)
    %add3A_209 = arith.constant 384 : i32
    %add3A_210 = arith.addi %mul3A_65, %add3A_209 : i32
    %dma_start3A_211 = arith.constant 3 : i32
    %dma_start3A_212 = arith.constant 3 : i32
    %dma_start3A_213 = arith.constant 0 : i32
    %dma_start3A_214 = tpu.memref_slice %arg10[%dma_start3A_211, %dma_start3A_213] : memref<4x128xi32, #tpu.memory_space<vmem>> -> memref<1x128xi32, #tpu.memory_space<vmem>>
    %dma_start3A_215 = tpu.memref_squeeze %dma_start3A_214 : memref<1x128xi32, #tpu.memory_space<vmem>> -> memref<128xi32, #tpu.memory_space<vmem>>
    %dma_start3A_216 = tpu.memref_slice %arg5[%add3A_210] : memref<327680xi32, #tpu.memory_space<hbm>> -> memref<128xi32, #tpu.memory_space<hbm>>
    %dma_start3A_217 = tpu.memref_slice %arg23[%dma_start3A_212] : memref<4x!tpu.dma_semaphore, #tpu.memory_space<semaphore_mem>> -> memref<1x!tpu.dma_semaphore, #tpu.memory_space<semaphore_mem>>
    %dma_start3A_218 = tpu.memref_squeeze %dma_start3A_217 : memref<1x!tpu.dma_semaphore, #tpu.memory_space<semaphore_mem>> -> memref<!tpu.dma_semaphore, #tpu.memory_space<semaphore_mem>>
    %dma_start3A_219 = arith.constant 0 : i32
    %dma_start3A_220 = tpu.memref_slice %arg10[%dma_start3A_211, %dma_start3A_219] : memref<4x128xi32, #tpu.memory_space<vmem>> -> memref<1x128xi32, #tpu.memory_space<vmem>>
    %dma_start3A_221 = tpu.memref_squeeze %dma_start3A_220 : memref<1x128xi32, #tpu.memory_space<vmem>> -> memref<128xi32, #tpu.memory_space<vmem>>
    %dma_start3A_222 = tpu.memref_slice %arg5[%add3A_210] : memref<327680xi32, #tpu.memory_space<hbm>> -> memref<128xi32, #tpu.memory_space<hbm>>
    tpu.enqueue_dma source(%dma_start3A_222 : memref<128xi32, #tpu.memory_space<hbm>>) target(%dma_start3A_221 : memref<128xi32, #tpu.memory_space<vmem>>) target_semaphore(%dma_start3A_218 : memref<!tpu.dma_semaphore, #tpu.memory_space<semaphore_mem>>)
    %add3A_223 = arith.constant 384 : i32
    %add3A_224 = arith.addi %mul3A_69, %add3A_223 : i32
    %dma_start3A_225 = arith.constant 3 : i32
    %dma_start3A_226 = arith.constant 3 : i32
    %dma_start3A_227 = arith.constant 0 : i32
    %dma_start3A_228 = tpu.memref_slice %arg11[%dma_start3A_225, %dma_start3A_227] : memref<4x128xi32, #tpu.memory_space<vmem>> -> memref<1x128xi32, #tpu.memory_space<vmem>>
    %dma_start3A_229 = tpu.memref_squeeze %dma_start3A_228 : memref<1x128xi32, #tpu.memory_space<vmem>> -> memref<128xi32, #tpu.memory_space<vmem>>
    %dma_start3A_230 = tpu.memref_slice %arg5[%add3A_224] : memref<327680xi32, #tpu.memory_space<hbm>> -> memref<128xi32, #tpu.memory_space<hbm>>
    %dma_start3A_231 = tpu.memref_slice %arg26[%dma_start3A_226] : memref<4x!tpu.dma_semaphore, #tpu.memory_space<semaphore_mem>> -> memref<1x!tpu.dma_semaphore, #tpu.memory_space<semaphore_mem>>
    %dma_start3A_232 = tpu.memref_squeeze %dma_start3A_231 : memref<1x!tpu.dma_semaphore, #tpu.memory_space<semaphore_mem>> -> memref<!tpu.dma_semaphore, #tpu.memory_space<semaphore_mem>>
    %dma_start3A_233 = arith.constant 0 : i32
    %dma_start3A_234 = tpu.memref_slice %arg11[%dma_start3A_225, %dma_start3A_233] : memref<4x128xi32, #tpu.memory_space<vmem>> -> memref<1x128xi32, #tpu.memory_space<vmem>>
    %dma_start3A_235 = tpu.memref_squeeze %dma_start3A_234 : memref<1x128xi32, #tpu.memory_space<vmem>> -> memref<128xi32, #tpu.memory_space<vmem>>
    %dma_start3A_236 = tpu.memref_slice %arg5[%add3A_224] : memref<327680xi32, #tpu.memory_space<hbm>> -> memref<128xi32, #tpu.memory_space<hbm>>
    tpu.enqueue_dma source(%dma_start3A_236 : memref<128xi32, #tpu.memory_space<hbm>>) target(%dma_start3A_235 : memref<128xi32, #tpu.memory_space<vmem>>) target_semaphore(%dma_start3A_232 : memref<!tpu.dma_semaphore, #tpu.memory_space<semaphore_mem>>)
    %dma_wait3A = arith.constant 0 : i32
    %dma_wait3A_237 = arith.constant 0 : i32
    %dma_wait3A_238 = arith.constant 0 : i32
    %dma_wait3A_239 = tpu.memref_slice %arg9[%dma_wait3A, %dma_wait3A_238] : memref<4x128xi32, #tpu.memory_space<vmem>> -> memref<1x128xi32, #tpu.memory_space<vmem>>
    %dma_wait3A_240 = tpu.memref_squeeze %dma_wait3A_239 : memref<1x128xi32, #tpu.memory_space<vmem>> -> memref<128xi32, #tpu.memory_space<vmem>>
    %dma_wait3A_241 = arith.constant 0 : i32
    %dma_wait3A_242 = tpu.memref_slice %arg3[%dma_wait3A_241] : memref<327680xi32, #tpu.memory_space<hbm>> -> memref<128xi32, #tpu.memory_space<hbm>>
    %dma_wait3A_243 = tpu.memref_slice %arg22[%dma_wait3A_237] : memref<4x!tpu.dma_semaphore, #tpu.memory_space<semaphore_mem>> -> memref<1x!tpu.dma_semaphore, #tpu.memory_space<semaphore_mem>>
    %dma_wait3A_244 = tpu.memref_squeeze %dma_wait3A_243 : memref<1x!tpu.dma_semaphore, #tpu.memory_space<semaphore_mem>> -> memref<!tpu.dma_semaphore, #tpu.memory_space<semaphore_mem>>
    %dma_wait3A_245 = arith.constant 0 : i32
    %dma_wait3A_246 = tpu.memref_slice %arg9[%dma_wait3A, %dma_wait3A_245] : memref<4x128xi32, #tpu.memory_space<vmem>> -> memref<1x128xi32, #tpu.memory_space<vmem>>
    %dma_wait3A_247 = tpu.memref_squeeze %dma_wait3A_246 : memref<1x128xi32, #tpu.memory_space<vmem>> -> memref<128xi32, #tpu.memory_space<vmem>>
    %dma_wait3A_248 = arith.constant 0 : i32
    %dma_wait3A_249 = tpu.memref_slice %arg3[%dma_wait3A_248] : memref<327680xi32, #tpu.memory_space<hbm>> -> memref<128xi32, #tpu.memory_space<hbm>>
    tpu.wait_dma2 semaphore(%dma_wait3A_244 : memref<!tpu.dma_semaphore, #tpu.memory_space<semaphore_mem>>) src(%dma_wait3A_249 : memref<128xi32, #tpu.memory_space<hbm>>) dst(%dma_wait3A_247 : memref<128xi32, #tpu.memory_space<vmem>>)
    %dma_start3A_250 = arith.constant 0 : i32
    %dma_start3A_251 = arith.constant 0 : i32
    %dma_start3A_252 = arith.constant 0 : i32
    %dma_start3A_253 = arith.constant 0 : i32
    %dma_start3A_254 = arith.constant 0 : i32
    %dma_start3A_255 = tpu.memref_slice %arg14[%dma_start3A_251, %dma_start3A_253, %dma_start3A_254] : memref<2x128x128xf32, #tpu.memory_space<vmem>> -> memref<1x128x128xf32, #tpu.memory_space<vmem>>
    %dma_start3A_256 = tpu.memref_squeeze %dma_start3A_255 : memref<1x128x128xf32, #tpu.memory_space<vmem>> -> memref<128x128xf32, #tpu.memory_space<vmem>>
    %dma_start3A_257 = arith.constant 0 : i32
    %dma_start3A_258 = tpu.memref_slice %arg9[%dma_start3A_250, %dma_start3A_257] : memref<4x128xi32, #tpu.memory_space<vmem>> -> memref<1x128xi32, #tpu.memory_space<vmem>>
    %dma_start3A_259 = tpu.memref_squeeze %dma_start3A_258 : memref<1x128xi32, #tpu.memory_space<vmem>> -> memref<128xi32, #tpu.memory_space<vmem>>
    %dma_start3A_260 = arith.constant 0 : i32
    %dma_start3A_261 = arith.constant 0 : i32
    %dma_start3A_262 = tpu.memref_slice %arg2[%dma_start3A_260, %dma_start3A_261] : memref<10000x128xf32, #tpu.memory_space<hbm>> -> memref<10000x128xf32, #tpu.memory_space<hbm>>
    %dma_start3A_263 = tpu.memref_slice %arg24[%dma_start3A_252] : memref<2x!tpu.dma_semaphore, #tpu.memory_space<semaphore_mem>> -> memref<1x!tpu.dma_semaphore, #tpu.memory_space<semaphore_mem>>
    %dma_start3A_264 = tpu.memref_squeeze %dma_start3A_263 : memref<1x!tpu.dma_semaphore, #tpu.memory_space<semaphore_mem>> -> memref<!tpu.dma_semaphore, #tpu.memory_space<semaphore_mem>>
    tpu.enqueue_indirect_dma source(%dma_start3A_262 : memref<10000x128xf32, #tpu.memory_space<hbm>>) target(%dma_start3A_256 : memref<128x128xf32, #tpu.memory_space<vmem>>) offsets(%dma_start3A_259 : memref<128xi32, #tpu.memory_space<vmem>>) semaphore(%dma_start3A_264 : memref<!tpu.dma_semaphore, #tpu.memory_space<semaphore_mem>>)
    %dma_wait3A_265 = arith.constant 1 : i32
    %dma_wait3A_266 = arith.constant 1 : i32
    %dma_wait3A_267 = arith.constant 0 : i32
    %dma_wait3A_268 = tpu.memref_slice %arg9[%dma_wait3A_265, %dma_wait3A_267] : memref<4x128xi32, #tpu.memory_space<vmem>> -> memref<1x128xi32, #tpu.memory_space<vmem>>
    %dma_wait3A_269 = tpu.memref_squeeze %dma_wait3A_268 : memref<1x128xi32, #tpu.memory_space<vmem>> -> memref<128xi32, #tpu.memory_space<vmem>>
    %dma_wait3A_270 = arith.constant 0 : i32
    %dma_wait3A_271 = tpu.memref_slice %arg3[%dma_wait3A_270] : memref<327680xi32, #tpu.memory_space<hbm>> -> memref<128xi32, #tpu.memory_space<hbm>>
    %dma_wait3A_272 = tpu.memref_slice %arg22[%dma_wait3A_266] : memref<4x!tpu.dma_semaphore, #tpu.memory_space<semaphore_mem>> -> memref<1x!tpu.dma_semaphore, #tpu.memory_space<semaphore_mem>>
    %dma_wait3A_273 = tpu.memref_squeeze %dma_wait3A_272 : memref<1x!tpu.dma_semaphore, #tpu.memory_space<semaphore_mem>> -> memref<!tpu.dma_semaphore, #tpu.memory_space<semaphore_mem>>
    %dma_wait3A_274 = arith.constant 0 : i32
    %dma_wait3A_275 = tpu.memref_slice %arg9[%dma_wait3A_265, %dma_wait3A_274] : memref<4x128xi32, #tpu.memory_space<vmem>> -> memref<1x128xi32, #tpu.memory_space<vmem>>
    %dma_wait3A_276 = tpu.memref_squeeze %dma_wait3A_275 : memref<1x128xi32, #tpu.memory_space<vmem>> -> memref<128xi32, #tpu.memory_space<vmem>>
    %dma_wait3A_277 = arith.constant 0 : i32
    %dma_wait3A_278 = tpu.memref_slice %arg3[%dma_wait3A_277] : memref<327680xi32, #tpu.memory_space<hbm>> -> memref<128xi32, #tpu.memory_space<hbm>>
    tpu.wait_dma2 semaphore(%dma_wait3A_273 : memref<!tpu.dma_semaphore, #tpu.memory_space<semaphore_mem>>) src(%dma_wait3A_278 : memref<128xi32, #tpu.memory_space<hbm>>) dst(%dma_wait3A_276 : memref<128xi32, #tpu.memory_space<vmem>>)
    %dma_start3A_279 = arith.constant 1 : i32
    %dma_start3A_280 = arith.constant 1 : i32
    %dma_start3A_281 = arith.constant 1 : i32
    %dma_start3A_282 = arith.constant 0 : i32
    %dma_start3A_283 = arith.constant 0 : i32
    %dma_start3A_284 = tpu.memref_slice %arg14[%dma_start3A_280, %dma_start3A_282, %dma_start3A_283] : memref<2x128x128xf32, #tpu.memory_space<vmem>> -> memref<1x128x128xf32, #tpu.memory_space<vmem>>
    %dma_start3A_285 = tpu.memref_squeeze %dma_start3A_284 : memref<1x128x128xf32, #tpu.memory_space<vmem>> -> memref<128x128xf32, #tpu.memory_space<vmem>>
    %dma_start3A_286 = arith.constant 0 : i32
    %dma_start3A_287 = tpu.memref_slice %arg9[%dma_start3A_279, %dma_start3A_286] : memref<4x128xi32, #tpu.memory_space<vmem>> -> memref<1x128xi32, #tpu.memory_space<vmem>>
    %dma_start3A_288 = tpu.memref_squeeze %dma_start3A_287 : memref<1x128xi32, #tpu.memory_space<vmem>> -> memref<128xi32, #tpu.memory_space<vmem>>
    %dma_start3A_289 = arith.constant 0 : i32
    %dma_start3A_290 = arith.constant 0 : i32
    %dma_start3A_291 = tpu.memref_slice %arg2[%dma_start3A_289, %dma_start3A_290] : memref<10000x128xf32, #tpu.memory_space<hbm>> -> memref<10000x128xf32, #tpu.memory_space<hbm>>
    %dma_start3A_292 = tpu.memref_slice %arg24[%dma_start3A_281] : memref<2x!tpu.dma_semaphore, #tpu.memory_space<semaphore_mem>> -> memref<1x!tpu.dma_semaphore, #tpu.memory_space<semaphore_mem>>
    %dma_start3A_293 = tpu.memref_squeeze %dma_start3A_292 : memref<1x!tpu.dma_semaphore, #tpu.memory_space<semaphore_mem>> -> memref<!tpu.dma_semaphore, #tpu.memory_space<semaphore_mem>>
    tpu.enqueue_indirect_dma source(%dma_start3A_291 : memref<10000x128xf32, #tpu.memory_space<hbm>>) target(%dma_start3A_285 : memref<128x128xf32, #tpu.memory_space<vmem>>) offsets(%dma_start3A_288 : memref<128xi32, #tpu.memory_space<vmem>>) semaphore(%dma_start3A_293 : memref<!tpu.dma_semaphore, #tpu.memory_space<semaphore_mem>>)
    %scan3A_294 = arith.constant 0 : i32
    %scan3A_295 = arith.constant 0 : i32
    %scan3A_296 = arith.constant 10 : i32
    %scan3A_297 = arith.addi %scan3A_295, %scan3A_296 : i32
    %scan3A_298 = arith.constant 1 : i32
    scf.for %scan3A_417 = %scan3A_295 to %scan3A_297 step %scan3A_298  : i32 {
      %mul3A_418 = arith.constant 8 : i32
      %mul3A_419 = arith.muli %scan3A_417, %mul3A_418 : i32
      %add3A_420 = arith.constant 0 : i32
      %add3A_421 = arith.addi %mul3A_419, %add3A_420 : i32
      %dma_wait3A_422 = arith.constant 0 : i32
      %dma_wait3A_423 = arith.constant 0 : i32
      %dma_wait3A_424 = arith.constant 0 : i32
      %dma_wait3A_425 = arith.constant 0 : i32
      %dma_wait3A_426 = arith.constant 0 : i32
      %dma_wait3A_427 = tpu.memref_slice %arg14[%dma_wait3A_423, %dma_wait3A_425, %dma_wait3A_426] : memref<2x128x128xf32, #tpu.memory_space<vmem>> -> memref<1x128x128xf32, #tpu.memory_space<vmem>>
      %dma_wait3A_428 = tpu.memref_squeeze %dma_wait3A_427 : memref<1x128x128xf32, #tpu.memory_space<vmem>> -> memref<128x128xf32, #tpu.memory_space<vmem>>
      %dma_wait3A_429 = arith.constant 0 : i32
      %dma_wait3A_430 = tpu.memref_slice %arg9[%dma_wait3A_422, %dma_wait3A_429] : memref<4x128xi32, #tpu.memory_space<vmem>> -> memref<1x128xi32, #tpu.memory_space<vmem>>
      %dma_wait3A_431 = tpu.memref_squeeze %dma_wait3A_430 : memref<1x128xi32, #tpu.memory_space<vmem>> -> memref<128xi32, #tpu.memory_space<vmem>>
      %dma_wait3A_432 = arith.constant 0 : i32
      %dma_wait3A_433 = arith.constant 0 : i32
      %dma_wait3A_434 = tpu.memref_slice %arg2[%dma_wait3A_432, %dma_wait3A_433] : memref<10000x128xf32, #tpu.memory_space<hbm>> -> memref<10000x128xf32, #tpu.memory_space<hbm>>
      %dma_wait3A_435 = tpu.memref_slice %arg24[%dma_wait3A_424] : memref<2x!tpu.dma_semaphore, #tpu.memory_space<semaphore_mem>> -> memref<1x!tpu.dma_semaphore, #tpu.memory_space<semaphore_mem>>
      %dma_wait3A_436 = tpu.memref_squeeze %dma_wait3A_435 : memref<1x!tpu.dma_semaphore, #tpu.memory_space<semaphore_mem>> -> memref<!tpu.dma_semaphore, #tpu.memory_space<semaphore_mem>>
      tpu.wait_indirect_dma semaphore(%dma_wait3A_436 : memref<!tpu.dma_semaphore, #tpu.memory_space<semaphore_mem>>) src(%dma_wait3A_434 : memref<10000x128xf32, #tpu.memory_space<hbm>>) dst(%dma_wait3A_428 : memref<128x128xf32, #tpu.memory_space<vmem>>)
      %dma_wait3A_437 = arith.constant 0 : i32
      %dma_wait3A_438 = arith.constant 0 : i32
      %dma_wait3A_439 = arith.constant 0 : i32
      %dma_wait3A_440 = tpu.memref_slice %arg10[%dma_wait3A_437, %dma_wait3A_439] : memref<4x128xi32, #tpu.memory_space<vmem>> -> memref<1x128xi32, #tpu.memory_space<vmem>>
      %dma_wait3A_441 = tpu.memref_squeeze %dma_wait3A_440 : memref<1x128xi32, #tpu.memory_space<vmem>> -> memref<128xi32, #tpu.memory_space<vmem>>
      %dma_wait3A_442 = arith.constant 0 : i32
      %dma_wait3A_443 = tpu.memref_slice %arg5[%dma_wait3A_442] : memref<327680xi32, #tpu.memory_space<hbm>> -> memref<128xi32, #tpu.memory_space<hbm>>
      %dma_wait3A_444 = tpu.memref_slice %arg23[%dma_wait3A_438] : memref<4x!tpu.dma_semaphore, #tpu.memory_space<semaphore_mem>> -> memref<1x!tpu.dma_semaphore, #tpu.memory_space<semaphore_mem>>
      %dma_wait3A_445 = tpu.memref_squeeze %dma_wait3A_444 : memref<1x!tpu.dma_semaphore, #tpu.memory_space<semaphore_mem>> -> memref<!tpu.dma_semaphore, #tpu.memory_space<semaphore_mem>>
      %dma_wait3A_446 = arith.constant 0 : i32
      %dma_wait3A_447 = tpu.memref_slice %arg10[%dma_wait3A_437, %dma_wait3A_446] : memref<4x128xi32, #tpu.memory_space<vmem>> -> memref<1x128xi32, #tpu.memory_space<vmem>>
      %dma_wait3A_448 = tpu.memref_squeeze %dma_wait3A_447 : memref<1x128xi32, #tpu.memory_space<vmem>> -> memref<128xi32, #tpu.memory_space<vmem>>
      %dma_wait3A_449 = arith.constant 0 : i32
      %dma_wait3A_450 = tpu.memref_slice %arg5[%dma_wait3A_449] : memref<327680xi32, #tpu.memory_space<hbm>> -> memref<128xi32, #tpu.memory_space<hbm>>
      tpu.wait_dma2 semaphore(%dma_wait3A_445 : memref<!tpu.dma_semaphore, #tpu.memory_space<semaphore_mem>>) src(%dma_wait3A_450 : memref<128xi32, #tpu.memory_space<hbm>>) dst(%dma_wait3A_448 : memref<128xi32, #tpu.memory_space<vmem>>)
      %dma_start3A_451 = arith.constant 0 : i32
      %dma_start3A_452 = arith.constant 0 : i32
      %dma_start3A_453 = arith.constant 0 : i32
      %dma_start3A_454 = arith.constant 0 : i32
      %dma_start3A_455 = arith.constant 0 : i32
      %dma_start3A_456 = tpu.memref_slice %arg14[%dma_start3A_451, %dma_start3A_454, %dma_start3A_455] : memref<2x128x128xf32, #tpu.memory_space<vmem>> -> memref<1x128x128xf32, #tpu.memory_space<vmem>>
      %dma_start3A_457 = tpu.memref_squeeze %dma_start3A_456 : memref<1x128x128xf32, #tpu.memory_space<vmem>> -> memref<128x128xf32, #tpu.memory_space<vmem>>
      %dma_start3A_458 = arith.constant 0 : i32
      %dma_start3A_459 = tpu.memref_slice %arg10[%dma_start3A_452, %dma_start3A_458] : memref<4x128xi32, #tpu.memory_space<vmem>> -> memref<1x128xi32, #tpu.memory_space<vmem>>
      %dma_start3A_460 = tpu.memref_squeeze %dma_start3A_459 : memref<1x128xi32, #tpu.memory_space<vmem>> -> memref<128xi32, #tpu.memory_space<vmem>>
      %dma_start3A_461 = arith.constant 0 : i32
      %dma_start3A_462 = arith.constant 0 : i32
      %dma_start3A_463 = tpu.memref_slice %arg21[%dma_start3A_461, %dma_start3A_462] : memref<10240x128xf32, #tpu.memory_space<vmem_shared>> -> memref<10240x128xf32, #tpu.memory_space<vmem_shared>>
      %dma_start3A_464 = tpu.memref_slice %arg25[%dma_start3A_453] : memref<2x!tpu.dma_semaphore, #tpu.memory_space<semaphore_mem>> -> memref<1x!tpu.dma_semaphore, #tpu.memory_space<semaphore_mem>>
      %dma_start3A_465 = tpu.memref_squeeze %dma_start3A_464 : memref<1x!tpu.dma_semaphore, #tpu.memory_space<semaphore_mem>> -> memref<!tpu.dma_semaphore, #tpu.memory_space<semaphore_mem>>
      tpu.enqueue_indirect_dma source(%dma_start3A_457 : memref<128x128xf32, #tpu.memory_space<vmem>>) target(%dma_start3A_463 : memref<10240x128xf32, #tpu.memory_space<vmem_shared>>) offsets(%dma_start3A_460 : memref<128xi32, #tpu.memory_space<vmem>>) semaphore(%dma_start3A_465 : memref<!tpu.dma_semaphore, #tpu.memory_space<semaphore_mem>>) {add = true}
      %dma_wait3A_466 = arith.constant 0 : i32
      %dma_wait3A_467 = arith.constant 0 : i32
      %dma_wait3A_468 = arith.constant 0 : i32
      %dma_wait3A_469 = arith.constant 0 : i32
      %dma_wait3A_470 = arith.constant 0 : i32
      %dma_wait3A_471 = tpu.memref_slice %arg14[%dma_wait3A_466, %dma_wait3A_469, %dma_wait3A_470] : memref<2x128x128xf32, #tpu.memory_space<vmem>> -> memref<1x128x128xf32, #tpu.memory_space<vmem>>
      %dma_wait3A_472 = tpu.memref_squeeze %dma_wait3A_471 : memref<1x128x128xf32, #tpu.memory_space<vmem>> -> memref<128x128xf32, #tpu.memory_space<vmem>>
      %dma_wait3A_473 = arith.constant 0 : i32
      %dma_wait3A_474 = tpu.memref_slice %arg10[%dma_wait3A_467, %dma_wait3A_473] : memref<4x128xi32, #tpu.memory_space<vmem>> -> memref<1x128xi32, #tpu.memory_space<vmem>>
      %dma_wait3A_475 = tpu.memref_squeeze %dma_wait3A_474 : memref<1x128xi32, #tpu.memory_space<vmem>> -> memref<128xi32, #tpu.memory_space<vmem>>
      %dma_wait3A_476 = arith.constant 0 : i32
      %dma_wait3A_477 = arith.constant 0 : i32
      %dma_wait3A_478 = tpu.memref_slice %arg21[%dma_wait3A_476, %dma_wait3A_477] : memref<10240x128xf32, #tpu.memory_space<vmem_shared>> -> memref<10240x128xf32, #tpu.memory_space<vmem_shared>>
      %dma_wait3A_479 = tpu.memref_slice %arg25[%dma_wait3A_468] : memref<2x!tpu.dma_semaphore, #tpu.memory_space<semaphore_mem>> -> memref<1x!tpu.dma_semaphore, #tpu.memory_space<semaphore_mem>>
      %dma_wait3A_480 = tpu.memref_squeeze %dma_wait3A_479 : memref<1x!tpu.dma_semaphore, #tpu.memory_space<semaphore_mem>> -> memref<!tpu.dma_semaphore, #tpu.memory_space<semaphore_mem>>
      tpu.wait_indirect_dma semaphore(%dma_wait3A_480 : memref<!tpu.dma_semaphore, #tpu.memory_space<semaphore_mem>>) src(%dma_wait3A_472 : memref<128x128xf32, #tpu.memory_space<vmem>>) dst(%dma_wait3A_478 : memref<10240x128xf32, #tpu.memory_space<vmem_shared>>)
      %add3A_481 = arith.constant 4 : i32
      %add3A_482 = arith.addi %add3A_421, %add3A_481 : i32
      %lt3A = arith.constant 80 : i32
      %lt3A_483 = arith.cmpi slt, %add3A_482, %lt3A : i32
      %convert_element_type3A_484 = arith.extui %lt3A_483 : i1 to i32
      %cond3A_485 = arith.constant 0 : i32
      %cond3A_486 = arith.cmpi ne, %convert_element_type3A_484, %cond3A_485 : i32
      scf.if %cond3A_486 {
        %add3A_1735 = arith.constant 4 : i32
        %add3A_1736 = arith.addi %add3A_421, %add3A_1735 : i32
        %mul3A_1737 = arith.constant 128 : i32
        %mul3A_1738 = arith.muli %add3A_1736, %mul3A_1737 : i32
        %add3A_1739 = arith.addi %mul3A_65, %mul3A_1738 : i32
        %dma_start3A_1740 = arith.constant 0 : i32
        %dma_start3A_1741 = arith.constant 0 : i32
        %dma_start3A_1742 = arith.constant 0 : i32
        %dma_start3A_1743 = tpu.memref_slice %arg9[%dma_start3A_1740, %dma_start3A_1742] : memref<4x128xi32, #tpu.memory_space<vmem>> -> memref<1x128xi32, #tpu.memory_space<vmem>>
        %dma_start3A_1744 = tpu.memref_squeeze %dma_start3A_1743 : memref<1x128xi32, #tpu.memory_space<vmem>> -> memref<128xi32, #tpu.memory_space<vmem>>
        %dma_start3A_1745 = tpu.memref_slice %arg3[%add3A_1739] : memref<327680xi32, #tpu.memory_space<hbm>> -> memref<128xi32, #tpu.memory_space<hbm>>
        %dma_start3A_1746 = tpu.memref_slice %arg22[%dma_start3A_1741] : memref<4x!tpu.dma_semaphore, #tpu.memory_space<semaphore_mem>> -> memref<1x!tpu.dma_semaphore, #tpu.memory_space<semaphore_mem>>
        %dma_start3A_1747 = tpu.memref_squeeze %dma_start3A_1746 : memref<1x!tpu.dma_semaphore, #tpu.memory_space<semaphore_mem>> -> memref<!tpu.dma_semaphore, #tpu.memory_space<semaphore_mem>>
        %dma_start3A_1748 = arith.constant 0 : i32
        %dma_start3A_1749 = tpu.memref_slice %arg9[%dma_start3A_1740, %dma_start3A_1748] : memref<4x128xi32, #tpu.memory_space<vmem>> -> memref<1x128xi32, #tpu.memory_space<vmem>>
        %dma_start3A_1750 = tpu.memref_squeeze %dma_start3A_1749 : memref<1x128xi32, #tpu.memory_space<vmem>> -> memref<128xi32, #tpu.memory_space<vmem>>
        %dma_start3A_1751 = tpu.memref_slice %arg3[%add3A_1739] : memref<327680xi32, #tpu.memory_space<hbm>> -> memref<128xi32, #tpu.memory_space<hbm>>
        tpu.enqueue_dma source(%dma_start3A_1751 : memref<128xi32, #tpu.memory_space<hbm>>) target(%dma_start3A_1750 : memref<128xi32, #tpu.memory_space<vmem>>) target_semaphore(%dma_start3A_1747 : memref<!tpu.dma_semaphore, #tpu.memory_space<semaphore_mem>>)
        %add3A_1752 = arith.constant 4 : i32
        %add3A_1753 = arith.addi %add3A_421, %add3A_1752 : i32
        %mul3A_1754 = arith.constant 128 : i32
        %mul3A_1755 = arith.muli %add3A_1753, %mul3A_1754 : i32
        %add3A_1756 = arith.addi %mul3A_65, %mul3A_1755 : i32
        %dma_start3A_1757 = arith.constant 0 : i32
        %dma_start3A_1758 = arith.constant 0 : i32
        %dma_start3A_1759 = arith.constant 0 : i32
        %dma_start3A_1760 = tpu.memref_slice %arg10[%dma_start3A_1757, %dma_start3A_1759] : memref<4x128xi32, #tpu.memory_space<vmem>> -> memref<1x128xi32, #tpu.memory_space<vmem>>
        %dma_start3A_1761 = tpu.memref_squeeze %dma_start3A_1760 : memref<1x128xi32, #tpu.memory_space<vmem>> -> memref<128xi32, #tpu.memory_space<vmem>>
        %dma_start3A_1762 = tpu.memref_slice %arg5[%add3A_1756] : memref<327680xi32, #tpu.memory_space<hbm>> -> memref<128xi32, #tpu.memory_space<hbm>>
        %dma_start3A_1763 = tpu.memref_slice %arg23[%dma_start3A_1758] : memref<4x!tpu.dma_semaphore, #tpu.memory_space<semaphore_mem>> -> memref<1x!tpu.dma_semaphore, #tpu.memory_space<semaphore_mem>>
        %dma_start3A_1764 = tpu.memref_squeeze %dma_start3A_1763 : memref<1x!tpu.dma_semaphore, #tpu.memory_space<semaphore_mem>> -> memref<!tpu.dma_semaphore, #tpu.memory_space<semaphore_mem>>
        %dma_start3A_1765 = arith.constant 0 : i32
        %dma_start3A_1766 = tpu.memref_slice %arg10[%dma_start3A_1757, %dma_start3A_1765] : memref<4x128xi32, #tpu.memory_space<vmem>> -> memref<1x128xi32, #tpu.memory_space<vmem>>
        %dma_start3A_1767 = tpu.memref_squeeze %dma_start3A_1766 : memref<1x128xi32, #tpu.memory_space<vmem>> -> memref<128xi32, #tpu.memory_space<vmem>>
        %dma_start3A_1768 = tpu.memref_slice %arg5[%add3A_1756] : memref<327680xi32, #tpu.memory_space<hbm>> -> memref<128xi32, #tpu.memory_space<hbm>>
        tpu.enqueue_dma source(%dma_start3A_1768 : memref<128xi32, #tpu.memory_space<hbm>>) target(%dma_start3A_1767 : memref<128xi32, #tpu.memory_space<vmem>>) target_semaphore(%dma_start3A_1764 : memref<!tpu.dma_semaphore, #tpu.memory_space<semaphore_mem>>)
      } else {
      }
      %add3A_487 = arith.constant 2 : i32
      %add3A_488 = arith.addi %add3A_421, %add3A_487 : i32
      %lt3A_489 = arith.constant 80 : i32
      %lt3A_490 = arith.cmpi slt, %add3A_488, %lt3A_489 : i32
      %convert_element_type3A_491 = arith.extui %lt3A_490 : i1 to i32
      %cond3A_492 = arith.constant 0 : i32
      %cond3A_493 = arith.cmpi ne, %convert_element_type3A_491, %cond3A_492 : i32
      scf.if %cond3A_493 {
        %dma_wait3A_1735 = arith.constant 2 : i32
        %dma_wait3A_1736 = arith.constant 2 : i32
        %dma_wait3A_1737 = arith.constant 0 : i32
        %dma_wait3A_1738 = tpu.memref_slice %arg9[%dma_wait3A_1735, %dma_wait3A_1737] : memref<4x128xi32, #tpu.memory_space<vmem>> -> memref<1x128xi32, #tpu.memory_space<vmem>>
        %dma_wait3A_1739 = tpu.memref_squeeze %dma_wait3A_1738 : memref<1x128xi32, #tpu.memory_space<vmem>> -> memref<128xi32, #tpu.memory_space<vmem>>
        %dma_wait3A_1740 = arith.constant 0 : i32
        %dma_wait3A_1741 = tpu.memref_slice %arg3[%dma_wait3A_1740] : memref<327680xi32, #tpu.memory_space<hbm>> -> memref<128xi32, #tpu.memory_space<hbm>>
        %dma_wait3A_1742 = tpu.memref_slice %arg22[%dma_wait3A_1736] : memref<4x!tpu.dma_semaphore, #tpu.memory_space<semaphore_mem>> -> memref<1x!tpu.dma_semaphore, #tpu.memory_space<semaphore_mem>>
        %dma_wait3A_1743 = tpu.memref_squeeze %dma_wait3A_1742 : memref<1x!tpu.dma_semaphore, #tpu.memory_space<semaphore_mem>> -> memref<!tpu.dma_semaphore, #tpu.memory_space<semaphore_mem>>
        %dma_wait3A_1744 = arith.constant 0 : i32
        %dma_wait3A_1745 = tpu.memref_slice %arg9[%dma_wait3A_1735, %dma_wait3A_1744] : memref<4x128xi32, #tpu.memory_space<vmem>> -> memref<1x128xi32, #tpu.memory_space<vmem>>
        %dma_wait3A_1746 = tpu.memref_squeeze %dma_wait3A_1745 : memref<1x128xi32, #tpu.memory_space<vmem>> -> memref<128xi32, #tpu.memory_space<vmem>>
        %dma_wait3A_1747 = arith.constant 0 : i32
        %dma_wait3A_1748 = tpu.memref_slice %arg3[%dma_wait3A_1747] : memref<327680xi32, #tpu.memory_space<hbm>> -> memref<128xi32, #tpu.memory_space<hbm>>
        tpu.wait_dma2 semaphore(%dma_wait3A_1743 : memref<!tpu.dma_semaphore, #tpu.memory_space<semaphore_mem>>) src(%dma_wait3A_1748 : memref<128xi32, #tpu.memory_space<hbm>>) dst(%dma_wait3A_1746 : memref<128xi32, #tpu.memory_space<vmem>>)
        %dma_start3A_1749 = arith.constant 2 : i32
        %dma_start3A_1750 = arith.constant 0 : i32
        %dma_start3A_1751 = arith.constant 0 : i32
        %dma_start3A_1752 = arith.constant 0 : i32
        %dma_start3A_1753 = arith.constant 0 : i32
        %dma_start3A_1754 = tpu.memref_slice %arg14[%dma_start3A_1750, %dma_start3A_1752, %dma_start3A_1753] : memref<2x128x128xf32, #tpu.memory_space<vmem>> -> memref<1x128x128xf32, #tpu.memory_space<vmem>>
        %dma_start3A_1755 = tpu.memref_squeeze %dma_start3A_1754 : memref<1x128x128xf32, #tpu.memory_space<vmem>> -> memref<128x128xf32, #tpu.memory_space<vmem>>
        %dma_start3A_1756 = arith.constant 0 : i32
        %dma_start3A_1757 = tpu.memref_slice %arg9[%dma_start3A_1749, %dma_start3A_1756] : memref<4x128xi32, #tpu.memory_space<vmem>> -> memref<1x128xi32, #tpu.memory_space<vmem>>
        %dma_start3A_1758 = tpu.memref_squeeze %dma_start3A_1757 : memref<1x128xi32, #tpu.memory_space<vmem>> -> memref<128xi32, #tpu.memory_space<vmem>>
        %dma_start3A_1759 = arith.constant 0 : i32
        %dma_start3A_1760 = arith.constant 0 : i32
        %dma_start3A_1761 = tpu.memref_slice %arg2[%dma_start3A_1759, %dma_start3A_1760] : memref<10000x128xf32, #tpu.memory_space<hbm>> -> memref<10000x128xf32, #tpu.memory_space<hbm>>
        %dma_start3A_1762 = tpu.memref_slice %arg24[%dma_start3A_1751] : memref<2x!tpu.dma_semaphore, #tpu.memory_space<semaphore_mem>> -> memref<1x!tpu.dma_semaphore, #tpu.memory_space<semaphore_mem>>
        %dma_start3A_1763 = tpu.memref_squeeze %dma_start3A_1762 : memref<1x!tpu.dma_semaphore, #tpu.memory_space<semaphore_mem>> -> memref<!tpu.dma_semaphore, #tpu.memory_space<semaphore_mem>>
        tpu.enqueue_indirect_dma source(%dma_start3A_1761 : memref<10000x128xf32, #tpu.memory_space<hbm>>) target(%dma_start3A_1755 : memref<128x128xf32, #tpu.memory_space<vmem>>) offsets(%dma_start3A_1758 : memref<128xi32, #tpu.memory_space<vmem>>) semaphore(%dma_start3A_1763 : memref<!tpu.dma_semaphore, #tpu.memory_space<semaphore_mem>>)
      } else {
      }
      %mul3A_494 = arith.constant 2 : i32
      %mul3A_495 = arith.muli %add3A_421, %mul3A_494 : i32
      %add3A_496 = arith.constant 0 : i32
      %add3A_497 = arith.addi %mul3A_495, %add3A_496 : i32
      %dma_wait3A_498 = arith.constant 0 : i32
      %dma_wait3A_499 = arith.constant 0 : i32
      %dma_wait3A_500 = arith.constant 0 : i32
      %dma_wait3A_501 = tpu.memref_slice %arg11[%dma_wait3A_498, %dma_wait3A_500] : memref<4x128xi32, #tpu.memory_space<vmem>> -> memref<1x128xi32, #tpu.memory_space<vmem>>
      %dma_wait3A_502 = tpu.memref_squeeze %dma_wait3A_501 : memref<1x128xi32, #tpu.memory_space<vmem>> -> memref<128xi32, #tpu.memory_space<vmem>>
      %dma_wait3A_503 = arith.constant 0 : i32
      %dma_wait3A_504 = tpu.memref_slice %arg5[%dma_wait3A_503] : memref<327680xi32, #tpu.memory_space<hbm>> -> memref<128xi32, #tpu.memory_space<hbm>>
      %dma_wait3A_505 = tpu.memref_slice %arg26[%dma_wait3A_499] : memref<4x!tpu.dma_semaphore, #tpu.memory_space<semaphore_mem>> -> memref<1x!tpu.dma_semaphore, #tpu.memory_space<semaphore_mem>>
      %dma_wait3A_506 = tpu.memref_squeeze %dma_wait3A_505 : memref<1x!tpu.dma_semaphore, #tpu.memory_space<semaphore_mem>> -> memref<!tpu.dma_semaphore, #tpu.memory_space<semaphore_mem>>
      %dma_wait3A_507 = arith.constant 0 : i32
      %dma_wait3A_508 = tpu.memref_slice %arg11[%dma_wait3A_498, %dma_wait3A_507] : memref<4x128xi32, #tpu.memory_space<vmem>> -> memref<1x128xi32, #tpu.memory_space<vmem>>
      %dma_wait3A_509 = tpu.memref_squeeze %dma_wait3A_508 : memref<1x128xi32, #tpu.memory_space<vmem>> -> memref<128xi32, #tpu.memory_space<vmem>>
      %dma_wait3A_510 = arith.constant 0 : i32
      %dma_wait3A_511 = tpu.memref_slice %arg5[%dma_wait3A_510] : memref<327680xi32, #tpu.memory_space<hbm>> -> memref<128xi32, #tpu.memory_space<hbm>>
      tpu.wait_dma2 semaphore(%dma_wait3A_506 : memref<!tpu.dma_semaphore, #tpu.memory_space<semaphore_mem>>) src(%dma_wait3A_511 : memref<128xi32, #tpu.memory_space<hbm>>) dst(%dma_wait3A_509 : memref<128xi32, #tpu.memory_space<vmem>>)
      %dma_start3A_512 = arith.constant 0 : i32
      %dma_start3A_513 = arith.constant 0 : i32
      %dma_start3A_514 = arith.constant 0 : i32
      %dma_start3A_515 = tpu.memref_slice %arg11[%dma_start3A_512, %dma_start3A_514] : memref<4x128xi32, #tpu.memory_space<vmem>> -> memref<1x128xi32, #tpu.memory_space<vmem>>
      %dma_start3A_516 = tpu.memref_squeeze %dma_start3A_515 : memref<1x128xi32, #tpu.memory_space<vmem>> -> memref<128xi32, #tpu.memory_space<vmem>>
      %dma_start3A_517 = arith.constant 0 : i32
      %dma_start3A_518 = tpu.memref_slice %arg18[%dma_start3A_517] : memref<10240xf32, #tpu.memory_space<vmem_shared>> -> memref<10240xf32, #tpu.memory_space<vmem_shared>>
      %dma_start3A_519 = tpu.memref_slice %arg27[%dma_start3A_513] : memref<4x!tpu.dma_semaphore, #tpu.memory_space<semaphore_mem>> -> memref<1x!tpu.dma_semaphore, #tpu.memory_space<semaphore_mem>>
      %dma_start3A_520 = tpu.memref_squeeze %dma_start3A_519 : memref<1x!tpu.dma_semaphore, #tpu.memory_space<semaphore_mem>> -> memref<!tpu.dma_semaphore, #tpu.memory_space<semaphore_mem>>
      tpu.enqueue_indirect_dma source(%arg16 : memref<128xf32, #tpu.memory_space<vmem>>) target(%dma_start3A_518 : memref<10240xf32, #tpu.memory_space<vmem_shared>>) offsets(%dma_start3A_516 : memref<128xi32, #tpu.memory_space<vmem>>) semaphore(%dma_start3A_520 : memref<!tpu.dma_semaphore, #tpu.memory_space<semaphore_mem>>) {add = true}
      %ge3A = arith.constant 2 : i32
      %ge3A_521 = arith.cmpi sge, %add3A_497, %ge3A : i32
      %convert_element_type3A_522 = arith.extui %ge3A_521 : i1 to i32
      %cond3A_523 = arith.constant 0 : i32
      %cond3A_524 = arith.cmpi ne, %convert_element_type3A_522, %cond3A_523 : i32
      scf.if %cond3A_524 {
        %dma_wait3A_1735 = arith.constant 2 : i32
        %dma_wait3A_1736 = arith.constant 2 : i32
        %dma_wait3A_1737 = arith.constant 0 : i32
        %dma_wait3A_1738 = tpu.memref_slice %arg11[%dma_wait3A_1735, %dma_wait3A_1737] : memref<4x128xi32, #tpu.memory_space<vmem>> -> memref<1x128xi32, #tpu.memory_space<vmem>>
        %dma_wait3A_1739 = tpu.memref_squeeze %dma_wait3A_1738 : memref<1x128xi32, #tpu.memory_space<vmem>> -> memref<128xi32, #tpu.memory_space<vmem>>
        %dma_wait3A_1740 = arith.constant 0 : i32
        %dma_wait3A_1741 = tpu.memref_slice %arg18[%dma_wait3A_1740] : memref<10240xf32, #tpu.memory_space<vmem_shared>> -> memref<10240xf32, #tpu.memory_space<vmem_shared>>
        %dma_wait3A_1742 = tpu.memref_slice %arg27[%dma_wait3A_1736] : memref<4x!tpu.dma_semaphore, #tpu.memory_space<semaphore_mem>> -> memref<1x!tpu.dma_semaphore, #tpu.memory_space<semaphore_mem>>
        %dma_wait3A_1743 = tpu.memref_squeeze %dma_wait3A_1742 : memref<1x!tpu.dma_semaphore, #tpu.memory_space<semaphore_mem>> -> memref<!tpu.dma_semaphore, #tpu.memory_space<semaphore_mem>>
        tpu.wait_indirect_dma semaphore(%dma_wait3A_1743 : memref<!tpu.dma_semaphore, #tpu.memory_space<semaphore_mem>>) src(%arg16 : memref<128xf32, #tpu.memory_space<vmem>>) dst(%dma_wait3A_1741 : memref<10240xf32, #tpu.memory_space<vmem_shared>>)
      } else {
      }
      %add3A_525 = arith.constant 2 : i32
      %add3A_526 = arith.addi %add3A_497, %add3A_525 : i32
      %ge3A_527 = arith.constant 4 : i32
      %ge3A_528 = arith.cmpi sge, %add3A_526, %ge3A_527 : i32
      %add3A_529 = arith.constant 2 : i32
      %add3A_530 = arith.addi %add3A_497, %add3A_529 : i32
      %lt3A_531 = arith.constant 160 : i32
      %lt3A_532 = arith.cmpi slt, %add3A_530, %lt3A_531 : i32
      %and3A = arith.andi %ge3A_528, %lt3A_532 : i1
      %convert_element_type3A_533 = arith.extui %and3A : i1 to i32
      %cond3A_534 = arith.constant 0 : i32
      %cond3A_535 = arith.cmpi ne, %convert_element_type3A_533, %cond3A_534 : i32
      scf.if %cond3A_535 {
        %add3A_1735 = arith.constant 2 : i32
        %add3A_1736 = arith.addi %add3A_497, %add3A_1735 : i32
        %mul3A_1737 = arith.constant 128 : i32
        %mul3A_1738 = arith.muli %add3A_1736, %mul3A_1737 : i32
        %add3A_1739 = arith.addi %mul3A_69, %mul3A_1738 : i32
        %dma_start3A_1740 = arith.constant 2 : i32
        %dma_start3A_1741 = arith.constant 2 : i32
        %dma_start3A_1742 = arith.constant 0 : i32
        %dma_start3A_1743 = tpu.memref_slice %arg11[%dma_start3A_1740, %dma_start3A_1742] : memref<4x128xi32, #tpu.memory_space<vmem>> -> memref<1x128xi32, #tpu.memory_space<vmem>>
        %dma_start3A_1744 = tpu.memref_squeeze %dma_start3A_1743 : memref<1x128xi32, #tpu.memory_space<vmem>> -> memref<128xi32, #tpu.memory_space<vmem>>
        %dma_start3A_1745 = tpu.memref_slice %arg5[%add3A_1739] : memref<327680xi32, #tpu.memory_space<hbm>> -> memref<128xi32, #tpu.memory_space<hbm>>
        %dma_start3A_1746 = tpu.memref_slice %arg26[%dma_start3A_1741] : memref<4x!tpu.dma_semaphore, #tpu.memory_space<semaphore_mem>> -> memref<1x!tpu.dma_semaphore, #tpu.memory_space<semaphore_mem>>
        %dma_start3A_1747 = tpu.memref_squeeze %dma_start3A_1746 : memref<1x!tpu.dma_semaphore, #tpu.memory_space<semaphore_mem>> -> memref<!tpu.dma_semaphore, #tpu.memory_space<semaphore_mem>>
        %dma_start3A_1748 = arith.constant 0 : i32
        %dma_start3A_1749 = tpu.memref_slice %arg11[%dma_start3A_1740, %dma_start3A_1748] : memref<4x128xi32, #tpu.memory_space<vmem>> -> memref<1x128xi32, #tpu.memory_space<vmem>>
        %dma_start3A_1750 = tpu.memref_squeeze %dma_start3A_1749 : memref<1x128xi32, #tpu.memory_space<vmem>> -> memref<128xi32, #tpu.memory_space<vmem>>
        %dma_start3A_1751 = tpu.memref_slice %arg5[%add3A_1739] : memref<327680xi32, #tpu.memory_space<hbm>> -> memref<128xi32, #tpu.memory_space<hbm>>
        tpu.enqueue_dma source(%dma_start3A_1751 : memref<128xi32, #tpu.memory_space<hbm>>) target(%dma_start3A_1750 : memref<128xi32, #tpu.memory_space<vmem>>) target_semaphore(%dma_start3A_1747 : memref<!tpu.dma_semaphore, #tpu.memory_space<semaphore_mem>>)
      } else {
      }
      %mul3A_536 = arith.constant 2 : i32
      %mul3A_537 = arith.muli %add3A_421, %mul3A_536 : i32
      %add3A_538 = arith.constant 1 : i32
      %add3A_539 = arith.addi %mul3A_537, %add3A_538 : i32
      %dma_wait3A_540 = arith.constant 1 : i32
      %dma_wait3A_541 = arith.constant 1 : i32
      %dma_wait3A_542 = arith.constant 0 : i32
      %dma_wait3A_543 = tpu.memref_slice %arg11[%dma_wait3A_540, %dma_wait3A_542] : memref<4x128xi32, #tpu.memory_space<vmem>> -> memref<1x128xi32, #tpu.memory_space<vmem>>
      %dma_wait3A_544 = tpu.memref_squeeze %dma_wait3A_543 : memref<1x128xi32, #tpu.memory_space<vmem>> -> memref<128xi32, #tpu.memory_space<vmem>>
      %dma_wait3A_545 = arith.constant 0 : i32
      %dma_wait3A_546 = tpu.memref_slice %arg5[%dma_wait3A_545] : memref<327680xi32, #tpu.memory_space<hbm>> -> memref<128xi32, #tpu.memory_space<hbm>>
      %dma_wait3A_547 = tpu.memref_slice %arg26[%dma_wait3A_541] : memref<4x!tpu.dma_semaphore, #tpu.memory_space<semaphore_mem>> -> memref<1x!tpu.dma_semaphore, #tpu.memory_space<semaphore_mem>>
      %dma_wait3A_548 = tpu.memref_squeeze %dma_wait3A_547 : memref<1x!tpu.dma_semaphore, #tpu.memory_space<semaphore_mem>> -> memref<!tpu.dma_semaphore, #tpu.memory_space<semaphore_mem>>
      %dma_wait3A_549 = arith.constant 0 : i32
      %dma_wait3A_550 = tpu.memref_slice %arg11[%dma_wait3A_540, %dma_wait3A_549] : memref<4x128xi32, #tpu.memory_space<vmem>> -> memref<1x128xi32, #tpu.memory_space<vmem>>
      %dma_wait3A_551 = tpu.memref_squeeze %dma_wait3A_550 : memref<1x128xi32, #tpu.memory_space<vmem>> -> memref<128xi32, #tpu.memory_space<vmem>>
      %dma_wait3A_552 = arith.constant 0 : i32
      %dma_wait3A_553 = tpu.memref_slice %arg5[%dma_wait3A_552] : memref<327680xi32, #tpu.memory_space<hbm>> -> memref<128xi32, #tpu.memory_space<hbm>>
      tpu.wait_dma2 semaphore(%dma_wait3A_548 : memref<!tpu.dma_semaphore, #tpu.memory_space<semaphore_mem>>) src(%dma_wait3A_553 : memref<128xi32, #tpu.memory_space<hbm>>) dst(%dma_wait3A_551 : memref<128xi32, #tpu.memory_space<vmem>>)
      %dma_start3A_554 = arith.constant 1 : i32
      %dma_start3A_555 = arith.constant 1 : i32
      %dma_start3A_556 = arith.constant 0 : i32
      %dma_start3A_557 = tpu.memref_slice %arg11[%dma_start3A_554, %dma_start3A_556] : memref<4x128xi32, #tpu.memory_space<vmem>> -> memref<1x128xi32, #tpu.memory_space<vmem>>
      %dma_start3A_558 = tpu.memref_squeeze %dma_start3A_557 : memref<1x128xi32, #tpu.memory_space<vmem>> -> memref<128xi32, #tpu.memory_space<vmem>>
      %dma_start3A_559 = arith.constant 0 : i32
      %dma_start3A_560 = tpu.memref_slice %arg18[%dma_start3A_559] : memref<10240xf32, #tpu.memory_space<vmem_shared>> -> memref<10240xf32, #tpu.memory_space<vmem_shared>>
      %dma_start3A_561 = tpu.memref_slice %arg27[%dma_start3A_555] : memref<4x!tpu.dma_semaphore, #tpu.memory_space<semaphore_mem>> -> memref<1x!tpu.dma_semaphore, #tpu.memory_space<semaphore_mem>>
      %dma_start3A_562 = tpu.memref_squeeze %dma_start3A_561 : memref<1x!tpu.dma_semaphore, #tpu.memory_space<semaphore_mem>> -> memref<!tpu.dma_semaphore, #tpu.memory_space<semaphore_mem>>
      tpu.enqueue_indirect_dma source(%arg16 : memref<128xf32, #tpu.memory_space<vmem>>) target(%dma_start3A_560 : memref<10240xf32, #tpu.memory_space<vmem_shared>>) offsets(%dma_start3A_558 : memref<128xi32, #tpu.memory_space<vmem>>) semaphore(%dma_start3A_562 : memref<!tpu.dma_semaphore, #tpu.memory_space<semaphore_mem>>) {add = true}
      %ge3A_563 = arith.constant 2 : i32
      %ge3A_564 = arith.cmpi sge, %add3A_539, %ge3A_563 : i32
      %convert_element_type3A_565 = arith.extui %ge3A_564 : i1 to i32
      %cond3A_566 = arith.constant 0 : i32
      %cond3A_567 = arith.cmpi ne, %convert_element_type3A_565, %cond3A_566 : i32
      scf.if %cond3A_567 {
        %dma_wait3A_1735 = arith.constant 3 : i32
        %dma_wait3A_1736 = arith.constant 3 : i32
        %dma_wait3A_1737 = arith.constant 0 : i32
        %dma_wait3A_1738 = tpu.memref_slice %arg11[%dma_wait3A_1735, %dma_wait3A_1737] : memref<4x128xi32, #tpu.memory_space<vmem>> -> memref<1x128xi32, #tpu.memory_space<vmem>>
        %dma_wait3A_1739 = tpu.memref_squeeze %dma_wait3A_1738 : memref<1x128xi32, #tpu.memory_space<vmem>> -> memref<128xi32, #tpu.memory_space<vmem>>
        %dma_wait3A_1740 = arith.constant 0 : i32
        %dma_wait3A_1741 = tpu.memref_slice %arg18[%dma_wait3A_1740] : memref<10240xf32, #tpu.memory_space<vmem_shared>> -> memref<10240xf32, #tpu.memory_space<vmem_shared>>
        %dma_wait3A_1742 = tpu.memref_slice %arg27[%dma_wait3A_1736] : memref<4x!tpu.dma_semaphore, #tpu.memory_space<semaphore_mem>> -> memref<1x!tpu.dma_semaphore, #tpu.memory_space<semaphore_mem>>
        %dma_wait3A_1743 = tpu.memref_squeeze %dma_wait3A_1742 : memref<1x!tpu.dma_semaphore, #tpu.memory_space<semaphore_mem>> -> memref<!tpu.dma_semaphore, #tpu.memory_space<semaphore_mem>>
        tpu.wait_indirect_dma semaphore(%dma_wait3A_1743 : memref<!tpu.dma_semaphore, #tpu.memory_space<semaphore_mem>>) src(%arg16 : memref<128xf32, #tpu.memory_space<vmem>>) dst(%dma_wait3A_1741 : memref<10240xf32, #tpu.memory_space<vmem_shared>>)
      } else {
      }
      %add3A_568 = arith.constant 2 : i32
      %add3A_569 = arith.addi %add3A_539, %add3A_568 : i32
      %ge3A_570 = arith.constant 4 : i32
      %ge3A_571 = arith.cmpi sge, %add3A_569, %ge3A_570 : i32
      %add3A_572 = arith.constant 2 : i32
      %add3A_573 = arith.addi %add3A_539, %add3A_572 : i32
      %lt3A_574 = arith.constant 160 : i32
      %lt3A_575 = arith.cmpi slt, %add3A_573, %lt3A_574 : i32
      %and3A_576 = arith.andi %ge3A_571, %lt3A_575 : i1
      %convert_element_type3A_577 = arith.extui %and3A_576 : i1 to i32
      %cond3A_578 = arith.constant 0 : i32
      %cond3A_579 = arith.cmpi ne, %convert_element_type3A_577, %cond3A_578 : i32
      scf.if %cond3A_579 {
        %add3A_1735 = arith.constant 2 : i32
        %add3A_1736 = arith.addi %add3A_539, %add3A_1735 : i32
        %mul3A_1737 = arith.constant 128 : i32
        %mul3A_1738 = arith.muli %add3A_1736, %mul3A_1737 : i32
        %add3A_1739 = arith.addi %mul3A_69, %mul3A_1738 : i32
        %dma_start3A_1740 = arith.constant 3 : i32
        %dma_start3A_1741 = arith.constant 3 : i32
        %dma_start3A_1742 = arith.constant 0 : i32
        %dma_start3A_1743 = tpu.memref_slice %arg11[%dma_start3A_1740, %dma_start3A_1742] : memref<4x128xi32, #tpu.memory_space<vmem>> -> memref<1x128xi32, #tpu.memory_space<vmem>>
        %dma_start3A_1744 = tpu.memref_squeeze %dma_start3A_1743 : memref<1x128xi32, #tpu.memory_space<vmem>> -> memref<128xi32, #tpu.memory_space<vmem>>
        %dma_start3A_1745 = tpu.memref_slice %arg5[%add3A_1739] : memref<327680xi32, #tpu.memory_space<hbm>> -> memref<128xi32, #tpu.memory_space<hbm>>
        %dma_start3A_1746 = tpu.memref_slice %arg26[%dma_start3A_1741] : memref<4x!tpu.dma_semaphore, #tpu.memory_space<semaphore_mem>> -> memref<1x!tpu.dma_semaphore, #tpu.memory_space<semaphore_mem>>
        %dma_start3A_1747 = tpu.memref_squeeze %dma_start3A_1746 : memref<1x!tpu.dma_semaphore, #tpu.memory_space<semaphore_mem>> -> memref<!tpu.dma_semaphore, #tpu.memory_space<semaphore_mem>>
        %dma_start3A_1748 = arith.constant 0 : i32
        %dma_start3A_1749 = tpu.memref_slice %arg11[%dma_start3A_1740, %dma_start3A_1748] : memref<4x128xi32, #tpu.memory_space<vmem>> -> memref<1x128xi32, #tpu.memory_space<vmem>>
        %dma_start3A_1750 = tpu.memref_squeeze %dma_start3A_1749 : memref<1x128xi32, #tpu.memory_space<vmem>> -> memref<128xi32, #tpu.memory_space<vmem>>
        %dma_start3A_1751 = tpu.memref_slice %arg5[%add3A_1739] : memref<327680xi32, #tpu.memory_space<hbm>> -> memref<128xi32, #tpu.memory_space<hbm>>
        tpu.enqueue_dma source(%dma_start3A_1751 : memref<128xi32, #tpu.memory_space<hbm>>) target(%dma_start3A_1750 : memref<128xi32, #tpu.memory_space<vmem>>) target_semaphore(%dma_start3A_1747 : memref<!tpu.dma_semaphore, #tpu.memory_space<semaphore_mem>>)
      } else {
      }
      %mul3A_580 = arith.constant 8 : i32
      %mul3A_581 = arith.muli %scan3A_417, %mul3A_580 : i32
      %add3A_582 = arith.constant 1 : i32
      %add3A_583 = arith.addi %mul3A_581, %add3A_582 : i32
      %dma_wait3A_584 = arith.constant 1 : i32
      %dma_wait3A_585 = arith.constant 1 : i32
      %dma_wait3A_586 = arith.constant 1 : i32
      %dma_wait3A_587 = arith.constant 0 : i32
      %dma_wait3A_588 = arith.constant 0 : i32
      %dma_wait3A_589 = tpu.memref_slice %arg14[%dma_wait3A_585, %dma_wait3A_587, %dma_wait3A_588] : memref<2x128x128xf32, #tpu.memory_space<vmem>> -> memref<1x128x128xf32, #tpu.memory_space<vmem>>
      %dma_wait3A_590 = tpu.memref_squeeze %dma_wait3A_589 : memref<1x128x128xf32, #tpu.memory_space<vmem>> -> memref<128x128xf32, #tpu.memory_space<vmem>>
      %dma_wait3A_591 = arith.constant 0 : i32
      %dma_wait3A_592 = tpu.memref_slice %arg9[%dma_wait3A_584, %dma_wait3A_591] : memref<4x128xi32, #tpu.memory_space<vmem>> -> memref<1x128xi32, #tpu.memory_space<vmem>>
      %dma_wait3A_593 = tpu.memref_squeeze %dma_wait3A_592 : memref<1x128xi32, #tpu.memory_space<vmem>> -> memref<128xi32, #tpu.memory_space<vmem>>
      %dma_wait3A_594 = arith.constant 0 : i32
      %dma_wait3A_595 = arith.constant 0 : i32
      %dma_wait3A_596 = tpu.memref_slice %arg2[%dma_wait3A_594, %dma_wait3A_595] : memref<10000x128xf32, #tpu.memory_space<hbm>> -> memref<10000x128xf32, #tpu.memory_space<hbm>>
      %dma_wait3A_597 = tpu.memref_slice %arg24[%dma_wait3A_586] : memref<2x!tpu.dma_semaphore, #tpu.memory_space<semaphore_mem>> -> memref<1x!tpu.dma_semaphore, #tpu.memory_space<semaphore_mem>>
      %dma_wait3A_598 = tpu.memref_squeeze %dma_wait3A_597 : memref<1x!tpu.dma_semaphore, #tpu.memory_space<semaphore_mem>> -> memref<!tpu.dma_semaphore, #tpu.memory_space<semaphore_mem>>
      tpu.wait_indirect_dma semaphore(%dma_wait3A_598 : memref<!tpu.dma_semaphore, #tpu.memory_space<semaphore_mem>>) src(%dma_wait3A_596 : memref<10000x128xf32, #tpu.memory_space<hbm>>) dst(%dma_wait3A_590 : memref<128x128xf32, #tpu.memory_space<vmem>>)
      %dma_wait3A_599 = arith.constant 1 : i32
      %dma_wait3A_600 = arith.constant 1 : i32
      %dma_wait3A_601 = arith.constant 0 : i32
      %dma_wait3A_602 = tpu.memref_slice %arg10[%dma_wait3A_599, %dma_wait3A_601] : memref<4x128xi32, #tpu.memory_space<vmem>> -> memref<1x128xi32, #tpu.memory_space<vmem>>
      %dma_wait3A_603 = tpu.memref_squeeze %dma_wait3A_602 : memref<1x128xi32, #tpu.memory_space<vmem>> -> memref<128xi32, #tpu.memory_space<vmem>>
      %dma_wait3A_604 = arith.constant 0 : i32
      %dma_wait3A_605 = tpu.memref_slice %arg5[%dma_wait3A_604] : memref<327680xi32, #tpu.memory_space<hbm>> -> memref<128xi32, #tpu.memory_space<hbm>>
      %dma_wait3A_606 = tpu.memref_slice %arg23[%dma_wait3A_600] : memref<4x!tpu.dma_semaphore, #tpu.memory_space<semaphore_mem>> -> memref<1x!tpu.dma_semaphore, #tpu.memory_space<semaphore_mem>>
      %dma_wait3A_607 = tpu.memref_squeeze %dma_wait3A_606 : memref<1x!tpu.dma_semaphore, #tpu.memory_space<semaphore_mem>> -> memref<!tpu.dma_semaphore, #tpu.memory_space<semaphore_mem>>
      %dma_wait3A_608 = arith.constant 0 : i32
      %dma_wait3A_609 = tpu.memref_slice %arg10[%dma_wait3A_599, %dma_wait3A_608] : memref<4x128xi32, #tpu.memory_space<vmem>> -> memref<1x128xi32, #tpu.memory_space<vmem>>
      %dma_wait3A_610 = tpu.memref_squeeze %dma_wait3A_609 : memref<1x128xi32, #tpu.memory_space<vmem>> -> memref<128xi32, #tpu.memory_space<vmem>>
      %dma_wait3A_611 = arith.constant 0 : i32
      %dma_wait3A_612 = tpu.memref_slice %arg5[%dma_wait3A_611] : memref<327680xi32, #tpu.memory_space<hbm>> -> memref<128xi32, #tpu.memory_space<hbm>>
      tpu.wait_dma2 semaphore(%dma_wait3A_607 : memref<!tpu.dma_semaphore, #tpu.memory_space<semaphore_mem>>) src(%dma_wait3A_612 : memref<128xi32, #tpu.memory_space<hbm>>) dst(%dma_wait3A_610 : memref<128xi32, #tpu.memory_space<vmem>>)
      %dma_start3A_613 = arith.constant 1 : i32
      %dma_start3A_614 = arith.constant 1 : i32
      %dma_start3A_615 = arith.constant 1 : i32
      %dma_start3A_616 = arith.constant 0 : i32
      %dma_start3A_617 = arith.constant 0 : i32
      %dma_start3A_618 = tpu.memref_slice %arg14[%dma_start3A_613, %dma_start3A_616, %dma_start3A_617] : memref<2x128x128xf32, #tpu.memory_space<vmem>> -> memref<1x128x128xf32, #tpu.memory_space<vmem>>
      %dma_start3A_619 = tpu.memref_squeeze %dma_start3A_618 : memref<1x128x128xf32, #tpu.memory_space<vmem>> -> memref<128x128xf32, #tpu.memory_space<vmem>>
      %dma_start3A_620 = arith.constant 0 : i32
      %dma_start3A_621 = tpu.memref_slice %arg10[%dma_start3A_614, %dma_start3A_620] : memref<4x128xi32, #tpu.memory_space<vmem>> -> memref<1x128xi32, #tpu.memory_space<vmem>>
      %dma_start3A_622 = tpu.memref_squeeze %dma_start3A_621 : memref<1x128xi32, #tpu.memory_space<vmem>> -> memref<128xi32, #tpu.memory_space<vmem>>
      %dma_start3A_623 = arith.constant 0 : i32
      %dma_start3A_624 = arith.constant 0 : i32
      %dma_start3A_625 = tpu.memref_slice %arg21[%dma_start3A_623, %dma_start3A_624] : memref<10240x128xf32, #tpu.memory_space<vmem_shared>> -> memref<10240x128xf32, #tpu.memory_space<vmem_shared>>
      %dma_start3A_626 = tpu.memref_slice %arg25[%dma_start3A_615] : memref<2x!tpu.dma_semaphore, #tpu.memory_space<semaphore_mem>> -> memref<1x!tpu.dma_semaphore, #tpu.memory_space<semaphore_mem>>
      %dma_start3A_627 = tpu.memref_squeeze %dma_start3A_626 : memref<1x!tpu.dma_semaphore, #tpu.memory_space<semaphore_mem>> -> memref<!tpu.dma_semaphore, #tpu.memory_space<semaphore_mem>>
      tpu.enqueue_indirect_dma source(%dma_start3A_619 : memref<128x128xf32, #tpu.memory_space<vmem>>) target(%dma_start3A_625 : memref<10240x128xf32, #tpu.memory_space<vmem_shared>>) offsets(%dma_start3A_622 : memref<128xi32, #tpu.memory_space<vmem>>) semaphore(%dma_start3A_627 : memref<!tpu.dma_semaphore, #tpu.memory_space<semaphore_mem>>) {add = true}
      %dma_wait3A_628 = arith.constant 1 : i32
      %dma_wait3A_629 = arith.constant 1 : i32
      %dma_wait3A_630 = arith.constant 1 : i32
      %dma_wait3A_631 = arith.constant 0 : i32
      %dma_wait3A_632 = arith.constant 0 : i32
      %dma_wait3A_633 = tpu.memref_slice %arg14[%dma_wait3A_628, %dma_wait3A_631, %dma_wait3A_632] : memref<2x128x128xf32, #tpu.memory_space<vmem>> -> memref<1x128x128xf32, #tpu.memory_space<vmem>>
      %dma_wait3A_634 = tpu.memref_squeeze %dma_wait3A_633 : memref<1x128x128xf32, #tpu.memory_space<vmem>> -> memref<128x128xf32, #tpu.memory_space<vmem>>
      %dma_wait3A_635 = arith.constant 0 : i32
      %dma_wait3A_636 = tpu.memref_slice %arg10[%dma_wait3A_629, %dma_wait3A_635] : memref<4x128xi32, #tpu.memory_space<vmem>> -> memref<1x128xi32, #tpu.memory_space<vmem>>
      %dma_wait3A_637 = tpu.memref_squeeze %dma_wait3A_636 : memref<1x128xi32, #tpu.memory_space<vmem>> -> memref<128xi32, #tpu.memory_space<vmem>>
      %dma_wait3A_638 = arith.constant 0 : i32
      %dma_wait3A_639 = arith.constant 0 : i32
      %dma_wait3A_640 = tpu.memref_slice %arg21[%dma_wait3A_638, %dma_wait3A_639] : memref<10240x128xf32, #tpu.memory_space<vmem_shared>> -> memref<10240x128xf32, #tpu.memory_space<vmem_shared>>
      %dma_wait3A_641 = tpu.memref_slice %arg25[%dma_wait3A_630] : memref<2x!tpu.dma_semaphore, #tpu.memory_space<semaphore_mem>> -> memref<1x!tpu.dma_semaphore, #tpu.memory_space<semaphore_mem>>
      %dma_wait3A_642 = tpu.memref_squeeze %dma_wait3A_641 : memref<1x!tpu.dma_semaphore, #tpu.memory_space<semaphore_mem>> -> memref<!tpu.dma_semaphore, #tpu.memory_space<semaphore_mem>>
      tpu.wait_indirect_dma semaphore(%dma_wait3A_642 : memref<!tpu.dma_semaphore, #tpu.memory_space<semaphore_mem>>) src(%dma_wait3A_634 : memref<128x128xf32, #tpu.memory_space<vmem>>) dst(%dma_wait3A_640 : memref<10240x128xf32, #tpu.memory_space<vmem_shared>>)
      %add3A_643 = arith.constant 4 : i32
      %add3A_644 = arith.addi %add3A_583, %add3A_643 : i32
      %lt3A_645 = arith.constant 80 : i32
      %lt3A_646 = arith.cmpi slt, %add3A_644, %lt3A_645 : i32
      %convert_element_type3A_647 = arith.extui %lt3A_646 : i1 to i32
      %cond3A_648 = arith.constant 0 : i32
      %cond3A_649 = arith.cmpi ne, %convert_element_type3A_647, %cond3A_648 : i32
      scf.if %cond3A_649 {
        %add3A_1735 = arith.constant 4 : i32
        %add3A_1736 = arith.addi %add3A_583, %add3A_1735 : i32
        %mul3A_1737 = arith.constant 128 : i32
        %mul3A_1738 = arith.muli %add3A_1736, %mul3A_1737 : i32
        %add3A_1739 = arith.addi %mul3A_65, %mul3A_1738 : i32
        %dma_start3A_1740 = arith.constant 1 : i32
        %dma_start3A_1741 = arith.constant 1 : i32
        %dma_start3A_1742 = arith.constant 0 : i32
        %dma_start3A_1743 = tpu.memref_slice %arg9[%dma_start3A_1740, %dma_start3A_1742] : memref<4x128xi32, #tpu.memory_space<vmem>> -> memref<1x128xi32, #tpu.memory_space<vmem>>
        %dma_start3A_1744 = tpu.memref_squeeze %dma_start3A_1743 : memref<1x128xi32, #tpu.memory_space<vmem>> -> memref<128xi32, #tpu.memory_space<vmem>>
        %dma_start3A_1745 = tpu.memref_slice %arg3[%add3A_1739] : memref<327680xi32, #tpu.memory_space<hbm>> -> memref<128xi32, #tpu.memory_space<hbm>>
        %dma_start3A_1746 = tpu.memref_slice %arg22[%dma_start3A_1741] : memref<4x!tpu.dma_semaphore, #tpu.memory_space<semaphore_mem>> -> memref<1x!tpu.dma_semaphore, #tpu.memory_space<semaphore_mem>>
        %dma_start3A_1747 = tpu.memref_squeeze %dma_start3A_1746 : memref<1x!tpu.dma_semaphore, #tpu.memory_space<semaphore_mem>> -> memref<!tpu.dma_semaphore, #tpu.memory_space<semaphore_mem>>
        %dma_start3A_1748 = arith.constant 0 : i32
        %dma_start3A_1749 = tpu.memref_slice %arg9[%dma_start3A_1740, %dma_start3A_1748] : memref<4x128xi32, #tpu.memory_space<vmem>> -> memref<1x128xi32, #tpu.memory_space<vmem>>
        %dma_start3A_1750 = tpu.memref_squeeze %dma_start3A_1749 : memref<1x128xi32, #tpu.memory_space<vmem>> -> memref<128xi32, #tpu.memory_space<vmem>>
        %dma_start3A_1751 = tpu.memref_slice %arg3[%add3A_1739] : memref<327680xi32, #tpu.memory_space<hbm>> -> memref<128xi32, #tpu.memory_space<hbm>>
        tpu.enqueue_dma source(%dma_start3A_1751 : memref<128xi32, #tpu.memory_space<hbm>>) target(%dma_start3A_1750 : memref<128xi32, #tpu.memory_space<vmem>>) target_semaphore(%dma_start3A_1747 : memref<!tpu.dma_semaphore, #tpu.memory_space<semaphore_mem>>)
        %add3A_1752 = arith.constant 4 : i32
        %add3A_1753 = arith.addi %add3A_583, %add3A_1752 : i32
        %mul3A_1754 = arith.constant 128 : i32
        %mul3A_1755 = arith.muli %add3A_1753, %mul3A_1754 : i32
        %add3A_1756 = arith.addi %mul3A_65, %mul3A_1755 : i32
        %dma_start3A_1757 = arith.constant 1 : i32
        %dma_start3A_1758 = arith.constant 1 : i32
        %dma_start3A_1759 = arith.constant 0 : i32
        %dma_start3A_1760 = tpu.memref_slice %arg10[%dma_start3A_1757, %dma_start3A_1759] : memref<4x128xi32, #tpu.memory_space<vmem>> -> memref<1x128xi32, #tpu.memory_space<vmem>>
        %dma_start3A_1761 = tpu.memref_squeeze %dma_start3A_1760 : memref<1x128xi32, #tpu.memory_space<vmem>> -> memref<128xi32, #tpu.memory_space<vmem>>
        %dma_start3A_1762 = tpu.memref_slice %arg5[%add3A_1756] : memref<327680xi32, #tpu.memory_space<hbm>> -> memref<128xi32, #tpu.memory_space<hbm>>
        %dma_start3A_1763 = tpu.memref_slice %arg23[%dma_start3A_1758] : memref<4x!tpu.dma_semaphore, #tpu.memory_space<semaphore_mem>> -> memref<1x!tpu.dma_semaphore, #tpu.memory_space<semaphore_mem>>
        %dma_start3A_1764 = tpu.memref_squeeze %dma_start3A_1763 : memref<1x!tpu.dma_semaphore, #tpu.memory_space<semaphore_mem>> -> memref<!tpu.dma_semaphore, #tpu.memory_space<semaphore_mem>>
        %dma_start3A_1765 = arith.constant 0 : i32
        %dma_start3A_1766 = tpu.memref_slice %arg10[%dma_start3A_1757, %dma_start3A_1765] : memref<4x128xi32, #tpu.memory_space<vmem>> -> memref<1x128xi32, #tpu.memory_space<vmem>>
        %dma_start3A_1767 = tpu.memref_squeeze %dma_start3A_1766 : memref<1x128xi32, #tpu.memory_space<vmem>> -> memref<128xi32, #tpu.memory_space<vmem>>
        %dma_start3A_1768 = tpu.memref_slice %arg5[%add3A_1756] : memref<327680xi32, #tpu.memory_space<hbm>> -> memref<128xi32, #tpu.memory_space<hbm>>
        tpu.enqueue_dma source(%dma_start3A_1768 : memref<128xi32, #tpu.memory_space<hbm>>) target(%dma_start3A_1767 : memref<128xi32, #tpu.memory_space<vmem>>) target_semaphore(%dma_start3A_1764 : memref<!tpu.dma_semaphore, #tpu.memory_space<semaphore_mem>>)
      } else {
      }
      %add3A_650 = arith.constant 2 : i32
      %add3A_651 = arith.addi %add3A_583, %add3A_650 : i32
      %lt3A_652 = arith.constant 80 : i32
      %lt3A_653 = arith.cmpi slt, %add3A_651, %lt3A_652 : i32
      %convert_element_type3A_654 = arith.extui %lt3A_653 : i1 to i32
      %cond3A_655 = arith.constant 0 : i32
      %cond3A_656 = arith.cmpi ne, %convert_element_type3A_654, %cond3A_655 : i32
      scf.if %cond3A_656 {
        %dma_wait3A_1735 = arith.constant 3 : i32
        %dma_wait3A_1736 = arith.constant 3 : i32
        %dma_wait3A_1737 = arith.constant 0 : i32
        %dma_wait3A_1738 = tpu.memref_slice %arg9[%dma_wait3A_1735, %dma_wait3A_1737] : memref<4x128xi32, #tpu.memory_space<vmem>> -> memref<1x128xi32, #tpu.memory_space<vmem>>
        %dma_wait3A_1739 = tpu.memref_squeeze %dma_wait3A_1738 : memref<1x128xi32, #tpu.memory_space<vmem>> -> memref<128xi32, #tpu.memory_space<vmem>>
        %dma_wait3A_1740 = arith.constant 0 : i32
        %dma_wait3A_1741 = tpu.memref_slice %arg3[%dma_wait3A_1740] : memref<327680xi32, #tpu.memory_space<hbm>> -> memref<128xi32, #tpu.memory_space<hbm>>
        %dma_wait3A_1742 = tpu.memref_slice %arg22[%dma_wait3A_1736] : memref<4x!tpu.dma_semaphore, #tpu.memory_space<semaphore_mem>> -> memref<1x!tpu.dma_semaphore, #tpu.memory_space<semaphore_mem>>
        %dma_wait3A_1743 = tpu.memref_squeeze %dma_wait3A_1742 : memref<1x!tpu.dma_semaphore, #tpu.memory_space<semaphore_mem>> -> memref<!tpu.dma_semaphore, #tpu.memory_space<semaphore_mem>>
        %dma_wait3A_1744 = arith.constant 0 : i32
        %dma_wait3A_1745 = tpu.memref_slice %arg9[%dma_wait3A_1735, %dma_wait3A_1744] : memref<4x128xi32, #tpu.memory_space<vmem>> -> memref<1x128xi32, #tpu.memory_space<vmem>>
        %dma_wait3A_1746 = tpu.memref_squeeze %dma_wait3A_1745 : memref<1x128xi32, #tpu.memory_space<vmem>> -> memref<128xi32, #tpu.memory_space<vmem>>
        %dma_wait3A_1747 = arith.constant 0 : i32
        %dma_wait3A_1748 = tpu.memref_slice %arg3[%dma_wait3A_1747] : memref<327680xi32, #tpu.memory_space<hbm>> -> memref<128xi32, #tpu.memory_space<hbm>>
        tpu.wait_dma2 semaphore(%dma_wait3A_1743 : memref<!tpu.dma_semaphore, #tpu.memory_space<semaphore_mem>>) src(%dma_wait3A_1748 : memref<128xi32, #tpu.memory_space<hbm>>) dst(%dma_wait3A_1746 : memref<128xi32, #tpu.memory_space<vmem>>)
        %dma_start3A_1749 = arith.constant 3 : i32
        %dma_start3A_1750 = arith.constant 1 : i32
        %dma_start3A_1751 = arith.constant 1 : i32
        %dma_start3A_1752 = arith.constant 0 : i32
        %dma_start3A_1753 = arith.constant 0 : i32
        %dma_start3A_1754 = tpu.memref_slice %arg14[%dma_start3A_1750, %dma_start3A_1752, %dma_start3A_1753] : memref<2x128x128xf32, #tpu.memory_space<vmem>> -> memref<1x128x128xf32, #tpu.memory_space<vmem>>
        %dma_start3A_1755 = tpu.memref_squeeze %dma_start3A_1754 : memref<1x128x128xf32, #tpu.memory_space<vmem>> -> memref<128x128xf32, #tpu.memory_space<vmem>>
        %dma_start3A_1756 = arith.constant 0 : i32
        %dma_start3A_1757 = tpu.memref_slice %arg9[%dma_start3A_1749, %dma_start3A_1756] : memref<4x128xi32, #tpu.memory_space<vmem>> -> memref<1x128xi32, #tpu.memory_space<vmem>>
        %dma_start3A_1758 = tpu.memref_squeeze %dma_start3A_1757 : memref<1x128xi32, #tpu.memory_space<vmem>> -> memref<128xi32, #tpu.memory_space<vmem>>
        %dma_start3A_1759 = arith.constant 0 : i32
        %dma_start3A_1760 = arith.constant 0 : i32
        %dma_start3A_1761 = tpu.memref_slice %arg2[%dma_start3A_1759, %dma_start3A_1760] : memref<10000x128xf32, #tpu.memory_space<hbm>> -> memref<10000x128xf32, #tpu.memory_space<hbm>>
        %dma_start3A_1762 = tpu.memref_slice %arg24[%dma_start3A_1751] : memref<2x!tpu.dma_semaphore, #tpu.memory_space<semaphore_mem>> -> memref<1x!tpu.dma_semaphore, #tpu.memory_space<semaphore_mem>>
        %dma_start3A_1763 = tpu.memref_squeeze %dma_start3A_1762 : memref<1x!tpu.dma_semaphore, #tpu.memory_space<semaphore_mem>> -> memref<!tpu.dma_semaphore, #tpu.memory_space<semaphore_mem>>
        tpu.enqueue_indirect_dma source(%dma_start3A_1761 : memref<10000x128xf32, #tpu.memory_space<hbm>>) target(%dma_start3A_1755 : memref<128x128xf32, #tpu.memory_space<vmem>>) offsets(%dma_start3A_1758 : memref<128xi32, #tpu.memory_space<vmem>>) semaphore(%dma_start3A_1763 : memref<!tpu.dma_semaphore, #tpu.memory_space<semaphore_mem>>)
      } else {
      }
      %mul3A_657 = arith.constant 2 : i32
      %mul3A_658 = arith.muli %add3A_583, %mul3A_657 : i32
      %add3A_659 = arith.constant 0 : i32
      %add3A_660 = arith.addi %mul3A_658, %add3A_659 : i32
      %dma_wait3A_661 = arith.constant 2 : i32
      %dma_wait3A_662 = arith.constant 2 : i32
      %dma_wait3A_663 = arith.constant 0 : i32
      %dma_wait3A_664 = tpu.memref_slice %arg11[%dma_wait3A_661, %dma_wait3A_663] : memref<4x128xi32, #tpu.memory_space<vmem>> -> memref<1x128xi32, #tpu.memory_space<vmem>>
      %dma_wait3A_665 = tpu.memref_squeeze %dma_wait3A_664 : memref<1x128xi32, #tpu.memory_space<vmem>> -> memref<128xi32, #tpu.memory_space<vmem>>
      %dma_wait3A_666 = arith.constant 0 : i32
      %dma_wait3A_667 = tpu.memref_slice %arg5[%dma_wait3A_666] : memref<327680xi32, #tpu.memory_space<hbm>> -> memref<128xi32, #tpu.memory_space<hbm>>
      %dma_wait3A_668 = tpu.memref_slice %arg26[%dma_wait3A_662] : memref<4x!tpu.dma_semaphore, #tpu.memory_space<semaphore_mem>> -> memref<1x!tpu.dma_semaphore, #tpu.memory_space<semaphore_mem>>
      %dma_wait3A_669 = tpu.memref_squeeze %dma_wait3A_668 : memref<1x!tpu.dma_semaphore, #tpu.memory_space<semaphore_mem>> -> memref<!tpu.dma_semaphore, #tpu.memory_space<semaphore_mem>>
      %dma_wait3A_670 = arith.constant 0 : i32
      %dma_wait3A_671 = tpu.memref_slice %arg11[%dma_wait3A_661, %dma_wait3A_670] : memref<4x128xi32, #tpu.memory_space<vmem>> -> memref<1x128xi32, #tpu.memory_space<vmem>>
      %dma_wait3A_672 = tpu.memref_squeeze %dma_wait3A_671 : memref<1x128xi32, #tpu.memory_space<vmem>> -> memref<128xi32, #tpu.memory_space<vmem>>
      %dma_wait3A_673 = arith.constant 0 : i32
      %dma_wait3A_674 = tpu.memref_slice %arg5[%dma_wait3A_673] : memref<327680xi32, #tpu.memory_space<hbm>> -> memref<128xi32, #tpu.memory_space<hbm>>
      tpu.wait_dma2 semaphore(%dma_wait3A_669 : memref<!tpu.dma_semaphore, #tpu.memory_space<semaphore_mem>>) src(%dma_wait3A_674 : memref<128xi32, #tpu.memory_space<hbm>>) dst(%dma_wait3A_672 : memref<128xi32, #tpu.memory_space<vmem>>)
      %dma_start3A_675 = arith.constant 2 : i32
      %dma_start3A_676 = arith.constant 2 : i32
      %dma_start3A_677 = arith.constant 0 : i32
      %dma_start3A_678 = tpu.memref_slice %arg11[%dma_start3A_675, %dma_start3A_677] : memref<4x128xi32, #tpu.memory_space<vmem>> -> memref<1x128xi32, #tpu.memory_space<vmem>>
      %dma_start3A_679 = tpu.memref_squeeze %dma_start3A_678 : memref<1x128xi32, #tpu.memory_space<vmem>> -> memref<128xi32, #tpu.memory_space<vmem>>
      %dma_start3A_680 = arith.constant 0 : i32
      %dma_start3A_681 = tpu.memref_slice %arg18[%dma_start3A_680] : memref<10240xf32, #tpu.memory_space<vmem_shared>> -> memref<10240xf32, #tpu.memory_space<vmem_shared>>
      %dma_start3A_682 = tpu.memref_slice %arg27[%dma_start3A_676] : memref<4x!tpu.dma_semaphore, #tpu.memory_space<semaphore_mem>> -> memref<1x!tpu.dma_semaphore, #tpu.memory_space<semaphore_mem>>
      %dma_start3A_683 = tpu.memref_squeeze %dma_start3A_682 : memref<1x!tpu.dma_semaphore, #tpu.memory_space<semaphore_mem>> -> memref<!tpu.dma_semaphore, #tpu.memory_space<semaphore_mem>>
      tpu.enqueue_indirect_dma source(%arg16 : memref<128xf32, #tpu.memory_space<vmem>>) target(%dma_start3A_681 : memref<10240xf32, #tpu.memory_space<vmem_shared>>) offsets(%dma_start3A_679 : memref<128xi32, #tpu.memory_space<vmem>>) semaphore(%dma_start3A_683 : memref<!tpu.dma_semaphore, #tpu.memory_space<semaphore_mem>>) {add = true}
      %ge3A_684 = arith.constant 2 : i32
      %ge3A_685 = arith.cmpi sge, %add3A_660, %ge3A_684 : i32
      %convert_element_type3A_686 = arith.extui %ge3A_685 : i1 to i32
      %cond3A_687 = arith.constant 0 : i32
      %cond3A_688 = arith.cmpi ne, %convert_element_type3A_686, %cond3A_687 : i32
      scf.if %cond3A_688 {
        %dma_wait3A_1735 = arith.constant 0 : i32
        %dma_wait3A_1736 = arith.constant 0 : i32
        %dma_wait3A_1737 = arith.constant 0 : i32
        %dma_wait3A_1738 = tpu.memref_slice %arg11[%dma_wait3A_1735, %dma_wait3A_1737] : memref<4x128xi32, #tpu.memory_space<vmem>> -> memref<1x128xi32, #tpu.memory_space<vmem>>
        %dma_wait3A_1739 = tpu.memref_squeeze %dma_wait3A_1738 : memref<1x128xi32, #tpu.memory_space<vmem>> -> memref<128xi32, #tpu.memory_space<vmem>>
        %dma_wait3A_1740 = arith.constant 0 : i32
        %dma_wait3A_1741 = tpu.memref_slice %arg18[%dma_wait3A_1740] : memref<10240xf32, #tpu.memory_space<vmem_shared>> -> memref<10240xf32, #tpu.memory_space<vmem_shared>>
        %dma_wait3A_1742 = tpu.memref_slice %arg27[%dma_wait3A_1736] : memref<4x!tpu.dma_semaphore, #tpu.memory_space<semaphore_mem>> -> memref<1x!tpu.dma_semaphore, #tpu.memory_space<semaphore_mem>>
        %dma_wait3A_1743 = tpu.memref_squeeze %dma_wait3A_1742 : memref<1x!tpu.dma_semaphore, #tpu.memory_space<semaphore_mem>> -> memref<!tpu.dma_semaphore, #tpu.memory_space<semaphore_mem>>
        tpu.wait_indirect_dma semaphore(%dma_wait3A_1743 : memref<!tpu.dma_semaphore, #tpu.memory_space<semaphore_mem>>) src(%arg16 : memref<128xf32, #tpu.memory_space<vmem>>) dst(%dma_wait3A_1741 : memref<10240xf32, #tpu.memory_space<vmem_shared>>)
      } else {
      }
      %add3A_689 = arith.constant 2 : i32
      %add3A_690 = arith.addi %add3A_660, %add3A_689 : i32
      %ge3A_691 = arith.constant 4 : i32
      %ge3A_692 = arith.cmpi sge, %add3A_690, %ge3A_691 : i32
      %add3A_693 = arith.constant 2 : i32
      %add3A_694 = arith.addi %add3A_660, %add3A_693 : i32
      %lt3A_695 = arith.constant 160 : i32
      %lt3A_696 = arith.cmpi slt, %add3A_694, %lt3A_695 : i32
      %and3A_697 = arith.andi %ge3A_692, %lt3A_696 : i1
      %convert_element_type3A_698 = arith.extui %and3A_697 : i1 to i32
      %cond3A_699 = arith.constant 0 : i32
      %cond3A_700 = arith.cmpi ne, %convert_element_type3A_698, %cond3A_699 : i32
      scf.if %cond3A_700 {
        %add3A_1735 = arith.constant 2 : i32
        %add3A_1736 = arith.addi %add3A_660, %add3A_1735 : i32
        %mul3A_1737 = arith.constant 128 : i32
        %mul3A_1738 = arith.muli %add3A_1736, %mul3A_1737 : i32
        %add3A_1739 = arith.addi %mul3A_69, %mul3A_1738 : i32
        %dma_start3A_1740 = arith.constant 0 : i32
        %dma_start3A_1741 = arith.constant 0 : i32
        %dma_start3A_1742 = arith.constant 0 : i32
        %dma_start3A_1743 = tpu.memref_slice %arg11[%dma_start3A_1740, %dma_start3A_1742] : memref<4x128xi32, #tpu.memory_space<vmem>> -> memref<1x128xi32, #tpu.memory_space<vmem>>
        %dma_start3A_1744 = tpu.memref_squeeze %dma_start3A_1743 : memref<1x128xi32, #tpu.memory_space<vmem>> -> memref<128xi32, #tpu.memory_space<vmem>>
        %dma_start3A_1745 = tpu.memref_slice %arg5[%add3A_1739] : memref<327680xi32, #tpu.memory_space<hbm>> -> memref<128xi32, #tpu.memory_space<hbm>>
        %dma_start3A_1746 = tpu.memref_slice %arg26[%dma_start3A_1741] : memref<4x!tpu.dma_semaphore, #tpu.memory_space<semaphore_mem>> -> memref<1x!tpu.dma_semaphore, #tpu.memory_space<semaphore_mem>>
        %dma_start3A_1747 = tpu.memref_squeeze %dma_start3A_1746 : memref<1x!tpu.dma_semaphore, #tpu.memory_space<semaphore_mem>> -> memref<!tpu.dma_semaphore, #tpu.memory_space<semaphore_mem>>
        %dma_start3A_1748 = arith.constant 0 : i32
        %dma_start3A_1749 = tpu.memref_slice %arg11[%dma_start3A_1740, %dma_start3A_1748] : memref<4x128xi32, #tpu.memory_space<vmem>> -> memref<1x128xi32, #tpu.memory_space<vmem>>
        %dma_start3A_1750 = tpu.memref_squeeze %dma_start3A_1749 : memref<1x128xi32, #tpu.memory_space<vmem>> -> memref<128xi32, #tpu.memory_space<vmem>>
        %dma_start3A_1751 = tpu.memref_slice %arg5[%add3A_1739] : memref<327680xi32, #tpu.memory_space<hbm>> -> memref<128xi32, #tpu.memory_space<hbm>>
        tpu.enqueue_dma source(%dma_start3A_1751 : memref<128xi32, #tpu.memory_space<hbm>>) target(%dma_start3A_1750 : memref<128xi32, #tpu.memory_space<vmem>>) target_semaphore(%dma_start3A_1747 : memref<!tpu.dma_semaphore, #tpu.memory_space<semaphore_mem>>)
      } else {
      }
      %mul3A_701 = arith.constant 2 : i32
      %mul3A_702 = arith.muli %add3A_583, %mul3A_701 : i32
      %add3A_703 = arith.constant 1 : i32
      %add3A_704 = arith.addi %mul3A_702, %add3A_703 : i32
      %dma_wait3A_705 = arith.constant 3 : i32
      %dma_wait3A_706 = arith.constant 3 : i32
      %dma_wait3A_707 = arith.constant 0 : i32
      %dma_wait3A_708 = tpu.memref_slice %arg11[%dma_wait3A_705, %dma_wait3A_707] : memref<4x128xi32, #tpu.memory_space<vmem>> -> memref<1x128xi32, #tpu.memory_space<vmem>>
      %dma_wait3A_709 = tpu.memref_squeeze %dma_wait3A_708 : memref<1x128xi32, #tpu.memory_space<vmem>> -> memref<128xi32, #tpu.memory_space<vmem>>
      %dma_wait3A_710 = arith.constant 0 : i32
      %dma_wait3A_711 = tpu.memref_slice %arg5[%dma_wait3A_710] : memref<327680xi32, #tpu.memory_space<hbm>> -> memref<128xi32, #tpu.memory_space<hbm>>
      %dma_wait3A_712 = tpu.memref_slice %arg26[%dma_wait3A_706] : memref<4x!tpu.dma_semaphore, #tpu.memory_space<semaphore_mem>> -> memref<1x!tpu.dma_semaphore, #tpu.memory_space<semaphore_mem>>
      %dma_wait3A_713 = tpu.memref_squeeze %dma_wait3A_712 : memref<1x!tpu.dma_semaphore, #tpu.memory_space<semaphore_mem>> -> memref<!tpu.dma_semaphore, #tpu.memory_space<semaphore_mem>>
      %dma_wait3A_714 = arith.constant 0 : i32
      %dma_wait3A_715 = tpu.memref_slice %arg11[%dma_wait3A_705, %dma_wait3A_714] : memref<4x128xi32, #tpu.memory_space<vmem>> -> memref<1x128xi32, #tpu.memory_space<vmem>>
      %dma_wait3A_716 = tpu.memref_squeeze %dma_wait3A_715 : memref<1x128xi32, #tpu.memory_space<vmem>> -> memref<128xi32, #tpu.memory_space<vmem>>
      %dma_wait3A_717 = arith.constant 0 : i32
      %dma_wait3A_718 = tpu.memref_slice %arg5[%dma_wait3A_717] : memref<327680xi32, #tpu.memory_space<hbm>> -> memref<128xi32, #tpu.memory_space<hbm>>
      tpu.wait_dma2 semaphore(%dma_wait3A_713 : memref<!tpu.dma_semaphore, #tpu.memory_space<semaphore_mem>>) src(%dma_wait3A_718 : memref<128xi32, #tpu.memory_space<hbm>>) dst(%dma_wait3A_716 : memref<128xi32, #tpu.memory_space<vmem>>)
      %dma_start3A_719 = arith.constant 3 : i32
      %dma_start3A_720 = arith.constant 3 : i32
      %dma_start3A_721 = arith.constant 0 : i32
      %dma_start3A_722 = tpu.memref_slice %arg11[%dma_start3A_719, %dma_start3A_721] : memref<4x128xi32, #tpu.memory_space<vmem>> -> memref<1x128xi32, #tpu.memory_space<vmem>>
      %dma_start3A_723 = tpu.memref_squeeze %dma_start3A_722 : memref<1x128xi32, #tpu.memory_space<vmem>> -> memref<128xi32, #tpu.memory_space<vmem>>
      %dma_start3A_724 = arith.constant 0 : i32
      %dma_start3A_725 = tpu.memref_slice %arg18[%dma_start3A_724] : memref<10240xf32, #tpu.memory_space<vmem_shared>> -> memref<10240xf32, #tpu.memory_space<vmem_shared>>
      %dma_start3A_726 = tpu.memref_slice %arg27[%dma_start3A_720] : memref<4x!tpu.dma_semaphore, #tpu.memory_space<semaphore_mem>> -> memref<1x!tpu.dma_semaphore, #tpu.memory_space<semaphore_mem>>
      %dma_start3A_727 = tpu.memref_squeeze %dma_start3A_726 : memref<1x!tpu.dma_semaphore, #tpu.memory_space<semaphore_mem>> -> memref<!tpu.dma_semaphore, #tpu.memory_space<semaphore_mem>>
      tpu.enqueue_indirect_dma source(%arg16 : memref<128xf32, #tpu.memory_space<vmem>>) target(%dma_start3A_725 : memref<10240xf32, #tpu.memory_space<vmem_shared>>) offsets(%dma_start3A_723 : memref<128xi32, #tpu.memory_space<vmem>>) semaphore(%dma_start3A_727 : memref<!tpu.dma_semaphore, #tpu.memory_space<semaphore_mem>>) {add = true}
      %ge3A_728 = arith.constant 2 : i32
      %ge3A_729 = arith.cmpi sge, %add3A_704, %ge3A_728 : i32
      %convert_element_type3A_730 = arith.extui %ge3A_729 : i1 to i32
      %cond3A_731 = arith.constant 0 : i32
      %cond3A_732 = arith.cmpi ne, %convert_element_type3A_730, %cond3A_731 : i32
      scf.if %cond3A_732 {
        %dma_wait3A_1735 = arith.constant 1 : i32
        %dma_wait3A_1736 = arith.constant 1 : i32
        %dma_wait3A_1737 = arith.constant 0 : i32
        %dma_wait3A_1738 = tpu.memref_slice %arg11[%dma_wait3A_1735, %dma_wait3A_1737] : memref<4x128xi32, #tpu.memory_space<vmem>> -> memref<1x128xi32, #tpu.memory_space<vmem>>
        %dma_wait3A_1739 = tpu.memref_squeeze %dma_wait3A_1738 : memref<1x128xi32, #tpu.memory_space<vmem>> -> memref<128xi32, #tpu.memory_space<vmem>>
        %dma_wait3A_1740 = arith.constant 0 : i32
        %dma_wait3A_1741 = tpu.memref_slice %arg18[%dma_wait3A_1740] : memref<10240xf32, #tpu.memory_space<vmem_shared>> -> memref<10240xf32, #tpu.memory_space<vmem_shared>>
        %dma_wait3A_1742 = tpu.memref_slice %arg27[%dma_wait3A_1736] : memref<4x!tpu.dma_semaphore, #tpu.memory_space<semaphore_mem>> -> memref<1x!tpu.dma_semaphore, #tpu.memory_space<semaphore_mem>>
        %dma_wait3A_1743 = tpu.memref_squeeze %dma_wait3A_1742 : memref<1x!tpu.dma_semaphore, #tpu.memory_space<semaphore_mem>> -> memref<!tpu.dma_semaphore, #tpu.memory_space<semaphore_mem>>
        tpu.wait_indirect_dma semaphore(%dma_wait3A_1743 : memref<!tpu.dma_semaphore, #tpu.memory_space<semaphore_mem>>) src(%arg16 : memref<128xf32, #tpu.memory_space<vmem>>) dst(%dma_wait3A_1741 : memref<10240xf32, #tpu.memory_space<vmem_shared>>)
      } else {
      }
      %add3A_733 = arith.constant 2 : i32
      %add3A_734 = arith.addi %add3A_704, %add3A_733 : i32
      %ge3A_735 = arith.constant 4 : i32
      %ge3A_736 = arith.cmpi sge, %add3A_734, %ge3A_735 : i32
      %add3A_737 = arith.constant 2 : i32
      %add3A_738 = arith.addi %add3A_704, %add3A_737 : i32
      %lt3A_739 = arith.constant 160 : i32
      %lt3A_740 = arith.cmpi slt, %add3A_738, %lt3A_739 : i32
      %and3A_741 = arith.andi %ge3A_736, %lt3A_740 : i1
      %convert_element_type3A_742 = arith.extui %and3A_741 : i1 to i32
      %cond3A_743 = arith.constant 0 : i32
      %cond3A_744 = arith.cmpi ne, %convert_element_type3A_742, %cond3A_743 : i32
      scf.if %cond3A_744 {
        %add3A_1735 = arith.constant 2 : i32
        %add3A_1736 = arith.addi %add3A_704, %add3A_1735 : i32
        %mul3A_1737 = arith.constant 128 : i32
        %mul3A_1738 = arith.muli %add3A_1736, %mul3A_1737 : i32
        %add3A_1739 = arith.addi %mul3A_69, %mul3A_1738 : i32
        %dma_start3A_1740 = arith.constant 1 : i32
        %dma_start3A_1741 = arith.constant 1 : i32
        %dma_start3A_1742 = arith.constant 0 : i32
        %dma_start3A_1743 = tpu.memref_slice %arg11[%dma_start3A_1740, %dma_start3A_1742] : memref<4x128xi32, #tpu.memory_space<vmem>> -> memref<1x128xi32, #tpu.memory_space<vmem>>
        %dma_start3A_1744 = tpu.memref_squeeze %dma_start3A_1743 : memref<1x128xi32, #tpu.memory_space<vmem>> -> memref<128xi32, #tpu.memory_space<vmem>>
        %dma_start3A_1745 = tpu.memref_slice %arg5[%add3A_1739] : memref<327680xi32, #tpu.memory_space<hbm>> -> memref<128xi32, #tpu.memory_space<hbm>>
        %dma_start3A_1746 = tpu.memref_slice %arg26[%dma_start3A_1741] : memref<4x!tpu.dma_semaphore, #tpu.memory_space<semaphore_mem>> -> memref<1x!tpu.dma_semaphore, #tpu.memory_space<semaphore_mem>>
        %dma_start3A_1747 = tpu.memref_squeeze %dma_start3A_1746 : memref<1x!tpu.dma_semaphore, #tpu.memory_space<semaphore_mem>> -> memref<!tpu.dma_semaphore, #tpu.memory_space<semaphore_mem>>
        %dma_start3A_1748 = arith.constant 0 : i32
        %dma_start3A_1749 = tpu.memref_slice %arg11[%dma_start3A_1740, %dma_start3A_1748] : memref<4x128xi32, #tpu.memory_space<vmem>> -> memref<1x128xi32, #tpu.memory_space<vmem>>
        %dma_start3A_1750 = tpu.memref_squeeze %dma_start3A_1749 : memref<1x128xi32, #tpu.memory_space<vmem>> -> memref<128xi32, #tpu.memory_space<vmem>>
        %dma_start3A_1751 = tpu.memref_slice %arg5[%add3A_1739] : memref<327680xi32, #tpu.memory_space<hbm>> -> memref<128xi32, #tpu.memory_space<hbm>>
        tpu.enqueue_dma source(%dma_start3A_1751 : memref<128xi32, #tpu.memory_space<hbm>>) target(%dma_start3A_1750 : memref<128xi32, #tpu.memory_space<vmem>>) target_semaphore(%dma_start3A_1747 : memref<!tpu.dma_semaphore, #tpu.memory_space<semaphore_mem>>)
      } else {
      }
      %mul3A_745 = arith.constant 8 : i32
      %mul3A_746 = arith.muli %scan3A_417, %mul3A_745 : i32
      %add3A_747 = arith.constant 2 : i32
      %add3A_748 = arith.addi %mul3A_746, %add3A_747 : i32
      %dma_wait3A_749 = arith.constant 2 : i32
      %dma_wait3A_750 = arith.constant 0 : i32
      %dma_wait3A_751 = arith.constant 0 : i32
      %dma_wait3A_752 = arith.constant 0 : i32
      %dma_wait3A_753 = arith.constant 0 : i32
      %dma_wait3A_754 = tpu.memref_slice %arg14[%dma_wait3A_750, %dma_wait3A_752, %dma_wait3A_753] : memref<2x128x128xf32, #tpu.memory_space<vmem>> -> memref<1x128x128xf32, #tpu.memory_space<vmem>>
      %dma_wait3A_755 = tpu.memref_squeeze %dma_wait3A_754 : memref<1x128x128xf32, #tpu.memory_space<vmem>> -> memref<128x128xf32, #tpu.memory_space<vmem>>
      %dma_wait3A_756 = arith.constant 0 : i32
      %dma_wait3A_757 = tpu.memref_slice %arg9[%dma_wait3A_749, %dma_wait3A_756] : memref<4x128xi32, #tpu.memory_space<vmem>> -> memref<1x128xi32, #tpu.memory_space<vmem>>
      %dma_wait3A_758 = tpu.memref_squeeze %dma_wait3A_757 : memref<1x128xi32, #tpu.memory_space<vmem>> -> memref<128xi32, #tpu.memory_space<vmem>>
      %dma_wait3A_759 = arith.constant 0 : i32
      %dma_wait3A_760 = arith.constant 0 : i32
      %dma_wait3A_761 = tpu.memref_slice %arg2[%dma_wait3A_759, %dma_wait3A_760] : memref<10000x128xf32, #tpu.memory_space<hbm>> -> memref<10000x128xf32, #tpu.memory_space<hbm>>
      %dma_wait3A_762 = tpu.memref_slice %arg24[%dma_wait3A_751] : memref<2x!tpu.dma_semaphore, #tpu.memory_space<semaphore_mem>> -> memref<1x!tpu.dma_semaphore, #tpu.memory_space<semaphore_mem>>
      %dma_wait3A_763 = tpu.memref_squeeze %dma_wait3A_762 : memref<1x!tpu.dma_semaphore, #tpu.memory_space<semaphore_mem>> -> memref<!tpu.dma_semaphore, #tpu.memory_space<semaphore_mem>>
      tpu.wait_indirect_dma semaphore(%dma_wait3A_763 : memref<!tpu.dma_semaphore, #tpu.memory_space<semaphore_mem>>) src(%dma_wait3A_761 : memref<10000x128xf32, #tpu.memory_space<hbm>>) dst(%dma_wait3A_755 : memref<128x128xf32, #tpu.memory_space<vmem>>)
      %dma_wait3A_764 = arith.constant 2 : i32
      %dma_wait3A_765 = arith.constant 2 : i32
      %dma_wait3A_766 = arith.constant 0 : i32
      %dma_wait3A_767 = tpu.memref_slice %arg10[%dma_wait3A_764, %dma_wait3A_766] : memref<4x128xi32, #tpu.memory_space<vmem>> -> memref<1x128xi32, #tpu.memory_space<vmem>>
      %dma_wait3A_768 = tpu.memref_squeeze %dma_wait3A_767 : memref<1x128xi32, #tpu.memory_space<vmem>> -> memref<128xi32, #tpu.memory_space<vmem>>
      %dma_wait3A_769 = arith.constant 0 : i32
      %dma_wait3A_770 = tpu.memref_slice %arg5[%dma_wait3A_769] : memref<327680xi32, #tpu.memory_space<hbm>> -> memref<128xi32, #tpu.memory_space<hbm>>
      %dma_wait3A_771 = tpu.memref_slice %arg23[%dma_wait3A_765] : memref<4x!tpu.dma_semaphore, #tpu.memory_space<semaphore_mem>> -> memref<1x!tpu.dma_semaphore, #tpu.memory_space<semaphore_mem>>
      %dma_wait3A_772 = tpu.memref_squeeze %dma_wait3A_771 : memref<1x!tpu.dma_semaphore, #tpu.memory_space<semaphore_mem>> -> memref<!tpu.dma_semaphore, #tpu.memory_space<semaphore_mem>>
      %dma_wait3A_773 = arith.constant 0 : i32
      %dma_wait3A_774 = tpu.memref_slice %arg10[%dma_wait3A_764, %dma_wait3A_773] : memref<4x128xi32, #tpu.memory_space<vmem>> -> memref<1x128xi32, #tpu.memory_space<vmem>>
      %dma_wait3A_775 = tpu.memref_squeeze %dma_wait3A_774 : memref<1x128xi32, #tpu.memory_space<vmem>> -> memref<128xi32, #tpu.memory_space<vmem>>
      %dma_wait3A_776 = arith.constant 0 : i32
      %dma_wait3A_777 = tpu.memref_slice %arg5[%dma_wait3A_776] : memref<327680xi32, #tpu.memory_space<hbm>> -> memref<128xi32, #tpu.memory_space<hbm>>
      tpu.wait_dma2 semaphore(%dma_wait3A_772 : memref<!tpu.dma_semaphore, #tpu.memory_space<semaphore_mem>>) src(%dma_wait3A_777 : memref<128xi32, #tpu.memory_space<hbm>>) dst(%dma_wait3A_775 : memref<128xi32, #tpu.memory_space<vmem>>)
      %dma_start3A_778 = arith.constant 0 : i32
      %dma_start3A_779 = arith.constant 2 : i32
      %dma_start3A_780 = arith.constant 0 : i32
      %dma_start3A_781 = arith.constant 0 : i32
      %dma_start3A_782 = arith.constant 0 : i32
      %dma_start3A_783 = tpu.memref_slice %arg14[%dma_start3A_778, %dma_start3A_781, %dma_start3A_782] : memref<2x128x128xf32, #tpu.memory_space<vmem>> -> memref<1x128x128xf32, #tpu.memory_space<vmem>>
      %dma_start3A_784 = tpu.memref_squeeze %dma_start3A_783 : memref<1x128x128xf32, #tpu.memory_space<vmem>> -> memref<128x128xf32, #tpu.memory_space<vmem>>
      %dma_start3A_785 = arith.constant 0 : i32
      %dma_start3A_786 = tpu.memref_slice %arg10[%dma_start3A_779, %dma_start3A_785] : memref<4x128xi32, #tpu.memory_space<vmem>> -> memref<1x128xi32, #tpu.memory_space<vmem>>
      %dma_start3A_787 = tpu.memref_squeeze %dma_start3A_786 : memref<1x128xi32, #tpu.memory_space<vmem>> -> memref<128xi32, #tpu.memory_space<vmem>>
      %dma_start3A_788 = arith.constant 0 : i32
      %dma_start3A_789 = arith.constant 0 : i32
      %dma_start3A_790 = tpu.memref_slice %arg21[%dma_start3A_788, %dma_start3A_789] : memref<10240x128xf32, #tpu.memory_space<vmem_shared>> -> memref<10240x128xf32, #tpu.memory_space<vmem_shared>>
      %dma_start3A_791 = tpu.memref_slice %arg25[%dma_start3A_780] : memref<2x!tpu.dma_semaphore, #tpu.memory_space<semaphore_mem>> -> memref<1x!tpu.dma_semaphore, #tpu.memory_space<semaphore_mem>>
      %dma_start3A_792 = tpu.memref_squeeze %dma_start3A_791 : memref<1x!tpu.dma_semaphore, #tpu.memory_space<semaphore_mem>> -> memref<!tpu.dma_semaphore, #tpu.memory_space<semaphore_mem>>
      tpu.enqueue_indirect_dma source(%dma_start3A_784 : memref<128x128xf32, #tpu.memory_space<vmem>>) target(%dma_start3A_790 : memref<10240x128xf32, #tpu.memory_space<vmem_shared>>) offsets(%dma_start3A_787 : memref<128xi32, #tpu.memory_space<vmem>>) semaphore(%dma_start3A_792 : memref<!tpu.dma_semaphore, #tpu.memory_space<semaphore_mem>>) {add = true}
      %dma_wait3A_793 = arith.constant 0 : i32
      %dma_wait3A_794 = arith.constant 2 : i32
      %dma_wait3A_795 = arith.constant 0 : i32
      %dma_wait3A_796 = arith.constant 0 : i32
      %dma_wait3A_797 = arith.constant 0 : i32
      %dma_wait3A_798 = tpu.memref_slice %arg14[%dma_wait3A_793, %dma_wait3A_796, %dma_wait3A_797] : memref<2x128x128xf32, #tpu.memory_space<vmem>> -> memref<1x128x128xf32, #tpu.memory_space<vmem>>
      %dma_wait3A_799 = tpu.memref_squeeze %dma_wait3A_798 : memref<1x128x128xf32, #tpu.memory_space<vmem>> -> memref<128x128xf32, #tpu.memory_space<vmem>>
      %dma_wait3A_800 = arith.constant 0 : i32
      %dma_wait3A_801 = tpu.memref_slice %arg10[%dma_wait3A_794, %dma_wait3A_800] : memref<4x128xi32, #tpu.memory_space<vmem>> -> memref<1x128xi32, #tpu.memory_space<vmem>>
      %dma_wait3A_802 = tpu.memref_squeeze %dma_wait3A_801 : memref<1x128xi32, #tpu.memory_space<vmem>> -> memref<128xi32, #tpu.memory_space<vmem>>
      %dma_wait3A_803 = arith.constant 0 : i32
      %dma_wait3A_804 = arith.constant 0 : i32
      %dma_wait3A_805 = tpu.memref_slice %arg21[%dma_wait3A_803, %dma_wait3A_804] : memref<10240x128xf32, #tpu.memory_space<vmem_shared>> -> memref<10240x128xf32, #tpu.memory_space<vmem_shared>>
      %dma_wait3A_806 = tpu.memref_slice %arg25[%dma_wait3A_795] : memref<2x!tpu.dma_semaphore, #tpu.memory_space<semaphore_mem>> -> memref<1x!tpu.dma_semaphore, #tpu.memory_space<semaphore_mem>>
      %dma_wait3A_807 = tpu.memref_squeeze %dma_wait3A_806 : memref<1x!tpu.dma_semaphore, #tpu.memory_space<semaphore_mem>> -> memref<!tpu.dma_semaphore, #tpu.memory_space<semaphore_mem>>
      tpu.wait_indirect_dma semaphore(%dma_wait3A_807 : memref<!tpu.dma_semaphore, #tpu.memory_space<semaphore_mem>>) src(%dma_wait3A_799 : memref<128x128xf32, #tpu.memory_space<vmem>>) dst(%dma_wait3A_805 : memref<10240x128xf32, #tpu.memory_space<vmem_shared>>)
      %add3A_808 = arith.constant 4 : i32
      %add3A_809 = arith.addi %add3A_748, %add3A_808 : i32
      %lt3A_810 = arith.constant 80 : i32
      %lt3A_811 = arith.cmpi slt, %add3A_809, %lt3A_810 : i32
      %convert_element_type3A_812 = arith.extui %lt3A_811 : i1 to i32
      %cond3A_813 = arith.constant 0 : i32
      %cond3A_814 = arith.cmpi ne, %convert_element_type3A_812, %cond3A_813 : i32
      scf.if %cond3A_814 {
        %add3A_1735 = arith.constant 4 : i32
        %add3A_1736 = arith.addi %add3A_748, %add3A_1735 : i32
        %mul3A_1737 = arith.constant 128 : i32
        %mul3A_1738 = arith.muli %add3A_1736, %mul3A_1737 : i32
        %add3A_1739 = arith.addi %mul3A_65, %mul3A_1738 : i32
        %dma_start3A_1740 = arith.constant 2 : i32
        %dma_start3A_1741 = arith.constant 2 : i32
        %dma_start3A_1742 = arith.constant 0 : i32
        %dma_start3A_1743 = tpu.memref_slice %arg9[%dma_start3A_1740, %dma_start3A_1742] : memref<4x128xi32, #tpu.memory_space<vmem>> -> memref<1x128xi32, #tpu.memory_space<vmem>>
        %dma_start3A_1744 = tpu.memref_squeeze %dma_start3A_1743 : memref<1x128xi32, #tpu.memory_space<vmem>> -> memref<128xi32, #tpu.memory_space<vmem>>
        %dma_start3A_1745 = tpu.memref_slice %arg3[%add3A_1739] : memref<327680xi32, #tpu.memory_space<hbm>> -> memref<128xi32, #tpu.memory_space<hbm>>
        %dma_start3A_1746 = tpu.memref_slice %arg22[%dma_start3A_1741] : memref<4x!tpu.dma_semaphore, #tpu.memory_space<semaphore_mem>> -> memref<1x!tpu.dma_semaphore, #tpu.memory_space<semaphore_mem>>
        %dma_start3A_1747 = tpu.memref_squeeze %dma_start3A_1746 : memref<1x!tpu.dma_semaphore, #tpu.memory_space<semaphore_mem>> -> memref<!tpu.dma_semaphore, #tpu.memory_space<semaphore_mem>>
        %dma_start3A_1748 = arith.constant 0 : i32
        %dma_start3A_1749 = tpu.memref_slice %arg9[%dma_start3A_1740, %dma_start3A_1748] : memref<4x128xi32, #tpu.memory_space<vmem>> -> memref<1x128xi32, #tpu.memory_space<vmem>>
        %dma_start3A_1750 = tpu.memref_squeeze %dma_start3A_1749 : memref<1x128xi32, #tpu.memory_space<vmem>> -> memref<128xi32, #tpu.memory_space<vmem>>
        %dma_start3A_1751 = tpu.memref_slice %arg3[%add3A_1739] : memref<327680xi32, #tpu.memory_space<hbm>> -> memref<128xi32, #tpu.memory_space<hbm>>
        tpu.enqueue_dma source(%dma_start3A_1751 : memref<128xi32, #tpu.memory_space<hbm>>) target(%dma_start3A_1750 : memref<128xi32, #tpu.memory_space<vmem>>) target_semaphore(%dma_start3A_1747 : memref<!tpu.dma_semaphore, #tpu.memory_space<semaphore_mem>>)
        %add3A_1752 = arith.constant 4 : i32
        %add3A_1753 = arith.addi %add3A_748, %add3A_1752 : i32
        %mul3A_1754 = arith.constant 128 : i32
        %mul3A_1755 = arith.muli %add3A_1753, %mul3A_1754 : i32
        %add3A_1756 = arith.addi %mul3A_65, %mul3A_1755 : i32
        %dma_start3A_1757 = arith.constant 2 : i32
        %dma_start3A_1758 = arith.constant 2 : i32
        %dma_start3A_1759 = arith.constant 0 : i32
        %dma_start3A_1760 = tpu.memref_slice %arg10[%dma_start3A_1757, %dma_start3A_1759] : memref<4x128xi32, #tpu.memory_space<vmem>> -> memref<1x128xi32, #tpu.memory_space<vmem>>
        %dma_start3A_1761 = tpu.memref_squeeze %dma_start3A_1760 : memref<1x128xi32, #tpu.memory_space<vmem>> -> memref<128xi32, #tpu.memory_space<vmem>>
        %dma_start3A_1762 = tpu.memref_slice %arg5[%add3A_1756] : memref<327680xi32, #tpu.memory_space<hbm>> -> memref<128xi32, #tpu.memory_space<hbm>>
        %dma_start3A_1763 = tpu.memref_slice %arg23[%dma_start3A_1758] : memref<4x!tpu.dma_semaphore, #tpu.memory_space<semaphore_mem>> -> memref<1x!tpu.dma_semaphore, #tpu.memory_space<semaphore_mem>>
        %dma_start3A_1764 = tpu.memref_squeeze %dma_start3A_1763 : memref<1x!tpu.dma_semaphore, #tpu.memory_space<semaphore_mem>> -> memref<!tpu.dma_semaphore, #tpu.memory_space<semaphore_mem>>
        %dma_start3A_1765 = arith.constant 0 : i32
        %dma_start3A_1766 = tpu.memref_slice %arg10[%dma_start3A_1757, %dma_start3A_1765] : memref<4x128xi32, #tpu.memory_space<vmem>> -> memref<1x128xi32, #tpu.memory_space<vmem>>
        %dma_start3A_1767 = tpu.memref_squeeze %dma_start3A_1766 : memref<1x128xi32, #tpu.memory_space<vmem>> -> memref<128xi32, #tpu.memory_space<vmem>>
        %dma_start3A_1768 = tpu.memref_slice %arg5[%add3A_1756] : memref<327680xi32, #tpu.memory_space<hbm>> -> memref<128xi32, #tpu.memory_space<hbm>>
        tpu.enqueue_dma source(%dma_start3A_1768 : memref<128xi32, #tpu.memory_space<hbm>>) target(%dma_start3A_1767 : memref<128xi32, #tpu.memory_space<vmem>>) target_semaphore(%dma_start3A_1764 : memref<!tpu.dma_semaphore, #tpu.memory_space<semaphore_mem>>)
      } else {
      }
      %add3A_815 = arith.constant 2 : i32
      %add3A_816 = arith.addi %add3A_748, %add3A_815 : i32
      %lt3A_817 = arith.constant 80 : i32
      %lt3A_818 = arith.cmpi slt, %add3A_816, %lt3A_817 : i32
      %convert_element_type3A_819 = arith.extui %lt3A_818 : i1 to i32
      %cond3A_820 = arith.constant 0 : i32
      %cond3A_821 = arith.cmpi ne, %convert_element_type3A_819, %cond3A_820 : i32
      scf.if %cond3A_821 {
        %dma_wait3A_1735 = arith.constant 0 : i32
        %dma_wait3A_1736 = arith.constant 0 : i32
        %dma_wait3A_1737 = arith.constant 0 : i32
        %dma_wait3A_1738 = tpu.memref_slice %arg9[%dma_wait3A_1735, %dma_wait3A_1737] : memref<4x128xi32, #tpu.memory_space<vmem>> -> memref<1x128xi32, #tpu.memory_space<vmem>>
        %dma_wait3A_1739 = tpu.memref_squeeze %dma_wait3A_1738 : memref<1x128xi32, #tpu.memory_space<vmem>> -> memref<128xi32, #tpu.memory_space<vmem>>
        %dma_wait3A_1740 = arith.constant 0 : i32
        %dma_wait3A_1741 = tpu.memref_slice %arg3[%dma_wait3A_1740] : memref<327680xi32, #tpu.memory_space<hbm>> -> memref<128xi32, #tpu.memory_space<hbm>>
        %dma_wait3A_1742 = tpu.memref_slice %arg22[%dma_wait3A_1736] : memref<4x!tpu.dma_semaphore, #tpu.memory_space<semaphore_mem>> -> memref<1x!tpu.dma_semaphore, #tpu.memory_space<semaphore_mem>>
        %dma_wait3A_1743 = tpu.memref_squeeze %dma_wait3A_1742 : memref<1x!tpu.dma_semaphore, #tpu.memory_space<semaphore_mem>> -> memref<!tpu.dma_semaphore, #tpu.memory_space<semaphore_mem>>
        %dma_wait3A_1744 = arith.constant 0 : i32
        %dma_wait3A_1745 = tpu.memref_slice %arg9[%dma_wait3A_1735, %dma_wait3A_1744] : memref<4x128xi32, #tpu.memory_space<vmem>> -> memref<1x128xi32, #tpu.memory_space<vmem>>
        %dma_wait3A_1746 = tpu.memref_squeeze %dma_wait3A_1745 : memref<1x128xi32, #tpu.memory_space<vmem>> -> memref<128xi32, #tpu.memory_space<vmem>>
        %dma_wait3A_1747 = arith.constant 0 : i32
        %dma_wait3A_1748 = tpu.memref_slice %arg3[%dma_wait3A_1747] : memref<327680xi32, #tpu.memory_space<hbm>> -> memref<128xi32, #tpu.memory_space<hbm>>
        tpu.wait_dma2 semaphore(%dma_wait3A_1743 : memref<!tpu.dma_semaphore, #tpu.memory_space<semaphore_mem>>) src(%dma_wait3A_1748 : memref<128xi32, #tpu.memory_space<hbm>>) dst(%dma_wait3A_1746 : memref<128xi32, #tpu.memory_space<vmem>>)
        %dma_start3A_1749 = arith.constant 0 : i32
        %dma_start3A_1750 = arith.constant 0 : i32
        %dma_start3A_1751 = arith.constant 0 : i32
        %dma_start3A_1752 = arith.constant 0 : i32
        %dma_start3A_1753 = arith.constant 0 : i32
        %dma_start3A_1754 = tpu.memref_slice %arg14[%dma_start3A_1750, %dma_start3A_1752, %dma_start3A_1753] : memref<2x128x128xf32, #tpu.memory_space<vmem>> -> memref<1x128x128xf32, #tpu.memory_space<vmem>>
        %dma_start3A_1755 = tpu.memref_squeeze %dma_start3A_1754 : memref<1x128x128xf32, #tpu.memory_space<vmem>> -> memref<128x128xf32, #tpu.memory_space<vmem>>
        %dma_start3A_1756 = arith.constant 0 : i32
        %dma_start3A_1757 = tpu.memref_slice %arg9[%dma_start3A_1749, %dma_start3A_1756] : memref<4x128xi32, #tpu.memory_space<vmem>> -> memref<1x128xi32, #tpu.memory_space<vmem>>
        %dma_start3A_1758 = tpu.memref_squeeze %dma_start3A_1757 : memref<1x128xi32, #tpu.memory_space<vmem>> -> memref<128xi32, #tpu.memory_space<vmem>>
        %dma_start3A_1759 = arith.constant 0 : i32
        %dma_start3A_1760 = arith.constant 0 : i32
        %dma_start3A_1761 = tpu.memref_slice %arg2[%dma_start3A_1759, %dma_start3A_1760] : memref<10000x128xf32, #tpu.memory_space<hbm>> -> memref<10000x128xf32, #tpu.memory_space<hbm>>
        %dma_start3A_1762 = tpu.memref_slice %arg24[%dma_start3A_1751] : memref<2x!tpu.dma_semaphore, #tpu.memory_space<semaphore_mem>> -> memref<1x!tpu.dma_semaphore, #tpu.memory_space<semaphore_mem>>
        %dma_start3A_1763 = tpu.memref_squeeze %dma_start3A_1762 : memref<1x!tpu.dma_semaphore, #tpu.memory_space<semaphore_mem>> -> memref<!tpu.dma_semaphore, #tpu.memory_space<semaphore_mem>>
        tpu.enqueue_indirect_dma source(%dma_start3A_1761 : memref<10000x128xf32, #tpu.memory_space<hbm>>) target(%dma_start3A_1755 : memref<128x128xf32, #tpu.memory_space<vmem>>) offsets(%dma_start3A_1758 : memref<128xi32, #tpu.memory_space<vmem>>) semaphore(%dma_start3A_1763 : memref<!tpu.dma_semaphore, #tpu.memory_space<semaphore_mem>>)
      } else {
      }
      %mul3A_822 = arith.constant 2 : i32
      %mul3A_823 = arith.muli %add3A_748, %mul3A_822 : i32
      %add3A_824 = arith.constant 0 : i32
      %add3A_825 = arith.addi %mul3A_823, %add3A_824 : i32
      %dma_wait3A_826 = arith.constant 0 : i32
      %dma_wait3A_827 = arith.constant 0 : i32
      %dma_wait3A_828 = arith.constant 0 : i32
      %dma_wait3A_829 = tpu.memref_slice %arg11[%dma_wait3A_826, %dma_wait3A_828] : memref<4x128xi32, #tpu.memory_space<vmem>> -> memref<1x128xi32, #tpu.memory_space<vmem>>
      %dma_wait3A_830 = tpu.memref_squeeze %dma_wait3A_829 : memref<1x128xi32, #tpu.memory_space<vmem>> -> memref<128xi32, #tpu.memory_space<vmem>>
      %dma_wait3A_831 = arith.constant 0 : i32
      %dma_wait3A_832 = tpu.memref_slice %arg5[%dma_wait3A_831] : memref<327680xi32, #tpu.memory_space<hbm>> -> memref<128xi32, #tpu.memory_space<hbm>>
      %dma_wait3A_833 = tpu.memref_slice %arg26[%dma_wait3A_827] : memref<4x!tpu.dma_semaphore, #tpu.memory_space<semaphore_mem>> -> memref<1x!tpu.dma_semaphore, #tpu.memory_space<semaphore_mem>>
      %dma_wait3A_834 = tpu.memref_squeeze %dma_wait3A_833 : memref<1x!tpu.dma_semaphore, #tpu.memory_space<semaphore_mem>> -> memref<!tpu.dma_semaphore, #tpu.memory_space<semaphore_mem>>
      %dma_wait3A_835 = arith.constant 0 : i32
      %dma_wait3A_836 = tpu.memref_slice %arg11[%dma_wait3A_826, %dma_wait3A_835] : memref<4x128xi32, #tpu.memory_space<vmem>> -> memref<1x128xi32, #tpu.memory_space<vmem>>
      %dma_wait3A_837 = tpu.memref_squeeze %dma_wait3A_836 : memref<1x128xi32, #tpu.memory_space<vmem>> -> memref<128xi32, #tpu.memory_space<vmem>>
      %dma_wait3A_838 = arith.constant 0 : i32
      %dma_wait3A_839 = tpu.memref_slice %arg5[%dma_wait3A_838] : memref<327680xi32, #tpu.memory_space<hbm>> -> memref<128xi32, #tpu.memory_space<hbm>>
      tpu.wait_dma2 semaphore(%dma_wait3A_834 : memref<!tpu.dma_semaphore, #tpu.memory_space<semaphore_mem>>) src(%dma_wait3A_839 : memref<128xi32, #tpu.memory_space<hbm>>) dst(%dma_wait3A_837 : memref<128xi32, #tpu.memory_space<vmem>>)
      %dma_start3A_840 = arith.constant 0 : i32
      %dma_start3A_841 = arith.constant 0 : i32
      %dma_start3A_842 = arith.constant 0 : i32
      %dma_start3A_843 = tpu.memref_slice %arg11[%dma_start3A_840, %dma_start3A_842] : memref<4x128xi32, #tpu.memory_space<vmem>> -> memref<1x128xi32, #tpu.memory_space<vmem>>
      %dma_start3A_844 = tpu.memref_squeeze %dma_start3A_843 : memref<1x128xi32, #tpu.memory_space<vmem>> -> memref<128xi32, #tpu.memory_space<vmem>>
      %dma_start3A_845 = arith.constant 0 : i32
      %dma_start3A_846 = tpu.memref_slice %arg18[%dma_start3A_845] : memref<10240xf32, #tpu.memory_space<vmem_shared>> -> memref<10240xf32, #tpu.memory_space<vmem_shared>>
      %dma_start3A_847 = tpu.memref_slice %arg27[%dma_start3A_841] : memref<4x!tpu.dma_semaphore, #tpu.memory_space<semaphore_mem>> -> memref<1x!tpu.dma_semaphore, #tpu.memory_space<semaphore_mem>>
      %dma_start3A_848 = tpu.memref_squeeze %dma_start3A_847 : memref<1x!tpu.dma_semaphore, #tpu.memory_space<semaphore_mem>> -> memref<!tpu.dma_semaphore, #tpu.memory_space<semaphore_mem>>
      tpu.enqueue_indirect_dma source(%arg16 : memref<128xf32, #tpu.memory_space<vmem>>) target(%dma_start3A_846 : memref<10240xf32, #tpu.memory_space<vmem_shared>>) offsets(%dma_start3A_844 : memref<128xi32, #tpu.memory_space<vmem>>) semaphore(%dma_start3A_848 : memref<!tpu.dma_semaphore, #tpu.memory_space<semaphore_mem>>) {add = true}
      %ge3A_849 = arith.constant 2 : i32
      %ge3A_850 = arith.cmpi sge, %add3A_825, %ge3A_849 : i32
      %convert_element_type3A_851 = arith.extui %ge3A_850 : i1 to i32
      %cond3A_852 = arith.constant 0 : i32
      %cond3A_853 = arith.cmpi ne, %convert_element_type3A_851, %cond3A_852 : i32
      scf.if %cond3A_853 {
        %dma_wait3A_1735 = arith.constant 2 : i32
        %dma_wait3A_1736 = arith.constant 2 : i32
        %dma_wait3A_1737 = arith.constant 0 : i32
        %dma_wait3A_1738 = tpu.memref_slice %arg11[%dma_wait3A_1735, %dma_wait3A_1737] : memref<4x128xi32, #tpu.memory_space<vmem>> -> memref<1x128xi32, #tpu.memory_space<vmem>>
        %dma_wait3A_1739 = tpu.memref_squeeze %dma_wait3A_1738 : memref<1x128xi32, #tpu.memory_space<vmem>> -> memref<128xi32, #tpu.memory_space<vmem>>
        %dma_wait3A_1740 = arith.constant 0 : i32
        %dma_wait3A_1741 = tpu.memref_slice %arg18[%dma_wait3A_1740] : memref<10240xf32, #tpu.memory_space<vmem_shared>> -> memref<10240xf32, #tpu.memory_space<vmem_shared>>
        %dma_wait3A_1742 = tpu.memref_slice %arg27[%dma_wait3A_1736] : memref<4x!tpu.dma_semaphore, #tpu.memory_space<semaphore_mem>> -> memref<1x!tpu.dma_semaphore, #tpu.memory_space<semaphore_mem>>
        %dma_wait3A_1743 = tpu.memref_squeeze %dma_wait3A_1742 : memref<1x!tpu.dma_semaphore, #tpu.memory_space<semaphore_mem>> -> memref<!tpu.dma_semaphore, #tpu.memory_space<semaphore_mem>>
        tpu.wait_indirect_dma semaphore(%dma_wait3A_1743 : memref<!tpu.dma_semaphore, #tpu.memory_space<semaphore_mem>>) src(%arg16 : memref<128xf32, #tpu.memory_space<vmem>>) dst(%dma_wait3A_1741 : memref<10240xf32, #tpu.memory_space<vmem_shared>>)
      } else {
      }
      %add3A_854 = arith.constant 2 : i32
      %add3A_855 = arith.addi %add3A_825, %add3A_854 : i32
      %ge3A_856 = arith.constant 4 : i32
      %ge3A_857 = arith.cmpi sge, %add3A_855, %ge3A_856 : i32
      %add3A_858 = arith.constant 2 : i32
      %add3A_859 = arith.addi %add3A_825, %add3A_858 : i32
      %lt3A_860 = arith.constant 160 : i32
      %lt3A_861 = arith.cmpi slt, %add3A_859, %lt3A_860 : i32
      %and3A_862 = arith.andi %ge3A_857, %lt3A_861 : i1
      %convert_element_type3A_863 = arith.extui %and3A_862 : i1 to i32
      %cond3A_864 = arith.constant 0 : i32
      %cond3A_865 = arith.cmpi ne, %convert_element_type3A_863, %cond3A_864 : i32
      scf.if %cond3A_865 {
        %add3A_1735 = arith.constant 2 : i32
        %add3A_1736 = arith.addi %add3A_825, %add3A_1735 : i32
        %mul3A_1737 = arith.constant 128 : i32
        %mul3A_1738 = arith.muli %add3A_1736, %mul3A_1737 : i32
        %add3A_1739 = arith.addi %mul3A_69, %mul3A_1738 : i32
        %dma_start3A_1740 = arith.constant 2 : i32
        %dma_start3A_1741 = arith.constant 2 : i32
        %dma_start3A_1742 = arith.constant 0 : i32
        %dma_start3A_1743 = tpu.memref_slice %arg11[%dma_start3A_1740, %dma_start3A_1742] : memref<4x128xi32, #tpu.memory_space<vmem>> -> memref<1x128xi32, #tpu.memory_space<vmem>>
        %dma_start3A_1744 = tpu.memref_squeeze %dma_start3A_1743 : memref<1x128xi32, #tpu.memory_space<vmem>> -> memref<128xi32, #tpu.memory_space<vmem>>
        %dma_start3A_1745 = tpu.memref_slice %arg5[%add3A_1739] : memref<327680xi32, #tpu.memory_space<hbm>> -> memref<128xi32, #tpu.memory_space<hbm>>
        %dma_start3A_1746 = tpu.memref_slice %arg26[%dma_start3A_1741] : memref<4x!tpu.dma_semaphore, #tpu.memory_space<semaphore_mem>> -> memref<1x!tpu.dma_semaphore, #tpu.memory_space<semaphore_mem>>
        %dma_start3A_1747 = tpu.memref_squeeze %dma_start3A_1746 : memref<1x!tpu.dma_semaphore, #tpu.memory_space<semaphore_mem>> -> memref<!tpu.dma_semaphore, #tpu.memory_space<semaphore_mem>>
        %dma_start3A_1748 = arith.constant 0 : i32
        %dma_start3A_1749 = tpu.memref_slice %arg11[%dma_start3A_1740, %dma_start3A_1748] : memref<4x128xi32, #tpu.memory_space<vmem>> -> memref<1x128xi32, #tpu.memory_space<vmem>>
        %dma_start3A_1750 = tpu.memref_squeeze %dma_start3A_1749 : memref<1x128xi32, #tpu.memory_space<vmem>> -> memref<128xi32, #tpu.memory_space<vmem>>
        %dma_start3A_1751 = tpu.memref_slice %arg5[%add3A_1739] : memref<327680xi32, #tpu.memory_space<hbm>> -> memref<128xi32, #tpu.memory_space<hbm>>
        tpu.enqueue_dma source(%dma_start3A_1751 : memref<128xi32, #tpu.memory_space<hbm>>) target(%dma_start3A_1750 : memref<128xi32, #tpu.memory_space<vmem>>) target_semaphore(%dma_start3A_1747 : memref<!tpu.dma_semaphore, #tpu.memory_space<semaphore_mem>>)
      } else {
      }
      %mul3A_866 = arith.constant 2 : i32
      %mul3A_867 = arith.muli %add3A_748, %mul3A_866 : i32
      %add3A_868 = arith.constant 1 : i32
      %add3A_869 = arith.addi %mul3A_867, %add3A_868 : i32
      %dma_wait3A_870 = arith.constant 1 : i32
      %dma_wait3A_871 = arith.constant 1 : i32
      %dma_wait3A_872 = arith.constant 0 : i32
      %dma_wait3A_873 = tpu.memref_slice %arg11[%dma_wait3A_870, %dma_wait3A_872] : memref<4x128xi32, #tpu.memory_space<vmem>> -> memref<1x128xi32, #tpu.memory_space<vmem>>
      %dma_wait3A_874 = tpu.memref_squeeze %dma_wait3A_873 : memref<1x128xi32, #tpu.memory_space<vmem>> -> memref<128xi32, #tpu.memory_space<vmem>>
      %dma_wait3A_875 = arith.constant 0 : i32
      %dma_wait3A_876 = tpu.memref_slice %arg5[%dma_wait3A_875] : memref<327680xi32, #tpu.memory_space<hbm>> -> memref<128xi32, #tpu.memory_space<hbm>>
      %dma_wait3A_877 = tpu.memref_slice %arg26[%dma_wait3A_871] : memref<4x!tpu.dma_semaphore, #tpu.memory_space<semaphore_mem>> -> memref<1x!tpu.dma_semaphore, #tpu.memory_space<semaphore_mem>>
      %dma_wait3A_878 = tpu.memref_squeeze %dma_wait3A_877 : memref<1x!tpu.dma_semaphore, #tpu.memory_space<semaphore_mem>> -> memref<!tpu.dma_semaphore, #tpu.memory_space<semaphore_mem>>
      %dma_wait3A_879 = arith.constant 0 : i32
      %dma_wait3A_880 = tpu.memref_slice %arg11[%dma_wait3A_870, %dma_wait3A_879] : memref<4x128xi32, #tpu.memory_space<vmem>> -> memref<1x128xi32, #tpu.memory_space<vmem>>
      %dma_wait3A_881 = tpu.memref_squeeze %dma_wait3A_880 : memref<1x128xi32, #tpu.memory_space<vmem>> -> memref<128xi32, #tpu.memory_space<vmem>>
      %dma_wait3A_882 = arith.constant 0 : i32
      %dma_wait3A_883 = tpu.memref_slice %arg5[%dma_wait3A_882] : memref<327680xi32, #tpu.memory_space<hbm>> -> memref<128xi32, #tpu.memory_space<hbm>>
      tpu.wait_dma2 semaphore(%dma_wait3A_878 : memref<!tpu.dma_semaphore, #tpu.memory_space<semaphore_mem>>) src(%dma_wait3A_883 : memref<128xi32, #tpu.memory_space<hbm>>) dst(%dma_wait3A_881 : memref<128xi32, #tpu.memory_space<vmem>>)
      %dma_start3A_884 = arith.constant 1 : i32
      %dma_start3A_885 = arith.constant 1 : i32
      %dma_start3A_886 = arith.constant 0 : i32
      %dma_start3A_887 = tpu.memref_slice %arg11[%dma_start3A_884, %dma_start3A_886] : memref<4x128xi32, #tpu.memory_space<vmem>> -> memref<1x128xi32, #tpu.memory_space<vmem>>
      %dma_start3A_888 = tpu.memref_squeeze %dma_start3A_887 : memref<1x128xi32, #tpu.memory_space<vmem>> -> memref<128xi32, #tpu.memory_space<vmem>>
      %dma_start3A_889 = arith.constant 0 : i32
      %dma_start3A_890 = tpu.memref_slice %arg18[%dma_start3A_889] : memref<10240xf32, #tpu.memory_space<vmem_shared>> -> memref<10240xf32, #tpu.memory_space<vmem_shared>>
      %dma_start3A_891 = tpu.memref_slice %arg27[%dma_start3A_885] : memref<4x!tpu.dma_semaphore, #tpu.memory_space<semaphore_mem>> -> memref<1x!tpu.dma_semaphore, #tpu.memory_space<semaphore_mem>>
      %dma_start3A_892 = tpu.memref_squeeze %dma_start3A_891 : memref<1x!tpu.dma_semaphore, #tpu.memory_space<semaphore_mem>> -> memref<!tpu.dma_semaphore, #tpu.memory_space<semaphore_mem>>
      tpu.enqueue_indirect_dma source(%arg16 : memref<128xf32, #tpu.memory_space<vmem>>) target(%dma_start3A_890 : memref<10240xf32, #tpu.memory_space<vmem_shared>>) offsets(%dma_start3A_888 : memref<128xi32, #tpu.memory_space<vmem>>) semaphore(%dma_start3A_892 : memref<!tpu.dma_semaphore, #tpu.memory_space<semaphore_mem>>) {add = true}
      %ge3A_893 = arith.constant 2 : i32
      %ge3A_894 = arith.cmpi sge, %add3A_869, %ge3A_893 : i32
      %convert_element_type3A_895 = arith.extui %ge3A_894 : i1 to i32
      %cond3A_896 = arith.constant 0 : i32
      %cond3A_897 = arith.cmpi ne, %convert_element_type3A_895, %cond3A_896 : i32
      scf.if %cond3A_897 {
        %dma_wait3A_1735 = arith.constant 3 : i32
        %dma_wait3A_1736 = arith.constant 3 : i32
        %dma_wait3A_1737 = arith.constant 0 : i32
        %dma_wait3A_1738 = tpu.memref_slice %arg11[%dma_wait3A_1735, %dma_wait3A_1737] : memref<4x128xi32, #tpu.memory_space<vmem>> -> memref<1x128xi32, #tpu.memory_space<vmem>>
        %dma_wait3A_1739 = tpu.memref_squeeze %dma_wait3A_1738 : memref<1x128xi32, #tpu.memory_space<vmem>> -> memref<128xi32, #tpu.memory_space<vmem>>
        %dma_wait3A_1740 = arith.constant 0 : i32
        %dma_wait3A_1741 = tpu.memref_slice %arg18[%dma_wait3A_1740] : memref<10240xf32, #tpu.memory_space<vmem_shared>> -> memref<10240xf32, #tpu.memory_space<vmem_shared>>
        %dma_wait3A_1742 = tpu.memref_slice %arg27[%dma_wait3A_1736] : memref<4x!tpu.dma_semaphore, #tpu.memory_space<semaphore_mem>> -> memref<1x!tpu.dma_semaphore, #tpu.memory_space<semaphore_mem>>
        %dma_wait3A_1743 = tpu.memref_squeeze %dma_wait3A_1742 : memref<1x!tpu.dma_semaphore, #tpu.memory_space<semaphore_mem>> -> memref<!tpu.dma_semaphore, #tpu.memory_space<semaphore_mem>>
        tpu.wait_indirect_dma semaphore(%dma_wait3A_1743 : memref<!tpu.dma_semaphore, #tpu.memory_space<semaphore_mem>>) src(%arg16 : memref<128xf32, #tpu.memory_space<vmem>>) dst(%dma_wait3A_1741 : memref<10240xf32, #tpu.memory_space<vmem_shared>>)
      } else {
      }
      %add3A_898 = arith.constant 2 : i32
      %add3A_899 = arith.addi %add3A_869, %add3A_898 : i32
      %ge3A_900 = arith.constant 4 : i32
      %ge3A_901 = arith.cmpi sge, %add3A_899, %ge3A_900 : i32
      %add3A_902 = arith.constant 2 : i32
      %add3A_903 = arith.addi %add3A_869, %add3A_902 : i32
      %lt3A_904 = arith.constant 160 : i32
      %lt3A_905 = arith.cmpi slt, %add3A_903, %lt3A_904 : i32
      %and3A_906 = arith.andi %ge3A_901, %lt3A_905 : i1
      %convert_element_type3A_907 = arith.extui %and3A_906 : i1 to i32
      %cond3A_908 = arith.constant 0 : i32
      %cond3A_909 = arith.cmpi ne, %convert_element_type3A_907, %cond3A_908 : i32
      scf.if %cond3A_909 {
        %add3A_1735 = arith.constant 2 : i32
        %add3A_1736 = arith.addi %add3A_869, %add3A_1735 : i32
        %mul3A_1737 = arith.constant 128 : i32
        %mul3A_1738 = arith.muli %add3A_1736, %mul3A_1737 : i32
        %add3A_1739 = arith.addi %mul3A_69, %mul3A_1738 : i32
        %dma_start3A_1740 = arith.constant 3 : i32
        %dma_start3A_1741 = arith.constant 3 : i32
        %dma_start3A_1742 = arith.constant 0 : i32
        %dma_start3A_1743 = tpu.memref_slice %arg11[%dma_start3A_1740, %dma_start3A_1742] : memref<4x128xi32, #tpu.memory_space<vmem>> -> memref<1x128xi32, #tpu.memory_space<vmem>>
        %dma_start3A_1744 = tpu.memref_squeeze %dma_start3A_1743 : memref<1x128xi32, #tpu.memory_space<vmem>> -> memref<128xi32, #tpu.memory_space<vmem>>
        %dma_start3A_1745 = tpu.memref_slice %arg5[%add3A_1739] : memref<327680xi32, #tpu.memory_space<hbm>> -> memref<128xi32, #tpu.memory_space<hbm>>
        %dma_start3A_1746 = tpu.memref_slice %arg26[%dma_start3A_1741] : memref<4x!tpu.dma_semaphore, #tpu.memory_space<semaphore_mem>> -> memref<1x!tpu.dma_semaphore, #tpu.memory_space<semaphore_mem>>
        %dma_start3A_1747 = tpu.memref_squeeze %dma_start3A_1746 : memref<1x!tpu.dma_semaphore, #tpu.memory_space<semaphore_mem>> -> memref<!tpu.dma_semaphore, #tpu.memory_space<semaphore_mem>>
        %dma_start3A_1748 = arith.constant 0 : i32
        %dma_start3A_1749 = tpu.memref_slice %arg11[%dma_start3A_1740, %dma_start3A_1748] : memref<4x128xi32, #tpu.memory_space<vmem>> -> memref<1x128xi32, #tpu.memory_space<vmem>>
        %dma_start3A_1750 = tpu.memref_squeeze %dma_start3A_1749 : memref<1x128xi32, #tpu.memory_space<vmem>> -> memref<128xi32, #tpu.memory_space<vmem>>
        %dma_start3A_1751 = tpu.memref_slice %arg5[%add3A_1739] : memref<327680xi32, #tpu.memory_space<hbm>> -> memref<128xi32, #tpu.memory_space<hbm>>
        tpu.enqueue_dma source(%dma_start3A_1751 : memref<128xi32, #tpu.memory_space<hbm>>) target(%dma_start3A_1750 : memref<128xi32, #tpu.memory_space<vmem>>) target_semaphore(%dma_start3A_1747 : memref<!tpu.dma_semaphore, #tpu.memory_space<semaphore_mem>>)
      } else {
      }
      %mul3A_910 = arith.constant 8 : i32
      %mul3A_911 = arith.muli %scan3A_417, %mul3A_910 : i32
      %add3A_912 = arith.constant 3 : i32
      %add3A_913 = arith.addi %mul3A_911, %add3A_912 : i32
      %dma_wait3A_914 = arith.constant 3 : i32
      %dma_wait3A_915 = arith.constant 1 : i32
      %dma_wait3A_916 = arith.constant 1 : i32
      %dma_wait3A_917 = arith.constant 0 : i32
      %dma_wait3A_918 = arith.constant 0 : i32
      %dma_wait3A_919 = tpu.memref_slice %arg14[%dma_wait3A_915, %dma_wait3A_917, %dma_wait3A_918] : memref<2x128x128xf32, #tpu.memory_space<vmem>> -> memref<1x128x128xf32, #tpu.memory_space<vmem>>
      %dma_wait3A_920 = tpu.memref_squeeze %dma_wait3A_919 : memref<1x128x128xf32, #tpu.memory_space<vmem>> -> memref<128x128xf32, #tpu.memory_space<vmem>>
      %dma_wait3A_921 = arith.constant 0 : i32
      %dma_wait3A_922 = tpu.memref_slice %arg9[%dma_wait3A_914, %dma_wait3A_921] : memref<4x128xi32, #tpu.memory_space<vmem>> -> memref<1x128xi32, #tpu.memory_space<vmem>>
      %dma_wait3A_923 = tpu.memref_squeeze %dma_wait3A_922 : memref<1x128xi32, #tpu.memory_space<vmem>> -> memref<128xi32, #tpu.memory_space<vmem>>
      %dma_wait3A_924 = arith.constant 0 : i32
      %dma_wait3A_925 = arith.constant 0 : i32
      %dma_wait3A_926 = tpu.memref_slice %arg2[%dma_wait3A_924, %dma_wait3A_925] : memref<10000x128xf32, #tpu.memory_space<hbm>> -> memref<10000x128xf32, #tpu.memory_space<hbm>>
      %dma_wait3A_927 = tpu.memref_slice %arg24[%dma_wait3A_916] : memref<2x!tpu.dma_semaphore, #tpu.memory_space<semaphore_mem>> -> memref<1x!tpu.dma_semaphore, #tpu.memory_space<semaphore_mem>>
      %dma_wait3A_928 = tpu.memref_squeeze %dma_wait3A_927 : memref<1x!tpu.dma_semaphore, #tpu.memory_space<semaphore_mem>> -> memref<!tpu.dma_semaphore, #tpu.memory_space<semaphore_mem>>
      tpu.wait_indirect_dma semaphore(%dma_wait3A_928 : memref<!tpu.dma_semaphore, #tpu.memory_space<semaphore_mem>>) src(%dma_wait3A_926 : memref<10000x128xf32, #tpu.memory_space<hbm>>) dst(%dma_wait3A_920 : memref<128x128xf32, #tpu.memory_space<vmem>>)
      %dma_wait3A_929 = arith.constant 3 : i32
      %dma_wait3A_930 = arith.constant 3 : i32
      %dma_wait3A_931 = arith.constant 0 : i32
      %dma_wait3A_932 = tpu.memref_slice %arg10[%dma_wait3A_929, %dma_wait3A_931] : memref<4x128xi32, #tpu.memory_space<vmem>> -> memref<1x128xi32, #tpu.memory_space<vmem>>
      %dma_wait3A_933 = tpu.memref_squeeze %dma_wait3A_932 : memref<1x128xi32, #tpu.memory_space<vmem>> -> memref<128xi32, #tpu.memory_space<vmem>>
      %dma_wait3A_934 = arith.constant 0 : i32
      %dma_wait3A_935 = tpu.memref_slice %arg5[%dma_wait3A_934] : memref<327680xi32, #tpu.memory_space<hbm>> -> memref<128xi32, #tpu.memory_space<hbm>>
      %dma_wait3A_936 = tpu.memref_slice %arg23[%dma_wait3A_930] : memref<4x!tpu.dma_semaphore, #tpu.memory_space<semaphore_mem>> -> memref<1x!tpu.dma_semaphore, #tpu.memory_space<semaphore_mem>>
      %dma_wait3A_937 = tpu.memref_squeeze %dma_wait3A_936 : memref<1x!tpu.dma_semaphore, #tpu.memory_space<semaphore_mem>> -> memref<!tpu.dma_semaphore, #tpu.memory_space<semaphore_mem>>
      %dma_wait3A_938 = arith.constant 0 : i32
      %dma_wait3A_939 = tpu.memref_slice %arg10[%dma_wait3A_929, %dma_wait3A_938] : memref<4x128xi32, #tpu.memory_space<vmem>> -> memref<1x128xi32, #tpu.memory_space<vmem>>
      %dma_wait3A_940 = tpu.memref_squeeze %dma_wait3A_939 : memref<1x128xi32, #tpu.memory_space<vmem>> -> memref<128xi32, #tpu.memory_space<vmem>>
      %dma_wait3A_941 = arith.constant 0 : i32
      %dma_wait3A_942 = tpu.memref_slice %arg5[%dma_wait3A_941] : memref<327680xi32, #tpu.memory_space<hbm>> -> memref<128xi32, #tpu.memory_space<hbm>>
      tpu.wait_dma2 semaphore(%dma_wait3A_937 : memref<!tpu.dma_semaphore, #tpu.memory_space<semaphore_mem>>) src(%dma_wait3A_942 : memref<128xi32, #tpu.memory_space<hbm>>) dst(%dma_wait3A_940 : memref<128xi32, #tpu.memory_space<vmem>>)
      %dma_start3A_943 = arith.constant 1 : i32
      %dma_start3A_944 = arith.constant 3 : i32
      %dma_start3A_945 = arith.constant 1 : i32
      %dma_start3A_946 = arith.constant 0 : i32
      %dma_start3A_947 = arith.constant 0 : i32
      %dma_start3A_948 = tpu.memref_slice %arg14[%dma_start3A_943, %dma_start3A_946, %dma_start3A_947] : memref<2x128x128xf32, #tpu.memory_space<vmem>> -> memref<1x128x128xf32, #tpu.memory_space<vmem>>
      %dma_start3A_949 = tpu.memref_squeeze %dma_start3A_948 : memref<1x128x128xf32, #tpu.memory_space<vmem>> -> memref<128x128xf32, #tpu.memory_space<vmem>>
      %dma_start3A_950 = arith.constant 0 : i32
      %dma_start3A_951 = tpu.memref_slice %arg10[%dma_start3A_944, %dma_start3A_950] : memref<4x128xi32, #tpu.memory_space<vmem>> -> memref<1x128xi32, #tpu.memory_space<vmem>>
      %dma_start3A_952 = tpu.memref_squeeze %dma_start3A_951 : memref<1x128xi32, #tpu.memory_space<vmem>> -> memref<128xi32, #tpu.memory_space<vmem>>
      %dma_start3A_953 = arith.constant 0 : i32
      %dma_start3A_954 = arith.constant 0 : i32
      %dma_start3A_955 = tpu.memref_slice %arg21[%dma_start3A_953, %dma_start3A_954] : memref<10240x128xf32, #tpu.memory_space<vmem_shared>> -> memref<10240x128xf32, #tpu.memory_space<vmem_shared>>
      %dma_start3A_956 = tpu.memref_slice %arg25[%dma_start3A_945] : memref<2x!tpu.dma_semaphore, #tpu.memory_space<semaphore_mem>> -> memref<1x!tpu.dma_semaphore, #tpu.memory_space<semaphore_mem>>
      %dma_start3A_957 = tpu.memref_squeeze %dma_start3A_956 : memref<1x!tpu.dma_semaphore, #tpu.memory_space<semaphore_mem>> -> memref<!tpu.dma_semaphore, #tpu.memory_space<semaphore_mem>>
      tpu.enqueue_indirect_dma source(%dma_start3A_949 : memref<128x128xf32, #tpu.memory_space<vmem>>) target(%dma_start3A_955 : memref<10240x128xf32, #tpu.memory_space<vmem_shared>>) offsets(%dma_start3A_952 : memref<128xi32, #tpu.memory_space<vmem>>) semaphore(%dma_start3A_957 : memref<!tpu.dma_semaphore, #tpu.memory_space<semaphore_mem>>) {add = true}
      %dma_wait3A_958 = arith.constant 1 : i32
      %dma_wait3A_959 = arith.constant 3 : i32
      %dma_wait3A_960 = arith.constant 1 : i32
      %dma_wait3A_961 = arith.constant 0 : i32
      %dma_wait3A_962 = arith.constant 0 : i32
      %dma_wait3A_963 = tpu.memref_slice %arg14[%dma_wait3A_958, %dma_wait3A_961, %dma_wait3A_962] : memref<2x128x128xf32, #tpu.memory_space<vmem>> -> memref<1x128x128xf32, #tpu.memory_space<vmem>>
      %dma_wait3A_964 = tpu.memref_squeeze %dma_wait3A_963 : memref<1x128x128xf32, #tpu.memory_space<vmem>> -> memref<128x128xf32, #tpu.memory_space<vmem>>
      %dma_wait3A_965 = arith.constant 0 : i32
      %dma_wait3A_966 = tpu.memref_slice %arg10[%dma_wait3A_959, %dma_wait3A_965] : memref<4x128xi32, #tpu.memory_space<vmem>> -> memref<1x128xi32, #tpu.memory_space<vmem>>
      %dma_wait3A_967 = tpu.memref_squeeze %dma_wait3A_966 : memref<1x128xi32, #tpu.memory_space<vmem>> -> memref<128xi32, #tpu.memory_space<vmem>>
      %dma_wait3A_968 = arith.constant 0 : i32
      %dma_wait3A_969 = arith.constant 0 : i32
      %dma_wait3A_970 = tpu.memref_slice %arg21[%dma_wait3A_968, %dma_wait3A_969] : memref<10240x128xf32, #tpu.memory_space<vmem_shared>> -> memref<10240x128xf32, #tpu.memory_space<vmem_shared>>
      %dma_wait3A_971 = tpu.memref_slice %arg25[%dma_wait3A_960] : memref<2x!tpu.dma_semaphore, #tpu.memory_space<semaphore_mem>> -> memref<1x!tpu.dma_semaphore, #tpu.memory_space<semaphore_mem>>
      %dma_wait3A_972 = tpu.memref_squeeze %dma_wait3A_971 : memref<1x!tpu.dma_semaphore, #tpu.memory_space<semaphore_mem>> -> memref<!tpu.dma_semaphore, #tpu.memory_space<semaphore_mem>>
      tpu.wait_indirect_dma semaphore(%dma_wait3A_972 : memref<!tpu.dma_semaphore, #tpu.memory_space<semaphore_mem>>) src(%dma_wait3A_964 : memref<128x128xf32, #tpu.memory_space<vmem>>) dst(%dma_wait3A_970 : memref<10240x128xf32, #tpu.memory_space<vmem_shared>>)
      %add3A_973 = arith.constant 4 : i32
      %add3A_974 = arith.addi %add3A_913, %add3A_973 : i32
      %lt3A_975 = arith.constant 80 : i32
      %lt3A_976 = arith.cmpi slt, %add3A_974, %lt3A_975 : i32
      %convert_element_type3A_977 = arith.extui %lt3A_976 : i1 to i32
      %cond3A_978 = arith.constant 0 : i32
      %cond3A_979 = arith.cmpi ne, %convert_element_type3A_977, %cond3A_978 : i32
      scf.if %cond3A_979 {
        %add3A_1735 = arith.constant 4 : i32
        %add3A_1736 = arith.addi %add3A_913, %add3A_1735 : i32
        %mul3A_1737 = arith.constant 128 : i32
        %mul3A_1738 = arith.muli %add3A_1736, %mul3A_1737 : i32
        %add3A_1739 = arith.addi %mul3A_65, %mul3A_1738 : i32
        %dma_start3A_1740 = arith.constant 3 : i32
        %dma_start3A_1741 = arith.constant 3 : i32
        %dma_start3A_1742 = arith.constant 0 : i32
        %dma_start3A_1743 = tpu.memref_slice %arg9[%dma_start3A_1740, %dma_start3A_1742] : memref<4x128xi32, #tpu.memory_space<vmem>> -> memref<1x128xi32, #tpu.memory_space<vmem>>
        %dma_start3A_1744 = tpu.memref_squeeze %dma_start3A_1743 : memref<1x128xi32, #tpu.memory_space<vmem>> -> memref<128xi32, #tpu.memory_space<vmem>>
        %dma_start3A_1745 = tpu.memref_slice %arg3[%add3A_1739] : memref<327680xi32, #tpu.memory_space<hbm>> -> memref<128xi32, #tpu.memory_space<hbm>>
        %dma_start3A_1746 = tpu.memref_slice %arg22[%dma_start3A_1741] : memref<4x!tpu.dma_semaphore, #tpu.memory_space<semaphore_mem>> -> memref<1x!tpu.dma_semaphore, #tpu.memory_space<semaphore_mem>>
        %dma_start3A_1747 = tpu.memref_squeeze %dma_start3A_1746 : memref<1x!tpu.dma_semaphore, #tpu.memory_space<semaphore_mem>> -> memref<!tpu.dma_semaphore, #tpu.memory_space<semaphore_mem>>
        %dma_start3A_1748 = arith.constant 0 : i32
        %dma_start3A_1749 = tpu.memref_slice %arg9[%dma_start3A_1740, %dma_start3A_1748] : memref<4x128xi32, #tpu.memory_space<vmem>> -> memref<1x128xi32, #tpu.memory_space<vmem>>
        %dma_start3A_1750 = tpu.memref_squeeze %dma_start3A_1749 : memref<1x128xi32, #tpu.memory_space<vmem>> -> memref<128xi32, #tpu.memory_space<vmem>>
        %dma_start3A_1751 = tpu.memref_slice %arg3[%add3A_1739] : memref<327680xi32, #tpu.memory_space<hbm>> -> memref<128xi32, #tpu.memory_space<hbm>>
        tpu.enqueue_dma source(%dma_start3A_1751 : memref<128xi32, #tpu.memory_space<hbm>>) target(%dma_start3A_1750 : memref<128xi32, #tpu.memory_space<vmem>>) target_semaphore(%dma_start3A_1747 : memref<!tpu.dma_semaphore, #tpu.memory_space<semaphore_mem>>)
        %add3A_1752 = arith.constant 4 : i32
        %add3A_1753 = arith.addi %add3A_913, %add3A_1752 : i32
        %mul3A_1754 = arith.constant 128 : i32
        %mul3A_1755 = arith.muli %add3A_1753, %mul3A_1754 : i32
        %add3A_1756 = arith.addi %mul3A_65, %mul3A_1755 : i32
        %dma_start3A_1757 = arith.constant 3 : i32
        %dma_start3A_1758 = arith.constant 3 : i32
        %dma_start3A_1759 = arith.constant 0 : i32
        %dma_start3A_1760 = tpu.memref_slice %arg10[%dma_start3A_1757, %dma_start3A_1759] : memref<4x128xi32, #tpu.memory_space<vmem>> -> memref<1x128xi32, #tpu.memory_space<vmem>>
        %dma_start3A_1761 = tpu.memref_squeeze %dma_start3A_1760 : memref<1x128xi32, #tpu.memory_space<vmem>> -> memref<128xi32, #tpu.memory_space<vmem>>
        %dma_start3A_1762 = tpu.memref_slice %arg5[%add3A_1756] : memref<327680xi32, #tpu.memory_space<hbm>> -> memref<128xi32, #tpu.memory_space<hbm>>
        %dma_start3A_1763 = tpu.memref_slice %arg23[%dma_start3A_1758] : memref<4x!tpu.dma_semaphore, #tpu.memory_space<semaphore_mem>> -> memref<1x!tpu.dma_semaphore, #tpu.memory_space<semaphore_mem>>
        %dma_start3A_1764 = tpu.memref_squeeze %dma_start3A_1763 : memref<1x!tpu.dma_semaphore, #tpu.memory_space<semaphore_mem>> -> memref<!tpu.dma_semaphore, #tpu.memory_space<semaphore_mem>>
        %dma_start3A_1765 = arith.constant 0 : i32
        %dma_start3A_1766 = tpu.memref_slice %arg10[%dma_start3A_1757, %dma_start3A_1765] : memref<4x128xi32, #tpu.memory_space<vmem>> -> memref<1x128xi32, #tpu.memory_space<vmem>>
        %dma_start3A_1767 = tpu.memref_squeeze %dma_start3A_1766 : memref<1x128xi32, #tpu.memory_space<vmem>> -> memref<128xi32, #tpu.memory_space<vmem>>
        %dma_start3A_1768 = tpu.memref_slice %arg5[%add3A_1756] : memref<327680xi32, #tpu.memory_space<hbm>> -> memref<128xi32, #tpu.memory_space<hbm>>
        tpu.enqueue_dma source(%dma_start3A_1768 : memref<128xi32, #tpu.memory_space<hbm>>) target(%dma_start3A_1767 : memref<128xi32, #tpu.memory_space<vmem>>) target_semaphore(%dma_start3A_1764 : memref<!tpu.dma_semaphore, #tpu.memory_space<semaphore_mem>>)
      } else {
      }
      %add3A_980 = arith.constant 2 : i32
      %add3A_981 = arith.addi %add3A_913, %add3A_980 : i32
      %lt3A_982 = arith.constant 80 : i32
      %lt3A_983 = arith.cmpi slt, %add3A_981, %lt3A_982 : i32
      %convert_element_type3A_984 = arith.extui %lt3A_983 : i1 to i32
      %cond3A_985 = arith.constant 0 : i32
      %cond3A_986 = arith.cmpi ne, %convert_element_type3A_984, %cond3A_985 : i32
      scf.if %cond3A_986 {
        %dma_wait3A_1735 = arith.constant 1 : i32
        %dma_wait3A_1736 = arith.constant 1 : i32
        %dma_wait3A_1737 = arith.constant 0 : i32
        %dma_wait3A_1738 = tpu.memref_slice %arg9[%dma_wait3A_1735, %dma_wait3A_1737] : memref<4x128xi32, #tpu.memory_space<vmem>> -> memref<1x128xi32, #tpu.memory_space<vmem>>
        %dma_wait3A_1739 = tpu.memref_squeeze %dma_wait3A_1738 : memref<1x128xi32, #tpu.memory_space<vmem>> -> memref<128xi32, #tpu.memory_space<vmem>>
        %dma_wait3A_1740 = arith.constant 0 : i32
        %dma_wait3A_1741 = tpu.memref_slice %arg3[%dma_wait3A_1740] : memref<327680xi32, #tpu.memory_space<hbm>> -> memref<128xi32, #tpu.memory_space<hbm>>
        %dma_wait3A_1742 = tpu.memref_slice %arg22[%dma_wait3A_1736] : memref<4x!tpu.dma_semaphore, #tpu.memory_space<semaphore_mem>> -> memref<1x!tpu.dma_semaphore, #tpu.memory_space<semaphore_mem>>
        %dma_wait3A_1743 = tpu.memref_squeeze %dma_wait3A_1742 : memref<1x!tpu.dma_semaphore, #tpu.memory_space<semaphore_mem>> -> memref<!tpu.dma_semaphore, #tpu.memory_space<semaphore_mem>>
        %dma_wait3A_1744 = arith.constant 0 : i32
        %dma_wait3A_1745 = tpu.memref_slice %arg9[%dma_wait3A_1735, %dma_wait3A_1744] : memref<4x128xi32, #tpu.memory_space<vmem>> -> memref<1x128xi32, #tpu.memory_space<vmem>>
        %dma_wait3A_1746 = tpu.memref_squeeze %dma_wait3A_1745 : memref<1x128xi32, #tpu.memory_space<vmem>> -> memref<128xi32, #tpu.memory_space<vmem>>
        %dma_wait3A_1747 = arith.constant 0 : i32
        %dma_wait3A_1748 = tpu.memref_slice %arg3[%dma_wait3A_1747] : memref<327680xi32, #tpu.memory_space<hbm>> -> memref<128xi32, #tpu.memory_space<hbm>>
        tpu.wait_dma2 semaphore(%dma_wait3A_1743 : memref<!tpu.dma_semaphore, #tpu.memory_space<semaphore_mem>>) src(%dma_wait3A_1748 : memref<128xi32, #tpu.memory_space<hbm>>) dst(%dma_wait3A_1746 : memref<128xi32, #tpu.memory_space<vmem>>)
        %dma_start3A_1749 = arith.constant 1 : i32
        %dma_start3A_1750 = arith.constant 1 : i32
        %dma_start3A_1751 = arith.constant 1 : i32
        %dma_start3A_1752 = arith.constant 0 : i32
        %dma_start3A_1753 = arith.constant 0 : i32
        %dma_start3A_1754 = tpu.memref_slice %arg14[%dma_start3A_1750, %dma_start3A_1752, %dma_start3A_1753] : memref<2x128x128xf32, #tpu.memory_space<vmem>> -> memref<1x128x128xf32, #tpu.memory_space<vmem>>
        %dma_start3A_1755 = tpu.memref_squeeze %dma_start3A_1754 : memref<1x128x128xf32, #tpu.memory_space<vmem>> -> memref<128x128xf32, #tpu.memory_space<vmem>>
        %dma_start3A_1756 = arith.constant 0 : i32
        %dma_start3A_1757 = tpu.memref_slice %arg9[%dma_start3A_1749, %dma_start3A_1756] : memref<4x128xi32, #tpu.memory_space<vmem>> -> memref<1x128xi32, #tpu.memory_space<vmem>>
        %dma_start3A_1758 = tpu.memref_squeeze %dma_start3A_1757 : memref<1x128xi32, #tpu.memory_space<vmem>> -> memref<128xi32, #tpu.memory_space<vmem>>
        %dma_start3A_1759 = arith.constant 0 : i32
        %dma_start3A_1760 = arith.constant 0 : i32
        %dma_start3A_1761 = tpu.memref_slice %arg2[%dma_start3A_1759, %dma_start3A_1760] : memref<10000x128xf32, #tpu.memory_space<hbm>> -> memref<10000x128xf32, #tpu.memory_space<hbm>>
        %dma_start3A_1762 = tpu.memref_slice %arg24[%dma_start3A_1751] : memref<2x!tpu.dma_semaphore, #tpu.memory_space<semaphore_mem>> -> memref<1x!tpu.dma_semaphore, #tpu.memory_space<semaphore_mem>>
        %dma_start3A_1763 = tpu.memref_squeeze %dma_start3A_1762 : memref<1x!tpu.dma_semaphore, #tpu.memory_space<semaphore_mem>> -> memref<!tpu.dma_semaphore, #tpu.memory_space<semaphore_mem>>
        tpu.enqueue_indirect_dma source(%dma_start3A_1761 : memref<10000x128xf32, #tpu.memory_space<hbm>>) target(%dma_start3A_1755 : memref<128x128xf32, #tpu.memory_space<vmem>>) offsets(%dma_start3A_1758 : memref<128xi32, #tpu.memory_space<vmem>>) semaphore(%dma_start3A_1763 : memref<!tpu.dma_semaphore, #tpu.memory_space<semaphore_mem>>)
      } else {
      }
      %mul3A_987 = arith.constant 2 : i32
      %mul3A_988 = arith.muli %add3A_913, %mul3A_987 : i32
      %add3A_989 = arith.constant 0 : i32
      %add3A_990 = arith.addi %mul3A_988, %add3A_989 : i32
      %dma_wait3A_991 = arith.constant 2 : i32
      %dma_wait3A_992 = arith.constant 2 : i32
      %dma_wait3A_993 = arith.constant 0 : i32
      %dma_wait3A_994 = tpu.memref_slice %arg11[%dma_wait3A_991, %dma_wait3A_993] : memref<4x128xi32, #tpu.memory_space<vmem>> -> memref<1x128xi32, #tpu.memory_space<vmem>>
      %dma_wait3A_995 = tpu.memref_squeeze %dma_wait3A_994 : memref<1x128xi32, #tpu.memory_space<vmem>> -> memref<128xi32, #tpu.memory_space<vmem>>
      %dma_wait3A_996 = arith.constant 0 : i32
      %dma_wait3A_997 = tpu.memref_slice %arg5[%dma_wait3A_996] : memref<327680xi32, #tpu.memory_space<hbm>> -> memref<128xi32, #tpu.memory_space<hbm>>
      %dma_wait3A_998 = tpu.memref_slice %arg26[%dma_wait3A_992] : memref<4x!tpu.dma_semaphore, #tpu.memory_space<semaphore_mem>> -> memref<1x!tpu.dma_semaphore, #tpu.memory_space<semaphore_mem>>
      %dma_wait3A_999 = tpu.memref_squeeze %dma_wait3A_998 : memref<1x!tpu.dma_semaphore, #tpu.memory_space<semaphore_mem>> -> memref<!tpu.dma_semaphore, #tpu.memory_space<semaphore_mem>>
      %dma_wait3A_1000 = arith.constant 0 : i32
      %dma_wait3A_1001 = tpu.memref_slice %arg11[%dma_wait3A_991, %dma_wait3A_1000] : memref<4x128xi32, #tpu.memory_space<vmem>> -> memref<1x128xi32, #tpu.memory_space<vmem>>
      %dma_wait3A_1002 = tpu.memref_squeeze %dma_wait3A_1001 : memref<1x128xi32, #tpu.memory_space<vmem>> -> memref<128xi32, #tpu.memory_space<vmem>>
      %dma_wait3A_1003 = arith.constant 0 : i32
      %dma_wait3A_1004 = tpu.memref_slice %arg5[%dma_wait3A_1003] : memref<327680xi32, #tpu.memory_space<hbm>> -> memref<128xi32, #tpu.memory_space<hbm>>
      tpu.wait_dma2 semaphore(%dma_wait3A_999 : memref<!tpu.dma_semaphore, #tpu.memory_space<semaphore_mem>>) src(%dma_wait3A_1004 : memref<128xi32, #tpu.memory_space<hbm>>) dst(%dma_wait3A_1002 : memref<128xi32, #tpu.memory_space<vmem>>)
      %dma_start3A_1005 = arith.constant 2 : i32
      %dma_start3A_1006 = arith.constant 2 : i32
      %dma_start3A_1007 = arith.constant 0 : i32
      %dma_start3A_1008 = tpu.memref_slice %arg11[%dma_start3A_1005, %dma_start3A_1007] : memref<4x128xi32, #tpu.memory_space<vmem>> -> memref<1x128xi32, #tpu.memory_space<vmem>>
      %dma_start3A_1009 = tpu.memref_squeeze %dma_start3A_1008 : memref<1x128xi32, #tpu.memory_space<vmem>> -> memref<128xi32, #tpu.memory_space<vmem>>
      %dma_start3A_1010 = arith.constant 0 : i32
      %dma_start3A_1011 = tpu.memref_slice %arg18[%dma_start3A_1010] : memref<10240xf32, #tpu.memory_space<vmem_shared>> -> memref<10240xf32, #tpu.memory_space<vmem_shared>>
      %dma_start3A_1012 = tpu.memref_slice %arg27[%dma_start3A_1006] : memref<4x!tpu.dma_semaphore, #tpu.memory_space<semaphore_mem>> -> memref<1x!tpu.dma_semaphore, #tpu.memory_space<semaphore_mem>>
      %dma_start3A_1013 = tpu.memref_squeeze %dma_start3A_1012 : memref<1x!tpu.dma_semaphore, #tpu.memory_space<semaphore_mem>> -> memref<!tpu.dma_semaphore, #tpu.memory_space<semaphore_mem>>
      tpu.enqueue_indirect_dma source(%arg16 : memref<128xf32, #tpu.memory_space<vmem>>) target(%dma_start3A_1011 : memref<10240xf32, #tpu.memory_space<vmem_shared>>) offsets(%dma_start3A_1009 : memref<128xi32, #tpu.memory_space<vmem>>) semaphore(%dma_start3A_1013 : memref<!tpu.dma_semaphore, #tpu.memory_space<semaphore_mem>>) {add = true}
      %ge3A_1014 = arith.constant 2 : i32
      %ge3A_1015 = arith.cmpi sge, %add3A_990, %ge3A_1014 : i32
      %convert_element_type3A_1016 = arith.extui %ge3A_1015 : i1 to i32
      %cond3A_1017 = arith.constant 0 : i32
      %cond3A_1018 = arith.cmpi ne, %convert_element_type3A_1016, %cond3A_1017 : i32
      scf.if %cond3A_1018 {
        %dma_wait3A_1735 = arith.constant 0 : i32
        %dma_wait3A_1736 = arith.constant 0 : i32
        %dma_wait3A_1737 = arith.constant 0 : i32
        %dma_wait3A_1738 = tpu.memref_slice %arg11[%dma_wait3A_1735, %dma_wait3A_1737] : memref<4x128xi32, #tpu.memory_space<vmem>> -> memref<1x128xi32, #tpu.memory_space<vmem>>
        %dma_wait3A_1739 = tpu.memref_squeeze %dma_wait3A_1738 : memref<1x128xi32, #tpu.memory_space<vmem>> -> memref<128xi32, #tpu.memory_space<vmem>>
        %dma_wait3A_1740 = arith.constant 0 : i32
        %dma_wait3A_1741 = tpu.memref_slice %arg18[%dma_wait3A_1740] : memref<10240xf32, #tpu.memory_space<vmem_shared>> -> memref<10240xf32, #tpu.memory_space<vmem_shared>>
        %dma_wait3A_1742 = tpu.memref_slice %arg27[%dma_wait3A_1736] : memref<4x!tpu.dma_semaphore, #tpu.memory_space<semaphore_mem>> -> memref<1x!tpu.dma_semaphore, #tpu.memory_space<semaphore_mem>>
        %dma_wait3A_1743 = tpu.memref_squeeze %dma_wait3A_1742 : memref<1x!tpu.dma_semaphore, #tpu.memory_space<semaphore_mem>> -> memref<!tpu.dma_semaphore, #tpu.memory_space<semaphore_mem>>
        tpu.wait_indirect_dma semaphore(%dma_wait3A_1743 : memref<!tpu.dma_semaphore, #tpu.memory_space<semaphore_mem>>) src(%arg16 : memref<128xf32, #tpu.memory_space<vmem>>) dst(%dma_wait3A_1741 : memref<10240xf32, #tpu.memory_space<vmem_shared>>)
      } else {
      }
      %add3A_1019 = arith.constant 2 : i32
      %add3A_1020 = arith.addi %add3A_990, %add3A_1019 : i32
      %ge3A_1021 = arith.constant 4 : i32
      %ge3A_1022 = arith.cmpi sge, %add3A_1020, %ge3A_1021 : i32
      %add3A_1023 = arith.constant 2 : i32
      %add3A_1024 = arith.addi %add3A_990, %add3A_1023 : i32
      %lt3A_1025 = arith.constant 160 : i32
      %lt3A_1026 = arith.cmpi slt, %add3A_1024, %lt3A_1025 : i32
      %and3A_1027 = arith.andi %ge3A_1022, %lt3A_1026 : i1
      %convert_element_type3A_1028 = arith.extui %and3A_1027 : i1 to i32
      %cond3A_1029 = arith.constant 0 : i32
      %cond3A_1030 = arith.cmpi ne, %convert_element_type3A_1028, %cond3A_1029 : i32
      scf.if %cond3A_1030 {
        %add3A_1735 = arith.constant 2 : i32
        %add3A_1736 = arith.addi %add3A_990, %add3A_1735 : i32
        %mul3A_1737 = arith.constant 128 : i32
        %mul3A_1738 = arith.muli %add3A_1736, %mul3A_1737 : i32
        %add3A_1739 = arith.addi %mul3A_69, %mul3A_1738 : i32
        %dma_start3A_1740 = arith.constant 0 : i32
        %dma_start3A_1741 = arith.constant 0 : i32
        %dma_start3A_1742 = arith.constant 0 : i32
        %dma_start3A_1743 = tpu.memref_slice %arg11[%dma_start3A_1740, %dma_start3A_1742] : memref<4x128xi32, #tpu.memory_space<vmem>> -> memref<1x128xi32, #tpu.memory_space<vmem>>
        %dma_start3A_1744 = tpu.memref_squeeze %dma_start3A_1743 : memref<1x128xi32, #tpu.memory_space<vmem>> -> memref<128xi32, #tpu.memory_space<vmem>>
        %dma_start3A_1745 = tpu.memref_slice %arg5[%add3A_1739] : memref<327680xi32, #tpu.memory_space<hbm>> -> memref<128xi32, #tpu.memory_space<hbm>>
        %dma_start3A_1746 = tpu.memref_slice %arg26[%dma_start3A_1741] : memref<4x!tpu.dma_semaphore, #tpu.memory_space<semaphore_mem>> -> memref<1x!tpu.dma_semaphore, #tpu.memory_space<semaphore_mem>>
        %dma_start3A_1747 = tpu.memref_squeeze %dma_start3A_1746 : memref<1x!tpu.dma_semaphore, #tpu.memory_space<semaphore_mem>> -> memref<!tpu.dma_semaphore, #tpu.memory_space<semaphore_mem>>
        %dma_start3A_1748 = arith.constant 0 : i32
        %dma_start3A_1749 = tpu.memref_slice %arg11[%dma_start3A_1740, %dma_start3A_1748] : memref<4x128xi32, #tpu.memory_space<vmem>> -> memref<1x128xi32, #tpu.memory_space<vmem>>
        %dma_start3A_1750 = tpu.memref_squeeze %dma_start3A_1749 : memref<1x128xi32, #tpu.memory_space<vmem>> -> memref<128xi32, #tpu.memory_space<vmem>>
        %dma_start3A_1751 = tpu.memref_slice %arg5[%add3A_1739] : memref<327680xi32, #tpu.memory_space<hbm>> -> memref<128xi32, #tpu.memory_space<hbm>>
        tpu.enqueue_dma source(%dma_start3A_1751 : memref<128xi32, #tpu.memory_space<hbm>>) target(%dma_start3A_1750 : memref<128xi32, #tpu.memory_space<vmem>>) target_semaphore(%dma_start3A_1747 : memref<!tpu.dma_semaphore, #tpu.memory_space<semaphore_mem>>)
      } else {
      }
      %mul3A_1031 = arith.constant 2 : i32
      %mul3A_1032 = arith.muli %add3A_913, %mul3A_1031 : i32
      %add3A_1033 = arith.constant 1 : i32
      %add3A_1034 = arith.addi %mul3A_1032, %add3A_1033 : i32
      %dma_wait3A_1035 = arith.constant 3 : i32
      %dma_wait3A_1036 = arith.constant 3 : i32
      %dma_wait3A_1037 = arith.constant 0 : i32
      %dma_wait3A_1038 = tpu.memref_slice %arg11[%dma_wait3A_1035, %dma_wait3A_1037] : memref<4x128xi32, #tpu.memory_space<vmem>> -> memref<1x128xi32, #tpu.memory_space<vmem>>
      %dma_wait3A_1039 = tpu.memref_squeeze %dma_wait3A_1038 : memref<1x128xi32, #tpu.memory_space<vmem>> -> memref<128xi32, #tpu.memory_space<vmem>>
      %dma_wait3A_1040 = arith.constant 0 : i32
      %dma_wait3A_1041 = tpu.memref_slice %arg5[%dma_wait3A_1040] : memref<327680xi32, #tpu.memory_space<hbm>> -> memref<128xi32, #tpu.memory_space<hbm>>
      %dma_wait3A_1042 = tpu.memref_slice %arg26[%dma_wait3A_1036] : memref<4x!tpu.dma_semaphore, #tpu.memory_space<semaphore_mem>> -> memref<1x!tpu.dma_semaphore, #tpu.memory_space<semaphore_mem>>
      %dma_wait3A_1043 = tpu.memref_squeeze %dma_wait3A_1042 : memref<1x!tpu.dma_semaphore, #tpu.memory_space<semaphore_mem>> -> memref<!tpu.dma_semaphore, #tpu.memory_space<semaphore_mem>>
      %dma_wait3A_1044 = arith.constant 0 : i32
      %dma_wait3A_1045 = tpu.memref_slice %arg11[%dma_wait3A_1035, %dma_wait3A_1044] : memref<4x128xi32, #tpu.memory_space<vmem>> -> memref<1x128xi32, #tpu.memory_space<vmem>>
      %dma_wait3A_1046 = tpu.memref_squeeze %dma_wait3A_1045 : memref<1x128xi32, #tpu.memory_space<vmem>> -> memref<128xi32, #tpu.memory_space<vmem>>
      %dma_wait3A_1047 = arith.constant 0 : i32
      %dma_wait3A_1048 = tpu.memref_slice %arg5[%dma_wait3A_1047] : memref<327680xi32, #tpu.memory_space<hbm>> -> memref<128xi32, #tpu.memory_space<hbm>>
      tpu.wait_dma2 semaphore(%dma_wait3A_1043 : memref<!tpu.dma_semaphore, #tpu.memory_space<semaphore_mem>>) src(%dma_wait3A_1048 : memref<128xi32, #tpu.memory_space<hbm>>) dst(%dma_wait3A_1046 : memref<128xi32, #tpu.memory_space<vmem>>)
      %dma_start3A_1049 = arith.constant 3 : i32
      %dma_start3A_1050 = arith.constant 3 : i32
      %dma_start3A_1051 = arith.constant 0 : i32
      %dma_start3A_1052 = tpu.memref_slice %arg11[%dma_start3A_1049, %dma_start3A_1051] : memref<4x128xi32, #tpu.memory_space<vmem>> -> memref<1x128xi32, #tpu.memory_space<vmem>>
      %dma_start3A_1053 = tpu.memref_squeeze %dma_start3A_1052 : memref<1x128xi32, #tpu.memory_space<vmem>> -> memref<128xi32, #tpu.memory_space<vmem>>
      %dma_start3A_1054 = arith.constant 0 : i32
      %dma_start3A_1055 = tpu.memref_slice %arg18[%dma_start3A_1054] : memref<10240xf32, #tpu.memory_space<vmem_shared>> -> memref<10240xf32, #tpu.memory_space<vmem_shared>>
      %dma_start3A_1056 = tpu.memref_slice %arg27[%dma_start3A_1050] : memref<4x!tpu.dma_semaphore, #tpu.memory_space<semaphore_mem>> -> memref<1x!tpu.dma_semaphore, #tpu.memory_space<semaphore_mem>>
      %dma_start3A_1057 = tpu.memref_squeeze %dma_start3A_1056 : memref<1x!tpu.dma_semaphore, #tpu.memory_space<semaphore_mem>> -> memref<!tpu.dma_semaphore, #tpu.memory_space<semaphore_mem>>
      tpu.enqueue_indirect_dma source(%arg16 : memref<128xf32, #tpu.memory_space<vmem>>) target(%dma_start3A_1055 : memref<10240xf32, #tpu.memory_space<vmem_shared>>) offsets(%dma_start3A_1053 : memref<128xi32, #tpu.memory_space<vmem>>) semaphore(%dma_start3A_1057 : memref<!tpu.dma_semaphore, #tpu.memory_space<semaphore_mem>>) {add = true}
      %ge3A_1058 = arith.constant 2 : i32
      %ge3A_1059 = arith.cmpi sge, %add3A_1034, %ge3A_1058 : i32
      %convert_element_type3A_1060 = arith.extui %ge3A_1059 : i1 to i32
      %cond3A_1061 = arith.constant 0 : i32
      %cond3A_1062 = arith.cmpi ne, %convert_element_type3A_1060, %cond3A_1061 : i32
      scf.if %cond3A_1062 {
        %dma_wait3A_1735 = arith.constant 1 : i32
        %dma_wait3A_1736 = arith.constant 1 : i32
        %dma_wait3A_1737 = arith.constant 0 : i32
        %dma_wait3A_1738 = tpu.memref_slice %arg11[%dma_wait3A_1735, %dma_wait3A_1737] : memref<4x128xi32, #tpu.memory_space<vmem>> -> memref<1x128xi32, #tpu.memory_space<vmem>>
        %dma_wait3A_1739 = tpu.memref_squeeze %dma_wait3A_1738 : memref<1x128xi32, #tpu.memory_space<vmem>> -> memref<128xi32, #tpu.memory_space<vmem>>
        %dma_wait3A_1740 = arith.constant 0 : i32
        %dma_wait3A_1741 = tpu.memref_slice %arg18[%dma_wait3A_1740] : memref<10240xf32, #tpu.memory_space<vmem_shared>> -> memref<10240xf32, #tpu.memory_space<vmem_shared>>
        %dma_wait3A_1742 = tpu.memref_slice %arg27[%dma_wait3A_1736] : memref<4x!tpu.dma_semaphore, #tpu.memory_space<semaphore_mem>> -> memref<1x!tpu.dma_semaphore, #tpu.memory_space<semaphore_mem>>
        %dma_wait3A_1743 = tpu.memref_squeeze %dma_wait3A_1742 : memref<1x!tpu.dma_semaphore, #tpu.memory_space<semaphore_mem>> -> memref<!tpu.dma_semaphore, #tpu.memory_space<semaphore_mem>>
        tpu.wait_indirect_dma semaphore(%dma_wait3A_1743 : memref<!tpu.dma_semaphore, #tpu.memory_space<semaphore_mem>>) src(%arg16 : memref<128xf32, #tpu.memory_space<vmem>>) dst(%dma_wait3A_1741 : memref<10240xf32, #tpu.memory_space<vmem_shared>>)
      } else {
      }
      %add3A_1063 = arith.constant 2 : i32
      %add3A_1064 = arith.addi %add3A_1034, %add3A_1063 : i32
      %ge3A_1065 = arith.constant 4 : i32
      %ge3A_1066 = arith.cmpi sge, %add3A_1064, %ge3A_1065 : i32
      %add3A_1067 = arith.constant 2 : i32
      %add3A_1068 = arith.addi %add3A_1034, %add3A_1067 : i32
      %lt3A_1069 = arith.constant 160 : i32
      %lt3A_1070 = arith.cmpi slt, %add3A_1068, %lt3A_1069 : i32
      %and3A_1071 = arith.andi %ge3A_1066, %lt3A_1070 : i1
      %convert_element_type3A_1072 = arith.extui %and3A_1071 : i1 to i32
      %cond3A_1073 = arith.constant 0 : i32
      %cond3A_1074 = arith.cmpi ne, %convert_element_type3A_1072, %cond3A_1073 : i32
      scf.if %cond3A_1074 {
        %add3A_1735 = arith.constant 2 : i32
        %add3A_1736 = arith.addi %add3A_1034, %add3A_1735 : i32
        %mul3A_1737 = arith.constant 128 : i32
        %mul3A_1738 = arith.muli %add3A_1736, %mul3A_1737 : i32
        %add3A_1739 = arith.addi %mul3A_69, %mul3A_1738 : i32
        %dma_start3A_1740 = arith.constant 1 : i32
        %dma_start3A_1741 = arith.constant 1 : i32
        %dma_start3A_1742 = arith.constant 0 : i32
        %dma_start3A_1743 = tpu.memref_slice %arg11[%dma_start3A_1740, %dma_start3A_1742] : memref<4x128xi32, #tpu.memory_space<vmem>> -> memref<1x128xi32, #tpu.memory_space<vmem>>
        %dma_start3A_1744 = tpu.memref_squeeze %dma_start3A_1743 : memref<1x128xi32, #tpu.memory_space<vmem>> -> memref<128xi32, #tpu.memory_space<vmem>>
        %dma_start3A_1745 = tpu.memref_slice %arg5[%add3A_1739] : memref<327680xi32, #tpu.memory_space<hbm>> -> memref<128xi32, #tpu.memory_space<hbm>>
        %dma_start3A_1746 = tpu.memref_slice %arg26[%dma_start3A_1741] : memref<4x!tpu.dma_semaphore, #tpu.memory_space<semaphore_mem>> -> memref<1x!tpu.dma_semaphore, #tpu.memory_space<semaphore_mem>>
        %dma_start3A_1747 = tpu.memref_squeeze %dma_start3A_1746 : memref<1x!tpu.dma_semaphore, #tpu.memory_space<semaphore_mem>> -> memref<!tpu.dma_semaphore, #tpu.memory_space<semaphore_mem>>
        %dma_start3A_1748 = arith.constant 0 : i32
        %dma_start3A_1749 = tpu.memref_slice %arg11[%dma_start3A_1740, %dma_start3A_1748] : memref<4x128xi32, #tpu.memory_space<vmem>> -> memref<1x128xi32, #tpu.memory_space<vmem>>
        %dma_start3A_1750 = tpu.memref_squeeze %dma_start3A_1749 : memref<1x128xi32, #tpu.memory_space<vmem>> -> memref<128xi32, #tpu.memory_space<vmem>>
        %dma_start3A_1751 = tpu.memref_slice %arg5[%add3A_1739] : memref<327680xi32, #tpu.memory_space<hbm>> -> memref<128xi32, #tpu.memory_space<hbm>>
        tpu.enqueue_dma source(%dma_start3A_1751 : memref<128xi32, #tpu.memory_space<hbm>>) target(%dma_start3A_1750 : memref<128xi32, #tpu.memory_space<vmem>>) target_semaphore(%dma_start3A_1747 : memref<!tpu.dma_semaphore, #tpu.memory_space<semaphore_mem>>)
      } else {
      }
      %mul3A_1075 = arith.constant 8 : i32
      %mul3A_1076 = arith.muli %scan3A_417, %mul3A_1075 : i32
      %add3A_1077 = arith.constant 4 : i32
      %add3A_1078 = arith.addi %mul3A_1076, %add3A_1077 : i32
      %dma_wait3A_1079 = arith.constant 0 : i32
      %dma_wait3A_1080 = arith.constant 0 : i32
      %dma_wait3A_1081 = arith.constant 0 : i32
      %dma_wait3A_1082 = arith.constant 0 : i32
      %dma_wait3A_1083 = arith.constant 0 : i32
      %dma_wait3A_1084 = tpu.memref_slice %arg14[%dma_wait3A_1080, %dma_wait3A_1082, %dma_wait3A_1083] : memref<2x128x128xf32, #tpu.memory_space<vmem>> -> memref<1x128x128xf32, #tpu.memory_space<vmem>>
      %dma_wait3A_1085 = tpu.memref_squeeze %dma_wait3A_1084 : memref<1x128x128xf32, #tpu.memory_space<vmem>> -> memref<128x128xf32, #tpu.memory_space<vmem>>
      %dma_wait3A_1086 = arith.constant 0 : i32
      %dma_wait3A_1087 = tpu.memref_slice %arg9[%dma_wait3A_1079, %dma_wait3A_1086] : memref<4x128xi32, #tpu.memory_space<vmem>> -> memref<1x128xi32, #tpu.memory_space<vmem>>
      %dma_wait3A_1088 = tpu.memref_squeeze %dma_wait3A_1087 : memref<1x128xi32, #tpu.memory_space<vmem>> -> memref<128xi32, #tpu.memory_space<vmem>>
      %dma_wait3A_1089 = arith.constant 0 : i32
      %dma_wait3A_1090 = arith.constant 0 : i32
      %dma_wait3A_1091 = tpu.memref_slice %arg2[%dma_wait3A_1089, %dma_wait3A_1090] : memref<10000x128xf32, #tpu.memory_space<hbm>> -> memref<10000x128xf32, #tpu.memory_space<hbm>>
      %dma_wait3A_1092 = tpu.memref_slice %arg24[%dma_wait3A_1081] : memref<2x!tpu.dma_semaphore, #tpu.memory_space<semaphore_mem>> -> memref<1x!tpu.dma_semaphore, #tpu.memory_space<semaphore_mem>>
      %dma_wait3A_1093 = tpu.memref_squeeze %dma_wait3A_1092 : memref<1x!tpu.dma_semaphore, #tpu.memory_space<semaphore_mem>> -> memref<!tpu.dma_semaphore, #tpu.memory_space<semaphore_mem>>
      tpu.wait_indirect_dma semaphore(%dma_wait3A_1093 : memref<!tpu.dma_semaphore, #tpu.memory_space<semaphore_mem>>) src(%dma_wait3A_1091 : memref<10000x128xf32, #tpu.memory_space<hbm>>) dst(%dma_wait3A_1085 : memref<128x128xf32, #tpu.memory_space<vmem>>)
      %dma_wait3A_1094 = arith.constant 0 : i32
      %dma_wait3A_1095 = arith.constant 0 : i32
      %dma_wait3A_1096 = arith.constant 0 : i32
      %dma_wait3A_1097 = tpu.memref_slice %arg10[%dma_wait3A_1094, %dma_wait3A_1096] : memref<4x128xi32, #tpu.memory_space<vmem>> -> memref<1x128xi32, #tpu.memory_space<vmem>>
      %dma_wait3A_1098 = tpu.memref_squeeze %dma_wait3A_1097 : memref<1x128xi32, #tpu.memory_space<vmem>> -> memref<128xi32, #tpu.memory_space<vmem>>
      %dma_wait3A_1099 = arith.constant 0 : i32
      %dma_wait3A_1100 = tpu.memref_slice %arg5[%dma_wait3A_1099] : memref<327680xi32, #tpu.memory_space<hbm>> -> memref<128xi32, #tpu.memory_space<hbm>>
      %dma_wait3A_1101 = tpu.memref_slice %arg23[%dma_wait3A_1095] : memref<4x!tpu.dma_semaphore, #tpu.memory_space<semaphore_mem>> -> memref<1x!tpu.dma_semaphore, #tpu.memory_space<semaphore_mem>>
      %dma_wait3A_1102 = tpu.memref_squeeze %dma_wait3A_1101 : memref<1x!tpu.dma_semaphore, #tpu.memory_space<semaphore_mem>> -> memref<!tpu.dma_semaphore, #tpu.memory_space<semaphore_mem>>
      %dma_wait3A_1103 = arith.constant 0 : i32
      %dma_wait3A_1104 = tpu.memref_slice %arg10[%dma_wait3A_1094, %dma_wait3A_1103] : memref<4x128xi32, #tpu.memory_space<vmem>> -> memref<1x128xi32, #tpu.memory_space<vmem>>
      %dma_wait3A_1105 = tpu.memref_squeeze %dma_wait3A_1104 : memref<1x128xi32, #tpu.memory_space<vmem>> -> memref<128xi32, #tpu.memory_space<vmem>>
      %dma_wait3A_1106 = arith.constant 0 : i32
      %dma_wait3A_1107 = tpu.memref_slice %arg5[%dma_wait3A_1106] : memref<327680xi32, #tpu.memory_space<hbm>> -> memref<128xi32, #tpu.memory_space<hbm>>
      tpu.wait_dma2 semaphore(%dma_wait3A_1102 : memref<!tpu.dma_semaphore, #tpu.memory_space<semaphore_mem>>) src(%dma_wait3A_1107 : memref<128xi32, #tpu.memory_space<hbm>>) dst(%dma_wait3A_1105 : memref<128xi32, #tpu.memory_space<vmem>>)
      %dma_start3A_1108 = arith.constant 0 : i32
      %dma_start3A_1109 = arith.constant 0 : i32
      %dma_start3A_1110 = arith.constant 0 : i32
      %dma_start3A_1111 = arith.constant 0 : i32
      %dma_start3A_1112 = arith.constant 0 : i32
      %dma_start3A_1113 = tpu.memref_slice %arg14[%dma_start3A_1108, %dma_start3A_1111, %dma_start3A_1112] : memref<2x128x128xf32, #tpu.memory_space<vmem>> -> memref<1x128x128xf32, #tpu.memory_space<vmem>>
      %dma_start3A_1114 = tpu.memref_squeeze %dma_start3A_1113 : memref<1x128x128xf32, #tpu.memory_space<vmem>> -> memref<128x128xf32, #tpu.memory_space<vmem>>
      %dma_start3A_1115 = arith.constant 0 : i32
      %dma_start3A_1116 = tpu.memref_slice %arg10[%dma_start3A_1109, %dma_start3A_1115] : memref<4x128xi32, #tpu.memory_space<vmem>> -> memref<1x128xi32, #tpu.memory_space<vmem>>
      %dma_start3A_1117 = tpu.memref_squeeze %dma_start3A_1116 : memref<1x128xi32, #tpu.memory_space<vmem>> -> memref<128xi32, #tpu.memory_space<vmem>>
      %dma_start3A_1118 = arith.constant 0 : i32
      %dma_start3A_1119 = arith.constant 0 : i32
      %dma_start3A_1120 = tpu.memref_slice %arg21[%dma_start3A_1118, %dma_start3A_1119] : memref<10240x128xf32, #tpu.memory_space<vmem_shared>> -> memref<10240x128xf32, #tpu.memory_space<vmem_shared>>
      %dma_start3A_1121 = tpu.memref_slice %arg25[%dma_start3A_1110] : memref<2x!tpu.dma_semaphore, #tpu.memory_space<semaphore_mem>> -> memref<1x!tpu.dma_semaphore, #tpu.memory_space<semaphore_mem>>
      %dma_start3A_1122 = tpu.memref_squeeze %dma_start3A_1121 : memref<1x!tpu.dma_semaphore, #tpu.memory_space<semaphore_mem>> -> memref<!tpu.dma_semaphore, #tpu.memory_space<semaphore_mem>>
      tpu.enqueue_indirect_dma source(%dma_start3A_1114 : memref<128x128xf32, #tpu.memory_space<vmem>>) target(%dma_start3A_1120 : memref<10240x128xf32, #tpu.memory_space<vmem_shared>>) offsets(%dma_start3A_1117 : memref<128xi32, #tpu.memory_space<vmem>>) semaphore(%dma_start3A_1122 : memref<!tpu.dma_semaphore, #tpu.memory_space<semaphore_mem>>) {add = true}
      %dma_wait3A_1123 = arith.constant 0 : i32
      %dma_wait3A_1124 = arith.constant 0 : i32
      %dma_wait3A_1125 = arith.constant 0 : i32
      %dma_wait3A_1126 = arith.constant 0 : i32
      %dma_wait3A_1127 = arith.constant 0 : i32
      %dma_wait3A_1128 = tpu.memref_slice %arg14[%dma_wait3A_1123, %dma_wait3A_1126, %dma_wait3A_1127] : memref<2x128x128xf32, #tpu.memory_space<vmem>> -> memref<1x128x128xf32, #tpu.memory_space<vmem>>
      %dma_wait3A_1129 = tpu.memref_squeeze %dma_wait3A_1128 : memref<1x128x128xf32, #tpu.memory_space<vmem>> -> memref<128x128xf32, #tpu.memory_space<vmem>>
      %dma_wait3A_1130 = arith.constant 0 : i32
      %dma_wait3A_1131 = tpu.memref_slice %arg10[%dma_wait3A_1124, %dma_wait3A_1130] : memref<4x128xi32, #tpu.memory_space<vmem>> -> memref<1x128xi32, #tpu.memory_space<vmem>>
      %dma_wait3A_1132 = tpu.memref_squeeze %dma_wait3A_1131 : memref<1x128xi32, #tpu.memory_space<vmem>> -> memref<128xi32, #tpu.memory_space<vmem>>
      %dma_wait3A_1133 = arith.constant 0 : i32
      %dma_wait3A_1134 = arith.constant 0 : i32
      %dma_wait3A_1135 = tpu.memref_slice %arg21[%dma_wait3A_1133, %dma_wait3A_1134] : memref<10240x128xf32, #tpu.memory_space<vmem_shared>> -> memref<10240x128xf32, #tpu.memory_space<vmem_shared>>
      %dma_wait3A_1136 = tpu.memref_slice %arg25[%dma_wait3A_1125] : memref<2x!tpu.dma_semaphore, #tpu.memory_space<semaphore_mem>> -> memref<1x!tpu.dma_semaphore, #tpu.memory_space<semaphore_mem>>
      %dma_wait3A_1137 = tpu.memref_squeeze %dma_wait3A_1136 : memref<1x!tpu.dma_semaphore, #tpu.memory_space<semaphore_mem>> -> memref<!tpu.dma_semaphore, #tpu.memory_space<semaphore_mem>>
      tpu.wait_indirect_dma semaphore(%dma_wait3A_1137 : memref<!tpu.dma_semaphore, #tpu.memory_space<semaphore_mem>>) src(%dma_wait3A_1129 : memref<128x128xf32, #tpu.memory_space<vmem>>) dst(%dma_wait3A_1135 : memref<10240x128xf32, #tpu.memory_space<vmem_shared>>)
      %add3A_1138 = arith.constant 4 : i32
      %add3A_1139 = arith.addi %add3A_1078, %add3A_1138 : i32
      %lt3A_1140 = arith.constant 80 : i32
      %lt3A_1141 = arith.cmpi slt, %add3A_1139, %lt3A_1140 : i32
      %convert_element_type3A_1142 = arith.extui %lt3A_1141 : i1 to i32
      %cond3A_1143 = arith.constant 0 : i32
      %cond3A_1144 = arith.cmpi ne, %convert_element_type3A_1142, %cond3A_1143 : i32
      scf.if %cond3A_1144 {
        %add3A_1735 = arith.constant 4 : i32
        %add3A_1736 = arith.addi %add3A_1078, %add3A_1735 : i32
        %mul3A_1737 = arith.constant 128 : i32
        %mul3A_1738 = arith.muli %add3A_1736, %mul3A_1737 : i32
        %add3A_1739 = arith.addi %mul3A_65, %mul3A_1738 : i32
        %dma_start3A_1740 = arith.constant 0 : i32
        %dma_start3A_1741 = arith.constant 0 : i32
        %dma_start3A_1742 = arith.constant 0 : i32
        %dma_start3A_1743 = tpu.memref_slice %arg9[%dma_start3A_1740, %dma_start3A_1742] : memref<4x128xi32, #tpu.memory_space<vmem>> -> memref<1x128xi32, #tpu.memory_space<vmem>>
        %dma_start3A_1744 = tpu.memref_squeeze %dma_start3A_1743 : memref<1x128xi32, #tpu.memory_space<vmem>> -> memref<128xi32, #tpu.memory_space<vmem>>
        %dma_start3A_1745 = tpu.memref_slice %arg3[%add3A_1739] : memref<327680xi32, #tpu.memory_space<hbm>> -> memref<128xi32, #tpu.memory_space<hbm>>
        %dma_start3A_1746 = tpu.memref_slice %arg22[%dma_start3A_1741] : memref<4x!tpu.dma_semaphore, #tpu.memory_space<semaphore_mem>> -> memref<1x!tpu.dma_semaphore, #tpu.memory_space<semaphore_mem>>
        %dma_start3A_1747 = tpu.memref_squeeze %dma_start3A_1746 : memref<1x!tpu.dma_semaphore, #tpu.memory_space<semaphore_mem>> -> memref<!tpu.dma_semaphore, #tpu.memory_space<semaphore_mem>>
        %dma_start3A_1748 = arith.constant 0 : i32
        %dma_start3A_1749 = tpu.memref_slice %arg9[%dma_start3A_1740, %dma_start3A_1748] : memref<4x128xi32, #tpu.memory_space<vmem>> -> memref<1x128xi32, #tpu.memory_space<vmem>>
        %dma_start3A_1750 = tpu.memref_squeeze %dma_start3A_1749 : memref<1x128xi32, #tpu.memory_space<vmem>> -> memref<128xi32, #tpu.memory_space<vmem>>
        %dma_start3A_1751 = tpu.memref_slice %arg3[%add3A_1739] : memref<327680xi32, #tpu.memory_space<hbm>> -> memref<128xi32, #tpu.memory_space<hbm>>
        tpu.enqueue_dma source(%dma_start3A_1751 : memref<128xi32, #tpu.memory_space<hbm>>) target(%dma_start3A_1750 : memref<128xi32, #tpu.memory_space<vmem>>) target_semaphore(%dma_start3A_1747 : memref<!tpu.dma_semaphore, #tpu.memory_space<semaphore_mem>>)
        %add3A_1752 = arith.constant 4 : i32
        %add3A_1753 = arith.addi %add3A_1078, %add3A_1752 : i32
        %mul3A_1754 = arith.constant 128 : i32
        %mul3A_1755 = arith.muli %add3A_1753, %mul3A_1754 : i32
        %add3A_1756 = arith.addi %mul3A_65, %mul3A_1755 : i32
        %dma_start3A_1757 = arith.constant 0 : i32
        %dma_start3A_1758 = arith.constant 0 : i32
        %dma_start3A_1759 = arith.constant 0 : i32
        %dma_start3A_1760 = tpu.memref_slice %arg10[%dma_start3A_1757, %dma_start3A_1759] : memref<4x128xi32, #tpu.memory_space<vmem>> -> memref<1x128xi32, #tpu.memory_space<vmem>>
        %dma_start3A_1761 = tpu.memref_squeeze %dma_start3A_1760 : memref<1x128xi32, #tpu.memory_space<vmem>> -> memref<128xi32, #tpu.memory_space<vmem>>
        %dma_start3A_1762 = tpu.memref_slice %arg5[%add3A_1756] : memref<327680xi32, #tpu.memory_space<hbm>> -> memref<128xi32, #tpu.memory_space<hbm>>
        %dma_start3A_1763 = tpu.memref_slice %arg23[%dma_start3A_1758] : memref<4x!tpu.dma_semaphore, #tpu.memory_space<semaphore_mem>> -> memref<1x!tpu.dma_semaphore, #tpu.memory_space<semaphore_mem>>
        %dma_start3A_1764 = tpu.memref_squeeze %dma_start3A_1763 : memref<1x!tpu.dma_semaphore, #tpu.memory_space<semaphore_mem>> -> memref<!tpu.dma_semaphore, #tpu.memory_space<semaphore_mem>>
        %dma_start3A_1765 = arith.constant 0 : i32
        %dma_start3A_1766 = tpu.memref_slice %arg10[%dma_start3A_1757, %dma_start3A_1765] : memref<4x128xi32, #tpu.memory_space<vmem>> -> memref<1x128xi32, #tpu.memory_space<vmem>>
        %dma_start3A_1767 = tpu.memref_squeeze %dma_start3A_1766 : memref<1x128xi32, #tpu.memory_space<vmem>> -> memref<128xi32, #tpu.memory_space<vmem>>
        %dma_start3A_1768 = tpu.memref_slice %arg5[%add3A_1756] : memref<327680xi32, #tpu.memory_space<hbm>> -> memref<128xi32, #tpu.memory_space<hbm>>
        tpu.enqueue_dma source(%dma_start3A_1768 : memref<128xi32, #tpu.memory_space<hbm>>) target(%dma_start3A_1767 : memref<128xi32, #tpu.memory_space<vmem>>) target_semaphore(%dma_start3A_1764 : memref<!tpu.dma_semaphore, #tpu.memory_space<semaphore_mem>>)
      } else {
      }
      %add3A_1145 = arith.constant 2 : i32
      %add3A_1146 = arith.addi %add3A_1078, %add3A_1145 : i32
      %lt3A_1147 = arith.constant 80 : i32
      %lt3A_1148 = arith.cmpi slt, %add3A_1146, %lt3A_1147 : i32
      %convert_element_type3A_1149 = arith.extui %lt3A_1148 : i1 to i32
      %cond3A_1150 = arith.constant 0 : i32
      %cond3A_1151 = arith.cmpi ne, %convert_element_type3A_1149, %cond3A_1150 : i32
      scf.if %cond3A_1151 {
        %dma_wait3A_1735 = arith.constant 2 : i32
        %dma_wait3A_1736 = arith.constant 2 : i32
        %dma_wait3A_1737 = arith.constant 0 : i32
        %dma_wait3A_1738 = tpu.memref_slice %arg9[%dma_wait3A_1735, %dma_wait3A_1737] : memref<4x128xi32, #tpu.memory_space<vmem>> -> memref<1x128xi32, #tpu.memory_space<vmem>>
        %dma_wait3A_1739 = tpu.memref_squeeze %dma_wait3A_1738 : memref<1x128xi32, #tpu.memory_space<vmem>> -> memref<128xi32, #tpu.memory_space<vmem>>
        %dma_wait3A_1740 = arith.constant 0 : i32
        %dma_wait3A_1741 = tpu.memref_slice %arg3[%dma_wait3A_1740] : memref<327680xi32, #tpu.memory_space<hbm>> -> memref<128xi32, #tpu.memory_space<hbm>>
        %dma_wait3A_1742 = tpu.memref_slice %arg22[%dma_wait3A_1736] : memref<4x!tpu.dma_semaphore, #tpu.memory_space<semaphore_mem>> -> memref<1x!tpu.dma_semaphore, #tpu.memory_space<semaphore_mem>>
        %dma_wait3A_1743 = tpu.memref_squeeze %dma_wait3A_1742 : memref<1x!tpu.dma_semaphore, #tpu.memory_space<semaphore_mem>> -> memref<!tpu.dma_semaphore, #tpu.memory_space<semaphore_mem>>
        %dma_wait3A_1744 = arith.constant 0 : i32
        %dma_wait3A_1745 = tpu.memref_slice %arg9[%dma_wait3A_1735, %dma_wait3A_1744] : memref<4x128xi32, #tpu.memory_space<vmem>> -> memref<1x128xi32, #tpu.memory_space<vmem>>
        %dma_wait3A_1746 = tpu.memref_squeeze %dma_wait3A_1745 : memref<1x128xi32, #tpu.memory_space<vmem>> -> memref<128xi32, #tpu.memory_space<vmem>>
        %dma_wait3A_1747 = arith.constant 0 : i32
        %dma_wait3A_1748 = tpu.memref_slice %arg3[%dma_wait3A_1747] : memref<327680xi32, #tpu.memory_space<hbm>> -> memref<128xi32, #tpu.memory_space<hbm>>
        tpu.wait_dma2 semaphore(%dma_wait3A_1743 : memref<!tpu.dma_semaphore, #tpu.memory_space<semaphore_mem>>) src(%dma_wait3A_1748 : memref<128xi32, #tpu.memory_space<hbm>>) dst(%dma_wait3A_1746 : memref<128xi32, #tpu.memory_space<vmem>>)
        %dma_start3A_1749 = arith.constant 2 : i32
        %dma_start3A_1750 = arith.constant 0 : i32
        %dma_start3A_1751 = arith.constant 0 : i32
        %dma_start3A_1752 = arith.constant 0 : i32
        %dma_start3A_1753 = arith.constant 0 : i32
        %dma_start3A_1754 = tpu.memref_slice %arg14[%dma_start3A_1750, %dma_start3A_1752, %dma_start3A_1753] : memref<2x128x128xf32, #tpu.memory_space<vmem>> -> memref<1x128x128xf32, #tpu.memory_space<vmem>>
        %dma_start3A_1755 = tpu.memref_squeeze %dma_start3A_1754 : memref<1x128x128xf32, #tpu.memory_space<vmem>> -> memref<128x128xf32, #tpu.memory_space<vmem>>
        %dma_start3A_1756 = arith.constant 0 : i32
        %dma_start3A_1757 = tpu.memref_slice %arg9[%dma_start3A_1749, %dma_start3A_1756] : memref<4x128xi32, #tpu.memory_space<vmem>> -> memref<1x128xi32, #tpu.memory_space<vmem>>
        %dma_start3A_1758 = tpu.memref_squeeze %dma_start3A_1757 : memref<1x128xi32, #tpu.memory_space<vmem>> -> memref<128xi32, #tpu.memory_space<vmem>>
        %dma_start3A_1759 = arith.constant 0 : i32
        %dma_start3A_1760 = arith.constant 0 : i32
        %dma_start3A_1761 = tpu.memref_slice %arg2[%dma_start3A_1759, %dma_start3A_1760] : memref<10000x128xf32, #tpu.memory_space<hbm>> -> memref<10000x128xf32, #tpu.memory_space<hbm>>
        %dma_start3A_1762 = tpu.memref_slice %arg24[%dma_start3A_1751] : memref<2x!tpu.dma_semaphore, #tpu.memory_space<semaphore_mem>> -> memref<1x!tpu.dma_semaphore, #tpu.memory_space<semaphore_mem>>
        %dma_start3A_1763 = tpu.memref_squeeze %dma_start3A_1762 : memref<1x!tpu.dma_semaphore, #tpu.memory_space<semaphore_mem>> -> memref<!tpu.dma_semaphore, #tpu.memory_space<semaphore_mem>>
        tpu.enqueue_indirect_dma source(%dma_start3A_1761 : memref<10000x128xf32, #tpu.memory_space<hbm>>) target(%dma_start3A_1755 : memref<128x128xf32, #tpu.memory_space<vmem>>) offsets(%dma_start3A_1758 : memref<128xi32, #tpu.memory_space<vmem>>) semaphore(%dma_start3A_1763 : memref<!tpu.dma_semaphore, #tpu.memory_space<semaphore_mem>>)
      } else {
      }
      %mul3A_1152 = arith.constant 2 : i32
      %mul3A_1153 = arith.muli %add3A_1078, %mul3A_1152 : i32
      %add3A_1154 = arith.constant 0 : i32
      %add3A_1155 = arith.addi %mul3A_1153, %add3A_1154 : i32
      %dma_wait3A_1156 = arith.constant 0 : i32
      %dma_wait3A_1157 = arith.constant 0 : i32
      %dma_wait3A_1158 = arith.constant 0 : i32
      %dma_wait3A_1159 = tpu.memref_slice %arg11[%dma_wait3A_1156, %dma_wait3A_1158] : memref<4x128xi32, #tpu.memory_space<vmem>> -> memref<1x128xi32, #tpu.memory_space<vmem>>
      %dma_wait3A_1160 = tpu.memref_squeeze %dma_wait3A_1159 : memref<1x128xi32, #tpu.memory_space<vmem>> -> memref<128xi32, #tpu.memory_space<vmem>>
      %dma_wait3A_1161 = arith.constant 0 : i32
      %dma_wait3A_1162 = tpu.memref_slice %arg5[%dma_wait3A_1161] : memref<327680xi32, #tpu.memory_space<hbm>> -> memref<128xi32, #tpu.memory_space<hbm>>
      %dma_wait3A_1163 = tpu.memref_slice %arg26[%dma_wait3A_1157] : memref<4x!tpu.dma_semaphore, #tpu.memory_space<semaphore_mem>> -> memref<1x!tpu.dma_semaphore, #tpu.memory_space<semaphore_mem>>
      %dma_wait3A_1164 = tpu.memref_squeeze %dma_wait3A_1163 : memref<1x!tpu.dma_semaphore, #tpu.memory_space<semaphore_mem>> -> memref<!tpu.dma_semaphore, #tpu.memory_space<semaphore_mem>>
      %dma_wait3A_1165 = arith.constant 0 : i32
      %dma_wait3A_1166 = tpu.memref_slice %arg11[%dma_wait3A_1156, %dma_wait3A_1165] : memref<4x128xi32, #tpu.memory_space<vmem>> -> memref<1x128xi32, #tpu.memory_space<vmem>>
      %dma_wait3A_1167 = tpu.memref_squeeze %dma_wait3A_1166 : memref<1x128xi32, #tpu.memory_space<vmem>> -> memref<128xi32, #tpu.memory_space<vmem>>
      %dma_wait3A_1168 = arith.constant 0 : i32
      %dma_wait3A_1169 = tpu.memref_slice %arg5[%dma_wait3A_1168] : memref<327680xi32, #tpu.memory_space<hbm>> -> memref<128xi32, #tpu.memory_space<hbm>>
      tpu.wait_dma2 semaphore(%dma_wait3A_1164 : memref<!tpu.dma_semaphore, #tpu.memory_space<semaphore_mem>>) src(%dma_wait3A_1169 : memref<128xi32, #tpu.memory_space<hbm>>) dst(%dma_wait3A_1167 : memref<128xi32, #tpu.memory_space<vmem>>)
      %dma_start3A_1170 = arith.constant 0 : i32
      %dma_start3A_1171 = arith.constant 0 : i32
      %dma_start3A_1172 = arith.constant 0 : i32
      %dma_start3A_1173 = tpu.memref_slice %arg11[%dma_start3A_1170, %dma_start3A_1172] : memref<4x128xi32, #tpu.memory_space<vmem>> -> memref<1x128xi32, #tpu.memory_space<vmem>>
      %dma_start3A_1174 = tpu.memref_squeeze %dma_start3A_1173 : memref<1x128xi32, #tpu.memory_space<vmem>> -> memref<128xi32, #tpu.memory_space<vmem>>
      %dma_start3A_1175 = arith.constant 0 : i32
      %dma_start3A_1176 = tpu.memref_slice %arg18[%dma_start3A_1175] : memref<10240xf32, #tpu.memory_space<vmem_shared>> -> memref<10240xf32, #tpu.memory_space<vmem_shared>>
      %dma_start3A_1177 = tpu.memref_slice %arg27[%dma_start3A_1171] : memref<4x!tpu.dma_semaphore, #tpu.memory_space<semaphore_mem>> -> memref<1x!tpu.dma_semaphore, #tpu.memory_space<semaphore_mem>>
      %dma_start3A_1178 = tpu.memref_squeeze %dma_start3A_1177 : memref<1x!tpu.dma_semaphore, #tpu.memory_space<semaphore_mem>> -> memref<!tpu.dma_semaphore, #tpu.memory_space<semaphore_mem>>
      tpu.enqueue_indirect_dma source(%arg16 : memref<128xf32, #tpu.memory_space<vmem>>) target(%dma_start3A_1176 : memref<10240xf32, #tpu.memory_space<vmem_shared>>) offsets(%dma_start3A_1174 : memref<128xi32, #tpu.memory_space<vmem>>) semaphore(%dma_start3A_1178 : memref<!tpu.dma_semaphore, #tpu.memory_space<semaphore_mem>>) {add = true}
      %ge3A_1179 = arith.constant 2 : i32
      %ge3A_1180 = arith.cmpi sge, %add3A_1155, %ge3A_1179 : i32
      %convert_element_type3A_1181 = arith.extui %ge3A_1180 : i1 to i32
      %cond3A_1182 = arith.constant 0 : i32
      %cond3A_1183 = arith.cmpi ne, %convert_element_type3A_1181, %cond3A_1182 : i32
      scf.if %cond3A_1183 {
        %dma_wait3A_1735 = arith.constant 2 : i32
        %dma_wait3A_1736 = arith.constant 2 : i32
        %dma_wait3A_1737 = arith.constant 0 : i32
        %dma_wait3A_1738 = tpu.memref_slice %arg11[%dma_wait3A_1735, %dma_wait3A_1737] : memref<4x128xi32, #tpu.memory_space<vmem>> -> memref<1x128xi32, #tpu.memory_space<vmem>>
        %dma_wait3A_1739 = tpu.memref_squeeze %dma_wait3A_1738 : memref<1x128xi32, #tpu.memory_space<vmem>> -> memref<128xi32, #tpu.memory_space<vmem>>
        %dma_wait3A_1740 = arith.constant 0 : i32
        %dma_wait3A_1741 = tpu.memref_slice %arg18[%dma_wait3A_1740] : memref<10240xf32, #tpu.memory_space<vmem_shared>> -> memref<10240xf32, #tpu.memory_space<vmem_shared>>
        %dma_wait3A_1742 = tpu.memref_slice %arg27[%dma_wait3A_1736] : memref<4x!tpu.dma_semaphore, #tpu.memory_space<semaphore_mem>> -> memref<1x!tpu.dma_semaphore, #tpu.memory_space<semaphore_mem>>
        %dma_wait3A_1743 = tpu.memref_squeeze %dma_wait3A_1742 : memref<1x!tpu.dma_semaphore, #tpu.memory_space<semaphore_mem>> -> memref<!tpu.dma_semaphore, #tpu.memory_space<semaphore_mem>>
        tpu.wait_indirect_dma semaphore(%dma_wait3A_1743 : memref<!tpu.dma_semaphore, #tpu.memory_space<semaphore_mem>>) src(%arg16 : memref<128xf32, #tpu.memory_space<vmem>>) dst(%dma_wait3A_1741 : memref<10240xf32, #tpu.memory_space<vmem_shared>>)
      } else {
      }
      %add3A_1184 = arith.constant 2 : i32
      %add3A_1185 = arith.addi %add3A_1155, %add3A_1184 : i32
      %ge3A_1186 = arith.constant 4 : i32
      %ge3A_1187 = arith.cmpi sge, %add3A_1185, %ge3A_1186 : i32
      %add3A_1188 = arith.constant 2 : i32
      %add3A_1189 = arith.addi %add3A_1155, %add3A_1188 : i32
      %lt3A_1190 = arith.constant 160 : i32
      %lt3A_1191 = arith.cmpi slt, %add3A_1189, %lt3A_1190 : i32
      %and3A_1192 = arith.andi %ge3A_1187, %lt3A_1191 : i1
      %convert_element_type3A_1193 = arith.extui %and3A_1192 : i1 to i32
      %cond3A_1194 = arith.constant 0 : i32
      %cond3A_1195 = arith.cmpi ne, %convert_element_type3A_1193, %cond3A_1194 : i32
      scf.if %cond3A_1195 {
        %add3A_1735 = arith.constant 2 : i32
        %add3A_1736 = arith.addi %add3A_1155, %add3A_1735 : i32
        %mul3A_1737 = arith.constant 128 : i32
        %mul3A_1738 = arith.muli %add3A_1736, %mul3A_1737 : i32
        %add3A_1739 = arith.addi %mul3A_69, %mul3A_1738 : i32
        %dma_start3A_1740 = arith.constant 2 : i32
        %dma_start3A_1741 = arith.constant 2 : i32
        %dma_start3A_1742 = arith.constant 0 : i32
        %dma_start3A_1743 = tpu.memref_slice %arg11[%dma_start3A_1740, %dma_start3A_1742] : memref<4x128xi32, #tpu.memory_space<vmem>> -> memref<1x128xi32, #tpu.memory_space<vmem>>
        %dma_start3A_1744 = tpu.memref_squeeze %dma_start3A_1743 : memref<1x128xi32, #tpu.memory_space<vmem>> -> memref<128xi32, #tpu.memory_space<vmem>>
        %dma_start3A_1745 = tpu.memref_slice %arg5[%add3A_1739] : memref<327680xi32, #tpu.memory_space<hbm>> -> memref<128xi32, #tpu.memory_space<hbm>>
        %dma_start3A_1746 = tpu.memref_slice %arg26[%dma_start3A_1741] : memref<4x!tpu.dma_semaphore, #tpu.memory_space<semaphore_mem>> -> memref<1x!tpu.dma_semaphore, #tpu.memory_space<semaphore_mem>>
        %dma_start3A_1747 = tpu.memref_squeeze %dma_start3A_1746 : memref<1x!tpu.dma_semaphore, #tpu.memory_space<semaphore_mem>> -> memref<!tpu.dma_semaphore, #tpu.memory_space<semaphore_mem>>
        %dma_start3A_1748 = arith.constant 0 : i32
        %dma_start3A_1749 = tpu.memref_slice %arg11[%dma_start3A_1740, %dma_start3A_1748] : memref<4x128xi32, #tpu.memory_space<vmem>> -> memref<1x128xi32, #tpu.memory_space<vmem>>
        %dma_start3A_1750 = tpu.memref_squeeze %dma_start3A_1749 : memref<1x128xi32, #tpu.memory_space<vmem>> -> memref<128xi32, #tpu.memory_space<vmem>>
        %dma_start3A_1751 = tpu.memref_slice %arg5[%add3A_1739] : memref<327680xi32, #tpu.memory_space<hbm>> -> memref<128xi32, #tpu.memory_space<hbm>>
        tpu.enqueue_dma source(%dma_start3A_1751 : memref<128xi32, #tpu.memory_space<hbm>>) target(%dma_start3A_1750 : memref<128xi32, #tpu.memory_space<vmem>>) target_semaphore(%dma_start3A_1747 : memref<!tpu.dma_semaphore, #tpu.memory_space<semaphore_mem>>)
      } else {
      }
      %mul3A_1196 = arith.constant 2 : i32
      %mul3A_1197 = arith.muli %add3A_1078, %mul3A_1196 : i32
      %add3A_1198 = arith.constant 1 : i32
      %add3A_1199 = arith.addi %mul3A_1197, %add3A_1198 : i32
      %dma_wait3A_1200 = arith.constant 1 : i32
      %dma_wait3A_1201 = arith.constant 1 : i32
      %dma_wait3A_1202 = arith.constant 0 : i32
      %dma_wait3A_1203 = tpu.memref_slice %arg11[%dma_wait3A_1200, %dma_wait3A_1202] : memref<4x128xi32, #tpu.memory_space<vmem>> -> memref<1x128xi32, #tpu.memory_space<vmem>>
      %dma_wait3A_1204 = tpu.memref_squeeze %dma_wait3A_1203 : memref<1x128xi32, #tpu.memory_space<vmem>> -> memref<128xi32, #tpu.memory_space<vmem>>
      %dma_wait3A_1205 = arith.constant 0 : i32
      %dma_wait3A_1206 = tpu.memref_slice %arg5[%dma_wait3A_1205] : memref<327680xi32, #tpu.memory_space<hbm>> -> memref<128xi32, #tpu.memory_space<hbm>>
      %dma_wait3A_1207 = tpu.memref_slice %arg26[%dma_wait3A_1201] : memref<4x!tpu.dma_semaphore, #tpu.memory_space<semaphore_mem>> -> memref<1x!tpu.dma_semaphore, #tpu.memory_space<semaphore_mem>>
      %dma_wait3A_1208 = tpu.memref_squeeze %dma_wait3A_1207 : memref<1x!tpu.dma_semaphore, #tpu.memory_space<semaphore_mem>> -> memref<!tpu.dma_semaphore, #tpu.memory_space<semaphore_mem>>
      %dma_wait3A_1209 = arith.constant 0 : i32
      %dma_wait3A_1210 = tpu.memref_slice %arg11[%dma_wait3A_1200, %dma_wait3A_1209] : memref<4x128xi32, #tpu.memory_space<vmem>> -> memref<1x128xi32, #tpu.memory_space<vmem>>
      %dma_wait3A_1211 = tpu.memref_squeeze %dma_wait3A_1210 : memref<1x128xi32, #tpu.memory_space<vmem>> -> memref<128xi32, #tpu.memory_space<vmem>>
      %dma_wait3A_1212 = arith.constant 0 : i32
      %dma_wait3A_1213 = tpu.memref_slice %arg5[%dma_wait3A_1212] : memref<327680xi32, #tpu.memory_space<hbm>> -> memref<128xi32, #tpu.memory_space<hbm>>
      tpu.wait_dma2 semaphore(%dma_wait3A_1208 : memref<!tpu.dma_semaphore, #tpu.memory_space<semaphore_mem>>) src(%dma_wait3A_1213 : memref<128xi32, #tpu.memory_space<hbm>>) dst(%dma_wait3A_1211 : memref<128xi32, #tpu.memory_space<vmem>>)
      %dma_start3A_1214 = arith.constant 1 : i32
      %dma_start3A_1215 = arith.constant 1 : i32
      %dma_start3A_1216 = arith.constant 0 : i32
      %dma_start3A_1217 = tpu.memref_slice %arg11[%dma_start3A_1214, %dma_start3A_1216] : memref<4x128xi32, #tpu.memory_space<vmem>> -> memref<1x128xi32, #tpu.memory_space<vmem>>
      %dma_start3A_1218 = tpu.memref_squeeze %dma_start3A_1217 : memref<1x128xi32, #tpu.memory_space<vmem>> -> memref<128xi32, #tpu.memory_space<vmem>>
      %dma_start3A_1219 = arith.constant 0 : i32
      %dma_start3A_1220 = tpu.memref_slice %arg18[%dma_start3A_1219] : memref<10240xf32, #tpu.memory_space<vmem_shared>> -> memref<10240xf32, #tpu.memory_space<vmem_shared>>
      %dma_start3A_1221 = tpu.memref_slice %arg27[%dma_start3A_1215] : memref<4x!tpu.dma_semaphore, #tpu.memory_space<semaphore_mem>> -> memref<1x!tpu.dma_semaphore, #tpu.memory_space<semaphore_mem>>
      %dma_start3A_1222 = tpu.memref_squeeze %dma_start3A_1221 : memref<1x!tpu.dma_semaphore, #tpu.memory_space<semaphore_mem>> -> memref<!tpu.dma_semaphore, #tpu.memory_space<semaphore_mem>>
      tpu.enqueue_indirect_dma source(%arg16 : memref<128xf32, #tpu.memory_space<vmem>>) target(%dma_start3A_1220 : memref<10240xf32, #tpu.memory_space<vmem_shared>>) offsets(%dma_start3A_1218 : memref<128xi32, #tpu.memory_space<vmem>>) semaphore(%dma_start3A_1222 : memref<!tpu.dma_semaphore, #tpu.memory_space<semaphore_mem>>) {add = true}
      %ge3A_1223 = arith.constant 2 : i32
      %ge3A_1224 = arith.cmpi sge, %add3A_1199, %ge3A_1223 : i32
      %convert_element_type3A_1225 = arith.extui %ge3A_1224 : i1 to i32
      %cond3A_1226 = arith.constant 0 : i32
      %cond3A_1227 = arith.cmpi ne, %convert_element_type3A_1225, %cond3A_1226 : i32
      scf.if %cond3A_1227 {
        %dma_wait3A_1735 = arith.constant 3 : i32
        %dma_wait3A_1736 = arith.constant 3 : i32
        %dma_wait3A_1737 = arith.constant 0 : i32
        %dma_wait3A_1738 = tpu.memref_slice %arg11[%dma_wait3A_1735, %dma_wait3A_1737] : memref<4x128xi32, #tpu.memory_space<vmem>> -> memref<1x128xi32, #tpu.memory_space<vmem>>
        %dma_wait3A_1739 = tpu.memref_squeeze %dma_wait3A_1738 : memref<1x128xi32, #tpu.memory_space<vmem>> -> memref<128xi32, #tpu.memory_space<vmem>>
        %dma_wait3A_1740 = arith.constant 0 : i32
        %dma_wait3A_1741 = tpu.memref_slice %arg18[%dma_wait3A_1740] : memref<10240xf32, #tpu.memory_space<vmem_shared>> -> memref<10240xf32, #tpu.memory_space<vmem_shared>>
        %dma_wait3A_1742 = tpu.memref_slice %arg27[%dma_wait3A_1736] : memref<4x!tpu.dma_semaphore, #tpu.memory_space<semaphore_mem>> -> memref<1x!tpu.dma_semaphore, #tpu.memory_space<semaphore_mem>>
        %dma_wait3A_1743 = tpu.memref_squeeze %dma_wait3A_1742 : memref<1x!tpu.dma_semaphore, #tpu.memory_space<semaphore_mem>> -> memref<!tpu.dma_semaphore, #tpu.memory_space<semaphore_mem>>
        tpu.wait_indirect_dma semaphore(%dma_wait3A_1743 : memref<!tpu.dma_semaphore, #tpu.memory_space<semaphore_mem>>) src(%arg16 : memref<128xf32, #tpu.memory_space<vmem>>) dst(%dma_wait3A_1741 : memref<10240xf32, #tpu.memory_space<vmem_shared>>)
      } else {
      }
      %add3A_1228 = arith.constant 2 : i32
      %add3A_1229 = arith.addi %add3A_1199, %add3A_1228 : i32
      %ge3A_1230 = arith.constant 4 : i32
      %ge3A_1231 = arith.cmpi sge, %add3A_1229, %ge3A_1230 : i32
      %add3A_1232 = arith.constant 2 : i32
      %add3A_1233 = arith.addi %add3A_1199, %add3A_1232 : i32
      %lt3A_1234 = arith.constant 160 : i32
      %lt3A_1235 = arith.cmpi slt, %add3A_1233, %lt3A_1234 : i32
      %and3A_1236 = arith.andi %ge3A_1231, %lt3A_1235 : i1
      %convert_element_type3A_1237 = arith.extui %and3A_1236 : i1 to i32
      %cond3A_1238 = arith.constant 0 : i32
      %cond3A_1239 = arith.cmpi ne, %convert_element_type3A_1237, %cond3A_1238 : i32
      scf.if %cond3A_1239 {
        %add3A_1735 = arith.constant 2 : i32
        %add3A_1736 = arith.addi %add3A_1199, %add3A_1735 : i32
        %mul3A_1737 = arith.constant 128 : i32
        %mul3A_1738 = arith.muli %add3A_1736, %mul3A_1737 : i32
        %add3A_1739 = arith.addi %mul3A_69, %mul3A_1738 : i32
        %dma_start3A_1740 = arith.constant 3 : i32
        %dma_start3A_1741 = arith.constant 3 : i32
        %dma_start3A_1742 = arith.constant 0 : i32
        %dma_start3A_1743 = tpu.memref_slice %arg11[%dma_start3A_1740, %dma_start3A_1742] : memref<4x128xi32, #tpu.memory_space<vmem>> -> memref<1x128xi32, #tpu.memory_space<vmem>>
        %dma_start3A_1744 = tpu.memref_squeeze %dma_start3A_1743 : memref<1x128xi32, #tpu.memory_space<vmem>> -> memref<128xi32, #tpu.memory_space<vmem>>
        %dma_start3A_1745 = tpu.memref_slice %arg5[%add3A_1739] : memref<327680xi32, #tpu.memory_space<hbm>> -> memref<128xi32, #tpu.memory_space<hbm>>
        %dma_start3A_1746 = tpu.memref_slice %arg26[%dma_start3A_1741] : memref<4x!tpu.dma_semaphore, #tpu.memory_space<semaphore_mem>> -> memref<1x!tpu.dma_semaphore, #tpu.memory_space<semaphore_mem>>
        %dma_start3A_1747 = tpu.memref_squeeze %dma_start3A_1746 : memref<1x!tpu.dma_semaphore, #tpu.memory_space<semaphore_mem>> -> memref<!tpu.dma_semaphore, #tpu.memory_space<semaphore_mem>>
        %dma_start3A_1748 = arith.constant 0 : i32
        %dma_start3A_1749 = tpu.memref_slice %arg11[%dma_start3A_1740, %dma_start3A_1748] : memref<4x128xi32, #tpu.memory_space<vmem>> -> memref<1x128xi32, #tpu.memory_space<vmem>>
        %dma_start3A_1750 = tpu.memref_squeeze %dma_start3A_1749 : memref<1x128xi32, #tpu.memory_space<vmem>> -> memref<128xi32, #tpu.memory_space<vmem>>
        %dma_start3A_1751 = tpu.memref_slice %arg5[%add3A_1739] : memref<327680xi32, #tpu.memory_space<hbm>> -> memref<128xi32, #tpu.memory_space<hbm>>
        tpu.enqueue_dma source(%dma_start3A_1751 : memref<128xi32, #tpu.memory_space<hbm>>) target(%dma_start3A_1750 : memref<128xi32, #tpu.memory_space<vmem>>) target_semaphore(%dma_start3A_1747 : memref<!tpu.dma_semaphore, #tpu.memory_space<semaphore_mem>>)
      } else {
      }
      %mul3A_1240 = arith.constant 8 : i32
      %mul3A_1241 = arith.muli %scan3A_417, %mul3A_1240 : i32
      %add3A_1242 = arith.constant 5 : i32
      %add3A_1243 = arith.addi %mul3A_1241, %add3A_1242 : i32
      %dma_wait3A_1244 = arith.constant 1 : i32
      %dma_wait3A_1245 = arith.constant 1 : i32
      %dma_wait3A_1246 = arith.constant 1 : i32
      %dma_wait3A_1247 = arith.constant 0 : i32
      %dma_wait3A_1248 = arith.constant 0 : i32
      %dma_wait3A_1249 = tpu.memref_slice %arg14[%dma_wait3A_1245, %dma_wait3A_1247, %dma_wait3A_1248] : memref<2x128x128xf32, #tpu.memory_space<vmem>> -> memref<1x128x128xf32, #tpu.memory_space<vmem>>
      %dma_wait3A_1250 = tpu.memref_squeeze %dma_wait3A_1249 : memref<1x128x128xf32, #tpu.memory_space<vmem>> -> memref<128x128xf32, #tpu.memory_space<vmem>>
      %dma_wait3A_1251 = arith.constant 0 : i32
      %dma_wait3A_1252 = tpu.memref_slice %arg9[%dma_wait3A_1244, %dma_wait3A_1251] : memref<4x128xi32, #tpu.memory_space<vmem>> -> memref<1x128xi32, #tpu.memory_space<vmem>>
      %dma_wait3A_1253 = tpu.memref_squeeze %dma_wait3A_1252 : memref<1x128xi32, #tpu.memory_space<vmem>> -> memref<128xi32, #tpu.memory_space<vmem>>
      %dma_wait3A_1254 = arith.constant 0 : i32
      %dma_wait3A_1255 = arith.constant 0 : i32
      %dma_wait3A_1256 = tpu.memref_slice %arg2[%dma_wait3A_1254, %dma_wait3A_1255] : memref<10000x128xf32, #tpu.memory_space<hbm>> -> memref<10000x128xf32, #tpu.memory_space<hbm>>
      %dma_wait3A_1257 = tpu.memref_slice %arg24[%dma_wait3A_1246] : memref<2x!tpu.dma_semaphore, #tpu.memory_space<semaphore_mem>> -> memref<1x!tpu.dma_semaphore, #tpu.memory_space<semaphore_mem>>
      %dma_wait3A_1258 = tpu.memref_squeeze %dma_wait3A_1257 : memref<1x!tpu.dma_semaphore, #tpu.memory_space<semaphore_mem>> -> memref<!tpu.dma_semaphore, #tpu.memory_space<semaphore_mem>>
      tpu.wait_indirect_dma semaphore(%dma_wait3A_1258 : memref<!tpu.dma_semaphore, #tpu.memory_space<semaphore_mem>>) src(%dma_wait3A_1256 : memref<10000x128xf32, #tpu.memory_space<hbm>>) dst(%dma_wait3A_1250 : memref<128x128xf32, #tpu.memory_space<vmem>>)
      %dma_wait3A_1259 = arith.constant 1 : i32
      %dma_wait3A_1260 = arith.constant 1 : i32
      %dma_wait3A_1261 = arith.constant 0 : i32
      %dma_wait3A_1262 = tpu.memref_slice %arg10[%dma_wait3A_1259, %dma_wait3A_1261] : memref<4x128xi32, #tpu.memory_space<vmem>> -> memref<1x128xi32, #tpu.memory_space<vmem>>
      %dma_wait3A_1263 = tpu.memref_squeeze %dma_wait3A_1262 : memref<1x128xi32, #tpu.memory_space<vmem>> -> memref<128xi32, #tpu.memory_space<vmem>>
      %dma_wait3A_1264 = arith.constant 0 : i32
      %dma_wait3A_1265 = tpu.memref_slice %arg5[%dma_wait3A_1264] : memref<327680xi32, #tpu.memory_space<hbm>> -> memref<128xi32, #tpu.memory_space<hbm>>
      %dma_wait3A_1266 = tpu.memref_slice %arg23[%dma_wait3A_1260] : memref<4x!tpu.dma_semaphore, #tpu.memory_space<semaphore_mem>> -> memref<1x!tpu.dma_semaphore, #tpu.memory_space<semaphore_mem>>
      %dma_wait3A_1267 = tpu.memref_squeeze %dma_wait3A_1266 : memref<1x!tpu.dma_semaphore, #tpu.memory_space<semaphore_mem>> -> memref<!tpu.dma_semaphore, #tpu.memory_space<semaphore_mem>>
      %dma_wait3A_1268 = arith.constant 0 : i32
      %dma_wait3A_1269 = tpu.memref_slice %arg10[%dma_wait3A_1259, %dma_wait3A_1268] : memref<4x128xi32, #tpu.memory_space<vmem>> -> memref<1x128xi32, #tpu.memory_space<vmem>>
      %dma_wait3A_1270 = tpu.memref_squeeze %dma_wait3A_1269 : memref<1x128xi32, #tpu.memory_space<vmem>> -> memref<128xi32, #tpu.memory_space<vmem>>
      %dma_wait3A_1271 = arith.constant 0 : i32
      %dma_wait3A_1272 = tpu.memref_slice %arg5[%dma_wait3A_1271] : memref<327680xi32, #tpu.memory_space<hbm>> -> memref<128xi32, #tpu.memory_space<hbm>>
      tpu.wait_dma2 semaphore(%dma_wait3A_1267 : memref<!tpu.dma_semaphore, #tpu.memory_space<semaphore_mem>>) src(%dma_wait3A_1272 : memref<128xi32, #tpu.memory_space<hbm>>) dst(%dma_wait3A_1270 : memref<128xi32, #tpu.memory_space<vmem>>)
      %dma_start3A_1273 = arith.constant 1 : i32
      %dma_start3A_1274 = arith.constant 1 : i32
      %dma_start3A_1275 = arith.constant 1 : i32
      %dma_start3A_1276 = arith.constant 0 : i32
      %dma_start3A_1277 = arith.constant 0 : i32
      %dma_start3A_1278 = tpu.memref_slice %arg14[%dma_start3A_1273, %dma_start3A_1276, %dma_start3A_1277] : memref<2x128x128xf32, #tpu.memory_space<vmem>> -> memref<1x128x128xf32, #tpu.memory_space<vmem>>
      %dma_start3A_1279 = tpu.memref_squeeze %dma_start3A_1278 : memref<1x128x128xf32, #tpu.memory_space<vmem>> -> memref<128x128xf32, #tpu.memory_space<vmem>>
      %dma_start3A_1280 = arith.constant 0 : i32
      %dma_start3A_1281 = tpu.memref_slice %arg10[%dma_start3A_1274, %dma_start3A_1280] : memref<4x128xi32, #tpu.memory_space<vmem>> -> memref<1x128xi32, #tpu.memory_space<vmem>>
      %dma_start3A_1282 = tpu.memref_squeeze %dma_start3A_1281 : memref<1x128xi32, #tpu.memory_space<vmem>> -> memref<128xi32, #tpu.memory_space<vmem>>
      %dma_start3A_1283 = arith.constant 0 : i32
      %dma_start3A_1284 = arith.constant 0 : i32
      %dma_start3A_1285 = tpu.memref_slice %arg21[%dma_start3A_1283, %dma_start3A_1284] : memref<10240x128xf32, #tpu.memory_space<vmem_shared>> -> memref<10240x128xf32, #tpu.memory_space<vmem_shared>>
      %dma_start3A_1286 = tpu.memref_slice %arg25[%dma_start3A_1275] : memref<2x!tpu.dma_semaphore, #tpu.memory_space<semaphore_mem>> -> memref<1x!tpu.dma_semaphore, #tpu.memory_space<semaphore_mem>>
      %dma_start3A_1287 = tpu.memref_squeeze %dma_start3A_1286 : memref<1x!tpu.dma_semaphore, #tpu.memory_space<semaphore_mem>> -> memref<!tpu.dma_semaphore, #tpu.memory_space<semaphore_mem>>
      tpu.enqueue_indirect_dma source(%dma_start3A_1279 : memref<128x128xf32, #tpu.memory_space<vmem>>) target(%dma_start3A_1285 : memref<10240x128xf32, #tpu.memory_space<vmem_shared>>) offsets(%dma_start3A_1282 : memref<128xi32, #tpu.memory_space<vmem>>) semaphore(%dma_start3A_1287 : memref<!tpu.dma_semaphore, #tpu.memory_space<semaphore_mem>>) {add = true}
      %dma_wait3A_1288 = arith.constant 1 : i32
      %dma_wait3A_1289 = arith.constant 1 : i32
      %dma_wait3A_1290 = arith.constant 1 : i32
      %dma_wait3A_1291 = arith.constant 0 : i32
      %dma_wait3A_1292 = arith.constant 0 : i32
      %dma_wait3A_1293 = tpu.memref_slice %arg14[%dma_wait3A_1288, %dma_wait3A_1291, %dma_wait3A_1292] : memref<2x128x128xf32, #tpu.memory_space<vmem>> -> memref<1x128x128xf32, #tpu.memory_space<vmem>>
      %dma_wait3A_1294 = tpu.memref_squeeze %dma_wait3A_1293 : memref<1x128x128xf32, #tpu.memory_space<vmem>> -> memref<128x128xf32, #tpu.memory_space<vmem>>
      %dma_wait3A_1295 = arith.constant 0 : i32
      %dma_wait3A_1296 = tpu.memref_slice %arg10[%dma_wait3A_1289, %dma_wait3A_1295] : memref<4x128xi32, #tpu.memory_space<vmem>> -> memref<1x128xi32, #tpu.memory_space<vmem>>
      %dma_wait3A_1297 = tpu.memref_squeeze %dma_wait3A_1296 : memref<1x128xi32, #tpu.memory_space<vmem>> -> memref<128xi32, #tpu.memory_space<vmem>>
      %dma_wait3A_1298 = arith.constant 0 : i32
      %dma_wait3A_1299 = arith.constant 0 : i32
      %dma_wait3A_1300 = tpu.memref_slice %arg21[%dma_wait3A_1298, %dma_wait3A_1299] : memref<10240x128xf32, #tpu.memory_space<vmem_shared>> -> memref<10240x128xf32, #tpu.memory_space<vmem_shared>>
      %dma_wait3A_1301 = tpu.memref_slice %arg25[%dma_wait3A_1290] : memref<2x!tpu.dma_semaphore, #tpu.memory_space<semaphore_mem>> -> memref<1x!tpu.dma_semaphore, #tpu.memory_space<semaphore_mem>>
      %dma_wait3A_1302 = tpu.memref_squeeze %dma_wait3A_1301 : memref<1x!tpu.dma_semaphore, #tpu.memory_space<semaphore_mem>> -> memref<!tpu.dma_semaphore, #tpu.memory_space<semaphore_mem>>
      tpu.wait_indirect_dma semaphore(%dma_wait3A_1302 : memref<!tpu.dma_semaphore, #tpu.memory_space<semaphore_mem>>) src(%dma_wait3A_1294 : memref<128x128xf32, #tpu.memory_space<vmem>>) dst(%dma_wait3A_1300 : memref<10240x128xf32, #tpu.memory_space<vmem_shared>>)
      %add3A_1303 = arith.constant 4 : i32
      %add3A_1304 = arith.addi %add3A_1243, %add3A_1303 : i32
      %lt3A_1305 = arith.constant 80 : i32
      %lt3A_1306 = arith.cmpi slt, %add3A_1304, %lt3A_1305 : i32
      %convert_element_type3A_1307 = arith.extui %lt3A_1306 : i1 to i32
      %cond3A_1308 = arith.constant 0 : i32
      %cond3A_1309 = arith.cmpi ne, %convert_element_type3A_1307, %cond3A_1308 : i32
      scf.if %cond3A_1309 {
        %add3A_1735 = arith.constant 4 : i32
        %add3A_1736 = arith.addi %add3A_1243, %add3A_1735 : i32
        %mul3A_1737 = arith.constant 128 : i32
        %mul3A_1738 = arith.muli %add3A_1736, %mul3A_1737 : i32
        %add3A_1739 = arith.addi %mul3A_65, %mul3A_1738 : i32
        %dma_start3A_1740 = arith.constant 1 : i32
        %dma_start3A_1741 = arith.constant 1 : i32
        %dma_start3A_1742 = arith.constant 0 : i32
        %dma_start3A_1743 = tpu.memref_slice %arg9[%dma_start3A_1740, %dma_start3A_1742] : memref<4x128xi32, #tpu.memory_space<vmem>> -> memref<1x128xi32, #tpu.memory_space<vmem>>
        %dma_start3A_1744 = tpu.memref_squeeze %dma_start3A_1743 : memref<1x128xi32, #tpu.memory_space<vmem>> -> memref<128xi32, #tpu.memory_space<vmem>>
        %dma_start3A_1745 = tpu.memref_slice %arg3[%add3A_1739] : memref<327680xi32, #tpu.memory_space<hbm>> -> memref<128xi32, #tpu.memory_space<hbm>>
        %dma_start3A_1746 = tpu.memref_slice %arg22[%dma_start3A_1741] : memref<4x!tpu.dma_semaphore, #tpu.memory_space<semaphore_mem>> -> memref<1x!tpu.dma_semaphore, #tpu.memory_space<semaphore_mem>>
        %dma_start3A_1747 = tpu.memref_squeeze %dma_start3A_1746 : memref<1x!tpu.dma_semaphore, #tpu.memory_space<semaphore_mem>> -> memref<!tpu.dma_semaphore, #tpu.memory_space<semaphore_mem>>
        %dma_start3A_1748 = arith.constant 0 : i32
        %dma_start3A_1749 = tpu.memref_slice %arg9[%dma_start3A_1740, %dma_start3A_1748] : memref<4x128xi32, #tpu.memory_space<vmem>> -> memref<1x128xi32, #tpu.memory_space<vmem>>
        %dma_start3A_1750 = tpu.memref_squeeze %dma_start3A_1749 : memref<1x128xi32, #tpu.memory_space<vmem>> -> memref<128xi32, #tpu.memory_space<vmem>>
        %dma_start3A_1751 = tpu.memref_slice %arg3[%add3A_1739] : memref<327680xi32, #tpu.memory_space<hbm>> -> memref<128xi32, #tpu.memory_space<hbm>>
        tpu.enqueue_dma source(%dma_start3A_1751 : memref<128xi32, #tpu.memory_space<hbm>>) target(%dma_start3A_1750 : memref<128xi32, #tpu.memory_space<vmem>>) target_semaphore(%dma_start3A_1747 : memref<!tpu.dma_semaphore, #tpu.memory_space<semaphore_mem>>)
        %add3A_1752 = arith.constant 4 : i32
        %add3A_1753 = arith.addi %add3A_1243, %add3A_1752 : i32
        %mul3A_1754 = arith.constant 128 : i32
        %mul3A_1755 = arith.muli %add3A_1753, %mul3A_1754 : i32
        %add3A_1756 = arith.addi %mul3A_65, %mul3A_1755 : i32
        %dma_start3A_1757 = arith.constant 1 : i32
        %dma_start3A_1758 = arith.constant 1 : i32
        %dma_start3A_1759 = arith.constant 0 : i32
        %dma_start3A_1760 = tpu.memref_slice %arg10[%dma_start3A_1757, %dma_start3A_1759] : memref<4x128xi32, #tpu.memory_space<vmem>> -> memref<1x128xi32, #tpu.memory_space<vmem>>
        %dma_start3A_1761 = tpu.memref_squeeze %dma_start3A_1760 : memref<1x128xi32, #tpu.memory_space<vmem>> -> memref<128xi32, #tpu.memory_space<vmem>>
        %dma_start3A_1762 = tpu.memref_slice %arg5[%add3A_1756] : memref<327680xi32, #tpu.memory_space<hbm>> -> memref<128xi32, #tpu.memory_space<hbm>>
        %dma_start3A_1763 = tpu.memref_slice %arg23[%dma_start3A_1758] : memref<4x!tpu.dma_semaphore, #tpu.memory_space<semaphore_mem>> -> memref<1x!tpu.dma_semaphore, #tpu.memory_space<semaphore_mem>>
        %dma_start3A_1764 = tpu.memref_squeeze %dma_start3A_1763 : memref<1x!tpu.dma_semaphore, #tpu.memory_space<semaphore_mem>> -> memref<!tpu.dma_semaphore, #tpu.memory_space<semaphore_mem>>
        %dma_start3A_1765 = arith.constant 0 : i32
        %dma_start3A_1766 = tpu.memref_slice %arg10[%dma_start3A_1757, %dma_start3A_1765] : memref<4x128xi32, #tpu.memory_space<vmem>> -> memref<1x128xi32, #tpu.memory_space<vmem>>
        %dma_start3A_1767 = tpu.memref_squeeze %dma_start3A_1766 : memref<1x128xi32, #tpu.memory_space<vmem>> -> memref<128xi32, #tpu.memory_space<vmem>>
        %dma_start3A_1768 = tpu.memref_slice %arg5[%add3A_1756] : memref<327680xi32, #tpu.memory_space<hbm>> -> memref<128xi32, #tpu.memory_space<hbm>>
        tpu.enqueue_dma source(%dma_start3A_1768 : memref<128xi32, #tpu.memory_space<hbm>>) target(%dma_start3A_1767 : memref<128xi32, #tpu.memory_space<vmem>>) target_semaphore(%dma_start3A_1764 : memref<!tpu.dma_semaphore, #tpu.memory_space<semaphore_mem>>)
      } else {
      }
      %add3A_1310 = arith.constant 2 : i32
      %add3A_1311 = arith.addi %add3A_1243, %add3A_1310 : i32
      %lt3A_1312 = arith.constant 80 : i32
      %lt3A_1313 = arith.cmpi slt, %add3A_1311, %lt3A_1312 : i32
      %convert_element_type3A_1314 = arith.extui %lt3A_1313 : i1 to i32
      %cond3A_1315 = arith.constant 0 : i32
      %cond3A_1316 = arith.cmpi ne, %convert_element_type3A_1314, %cond3A_1315 : i32
      scf.if %cond3A_1316 {
        %dma_wait3A_1735 = arith.constant 3 : i32
        %dma_wait3A_1736 = arith.constant 3 : i32
        %dma_wait3A_1737 = arith.constant 0 : i32
        %dma_wait3A_1738 = tpu.memref_slice %arg9[%dma_wait3A_1735, %dma_wait3A_1737] : memref<4x128xi32, #tpu.memory_space<vmem>> -> memref<1x128xi32, #tpu.memory_space<vmem>>
        %dma_wait3A_1739 = tpu.memref_squeeze %dma_wait3A_1738 : memref<1x128xi32, #tpu.memory_space<vmem>> -> memref<128xi32, #tpu.memory_space<vmem>>
        %dma_wait3A_1740 = arith.constant 0 : i32
        %dma_wait3A_1741 = tpu.memref_slice %arg3[%dma_wait3A_1740] : memref<327680xi32, #tpu.memory_space<hbm>> -> memref<128xi32, #tpu.memory_space<hbm>>
        %dma_wait3A_1742 = tpu.memref_slice %arg22[%dma_wait3A_1736] : memref<4x!tpu.dma_semaphore, #tpu.memory_space<semaphore_mem>> -> memref<1x!tpu.dma_semaphore, #tpu.memory_space<semaphore_mem>>
        %dma_wait3A_1743 = tpu.memref_squeeze %dma_wait3A_1742 : memref<1x!tpu.dma_semaphore, #tpu.memory_space<semaphore_mem>> -> memref<!tpu.dma_semaphore, #tpu.memory_space<semaphore_mem>>
        %dma_wait3A_1744 = arith.constant 0 : i32
        %dma_wait3A_1745 = tpu.memref_slice %arg9[%dma_wait3A_1735, %dma_wait3A_1744] : memref<4x128xi32, #tpu.memory_space<vmem>> -> memref<1x128xi32, #tpu.memory_space<vmem>>
        %dma_wait3A_1746 = tpu.memref_squeeze %dma_wait3A_1745 : memref<1x128xi32, #tpu.memory_space<vmem>> -> memref<128xi32, #tpu.memory_space<vmem>>
        %dma_wait3A_1747 = arith.constant 0 : i32
        %dma_wait3A_1748 = tpu.memref_slice %arg3[%dma_wait3A_1747] : memref<327680xi32, #tpu.memory_space<hbm>> -> memref<128xi32, #tpu.memory_space<hbm>>
        tpu.wait_dma2 semaphore(%dma_wait3A_1743 : memref<!tpu.dma_semaphore, #tpu.memory_space<semaphore_mem>>) src(%dma_wait3A_1748 : memref<128xi32, #tpu.memory_space<hbm>>) dst(%dma_wait3A_1746 : memref<128xi32, #tpu.memory_space<vmem>>)
        %dma_start3A_1749 = arith.constant 3 : i32
        %dma_start3A_1750 = arith.constant 1 : i32
        %dma_start3A_1751 = arith.constant 1 : i32
        %dma_start3A_1752 = arith.constant 0 : i32
        %dma_start3A_1753 = arith.constant 0 : i32
        %dma_start3A_1754 = tpu.memref_slice %arg14[%dma_start3A_1750, %dma_start3A_1752, %dma_start3A_1753] : memref<2x128x128xf32, #tpu.memory_space<vmem>> -> memref<1x128x128xf32, #tpu.memory_space<vmem>>
        %dma_start3A_1755 = tpu.memref_squeeze %dma_start3A_1754 : memref<1x128x128xf32, #tpu.memory_space<vmem>> -> memref<128x128xf32, #tpu.memory_space<vmem>>
        %dma_start3A_1756 = arith.constant 0 : i32
        %dma_start3A_1757 = tpu.memref_slice %arg9[%dma_start3A_1749, %dma_start3A_1756] : memref<4x128xi32, #tpu.memory_space<vmem>> -> memref<1x128xi32, #tpu.memory_space<vmem>>
        %dma_start3A_1758 = tpu.memref_squeeze %dma_start3A_1757 : memref<1x128xi32, #tpu.memory_space<vmem>> -> memref<128xi32, #tpu.memory_space<vmem>>
        %dma_start3A_1759 = arith.constant 0 : i32
        %dma_start3A_1760 = arith.constant 0 : i32
        %dma_start3A_1761 = tpu.memref_slice %arg2[%dma_start3A_1759, %dma_start3A_1760] : memref<10000x128xf32, #tpu.memory_space<hbm>> -> memref<10000x128xf32, #tpu.memory_space<hbm>>
        %dma_start3A_1762 = tpu.memref_slice %arg24[%dma_start3A_1751] : memref<2x!tpu.dma_semaphore, #tpu.memory_space<semaphore_mem>> -> memref<1x!tpu.dma_semaphore, #tpu.memory_space<semaphore_mem>>
        %dma_start3A_1763 = tpu.memref_squeeze %dma_start3A_1762 : memref<1x!tpu.dma_semaphore, #tpu.memory_space<semaphore_mem>> -> memref<!tpu.dma_semaphore, #tpu.memory_space<semaphore_mem>>
        tpu.enqueue_indirect_dma source(%dma_start3A_1761 : memref<10000x128xf32, #tpu.memory_space<hbm>>) target(%dma_start3A_1755 : memref<128x128xf32, #tpu.memory_space<vmem>>) offsets(%dma_start3A_1758 : memref<128xi32, #tpu.memory_space<vmem>>) semaphore(%dma_start3A_1763 : memref<!tpu.dma_semaphore, #tpu.memory_space<semaphore_mem>>)
      } else {
      }
      %mul3A_1317 = arith.constant 2 : i32
      %mul3A_1318 = arith.muli %add3A_1243, %mul3A_1317 : i32
      %add3A_1319 = arith.constant 0 : i32
      %add3A_1320 = arith.addi %mul3A_1318, %add3A_1319 : i32
      %dma_wait3A_1321 = arith.constant 2 : i32
      %dma_wait3A_1322 = arith.constant 2 : i32
      %dma_wait3A_1323 = arith.constant 0 : i32
      %dma_wait3A_1324 = tpu.memref_slice %arg11[%dma_wait3A_1321, %dma_wait3A_1323] : memref<4x128xi32, #tpu.memory_space<vmem>> -> memref<1x128xi32, #tpu.memory_space<vmem>>
      %dma_wait3A_1325 = tpu.memref_squeeze %dma_wait3A_1324 : memref<1x128xi32, #tpu.memory_space<vmem>> -> memref<128xi32, #tpu.memory_space<vmem>>
      %dma_wait3A_1326 = arith.constant 0 : i32
      %dma_wait3A_1327 = tpu.memref_slice %arg5[%dma_wait3A_1326] : memref<327680xi32, #tpu.memory_space<hbm>> -> memref<128xi32, #tpu.memory_space<hbm>>
      %dma_wait3A_1328 = tpu.memref_slice %arg26[%dma_wait3A_1322] : memref<4x!tpu.dma_semaphore, #tpu.memory_space<semaphore_mem>> -> memref<1x!tpu.dma_semaphore, #tpu.memory_space<semaphore_mem>>
      %dma_wait3A_1329 = tpu.memref_squeeze %dma_wait3A_1328 : memref<1x!tpu.dma_semaphore, #tpu.memory_space<semaphore_mem>> -> memref<!tpu.dma_semaphore, #tpu.memory_space<semaphore_mem>>
      %dma_wait3A_1330 = arith.constant 0 : i32
      %dma_wait3A_1331 = tpu.memref_slice %arg11[%dma_wait3A_1321, %dma_wait3A_1330] : memref<4x128xi32, #tpu.memory_space<vmem>> -> memref<1x128xi32, #tpu.memory_space<vmem>>
      %dma_wait3A_1332 = tpu.memref_squeeze %dma_wait3A_1331 : memref<1x128xi32, #tpu.memory_space<vmem>> -> memref<128xi32, #tpu.memory_space<vmem>>
      %dma_wait3A_1333 = arith.constant 0 : i32
      %dma_wait3A_1334 = tpu.memref_slice %arg5[%dma_wait3A_1333] : memref<327680xi32, #tpu.memory_space<hbm>> -> memref<128xi32, #tpu.memory_space<hbm>>
      tpu.wait_dma2 semaphore(%dma_wait3A_1329 : memref<!tpu.dma_semaphore, #tpu.memory_space<semaphore_mem>>) src(%dma_wait3A_1334 : memref<128xi32, #tpu.memory_space<hbm>>) dst(%dma_wait3A_1332 : memref<128xi32, #tpu.memory_space<vmem>>)
      %dma_start3A_1335 = arith.constant 2 : i32
      %dma_start3A_1336 = arith.constant 2 : i32
      %dma_start3A_1337 = arith.constant 0 : i32
      %dma_start3A_1338 = tpu.memref_slice %arg11[%dma_start3A_1335, %dma_start3A_1337] : memref<4x128xi32, #tpu.memory_space<vmem>> -> memref<1x128xi32, #tpu.memory_space<vmem>>
      %dma_start3A_1339 = tpu.memref_squeeze %dma_start3A_1338 : memref<1x128xi32, #tpu.memory_space<vmem>> -> memref<128xi32, #tpu.memory_space<vmem>>
      %dma_start3A_1340 = arith.constant 0 : i32
      %dma_start3A_1341 = tpu.memref_slice %arg18[%dma_start3A_1340] : memref<10240xf32, #tpu.memory_space<vmem_shared>> -> memref<10240xf32, #tpu.memory_space<vmem_shared>>
      %dma_start3A_1342 = tpu.memref_slice %arg27[%dma_start3A_1336] : memref<4x!tpu.dma_semaphore, #tpu.memory_space<semaphore_mem>> -> memref<1x!tpu.dma_semaphore, #tpu.memory_space<semaphore_mem>>
      %dma_start3A_1343 = tpu.memref_squeeze %dma_start3A_1342 : memref<1x!tpu.dma_semaphore, #tpu.memory_space<semaphore_mem>> -> memref<!tpu.dma_semaphore, #tpu.memory_space<semaphore_mem>>
      tpu.enqueue_indirect_dma source(%arg16 : memref<128xf32, #tpu.memory_space<vmem>>) target(%dma_start3A_1341 : memref<10240xf32, #tpu.memory_space<vmem_shared>>) offsets(%dma_start3A_1339 : memref<128xi32, #tpu.memory_space<vmem>>) semaphore(%dma_start3A_1343 : memref<!tpu.dma_semaphore, #tpu.memory_space<semaphore_mem>>) {add = true}
      %ge3A_1344 = arith.constant 2 : i32
      %ge3A_1345 = arith.cmpi sge, %add3A_1320, %ge3A_1344 : i32
      %convert_element_type3A_1346 = arith.extui %ge3A_1345 : i1 to i32
      %cond3A_1347 = arith.constant 0 : i32
      %cond3A_1348 = arith.cmpi ne, %convert_element_type3A_1346, %cond3A_1347 : i32
      scf.if %cond3A_1348 {
        %dma_wait3A_1735 = arith.constant 0 : i32
        %dma_wait3A_1736 = arith.constant 0 : i32
        %dma_wait3A_1737 = arith.constant 0 : i32
        %dma_wait3A_1738 = tpu.memref_slice %arg11[%dma_wait3A_1735, %dma_wait3A_1737] : memref<4x128xi32, #tpu.memory_space<vmem>> -> memref<1x128xi32, #tpu.memory_space<vmem>>
        %dma_wait3A_1739 = tpu.memref_squeeze %dma_wait3A_1738 : memref<1x128xi32, #tpu.memory_space<vmem>> -> memref<128xi32, #tpu.memory_space<vmem>>
        %dma_wait3A_1740 = arith.constant 0 : i32
        %dma_wait3A_1741 = tpu.memref_slice %arg18[%dma_wait3A_1740] : memref<10240xf32, #tpu.memory_space<vmem_shared>> -> memref<10240xf32, #tpu.memory_space<vmem_shared>>
        %dma_wait3A_1742 = tpu.memref_slice %arg27[%dma_wait3A_1736] : memref<4x!tpu.dma_semaphore, #tpu.memory_space<semaphore_mem>> -> memref<1x!tpu.dma_semaphore, #tpu.memory_space<semaphore_mem>>
        %dma_wait3A_1743 = tpu.memref_squeeze %dma_wait3A_1742 : memref<1x!tpu.dma_semaphore, #tpu.memory_space<semaphore_mem>> -> memref<!tpu.dma_semaphore, #tpu.memory_space<semaphore_mem>>
        tpu.wait_indirect_dma semaphore(%dma_wait3A_1743 : memref<!tpu.dma_semaphore, #tpu.memory_space<semaphore_mem>>) src(%arg16 : memref<128xf32, #tpu.memory_space<vmem>>) dst(%dma_wait3A_1741 : memref<10240xf32, #tpu.memory_space<vmem_shared>>)
      } else {
      }
      %add3A_1349 = arith.constant 2 : i32
      %add3A_1350 = arith.addi %add3A_1320, %add3A_1349 : i32
      %ge3A_1351 = arith.constant 4 : i32
      %ge3A_1352 = arith.cmpi sge, %add3A_1350, %ge3A_1351 : i32
      %add3A_1353 = arith.constant 2 : i32
      %add3A_1354 = arith.addi %add3A_1320, %add3A_1353 : i32
      %lt3A_1355 = arith.constant 160 : i32
      %lt3A_1356 = arith.cmpi slt, %add3A_1354, %lt3A_1355 : i32
      %and3A_1357 = arith.andi %ge3A_1352, %lt3A_1356 : i1
      %convert_element_type3A_1358 = arith.extui %and3A_1357 : i1 to i32
      %cond3A_1359 = arith.constant 0 : i32
      %cond3A_1360 = arith.cmpi ne, %convert_element_type3A_1358, %cond3A_1359 : i32
      scf.if %cond3A_1360 {
        %add3A_1735 = arith.constant 2 : i32
        %add3A_1736 = arith.addi %add3A_1320, %add3A_1735 : i32
        %mul3A_1737 = arith.constant 128 : i32
        %mul3A_1738 = arith.muli %add3A_1736, %mul3A_1737 : i32
        %add3A_1739 = arith.addi %mul3A_69, %mul3A_1738 : i32
        %dma_start3A_1740 = arith.constant 0 : i32
        %dma_start3A_1741 = arith.constant 0 : i32
        %dma_start3A_1742 = arith.constant 0 : i32
        %dma_start3A_1743 = tpu.memref_slice %arg11[%dma_start3A_1740, %dma_start3A_1742] : memref<4x128xi32, #tpu.memory_space<vmem>> -> memref<1x128xi32, #tpu.memory_space<vmem>>
        %dma_start3A_1744 = tpu.memref_squeeze %dma_start3A_1743 : memref<1x128xi32, #tpu.memory_space<vmem>> -> memref<128xi32, #tpu.memory_space<vmem>>
        %dma_start3A_1745 = tpu.memref_slice %arg5[%add3A_1739] : memref<327680xi32, #tpu.memory_space<hbm>> -> memref<128xi32, #tpu.memory_space<hbm>>
        %dma_start3A_1746 = tpu.memref_slice %arg26[%dma_start3A_1741] : memref<4x!tpu.dma_semaphore, #tpu.memory_space<semaphore_mem>> -> memref<1x!tpu.dma_semaphore, #tpu.memory_space<semaphore_mem>>
        %dma_start3A_1747 = tpu.memref_squeeze %dma_start3A_1746 : memref<1x!tpu.dma_semaphore, #tpu.memory_space<semaphore_mem>> -> memref<!tpu.dma_semaphore, #tpu.memory_space<semaphore_mem>>
        %dma_start3A_1748 = arith.constant 0 : i32
        %dma_start3A_1749 = tpu.memref_slice %arg11[%dma_start3A_1740, %dma_start3A_1748] : memref<4x128xi32, #tpu.memory_space<vmem>> -> memref<1x128xi32, #tpu.memory_space<vmem>>
        %dma_start3A_1750 = tpu.memref_squeeze %dma_start3A_1749 : memref<1x128xi32, #tpu.memory_space<vmem>> -> memref<128xi32, #tpu.memory_space<vmem>>
        %dma_start3A_1751 = tpu.memref_slice %arg5[%add3A_1739] : memref<327680xi32, #tpu.memory_space<hbm>> -> memref<128xi32, #tpu.memory_space<hbm>>
        tpu.enqueue_dma source(%dma_start3A_1751 : memref<128xi32, #tpu.memory_space<hbm>>) target(%dma_start3A_1750 : memref<128xi32, #tpu.memory_space<vmem>>) target_semaphore(%dma_start3A_1747 : memref<!tpu.dma_semaphore, #tpu.memory_space<semaphore_mem>>)
      } else {
      }
      %mul3A_1361 = arith.constant 2 : i32
      %mul3A_1362 = arith.muli %add3A_1243, %mul3A_1361 : i32
      %add3A_1363 = arith.constant 1 : i32
      %add3A_1364 = arith.addi %mul3A_1362, %add3A_1363 : i32
      %dma_wait3A_1365 = arith.constant 3 : i32
      %dma_wait3A_1366 = arith.constant 3 : i32
      %dma_wait3A_1367 = arith.constant 0 : i32
      %dma_wait3A_1368 = tpu.memref_slice %arg11[%dma_wait3A_1365, %dma_wait3A_1367] : memref<4x128xi32, #tpu.memory_space<vmem>> -> memref<1x128xi32, #tpu.memory_space<vmem>>
      %dma_wait3A_1369 = tpu.memref_squeeze %dma_wait3A_1368 : memref<1x128xi32, #tpu.memory_space<vmem>> -> memref<128xi32, #tpu.memory_space<vmem>>
      %dma_wait3A_1370 = arith.constant 0 : i32
      %dma_wait3A_1371 = tpu.memref_slice %arg5[%dma_wait3A_1370] : memref<327680xi32, #tpu.memory_space<hbm>> -> memref<128xi32, #tpu.memory_space<hbm>>
      %dma_wait3A_1372 = tpu.memref_slice %arg26[%dma_wait3A_1366] : memref<4x!tpu.dma_semaphore, #tpu.memory_space<semaphore_mem>> -> memref<1x!tpu.dma_semaphore, #tpu.memory_space<semaphore_mem>>
      %dma_wait3A_1373 = tpu.memref_squeeze %dma_wait3A_1372 : memref<1x!tpu.dma_semaphore, #tpu.memory_space<semaphore_mem>> -> memref<!tpu.dma_semaphore, #tpu.memory_space<semaphore_mem>>
      %dma_wait3A_1374 = arith.constant 0 : i32
      %dma_wait3A_1375 = tpu.memref_slice %arg11[%dma_wait3A_1365, %dma_wait3A_1374] : memref<4x128xi32, #tpu.memory_space<vmem>> -> memref<1x128xi32, #tpu.memory_space<vmem>>
      %dma_wait3A_1376 = tpu.memref_squeeze %dma_wait3A_1375 : memref<1x128xi32, #tpu.memory_space<vmem>> -> memref<128xi32, #tpu.memory_space<vmem>>
      %dma_wait3A_1377 = arith.constant 0 : i32
      %dma_wait3A_1378 = tpu.memref_slice %arg5[%dma_wait3A_1377] : memref<327680xi32, #tpu.memory_space<hbm>> -> memref<128xi32, #tpu.memory_space<hbm>>
      tpu.wait_dma2 semaphore(%dma_wait3A_1373 : memref<!tpu.dma_semaphore, #tpu.memory_space<semaphore_mem>>) src(%dma_wait3A_1378 : memref<128xi32, #tpu.memory_space<hbm>>) dst(%dma_wait3A_1376 : memref<128xi32, #tpu.memory_space<vmem>>)
      %dma_start3A_1379 = arith.constant 3 : i32
      %dma_start3A_1380 = arith.constant 3 : i32
      %dma_start3A_1381 = arith.constant 0 : i32
      %dma_start3A_1382 = tpu.memref_slice %arg11[%dma_start3A_1379, %dma_start3A_1381] : memref<4x128xi32, #tpu.memory_space<vmem>> -> memref<1x128xi32, #tpu.memory_space<vmem>>
      %dma_start3A_1383 = tpu.memref_squeeze %dma_start3A_1382 : memref<1x128xi32, #tpu.memory_space<vmem>> -> memref<128xi32, #tpu.memory_space<vmem>>
      %dma_start3A_1384 = arith.constant 0 : i32
      %dma_start3A_1385 = tpu.memref_slice %arg18[%dma_start3A_1384] : memref<10240xf32, #tpu.memory_space<vmem_shared>> -> memref<10240xf32, #tpu.memory_space<vmem_shared>>
      %dma_start3A_1386 = tpu.memref_slice %arg27[%dma_start3A_1380] : memref<4x!tpu.dma_semaphore, #tpu.memory_space<semaphore_mem>> -> memref<1x!tpu.dma_semaphore, #tpu.memory_space<semaphore_mem>>
      %dma_start3A_1387 = tpu.memref_squeeze %dma_start3A_1386 : memref<1x!tpu.dma_semaphore, #tpu.memory_space<semaphore_mem>> -> memref<!tpu.dma_semaphore, #tpu.memory_space<semaphore_mem>>
      tpu.enqueue_indirect_dma source(%arg16 : memref<128xf32, #tpu.memory_space<vmem>>) target(%dma_start3A_1385 : memref<10240xf32, #tpu.memory_space<vmem_shared>>) offsets(%dma_start3A_1383 : memref<128xi32, #tpu.memory_space<vmem>>) semaphore(%dma_start3A_1387 : memref<!tpu.dma_semaphore, #tpu.memory_space<semaphore_mem>>) {add = true}
      %ge3A_1388 = arith.constant 2 : i32
      %ge3A_1389 = arith.cmpi sge, %add3A_1364, %ge3A_1388 : i32
      %convert_element_type3A_1390 = arith.extui %ge3A_1389 : i1 to i32
      %cond3A_1391 = arith.constant 0 : i32
      %cond3A_1392 = arith.cmpi ne, %convert_element_type3A_1390, %cond3A_1391 : i32
      scf.if %cond3A_1392 {
        %dma_wait3A_1735 = arith.constant 1 : i32
        %dma_wait3A_1736 = arith.constant 1 : i32
        %dma_wait3A_1737 = arith.constant 0 : i32
        %dma_wait3A_1738 = tpu.memref_slice %arg11[%dma_wait3A_1735, %dma_wait3A_1737] : memref<4x128xi32, #tpu.memory_space<vmem>> -> memref<1x128xi32, #tpu.memory_space<vmem>>
        %dma_wait3A_1739 = tpu.memref_squeeze %dma_wait3A_1738 : memref<1x128xi32, #tpu.memory_space<vmem>> -> memref<128xi32, #tpu.memory_space<vmem>>
        %dma_wait3A_1740 = arith.constant 0 : i32
        %dma_wait3A_1741 = tpu.memref_slice %arg18[%dma_wait3A_1740] : memref<10240xf32, #tpu.memory_space<vmem_shared>> -> memref<10240xf32, #tpu.memory_space<vmem_shared>>
        %dma_wait3A_1742 = tpu.memref_slice %arg27[%dma_wait3A_1736] : memref<4x!tpu.dma_semaphore, #tpu.memory_space<semaphore_mem>> -> memref<1x!tpu.dma_semaphore, #tpu.memory_space<semaphore_mem>>
        %dma_wait3A_1743 = tpu.memref_squeeze %dma_wait3A_1742 : memref<1x!tpu.dma_semaphore, #tpu.memory_space<semaphore_mem>> -> memref<!tpu.dma_semaphore, #tpu.memory_space<semaphore_mem>>
        tpu.wait_indirect_dma semaphore(%dma_wait3A_1743 : memref<!tpu.dma_semaphore, #tpu.memory_space<semaphore_mem>>) src(%arg16 : memref<128xf32, #tpu.memory_space<vmem>>) dst(%dma_wait3A_1741 : memref<10240xf32, #tpu.memory_space<vmem_shared>>)
      } else {
      }
      %add3A_1393 = arith.constant 2 : i32
      %add3A_1394 = arith.addi %add3A_1364, %add3A_1393 : i32
      %ge3A_1395 = arith.constant 4 : i32
      %ge3A_1396 = arith.cmpi sge, %add3A_1394, %ge3A_1395 : i32
      %add3A_1397 = arith.constant 2 : i32
      %add3A_1398 = arith.addi %add3A_1364, %add3A_1397 : i32
      %lt3A_1399 = arith.constant 160 : i32
      %lt3A_1400 = arith.cmpi slt, %add3A_1398, %lt3A_1399 : i32
      %and3A_1401 = arith.andi %ge3A_1396, %lt3A_1400 : i1
      %convert_element_type3A_1402 = arith.extui %and3A_1401 : i1 to i32
      %cond3A_1403 = arith.constant 0 : i32
      %cond3A_1404 = arith.cmpi ne, %convert_element_type3A_1402, %cond3A_1403 : i32
      scf.if %cond3A_1404 {
        %add3A_1735 = arith.constant 2 : i32
        %add3A_1736 = arith.addi %add3A_1364, %add3A_1735 : i32
        %mul3A_1737 = arith.constant 128 : i32
        %mul3A_1738 = arith.muli %add3A_1736, %mul3A_1737 : i32
        %add3A_1739 = arith.addi %mul3A_69, %mul3A_1738 : i32
        %dma_start3A_1740 = arith.constant 1 : i32
        %dma_start3A_1741 = arith.constant 1 : i32
        %dma_start3A_1742 = arith.constant 0 : i32
        %dma_start3A_1743 = tpu.memref_slice %arg11[%dma_start3A_1740, %dma_start3A_1742] : memref<4x128xi32, #tpu.memory_space<vmem>> -> memref<1x128xi32, #tpu.memory_space<vmem>>
        %dma_start3A_1744 = tpu.memref_squeeze %dma_start3A_1743 : memref<1x128xi32, #tpu.memory_space<vmem>> -> memref<128xi32, #tpu.memory_space<vmem>>
        %dma_start3A_1745 = tpu.memref_slice %arg5[%add3A_1739] : memref<327680xi32, #tpu.memory_space<hbm>> -> memref<128xi32, #tpu.memory_space<hbm>>
        %dma_start3A_1746 = tpu.memref_slice %arg26[%dma_start3A_1741] : memref<4x!tpu.dma_semaphore, #tpu.memory_space<semaphore_mem>> -> memref<1x!tpu.dma_semaphore, #tpu.memory_space<semaphore_mem>>
        %dma_start3A_1747 = tpu.memref_squeeze %dma_start3A_1746 : memref<1x!tpu.dma_semaphore, #tpu.memory_space<semaphore_mem>> -> memref<!tpu.dma_semaphore, #tpu.memory_space<semaphore_mem>>
        %dma_start3A_1748 = arith.constant 0 : i32
        %dma_start3A_1749 = tpu.memref_slice %arg11[%dma_start3A_1740, %dma_start3A_1748] : memref<4x128xi32, #tpu.memory_space<vmem>> -> memref<1x128xi32, #tpu.memory_space<vmem>>
        %dma_start3A_1750 = tpu.memref_squeeze %dma_start3A_1749 : memref<1x128xi32, #tpu.memory_space<vmem>> -> memref<128xi32, #tpu.memory_space<vmem>>
        %dma_start3A_1751 = tpu.memref_slice %arg5[%add3A_1739] : memref<327680xi32, #tpu.memory_space<hbm>> -> memref<128xi32, #tpu.memory_space<hbm>>
        tpu.enqueue_dma source(%dma_start3A_1751 : memref<128xi32, #tpu.memory_space<hbm>>) target(%dma_start3A_1750 : memref<128xi32, #tpu.memory_space<vmem>>) target_semaphore(%dma_start3A_1747 : memref<!tpu.dma_semaphore, #tpu.memory_space<semaphore_mem>>)
      } else {
      }
      %mul3A_1405 = arith.constant 8 : i32
      %mul3A_1406 = arith.muli %scan3A_417, %mul3A_1405 : i32
      %add3A_1407 = arith.constant 6 : i32
      %add3A_1408 = arith.addi %mul3A_1406, %add3A_1407 : i32
      %dma_wait3A_1409 = arith.constant 2 : i32
      %dma_wait3A_1410 = arith.constant 0 : i32
      %dma_wait3A_1411 = arith.constant 0 : i32
      %dma_wait3A_1412 = arith.constant 0 : i32
      %dma_wait3A_1413 = arith.constant 0 : i32
      %dma_wait3A_1414 = tpu.memref_slice %arg14[%dma_wait3A_1410, %dma_wait3A_1412, %dma_wait3A_1413] : memref<2x128x128xf32, #tpu.memory_space<vmem>> -> memref<1x128x128xf32, #tpu.memory_space<vmem>>
      %dma_wait3A_1415 = tpu.memref_squeeze %dma_wait3A_1414 : memref<1x128x128xf32, #tpu.memory_space<vmem>> -> memref<128x128xf32, #tpu.memory_space<vmem>>
      %dma_wait3A_1416 = arith.constant 0 : i32
      %dma_wait3A_1417 = tpu.memref_slice %arg9[%dma_wait3A_1409, %dma_wait3A_1416] : memref<4x128xi32, #tpu.memory_space<vmem>> -> memref<1x128xi32, #tpu.memory_space<vmem>>
      %dma_wait3A_1418 = tpu.memref_squeeze %dma_wait3A_1417 : memref<1x128xi32, #tpu.memory_space<vmem>> -> memref<128xi32, #tpu.memory_space<vmem>>
      %dma_wait3A_1419 = arith.constant 0 : i32
      %dma_wait3A_1420 = arith.constant 0 : i32
      %dma_wait3A_1421 = tpu.memref_slice %arg2[%dma_wait3A_1419, %dma_wait3A_1420] : memref<10000x128xf32, #tpu.memory_space<hbm>> -> memref<10000x128xf32, #tpu.memory_space<hbm>>
      %dma_wait3A_1422 = tpu.memref_slice %arg24[%dma_wait3A_1411] : memref<2x!tpu.dma_semaphore, #tpu.memory_space<semaphore_mem>> -> memref<1x!tpu.dma_semaphore, #tpu.memory_space<semaphore_mem>>
      %dma_wait3A_1423 = tpu.memref_squeeze %dma_wait3A_1422 : memref<1x!tpu.dma_semaphore, #tpu.memory_space<semaphore_mem>> -> memref<!tpu.dma_semaphore, #tpu.memory_space<semaphore_mem>>
      tpu.wait_indirect_dma semaphore(%dma_wait3A_1423 : memref<!tpu.dma_semaphore, #tpu.memory_space<semaphore_mem>>) src(%dma_wait3A_1421 : memref<10000x128xf32, #tpu.memory_space<hbm>>) dst(%dma_wait3A_1415 : memref<128x128xf32, #tpu.memory_space<vmem>>)
      %dma_wait3A_1424 = arith.constant 2 : i32
      %dma_wait3A_1425 = arith.constant 2 : i32
      %dma_wait3A_1426 = arith.constant 0 : i32
      %dma_wait3A_1427 = tpu.memref_slice %arg10[%dma_wait3A_1424, %dma_wait3A_1426] : memref<4x128xi32, #tpu.memory_space<vmem>> -> memref<1x128xi32, #tpu.memory_space<vmem>>
      %dma_wait3A_1428 = tpu.memref_squeeze %dma_wait3A_1427 : memref<1x128xi32, #tpu.memory_space<vmem>> -> memref<128xi32, #tpu.memory_space<vmem>>
      %dma_wait3A_1429 = arith.constant 0 : i32
      %dma_wait3A_1430 = tpu.memref_slice %arg5[%dma_wait3A_1429] : memref<327680xi32, #tpu.memory_space<hbm>> -> memref<128xi32, #tpu.memory_space<hbm>>
      %dma_wait3A_1431 = tpu.memref_slice %arg23[%dma_wait3A_1425] : memref<4x!tpu.dma_semaphore, #tpu.memory_space<semaphore_mem>> -> memref<1x!tpu.dma_semaphore, #tpu.memory_space<semaphore_mem>>
      %dma_wait3A_1432 = tpu.memref_squeeze %dma_wait3A_1431 : memref<1x!tpu.dma_semaphore, #tpu.memory_space<semaphore_mem>> -> memref<!tpu.dma_semaphore, #tpu.memory_space<semaphore_mem>>
      %dma_wait3A_1433 = arith.constant 0 : i32
      %dma_wait3A_1434 = tpu.memref_slice %arg10[%dma_wait3A_1424, %dma_wait3A_1433] : memref<4x128xi32, #tpu.memory_space<vmem>> -> memref<1x128xi32, #tpu.memory_space<vmem>>
      %dma_wait3A_1435 = tpu.memref_squeeze %dma_wait3A_1434 : memref<1x128xi32, #tpu.memory_space<vmem>> -> memref<128xi32, #tpu.memory_space<vmem>>
      %dma_wait3A_1436 = arith.constant 0 : i32
      %dma_wait3A_1437 = tpu.memref_slice %arg5[%dma_wait3A_1436] : memref<327680xi32, #tpu.memory_space<hbm>> -> memref<128xi32, #tpu.memory_space<hbm>>
      tpu.wait_dma2 semaphore(%dma_wait3A_1432 : memref<!tpu.dma_semaphore, #tpu.memory_space<semaphore_mem>>) src(%dma_wait3A_1437 : memref<128xi32, #tpu.memory_space<hbm>>) dst(%dma_wait3A_1435 : memref<128xi32, #tpu.memory_space<vmem>>)
      %dma_start3A_1438 = arith.constant 0 : i32
      %dma_start3A_1439 = arith.constant 2 : i32
      %dma_start3A_1440 = arith.constant 0 : i32
      %dma_start3A_1441 = arith.constant 0 : i32
      %dma_start3A_1442 = arith.constant 0 : i32
      %dma_start3A_1443 = tpu.memref_slice %arg14[%dma_start3A_1438, %dma_start3A_1441, %dma_start3A_1442] : memref<2x128x128xf32, #tpu.memory_space<vmem>> -> memref<1x128x128xf32, #tpu.memory_space<vmem>>
      %dma_start3A_1444 = tpu.memref_squeeze %dma_start3A_1443 : memref<1x128x128xf32, #tpu.memory_space<vmem>> -> memref<128x128xf32, #tpu.memory_space<vmem>>
      %dma_start3A_1445 = arith.constant 0 : i32
      %dma_start3A_1446 = tpu.memref_slice %arg10[%dma_start3A_1439, %dma_start3A_1445] : memref<4x128xi32, #tpu.memory_space<vmem>> -> memref<1x128xi32, #tpu.memory_space<vmem>>
      %dma_start3A_1447 = tpu.memref_squeeze %dma_start3A_1446 : memref<1x128xi32, #tpu.memory_space<vmem>> -> memref<128xi32, #tpu.memory_space<vmem>>
      %dma_start3A_1448 = arith.constant 0 : i32
      %dma_start3A_1449 = arith.constant 0 : i32
      %dma_start3A_1450 = tpu.memref_slice %arg21[%dma_start3A_1448, %dma_start3A_1449] : memref<10240x128xf32, #tpu.memory_space<vmem_shared>> -> memref<10240x128xf32, #tpu.memory_space<vmem_shared>>
      %dma_start3A_1451 = tpu.memref_slice %arg25[%dma_start3A_1440] : memref<2x!tpu.dma_semaphore, #tpu.memory_space<semaphore_mem>> -> memref<1x!tpu.dma_semaphore, #tpu.memory_space<semaphore_mem>>
      %dma_start3A_1452 = tpu.memref_squeeze %dma_start3A_1451 : memref<1x!tpu.dma_semaphore, #tpu.memory_space<semaphore_mem>> -> memref<!tpu.dma_semaphore, #tpu.memory_space<semaphore_mem>>
      tpu.enqueue_indirect_dma source(%dma_start3A_1444 : memref<128x128xf32, #tpu.memory_space<vmem>>) target(%dma_start3A_1450 : memref<10240x128xf32, #tpu.memory_space<vmem_shared>>) offsets(%dma_start3A_1447 : memref<128xi32, #tpu.memory_space<vmem>>) semaphore(%dma_start3A_1452 : memref<!tpu.dma_semaphore, #tpu.memory_space<semaphore_mem>>) {add = true}
      %dma_wait3A_1453 = arith.constant 0 : i32
      %dma_wait3A_1454 = arith.constant 2 : i32
      %dma_wait3A_1455 = arith.constant 0 : i32
      %dma_wait3A_1456 = arith.constant 0 : i32
      %dma_wait3A_1457 = arith.constant 0 : i32
      %dma_wait3A_1458 = tpu.memref_slice %arg14[%dma_wait3A_1453, %dma_wait3A_1456, %dma_wait3A_1457] : memref<2x128x128xf32, #tpu.memory_space<vmem>> -> memref<1x128x128xf32, #tpu.memory_space<vmem>>
      %dma_wait3A_1459 = tpu.memref_squeeze %dma_wait3A_1458 : memref<1x128x128xf32, #tpu.memory_space<vmem>> -> memref<128x128xf32, #tpu.memory_space<vmem>>
      %dma_wait3A_1460 = arith.constant 0 : i32
      %dma_wait3A_1461 = tpu.memref_slice %arg10[%dma_wait3A_1454, %dma_wait3A_1460] : memref<4x128xi32, #tpu.memory_space<vmem>> -> memref<1x128xi32, #tpu.memory_space<vmem>>
      %dma_wait3A_1462 = tpu.memref_squeeze %dma_wait3A_1461 : memref<1x128xi32, #tpu.memory_space<vmem>> -> memref<128xi32, #tpu.memory_space<vmem>>
      %dma_wait3A_1463 = arith.constant 0 : i32
      %dma_wait3A_1464 = arith.constant 0 : i32
      %dma_wait3A_1465 = tpu.memref_slice %arg21[%dma_wait3A_1463, %dma_wait3A_1464] : memref<10240x128xf32, #tpu.memory_space<vmem_shared>> -> memref<10240x128xf32, #tpu.memory_space<vmem_shared>>
      %dma_wait3A_1466 = tpu.memref_slice %arg25[%dma_wait3A_1455] : memref<2x!tpu.dma_semaphore, #tpu.memory_space<semaphore_mem>> -> memref<1x!tpu.dma_semaphore, #tpu.memory_space<semaphore_mem>>
      %dma_wait3A_1467 = tpu.memref_squeeze %dma_wait3A_1466 : memref<1x!tpu.dma_semaphore, #tpu.memory_space<semaphore_mem>> -> memref<!tpu.dma_semaphore, #tpu.memory_space<semaphore_mem>>
      tpu.wait_indirect_dma semaphore(%dma_wait3A_1467 : memref<!tpu.dma_semaphore, #tpu.memory_space<semaphore_mem>>) src(%dma_wait3A_1459 : memref<128x128xf32, #tpu.memory_space<vmem>>) dst(%dma_wait3A_1465 : memref<10240x128xf32, #tpu.memory_space<vmem_shared>>)
      %add3A_1468 = arith.constant 4 : i32
      %add3A_1469 = arith.addi %add3A_1408, %add3A_1468 : i32
      %lt3A_1470 = arith.constant 80 : i32
      %lt3A_1471 = arith.cmpi slt, %add3A_1469, %lt3A_1470 : i32
      %convert_element_type3A_1472 = arith.extui %lt3A_1471 : i1 to i32
      %cond3A_1473 = arith.constant 0 : i32
      %cond3A_1474 = arith.cmpi ne, %convert_element_type3A_1472, %cond3A_1473 : i32
      scf.if %cond3A_1474 {
        %add3A_1735 = arith.constant 4 : i32
        %add3A_1736 = arith.addi %add3A_1408, %add3A_1735 : i32
        %mul3A_1737 = arith.constant 128 : i32
        %mul3A_1738 = arith.muli %add3A_1736, %mul3A_1737 : i32
        %add3A_1739 = arith.addi %mul3A_65, %mul3A_1738 : i32
        %dma_start3A_1740 = arith.constant 2 : i32
        %dma_start3A_1741 = arith.constant 2 : i32
        %dma_start3A_1742 = arith.constant 0 : i32
        %dma_start3A_1743 = tpu.memref_slice %arg9[%dma_start3A_1740, %dma_start3A_1742] : memref<4x128xi32, #tpu.memory_space<vmem>> -> memref<1x128xi32, #tpu.memory_space<vmem>>
        %dma_start3A_1744 = tpu.memref_squeeze %dma_start3A_1743 : memref<1x128xi32, #tpu.memory_space<vmem>> -> memref<128xi32, #tpu.memory_space<vmem>>
        %dma_start3A_1745 = tpu.memref_slice %arg3[%add3A_1739] : memref<327680xi32, #tpu.memory_space<hbm>> -> memref<128xi32, #tpu.memory_space<hbm>>
        %dma_start3A_1746 = tpu.memref_slice %arg22[%dma_start3A_1741] : memref<4x!tpu.dma_semaphore, #tpu.memory_space<semaphore_mem>> -> memref<1x!tpu.dma_semaphore, #tpu.memory_space<semaphore_mem>>
        %dma_start3A_1747 = tpu.memref_squeeze %dma_start3A_1746 : memref<1x!tpu.dma_semaphore, #tpu.memory_space<semaphore_mem>> -> memref<!tpu.dma_semaphore, #tpu.memory_space<semaphore_mem>>
        %dma_start3A_1748 = arith.constant 0 : i32
        %dma_start3A_1749 = tpu.memref_slice %arg9[%dma_start3A_1740, %dma_start3A_1748] : memref<4x128xi32, #tpu.memory_space<vmem>> -> memref<1x128xi32, #tpu.memory_space<vmem>>
        %dma_start3A_1750 = tpu.memref_squeeze %dma_start3A_1749 : memref<1x128xi32, #tpu.memory_space<vmem>> -> memref<128xi32, #tpu.memory_space<vmem>>
        %dma_start3A_1751 = tpu.memref_slice %arg3[%add3A_1739] : memref<327680xi32, #tpu.memory_space<hbm>> -> memref<128xi32, #tpu.memory_space<hbm>>
        tpu.enqueue_dma source(%dma_start3A_1751 : memref<128xi32, #tpu.memory_space<hbm>>) target(%dma_start3A_1750 : memref<128xi32, #tpu.memory_space<vmem>>) target_semaphore(%dma_start3A_1747 : memref<!tpu.dma_semaphore, #tpu.memory_space<semaphore_mem>>)
        %add3A_1752 = arith.constant 4 : i32
        %add3A_1753 = arith.addi %add3A_1408, %add3A_1752 : i32
        %mul3A_1754 = arith.constant 128 : i32
        %mul3A_1755 = arith.muli %add3A_1753, %mul3A_1754 : i32
        %add3A_1756 = arith.addi %mul3A_65, %mul3A_1755 : i32
        %dma_start3A_1757 = arith.constant 2 : i32
        %dma_start3A_1758 = arith.constant 2 : i32
        %dma_start3A_1759 = arith.constant 0 : i32
        %dma_start3A_1760 = tpu.memref_slice %arg10[%dma_start3A_1757, %dma_start3A_1759] : memref<4x128xi32, #tpu.memory_space<vmem>> -> memref<1x128xi32, #tpu.memory_space<vmem>>
        %dma_start3A_1761 = tpu.memref_squeeze %dma_start3A_1760 : memref<1x128xi32, #tpu.memory_space<vmem>> -> memref<128xi32, #tpu.memory_space<vmem>>
        %dma_start3A_1762 = tpu.memref_slice %arg5[%add3A_1756] : memref<327680xi32, #tpu.memory_space<hbm>> -> memref<128xi32, #tpu.memory_space<hbm>>
        %dma_start3A_1763 = tpu.memref_slice %arg23[%dma_start3A_1758] : memref<4x!tpu.dma_semaphore, #tpu.memory_space<semaphore_mem>> -> memref<1x!tpu.dma_semaphore, #tpu.memory_space<semaphore_mem>>
        %dma_start3A_1764 = tpu.memref_squeeze %dma_start3A_1763 : memref<1x!tpu.dma_semaphore, #tpu.memory_space<semaphore_mem>> -> memref<!tpu.dma_semaphore, #tpu.memory_space<semaphore_mem>>
        %dma_start3A_1765 = arith.constant 0 : i32
        %dma_start3A_1766 = tpu.memref_slice %arg10[%dma_start3A_1757, %dma_start3A_1765] : memref<4x128xi32, #tpu.memory_space<vmem>> -> memref<1x128xi32, #tpu.memory_space<vmem>>
        %dma_start3A_1767 = tpu.memref_squeeze %dma_start3A_1766 : memref<1x128xi32, #tpu.memory_space<vmem>> -> memref<128xi32, #tpu.memory_space<vmem>>
        %dma_start3A_1768 = tpu.memref_slice %arg5[%add3A_1756] : memref<327680xi32, #tpu.memory_space<hbm>> -> memref<128xi32, #tpu.memory_space<hbm>>
        tpu.enqueue_dma source(%dma_start3A_1768 : memref<128xi32, #tpu.memory_space<hbm>>) target(%dma_start3A_1767 : memref<128xi32, #tpu.memory_space<vmem>>) target_semaphore(%dma_start3A_1764 : memref<!tpu.dma_semaphore, #tpu.memory_space<semaphore_mem>>)
      } else {
      }
      %add3A_1475 = arith.constant 2 : i32
      %add3A_1476 = arith.addi %add3A_1408, %add3A_1475 : i32
      %lt3A_1477 = arith.constant 80 : i32
      %lt3A_1478 = arith.cmpi slt, %add3A_1476, %lt3A_1477 : i32
      %convert_element_type3A_1479 = arith.extui %lt3A_1478 : i1 to i32
      %cond3A_1480 = arith.constant 0 : i32
      %cond3A_1481 = arith.cmpi ne, %convert_element_type3A_1479, %cond3A_1480 : i32
      scf.if %cond3A_1481 {
        %dma_wait3A_1735 = arith.constant 0 : i32
        %dma_wait3A_1736 = arith.constant 0 : i32
        %dma_wait3A_1737 = arith.constant 0 : i32
        %dma_wait3A_1738 = tpu.memref_slice %arg9[%dma_wait3A_1735, %dma_wait3A_1737] : memref<4x128xi32, #tpu.memory_space<vmem>> -> memref<1x128xi32, #tpu.memory_space<vmem>>
        %dma_wait3A_1739 = tpu.memref_squeeze %dma_wait3A_1738 : memref<1x128xi32, #tpu.memory_space<vmem>> -> memref<128xi32, #tpu.memory_space<vmem>>
        %dma_wait3A_1740 = arith.constant 0 : i32
        %dma_wait3A_1741 = tpu.memref_slice %arg3[%dma_wait3A_1740] : memref<327680xi32, #tpu.memory_space<hbm>> -> memref<128xi32, #tpu.memory_space<hbm>>
        %dma_wait3A_1742 = tpu.memref_slice %arg22[%dma_wait3A_1736] : memref<4x!tpu.dma_semaphore, #tpu.memory_space<semaphore_mem>> -> memref<1x!tpu.dma_semaphore, #tpu.memory_space<semaphore_mem>>
        %dma_wait3A_1743 = tpu.memref_squeeze %dma_wait3A_1742 : memref<1x!tpu.dma_semaphore, #tpu.memory_space<semaphore_mem>> -> memref<!tpu.dma_semaphore, #tpu.memory_space<semaphore_mem>>
        %dma_wait3A_1744 = arith.constant 0 : i32
        %dma_wait3A_1745 = tpu.memref_slice %arg9[%dma_wait3A_1735, %dma_wait3A_1744] : memref<4x128xi32, #tpu.memory_space<vmem>> -> memref<1x128xi32, #tpu.memory_space<vmem>>
        %dma_wait3A_1746 = tpu.memref_squeeze %dma_wait3A_1745 : memref<1x128xi32, #tpu.memory_space<vmem>> -> memref<128xi32, #tpu.memory_space<vmem>>
        %dma_wait3A_1747 = arith.constant 0 : i32
        %dma_wait3A_1748 = tpu.memref_slice %arg3[%dma_wait3A_1747] : memref<327680xi32, #tpu.memory_space<hbm>> -> memref<128xi32, #tpu.memory_space<hbm>>
        tpu.wait_dma2 semaphore(%dma_wait3A_1743 : memref<!tpu.dma_semaphore, #tpu.memory_space<semaphore_mem>>) src(%dma_wait3A_1748 : memref<128xi32, #tpu.memory_space<hbm>>) dst(%dma_wait3A_1746 : memref<128xi32, #tpu.memory_space<vmem>>)
        %dma_start3A_1749 = arith.constant 0 : i32
        %dma_start3A_1750 = arith.constant 0 : i32
        %dma_start3A_1751 = arith.constant 0 : i32
        %dma_start3A_1752 = arith.constant 0 : i32
        %dma_start3A_1753 = arith.constant 0 : i32
        %dma_start3A_1754 = tpu.memref_slice %arg14[%dma_start3A_1750, %dma_start3A_1752, %dma_start3A_1753] : memref<2x128x128xf32, #tpu.memory_space<vmem>> -> memref<1x128x128xf32, #tpu.memory_space<vmem>>
        %dma_start3A_1755 = tpu.memref_squeeze %dma_start3A_1754 : memref<1x128x128xf32, #tpu.memory_space<vmem>> -> memref<128x128xf32, #tpu.memory_space<vmem>>
        %dma_start3A_1756 = arith.constant 0 : i32
        %dma_start3A_1757 = tpu.memref_slice %arg9[%dma_start3A_1749, %dma_start3A_1756] : memref<4x128xi32, #tpu.memory_space<vmem>> -> memref<1x128xi32, #tpu.memory_space<vmem>>
        %dma_start3A_1758 = tpu.memref_squeeze %dma_start3A_1757 : memref<1x128xi32, #tpu.memory_space<vmem>> -> memref<128xi32, #tpu.memory_space<vmem>>
        %dma_start3A_1759 = arith.constant 0 : i32
        %dma_start3A_1760 = arith.constant 0 : i32
        %dma_start3A_1761 = tpu.memref_slice %arg2[%dma_start3A_1759, %dma_start3A_1760] : memref<10000x128xf32, #tpu.memory_space<hbm>> -> memref<10000x128xf32, #tpu.memory_space<hbm>>
        %dma_start3A_1762 = tpu.memref_slice %arg24[%dma_start3A_1751] : memref<2x!tpu.dma_semaphore, #tpu.memory_space<semaphore_mem>> -> memref<1x!tpu.dma_semaphore, #tpu.memory_space<semaphore_mem>>
        %dma_start3A_1763 = tpu.memref_squeeze %dma_start3A_1762 : memref<1x!tpu.dma_semaphore, #tpu.memory_space<semaphore_mem>> -> memref<!tpu.dma_semaphore, #tpu.memory_space<semaphore_mem>>
        tpu.enqueue_indirect_dma source(%dma_start3A_1761 : memref<10000x128xf32, #tpu.memory_space<hbm>>) target(%dma_start3A_1755 : memref<128x128xf32, #tpu.memory_space<vmem>>) offsets(%dma_start3A_1758 : memref<128xi32, #tpu.memory_space<vmem>>) semaphore(%dma_start3A_1763 : memref<!tpu.dma_semaphore, #tpu.memory_space<semaphore_mem>>)
      } else {
      }
      %mul3A_1482 = arith.constant 2 : i32
      %mul3A_1483 = arith.muli %add3A_1408, %mul3A_1482 : i32
      %add3A_1484 = arith.constant 0 : i32
      %add3A_1485 = arith.addi %mul3A_1483, %add3A_1484 : i32
      %dma_wait3A_1486 = arith.constant 0 : i32
      %dma_wait3A_1487 = arith.constant 0 : i32
      %dma_wait3A_1488 = arith.constant 0 : i32
      %dma_wait3A_1489 = tpu.memref_slice %arg11[%dma_wait3A_1486, %dma_wait3A_1488] : memref<4x128xi32, #tpu.memory_space<vmem>> -> memref<1x128xi32, #tpu.memory_space<vmem>>
      %dma_wait3A_1490 = tpu.memref_squeeze %dma_wait3A_1489 : memref<1x128xi32, #tpu.memory_space<vmem>> -> memref<128xi32, #tpu.memory_space<vmem>>
      %dma_wait3A_1491 = arith.constant 0 : i32
      %dma_wait3A_1492 = tpu.memref_slice %arg5[%dma_wait3A_1491] : memref<327680xi32, #tpu.memory_space<hbm>> -> memref<128xi32, #tpu.memory_space<hbm>>
      %dma_wait3A_1493 = tpu.memref_slice %arg26[%dma_wait3A_1487] : memref<4x!tpu.dma_semaphore, #tpu.memory_space<semaphore_mem>> -> memref<1x!tpu.dma_semaphore, #tpu.memory_space<semaphore_mem>>
      %dma_wait3A_1494 = tpu.memref_squeeze %dma_wait3A_1493 : memref<1x!tpu.dma_semaphore, #tpu.memory_space<semaphore_mem>> -> memref<!tpu.dma_semaphore, #tpu.memory_space<semaphore_mem>>
      %dma_wait3A_1495 = arith.constant 0 : i32
      %dma_wait3A_1496 = tpu.memref_slice %arg11[%dma_wait3A_1486, %dma_wait3A_1495] : memref<4x128xi32, #tpu.memory_space<vmem>> -> memref<1x128xi32, #tpu.memory_space<vmem>>
      %dma_wait3A_1497 = tpu.memref_squeeze %dma_wait3A_1496 : memref<1x128xi32, #tpu.memory_space<vmem>> -> memref<128xi32, #tpu.memory_space<vmem>>
      %dma_wait3A_1498 = arith.constant 0 : i32
      %dma_wait3A_1499 = tpu.memref_slice %arg5[%dma_wait3A_1498] : memref<327680xi32, #tpu.memory_space<hbm>> -> memref<128xi32, #tpu.memory_space<hbm>>
      tpu.wait_dma2 semaphore(%dma_wait3A_1494 : memref<!tpu.dma_semaphore, #tpu.memory_space<semaphore_mem>>) src(%dma_wait3A_1499 : memref<128xi32, #tpu.memory_space<hbm>>) dst(%dma_wait3A_1497 : memref<128xi32, #tpu.memory_space<vmem>>)
      %dma_start3A_1500 = arith.constant 0 : i32
      %dma_start3A_1501 = arith.constant 0 : i32
      %dma_start3A_1502 = arith.constant 0 : i32
      %dma_start3A_1503 = tpu.memref_slice %arg11[%dma_start3A_1500, %dma_start3A_1502] : memref<4x128xi32, #tpu.memory_space<vmem>> -> memref<1x128xi32, #tpu.memory_space<vmem>>
      %dma_start3A_1504 = tpu.memref_squeeze %dma_start3A_1503 : memref<1x128xi32, #tpu.memory_space<vmem>> -> memref<128xi32, #tpu.memory_space<vmem>>
      %dma_start3A_1505 = arith.constant 0 : i32
      %dma_start3A_1506 = tpu.memref_slice %arg18[%dma_start3A_1505] : memref<10240xf32, #tpu.memory_space<vmem_shared>> -> memref<10240xf32, #tpu.memory_space<vmem_shared>>
      %dma_start3A_1507 = tpu.memref_slice %arg27[%dma_start3A_1501] : memref<4x!tpu.dma_semaphore, #tpu.memory_space<semaphore_mem>> -> memref<1x!tpu.dma_semaphore, #tpu.memory_space<semaphore_mem>>
      %dma_start3A_1508 = tpu.memref_squeeze %dma_start3A_1507 : memref<1x!tpu.dma_semaphore, #tpu.memory_space<semaphore_mem>> -> memref<!tpu.dma_semaphore, #tpu.memory_space<semaphore_mem>>
      tpu.enqueue_indirect_dma source(%arg16 : memref<128xf32, #tpu.memory_space<vmem>>) target(%dma_start3A_1506 : memref<10240xf32, #tpu.memory_space<vmem_shared>>) offsets(%dma_start3A_1504 : memref<128xi32, #tpu.memory_space<vmem>>) semaphore(%dma_start3A_1508 : memref<!tpu.dma_semaphore, #tpu.memory_space<semaphore_mem>>) {add = true}
      %ge3A_1509 = arith.constant 2 : i32
      %ge3A_1510 = arith.cmpi sge, %add3A_1485, %ge3A_1509 : i32
      %convert_element_type3A_1511 = arith.extui %ge3A_1510 : i1 to i32
      %cond3A_1512 = arith.constant 0 : i32
      %cond3A_1513 = arith.cmpi ne, %convert_element_type3A_1511, %cond3A_1512 : i32
      scf.if %cond3A_1513 {
        %dma_wait3A_1735 = arith.constant 2 : i32
        %dma_wait3A_1736 = arith.constant 2 : i32
        %dma_wait3A_1737 = arith.constant 0 : i32
        %dma_wait3A_1738 = tpu.memref_slice %arg11[%dma_wait3A_1735, %dma_wait3A_1737] : memref<4x128xi32, #tpu.memory_space<vmem>> -> memref<1x128xi32, #tpu.memory_space<vmem>>
        %dma_wait3A_1739 = tpu.memref_squeeze %dma_wait3A_1738 : memref<1x128xi32, #tpu.memory_space<vmem>> -> memref<128xi32, #tpu.memory_space<vmem>>
        %dma_wait3A_1740 = arith.constant 0 : i32
        %dma_wait3A_1741 = tpu.memref_slice %arg18[%dma_wait3A_1740] : memref<10240xf32, #tpu.memory_space<vmem_shared>> -> memref<10240xf32, #tpu.memory_space<vmem_shared>>
        %dma_wait3A_1742 = tpu.memref_slice %arg27[%dma_wait3A_1736] : memref<4x!tpu.dma_semaphore, #tpu.memory_space<semaphore_mem>> -> memref<1x!tpu.dma_semaphore, #tpu.memory_space<semaphore_mem>>
        %dma_wait3A_1743 = tpu.memref_squeeze %dma_wait3A_1742 : memref<1x!tpu.dma_semaphore, #tpu.memory_space<semaphore_mem>> -> memref<!tpu.dma_semaphore, #tpu.memory_space<semaphore_mem>>
        tpu.wait_indirect_dma semaphore(%dma_wait3A_1743 : memref<!tpu.dma_semaphore, #tpu.memory_space<semaphore_mem>>) src(%arg16 : memref<128xf32, #tpu.memory_space<vmem>>) dst(%dma_wait3A_1741 : memref<10240xf32, #tpu.memory_space<vmem_shared>>)
      } else {
      }
      %add3A_1514 = arith.constant 2 : i32
      %add3A_1515 = arith.addi %add3A_1485, %add3A_1514 : i32
      %ge3A_1516 = arith.constant 4 : i32
      %ge3A_1517 = arith.cmpi sge, %add3A_1515, %ge3A_1516 : i32
      %add3A_1518 = arith.constant 2 : i32
      %add3A_1519 = arith.addi %add3A_1485, %add3A_1518 : i32
      %lt3A_1520 = arith.constant 160 : i32
      %lt3A_1521 = arith.cmpi slt, %add3A_1519, %lt3A_1520 : i32
      %and3A_1522 = arith.andi %ge3A_1517, %lt3A_1521 : i1
      %convert_element_type3A_1523 = arith.extui %and3A_1522 : i1 to i32
      %cond3A_1524 = arith.constant 0 : i32
      %cond3A_1525 = arith.cmpi ne, %convert_element_type3A_1523, %cond3A_1524 : i32
      scf.if %cond3A_1525 {
        %add3A_1735 = arith.constant 2 : i32
        %add3A_1736 = arith.addi %add3A_1485, %add3A_1735 : i32
        %mul3A_1737 = arith.constant 128 : i32
        %mul3A_1738 = arith.muli %add3A_1736, %mul3A_1737 : i32
        %add3A_1739 = arith.addi %mul3A_69, %mul3A_1738 : i32
        %dma_start3A_1740 = arith.constant 2 : i32
        %dma_start3A_1741 = arith.constant 2 : i32
        %dma_start3A_1742 = arith.constant 0 : i32
        %dma_start3A_1743 = tpu.memref_slice %arg11[%dma_start3A_1740, %dma_start3A_1742] : memref<4x128xi32, #tpu.memory_space<vmem>> -> memref<1x128xi32, #tpu.memory_space<vmem>>
        %dma_start3A_1744 = tpu.memref_squeeze %dma_start3A_1743 : memref<1x128xi32, #tpu.memory_space<vmem>> -> memref<128xi32, #tpu.memory_space<vmem>>
        %dma_start3A_1745 = tpu.memref_slice %arg5[%add3A_1739] : memref<327680xi32, #tpu.memory_space<hbm>> -> memref<128xi32, #tpu.memory_space<hbm>>
        %dma_start3A_1746 = tpu.memref_slice %arg26[%dma_start3A_1741] : memref<4x!tpu.dma_semaphore, #tpu.memory_space<semaphore_mem>> -> memref<1x!tpu.dma_semaphore, #tpu.memory_space<semaphore_mem>>
        %dma_start3A_1747 = tpu.memref_squeeze %dma_start3A_1746 : memref<1x!tpu.dma_semaphore, #tpu.memory_space<semaphore_mem>> -> memref<!tpu.dma_semaphore, #tpu.memory_space<semaphore_mem>>
        %dma_start3A_1748 = arith.constant 0 : i32
        %dma_start3A_1749 = tpu.memref_slice %arg11[%dma_start3A_1740, %dma_start3A_1748] : memref<4x128xi32, #tpu.memory_space<vmem>> -> memref<1x128xi32, #tpu.memory_space<vmem>>
        %dma_start3A_1750 = tpu.memref_squeeze %dma_start3A_1749 : memref<1x128xi32, #tpu.memory_space<vmem>> -> memref<128xi32, #tpu.memory_space<vmem>>
        %dma_start3A_1751 = tpu.memref_slice %arg5[%add3A_1739] : memref<327680xi32, #tpu.memory_space<hbm>> -> memref<128xi32, #tpu.memory_space<hbm>>
        tpu.enqueue_dma source(%dma_start3A_1751 : memref<128xi32, #tpu.memory_space<hbm>>) target(%dma_start3A_1750 : memref<128xi32, #tpu.memory_space<vmem>>) target_semaphore(%dma_start3A_1747 : memref<!tpu.dma_semaphore, #tpu.memory_space<semaphore_mem>>)
      } else {
      }
      %mul3A_1526 = arith.constant 2 : i32
      %mul3A_1527 = arith.muli %add3A_1408, %mul3A_1526 : i32
      %add3A_1528 = arith.constant 1 : i32
      %add3A_1529 = arith.addi %mul3A_1527, %add3A_1528 : i32
      %dma_wait3A_1530 = arith.constant 1 : i32
      %dma_wait3A_1531 = arith.constant 1 : i32
      %dma_wait3A_1532 = arith.constant 0 : i32
      %dma_wait3A_1533 = tpu.memref_slice %arg11[%dma_wait3A_1530, %dma_wait3A_1532] : memref<4x128xi32, #tpu.memory_space<vmem>> -> memref<1x128xi32, #tpu.memory_space<vmem>>
      %dma_wait3A_1534 = tpu.memref_squeeze %dma_wait3A_1533 : memref<1x128xi32, #tpu.memory_space<vmem>> -> memref<128xi32, #tpu.memory_space<vmem>>
      %dma_wait3A_1535 = arith.constant 0 : i32
      %dma_wait3A_1536 = tpu.memref_slice %arg5[%dma_wait3A_1535] : memref<327680xi32, #tpu.memory_space<hbm>> -> memref<128xi32, #tpu.memory_space<hbm>>
      %dma_wait3A_1537 = tpu.memref_slice %arg26[%dma_wait3A_1531] : memref<4x!tpu.dma_semaphore, #tpu.memory_space<semaphore_mem>> -> memref<1x!tpu.dma_semaphore, #tpu.memory_space<semaphore_mem>>
      %dma_wait3A_1538 = tpu.memref_squeeze %dma_wait3A_1537 : memref<1x!tpu.dma_semaphore, #tpu.memory_space<semaphore_mem>> -> memref<!tpu.dma_semaphore, #tpu.memory_space<semaphore_mem>>
      %dma_wait3A_1539 = arith.constant 0 : i32
      %dma_wait3A_1540 = tpu.memref_slice %arg11[%dma_wait3A_1530, %dma_wait3A_1539] : memref<4x128xi32, #tpu.memory_space<vmem>> -> memref<1x128xi32, #tpu.memory_space<vmem>>
      %dma_wait3A_1541 = tpu.memref_squeeze %dma_wait3A_1540 : memref<1x128xi32, #tpu.memory_space<vmem>> -> memref<128xi32, #tpu.memory_space<vmem>>
      %dma_wait3A_1542 = arith.constant 0 : i32
      %dma_wait3A_1543 = tpu.memref_slice %arg5[%dma_wait3A_1542] : memref<327680xi32, #tpu.memory_space<hbm>> -> memref<128xi32, #tpu.memory_space<hbm>>
      tpu.wait_dma2 semaphore(%dma_wait3A_1538 : memref<!tpu.dma_semaphore, #tpu.memory_space<semaphore_mem>>) src(%dma_wait3A_1543 : memref<128xi32, #tpu.memory_space<hbm>>) dst(%dma_wait3A_1541 : memref<128xi32, #tpu.memory_space<vmem>>)
      %dma_start3A_1544 = arith.constant 1 : i32
      %dma_start3A_1545 = arith.constant 1 : i32
      %dma_start3A_1546 = arith.constant 0 : i32
      %dma_start3A_1547 = tpu.memref_slice %arg11[%dma_start3A_1544, %dma_start3A_1546] : memref<4x128xi32, #tpu.memory_space<vmem>> -> memref<1x128xi32, #tpu.memory_space<vmem>>
      %dma_start3A_1548 = tpu.memref_squeeze %dma_start3A_1547 : memref<1x128xi32, #tpu.memory_space<vmem>> -> memref<128xi32, #tpu.memory_space<vmem>>
      %dma_start3A_1549 = arith.constant 0 : i32
      %dma_start3A_1550 = tpu.memref_slice %arg18[%dma_start3A_1549] : memref<10240xf32, #tpu.memory_space<vmem_shared>> -> memref<10240xf32, #tpu.memory_space<vmem_shared>>
      %dma_start3A_1551 = tpu.memref_slice %arg27[%dma_start3A_1545] : memref<4x!tpu.dma_semaphore, #tpu.memory_space<semaphore_mem>> -> memref<1x!tpu.dma_semaphore, #tpu.memory_space<semaphore_mem>>
      %dma_start3A_1552 = tpu.memref_squeeze %dma_start3A_1551 : memref<1x!tpu.dma_semaphore, #tpu.memory_space<semaphore_mem>> -> memref<!tpu.dma_semaphore, #tpu.memory_space<semaphore_mem>>
      tpu.enqueue_indirect_dma source(%arg16 : memref<128xf32, #tpu.memory_space<vmem>>) target(%dma_start3A_1550 : memref<10240xf32, #tpu.memory_space<vmem_shared>>) offsets(%dma_start3A_1548 : memref<128xi32, #tpu.memory_space<vmem>>) semaphore(%dma_start3A_1552 : memref<!tpu.dma_semaphore, #tpu.memory_space<semaphore_mem>>) {add = true}
      %ge3A_1553 = arith.constant 2 : i32
      %ge3A_1554 = arith.cmpi sge, %add3A_1529, %ge3A_1553 : i32
      %convert_element_type3A_1555 = arith.extui %ge3A_1554 : i1 to i32
      %cond3A_1556 = arith.constant 0 : i32
      %cond3A_1557 = arith.cmpi ne, %convert_element_type3A_1555, %cond3A_1556 : i32
      scf.if %cond3A_1557 {
        %dma_wait3A_1735 = arith.constant 3 : i32
        %dma_wait3A_1736 = arith.constant 3 : i32
        %dma_wait3A_1737 = arith.constant 0 : i32
        %dma_wait3A_1738 = tpu.memref_slice %arg11[%dma_wait3A_1735, %dma_wait3A_1737] : memref<4x128xi32, #tpu.memory_space<vmem>> -> memref<1x128xi32, #tpu.memory_space<vmem>>
        %dma_wait3A_1739 = tpu.memref_squeeze %dma_wait3A_1738 : memref<1x128xi32, #tpu.memory_space<vmem>> -> memref<128xi32, #tpu.memory_space<vmem>>
        %dma_wait3A_1740 = arith.constant 0 : i32
        %dma_wait3A_1741 = tpu.memref_slice %arg18[%dma_wait3A_1740] : memref<10240xf32, #tpu.memory_space<vmem_shared>> -> memref<10240xf32, #tpu.memory_space<vmem_shared>>
        %dma_wait3A_1742 = tpu.memref_slice %arg27[%dma_wait3A_1736] : memref<4x!tpu.dma_semaphore, #tpu.memory_space<semaphore_mem>> -> memref<1x!tpu.dma_semaphore, #tpu.memory_space<semaphore_mem>>
        %dma_wait3A_1743 = tpu.memref_squeeze %dma_wait3A_1742 : memref<1x!tpu.dma_semaphore, #tpu.memory_space<semaphore_mem>> -> memref<!tpu.dma_semaphore, #tpu.memory_space<semaphore_mem>>
        tpu.wait_indirect_dma semaphore(%dma_wait3A_1743 : memref<!tpu.dma_semaphore, #tpu.memory_space<semaphore_mem>>) src(%arg16 : memref<128xf32, #tpu.memory_space<vmem>>) dst(%dma_wait3A_1741 : memref<10240xf32, #tpu.memory_space<vmem_shared>>)
      } else {
      }
      %add3A_1558 = arith.constant 2 : i32
      %add3A_1559 = arith.addi %add3A_1529, %add3A_1558 : i32
      %ge3A_1560 = arith.constant 4 : i32
      %ge3A_1561 = arith.cmpi sge, %add3A_1559, %ge3A_1560 : i32
      %add3A_1562 = arith.constant 2 : i32
      %add3A_1563 = arith.addi %add3A_1529, %add3A_1562 : i32
      %lt3A_1564 = arith.constant 160 : i32
      %lt3A_1565 = arith.cmpi slt, %add3A_1563, %lt3A_1564 : i32
      %and3A_1566 = arith.andi %ge3A_1561, %lt3A_1565 : i1
      %convert_element_type3A_1567 = arith.extui %and3A_1566 : i1 to i32
      %cond3A_1568 = arith.constant 0 : i32
      %cond3A_1569 = arith.cmpi ne, %convert_element_type3A_1567, %cond3A_1568 : i32
      scf.if %cond3A_1569 {
        %add3A_1735 = arith.constant 2 : i32
        %add3A_1736 = arith.addi %add3A_1529, %add3A_1735 : i32
        %mul3A_1737 = arith.constant 128 : i32
        %mul3A_1738 = arith.muli %add3A_1736, %mul3A_1737 : i32
        %add3A_1739 = arith.addi %mul3A_69, %mul3A_1738 : i32
        %dma_start3A_1740 = arith.constant 3 : i32
        %dma_start3A_1741 = arith.constant 3 : i32
        %dma_start3A_1742 = arith.constant 0 : i32
        %dma_start3A_1743 = tpu.memref_slice %arg11[%dma_start3A_1740, %dma_start3A_1742] : memref<4x128xi32, #tpu.memory_space<vmem>> -> memref<1x128xi32, #tpu.memory_space<vmem>>
        %dma_start3A_1744 = tpu.memref_squeeze %dma_start3A_1743 : memref<1x128xi32, #tpu.memory_space<vmem>> -> memref<128xi32, #tpu.memory_space<vmem>>
        %dma_start3A_1745 = tpu.memref_slice %arg5[%add3A_1739] : memref<327680xi32, #tpu.memory_space<hbm>> -> memref<128xi32, #tpu.memory_space<hbm>>
        %dma_start3A_1746 = tpu.memref_slice %arg26[%dma_start3A_1741] : memref<4x!tpu.dma_semaphore, #tpu.memory_space<semaphore_mem>> -> memref<1x!tpu.dma_semaphore, #tpu.memory_space<semaphore_mem>>
        %dma_start3A_1747 = tpu.memref_squeeze %dma_start3A_1746 : memref<1x!tpu.dma_semaphore, #tpu.memory_space<semaphore_mem>> -> memref<!tpu.dma_semaphore, #tpu.memory_space<semaphore_mem>>
        %dma_start3A_1748 = arith.constant 0 : i32
        %dma_start3A_1749 = tpu.memref_slice %arg11[%dma_start3A_1740, %dma_start3A_1748] : memref<4x128xi32, #tpu.memory_space<vmem>> -> memref<1x128xi32, #tpu.memory_space<vmem>>
        %dma_start3A_1750 = tpu.memref_squeeze %dma_start3A_1749 : memref<1x128xi32, #tpu.memory_space<vmem>> -> memref<128xi32, #tpu.memory_space<vmem>>
        %dma_start3A_1751 = tpu.memref_slice %arg5[%add3A_1739] : memref<327680xi32, #tpu.memory_space<hbm>> -> memref<128xi32, #tpu.memory_space<hbm>>
        tpu.enqueue_dma source(%dma_start3A_1751 : memref<128xi32, #tpu.memory_space<hbm>>) target(%dma_start3A_1750 : memref<128xi32, #tpu.memory_space<vmem>>) target_semaphore(%dma_start3A_1747 : memref<!tpu.dma_semaphore, #tpu.memory_space<semaphore_mem>>)
      } else {
      }
      %mul3A_1570 = arith.constant 8 : i32
      %mul3A_1571 = arith.muli %scan3A_417, %mul3A_1570 : i32
      %add3A_1572 = arith.constant 7 : i32
      %add3A_1573 = arith.addi %mul3A_1571, %add3A_1572 : i32
      %dma_wait3A_1574 = arith.constant 3 : i32
      %dma_wait3A_1575 = arith.constant 1 : i32
      %dma_wait3A_1576 = arith.constant 1 : i32
      %dma_wait3A_1577 = arith.constant 0 : i32
      %dma_wait3A_1578 = arith.constant 0 : i32
      %dma_wait3A_1579 = tpu.memref_slice %arg14[%dma_wait3A_1575, %dma_wait3A_1577, %dma_wait3A_1578] : memref<2x128x128xf32, #tpu.memory_space<vmem>> -> memref<1x128x128xf32, #tpu.memory_space<vmem>>
      %dma_wait3A_1580 = tpu.memref_squeeze %dma_wait3A_1579 : memref<1x128x128xf32, #tpu.memory_space<vmem>> -> memref<128x128xf32, #tpu.memory_space<vmem>>
      %dma_wait3A_1581 = arith.constant 0 : i32
      %dma_wait3A_1582 = tpu.memref_slice %arg9[%dma_wait3A_1574, %dma_wait3A_1581] : memref<4x128xi32, #tpu.memory_space<vmem>> -> memref<1x128xi32, #tpu.memory_space<vmem>>
      %dma_wait3A_1583 = tpu.memref_squeeze %dma_wait3A_1582 : memref<1x128xi32, #tpu.memory_space<vmem>> -> memref<128xi32, #tpu.memory_space<vmem>>
      %dma_wait3A_1584 = arith.constant 0 : i32
      %dma_wait3A_1585 = arith.constant 0 : i32
      %dma_wait3A_1586 = tpu.memref_slice %arg2[%dma_wait3A_1584, %dma_wait3A_1585] : memref<10000x128xf32, #tpu.memory_space<hbm>> -> memref<10000x128xf32, #tpu.memory_space<hbm>>
      %dma_wait3A_1587 = tpu.memref_slice %arg24[%dma_wait3A_1576] : memref<2x!tpu.dma_semaphore, #tpu.memory_space<semaphore_mem>> -> memref<1x!tpu.dma_semaphore, #tpu.memory_space<semaphore_mem>>
      %dma_wait3A_1588 = tpu.memref_squeeze %dma_wait3A_1587 : memref<1x!tpu.dma_semaphore, #tpu.memory_space<semaphore_mem>> -> memref<!tpu.dma_semaphore, #tpu.memory_space<semaphore_mem>>
      tpu.wait_indirect_dma semaphore(%dma_wait3A_1588 : memref<!tpu.dma_semaphore, #tpu.memory_space<semaphore_mem>>) src(%dma_wait3A_1586 : memref<10000x128xf32, #tpu.memory_space<hbm>>) dst(%dma_wait3A_1580 : memref<128x128xf32, #tpu.memory_space<vmem>>)
      %dma_wait3A_1589 = arith.constant 3 : i32
      %dma_wait3A_1590 = arith.constant 3 : i32
      %dma_wait3A_1591 = arith.constant 0 : i32
      %dma_wait3A_1592 = tpu.memref_slice %arg10[%dma_wait3A_1589, %dma_wait3A_1591] : memref<4x128xi32, #tpu.memory_space<vmem>> -> memref<1x128xi32, #tpu.memory_space<vmem>>
      %dma_wait3A_1593 = tpu.memref_squeeze %dma_wait3A_1592 : memref<1x128xi32, #tpu.memory_space<vmem>> -> memref<128xi32, #tpu.memory_space<vmem>>
      %dma_wait3A_1594 = arith.constant 0 : i32
      %dma_wait3A_1595 = tpu.memref_slice %arg5[%dma_wait3A_1594] : memref<327680xi32, #tpu.memory_space<hbm>> -> memref<128xi32, #tpu.memory_space<hbm>>
      %dma_wait3A_1596 = tpu.memref_slice %arg23[%dma_wait3A_1590] : memref<4x!tpu.dma_semaphore, #tpu.memory_space<semaphore_mem>> -> memref<1x!tpu.dma_semaphore, #tpu.memory_space<semaphore_mem>>
      %dma_wait3A_1597 = tpu.memref_squeeze %dma_wait3A_1596 : memref<1x!tpu.dma_semaphore, #tpu.memory_space<semaphore_mem>> -> memref<!tpu.dma_semaphore, #tpu.memory_space<semaphore_mem>>
      %dma_wait3A_1598 = arith.constant 0 : i32
      %dma_wait3A_1599 = tpu.memref_slice %arg10[%dma_wait3A_1589, %dma_wait3A_1598] : memref<4x128xi32, #tpu.memory_space<vmem>> -> memref<1x128xi32, #tpu.memory_space<vmem>>
      %dma_wait3A_1600 = tpu.memref_squeeze %dma_wait3A_1599 : memref<1x128xi32, #tpu.memory_space<vmem>> -> memref<128xi32, #tpu.memory_space<vmem>>
      %dma_wait3A_1601 = arith.constant 0 : i32
      %dma_wait3A_1602 = tpu.memref_slice %arg5[%dma_wait3A_1601] : memref<327680xi32, #tpu.memory_space<hbm>> -> memref<128xi32, #tpu.memory_space<hbm>>
      tpu.wait_dma2 semaphore(%dma_wait3A_1597 : memref<!tpu.dma_semaphore, #tpu.memory_space<semaphore_mem>>) src(%dma_wait3A_1602 : memref<128xi32, #tpu.memory_space<hbm>>) dst(%dma_wait3A_1600 : memref<128xi32, #tpu.memory_space<vmem>>)
      %dma_start3A_1603 = arith.constant 1 : i32
      %dma_start3A_1604 = arith.constant 3 : i32
      %dma_start3A_1605 = arith.constant 1 : i32
      %dma_start3A_1606 = arith.constant 0 : i32
      %dma_start3A_1607 = arith.constant 0 : i32
      %dma_start3A_1608 = tpu.memref_slice %arg14[%dma_start3A_1603, %dma_start3A_1606, %dma_start3A_1607] : memref<2x128x128xf32, #tpu.memory_space<vmem>> -> memref<1x128x128xf32, #tpu.memory_space<vmem>>
      %dma_start3A_1609 = tpu.memref_squeeze %dma_start3A_1608 : memref<1x128x128xf32, #tpu.memory_space<vmem>> -> memref<128x128xf32, #tpu.memory_space<vmem>>
      %dma_start3A_1610 = arith.constant 0 : i32
      %dma_start3A_1611 = tpu.memref_slice %arg10[%dma_start3A_1604, %dma_start3A_1610] : memref<4x128xi32, #tpu.memory_space<vmem>> -> memref<1x128xi32, #tpu.memory_space<vmem>>
      %dma_start3A_1612 = tpu.memref_squeeze %dma_start3A_1611 : memref<1x128xi32, #tpu.memory_space<vmem>> -> memref<128xi32, #tpu.memory_space<vmem>>
      %dma_start3A_1613 = arith.constant 0 : i32
      %dma_start3A_1614 = arith.constant 0 : i32
      %dma_start3A_1615 = tpu.memref_slice %arg21[%dma_start3A_1613, %dma_start3A_1614] : memref<10240x128xf32, #tpu.memory_space<vmem_shared>> -> memref<10240x128xf32, #tpu.memory_space<vmem_shared>>
      %dma_start3A_1616 = tpu.memref_slice %arg25[%dma_start3A_1605] : memref<2x!tpu.dma_semaphore, #tpu.memory_space<semaphore_mem>> -> memref<1x!tpu.dma_semaphore, #tpu.memory_space<semaphore_mem>>
      %dma_start3A_1617 = tpu.memref_squeeze %dma_start3A_1616 : memref<1x!tpu.dma_semaphore, #tpu.memory_space<semaphore_mem>> -> memref<!tpu.dma_semaphore, #tpu.memory_space<semaphore_mem>>
      tpu.enqueue_indirect_dma source(%dma_start3A_1609 : memref<128x128xf32, #tpu.memory_space<vmem>>) target(%dma_start3A_1615 : memref<10240x128xf32, #tpu.memory_space<vmem_shared>>) offsets(%dma_start3A_1612 : memref<128xi32, #tpu.memory_space<vmem>>) semaphore(%dma_start3A_1617 : memref<!tpu.dma_semaphore, #tpu.memory_space<semaphore_mem>>) {add = true}
      %dma_wait3A_1618 = arith.constant 1 : i32
      %dma_wait3A_1619 = arith.constant 3 : i32
      %dma_wait3A_1620 = arith.constant 1 : i32
      %dma_wait3A_1621 = arith.constant 0 : i32
      %dma_wait3A_1622 = arith.constant 0 : i32
      %dma_wait3A_1623 = tpu.memref_slice %arg14[%dma_wait3A_1618, %dma_wait3A_1621, %dma_wait3A_1622] : memref<2x128x128xf32, #tpu.memory_space<vmem>> -> memref<1x128x128xf32, #tpu.memory_space<vmem>>
      %dma_wait3A_1624 = tpu.memref_squeeze %dma_wait3A_1623 : memref<1x128x128xf32, #tpu.memory_space<vmem>> -> memref<128x128xf32, #tpu.memory_space<vmem>>
      %dma_wait3A_1625 = arith.constant 0 : i32
      %dma_wait3A_1626 = tpu.memref_slice %arg10[%dma_wait3A_1619, %dma_wait3A_1625] : memref<4x128xi32, #tpu.memory_space<vmem>> -> memref<1x128xi32, #tpu.memory_space<vmem>>
      %dma_wait3A_1627 = tpu.memref_squeeze %dma_wait3A_1626 : memref<1x128xi32, #tpu.memory_space<vmem>> -> memref<128xi32, #tpu.memory_space<vmem>>
      %dma_wait3A_1628 = arith.constant 0 : i32
      %dma_wait3A_1629 = arith.constant 0 : i32
      %dma_wait3A_1630 = tpu.memref_slice %arg21[%dma_wait3A_1628, %dma_wait3A_1629] : memref<10240x128xf32, #tpu.memory_space<vmem_shared>> -> memref<10240x128xf32, #tpu.memory_space<vmem_shared>>
      %dma_wait3A_1631 = tpu.memref_slice %arg25[%dma_wait3A_1620] : memref<2x!tpu.dma_semaphore, #tpu.memory_space<semaphore_mem>> -> memref<1x!tpu.dma_semaphore, #tpu.memory_space<semaphore_mem>>
      %dma_wait3A_1632 = tpu.memref_squeeze %dma_wait3A_1631 : memref<1x!tpu.dma_semaphore, #tpu.memory_space<semaphore_mem>> -> memref<!tpu.dma_semaphore, #tpu.memory_space<semaphore_mem>>
      tpu.wait_indirect_dma semaphore(%dma_wait3A_1632 : memref<!tpu.dma_semaphore, #tpu.memory_space<semaphore_mem>>) src(%dma_wait3A_1624 : memref<128x128xf32, #tpu.memory_space<vmem>>) dst(%dma_wait3A_1630 : memref<10240x128xf32, #tpu.memory_space<vmem_shared>>)
      %add3A_1633 = arith.constant 4 : i32
      %add3A_1634 = arith.addi %add3A_1573, %add3A_1633 : i32
      %lt3A_1635 = arith.constant 80 : i32
      %lt3A_1636 = arith.cmpi slt, %add3A_1634, %lt3A_1635 : i32
      %convert_element_type3A_1637 = arith.extui %lt3A_1636 : i1 to i32
      %cond3A_1638 = arith.constant 0 : i32
      %cond3A_1639 = arith.cmpi ne, %convert_element_type3A_1637, %cond3A_1638 : i32
      scf.if %cond3A_1639 {
        %add3A_1735 = arith.constant 4 : i32
        %add3A_1736 = arith.addi %add3A_1573, %add3A_1735 : i32
        %mul3A_1737 = arith.constant 128 : i32
        %mul3A_1738 = arith.muli %add3A_1736, %mul3A_1737 : i32
        %add3A_1739 = arith.addi %mul3A_65, %mul3A_1738 : i32
        %dma_start3A_1740 = arith.constant 3 : i32
        %dma_start3A_1741 = arith.constant 3 : i32
        %dma_start3A_1742 = arith.constant 0 : i32
        %dma_start3A_1743 = tpu.memref_slice %arg9[%dma_start3A_1740, %dma_start3A_1742] : memref<4x128xi32, #tpu.memory_space<vmem>> -> memref<1x128xi32, #tpu.memory_space<vmem>>
        %dma_start3A_1744 = tpu.memref_squeeze %dma_start3A_1743 : memref<1x128xi32, #tpu.memory_space<vmem>> -> memref<128xi32, #tpu.memory_space<vmem>>
        %dma_start3A_1745 = tpu.memref_slice %arg3[%add3A_1739] : memref<327680xi32, #tpu.memory_space<hbm>> -> memref<128xi32, #tpu.memory_space<hbm>>
        %dma_start3A_1746 = tpu.memref_slice %arg22[%dma_start3A_1741] : memref<4x!tpu.dma_semaphore, #tpu.memory_space<semaphore_mem>> -> memref<1x!tpu.dma_semaphore, #tpu.memory_space<semaphore_mem>>
        %dma_start3A_1747 = tpu.memref_squeeze %dma_start3A_1746 : memref<1x!tpu.dma_semaphore, #tpu.memory_space<semaphore_mem>> -> memref<!tpu.dma_semaphore, #tpu.memory_space<semaphore_mem>>
        %dma_start3A_1748 = arith.constant 0 : i32
        %dma_start3A_1749 = tpu.memref_slice %arg9[%dma_start3A_1740, %dma_start3A_1748] : memref<4x128xi32, #tpu.memory_space<vmem>> -> memref<1x128xi32, #tpu.memory_space<vmem>>
        %dma_start3A_1750 = tpu.memref_squeeze %dma_start3A_1749 : memref<1x128xi32, #tpu.memory_space<vmem>> -> memref<128xi32, #tpu.memory_space<vmem>>
        %dma_start3A_1751 = tpu.memref_slice %arg3[%add3A_1739] : memref<327680xi32, #tpu.memory_space<hbm>> -> memref<128xi32, #tpu.memory_space<hbm>>
        tpu.enqueue_dma source(%dma_start3A_1751 : memref<128xi32, #tpu.memory_space<hbm>>) target(%dma_start3A_1750 : memref<128xi32, #tpu.memory_space<vmem>>) target_semaphore(%dma_start3A_1747 : memref<!tpu.dma_semaphore, #tpu.memory_space<semaphore_mem>>)
        %add3A_1752 = arith.constant 4 : i32
        %add3A_1753 = arith.addi %add3A_1573, %add3A_1752 : i32
        %mul3A_1754 = arith.constant 128 : i32
        %mul3A_1755 = arith.muli %add3A_1753, %mul3A_1754 : i32
        %add3A_1756 = arith.addi %mul3A_65, %mul3A_1755 : i32
        %dma_start3A_1757 = arith.constant 3 : i32
        %dma_start3A_1758 = arith.constant 3 : i32
        %dma_start3A_1759 = arith.constant 0 : i32
        %dma_start3A_1760 = tpu.memref_slice %arg10[%dma_start3A_1757, %dma_start3A_1759] : memref<4x128xi32, #tpu.memory_space<vmem>> -> memref<1x128xi32, #tpu.memory_space<vmem>>
        %dma_start3A_1761 = tpu.memref_squeeze %dma_start3A_1760 : memref<1x128xi32, #tpu.memory_space<vmem>> -> memref<128xi32, #tpu.memory_space<vmem>>
        %dma_start3A_1762 = tpu.memref_slice %arg5[%add3A_1756] : memref<327680xi32, #tpu.memory_space<hbm>> -> memref<128xi32, #tpu.memory_space<hbm>>
        %dma_start3A_1763 = tpu.memref_slice %arg23[%dma_start3A_1758] : memref<4x!tpu.dma_semaphore, #tpu.memory_space<semaphore_mem>> -> memref<1x!tpu.dma_semaphore, #tpu.memory_space<semaphore_mem>>
        %dma_start3A_1764 = tpu.memref_squeeze %dma_start3A_1763 : memref<1x!tpu.dma_semaphore, #tpu.memory_space<semaphore_mem>> -> memref<!tpu.dma_semaphore, #tpu.memory_space<semaphore_mem>>
        %dma_start3A_1765 = arith.constant 0 : i32
        %dma_start3A_1766 = tpu.memref_slice %arg10[%dma_start3A_1757, %dma_start3A_1765] : memref<4x128xi32, #tpu.memory_space<vmem>> -> memref<1x128xi32, #tpu.memory_space<vmem>>
        %dma_start3A_1767 = tpu.memref_squeeze %dma_start3A_1766 : memref<1x128xi32, #tpu.memory_space<vmem>> -> memref<128xi32, #tpu.memory_space<vmem>>
        %dma_start3A_1768 = tpu.memref_slice %arg5[%add3A_1756] : memref<327680xi32, #tpu.memory_space<hbm>> -> memref<128xi32, #tpu.memory_space<hbm>>
        tpu.enqueue_dma source(%dma_start3A_1768 : memref<128xi32, #tpu.memory_space<hbm>>) target(%dma_start3A_1767 : memref<128xi32, #tpu.memory_space<vmem>>) target_semaphore(%dma_start3A_1764 : memref<!tpu.dma_semaphore, #tpu.memory_space<semaphore_mem>>)
      } else {
      }
      %add3A_1640 = arith.constant 2 : i32
      %add3A_1641 = arith.addi %add3A_1573, %add3A_1640 : i32
      %lt3A_1642 = arith.constant 80 : i32
      %lt3A_1643 = arith.cmpi slt, %add3A_1641, %lt3A_1642 : i32
      %convert_element_type3A_1644 = arith.extui %lt3A_1643 : i1 to i32
      %cond3A_1645 = arith.constant 0 : i32
      %cond3A_1646 = arith.cmpi ne, %convert_element_type3A_1644, %cond3A_1645 : i32
      scf.if %cond3A_1646 {
        %dma_wait3A_1735 = arith.constant 1 : i32
        %dma_wait3A_1736 = arith.constant 1 : i32
        %dma_wait3A_1737 = arith.constant 0 : i32
        %dma_wait3A_1738 = tpu.memref_slice %arg9[%dma_wait3A_1735, %dma_wait3A_1737] : memref<4x128xi32, #tpu.memory_space<vmem>> -> memref<1x128xi32, #tpu.memory_space<vmem>>
        %dma_wait3A_1739 = tpu.memref_squeeze %dma_wait3A_1738 : memref<1x128xi32, #tpu.memory_space<vmem>> -> memref<128xi32, #tpu.memory_space<vmem>>
        %dma_wait3A_1740 = arith.constant 0 : i32
        %dma_wait3A_1741 = tpu.memref_slice %arg3[%dma_wait3A_1740] : memref<327680xi32, #tpu.memory_space<hbm>> -> memref<128xi32, #tpu.memory_space<hbm>>
        %dma_wait3A_1742 = tpu.memref_slice %arg22[%dma_wait3A_1736] : memref<4x!tpu.dma_semaphore, #tpu.memory_space<semaphore_mem>> -> memref<1x!tpu.dma_semaphore, #tpu.memory_space<semaphore_mem>>
        %dma_wait3A_1743 = tpu.memref_squeeze %dma_wait3A_1742 : memref<1x!tpu.dma_semaphore, #tpu.memory_space<semaphore_mem>> -> memref<!tpu.dma_semaphore, #tpu.memory_space<semaphore_mem>>
        %dma_wait3A_1744 = arith.constant 0 : i32
        %dma_wait3A_1745 = tpu.memref_slice %arg9[%dma_wait3A_1735, %dma_wait3A_1744] : memref<4x128xi32, #tpu.memory_space<vmem>> -> memref<1x128xi32, #tpu.memory_space<vmem>>
        %dma_wait3A_1746 = tpu.memref_squeeze %dma_wait3A_1745 : memref<1x128xi32, #tpu.memory_space<vmem>> -> memref<128xi32, #tpu.memory_space<vmem>>
        %dma_wait3A_1747 = arith.constant 0 : i32
        %dma_wait3A_1748 = tpu.memref_slice %arg3[%dma_wait3A_1747] : memref<327680xi32, #tpu.memory_space<hbm>> -> memref<128xi32, #tpu.memory_space<hbm>>
        tpu.wait_dma2 semaphore(%dma_wait3A_1743 : memref<!tpu.dma_semaphore, #tpu.memory_space<semaphore_mem>>) src(%dma_wait3A_1748 : memref<128xi32, #tpu.memory_space<hbm>>) dst(%dma_wait3A_1746 : memref<128xi32, #tpu.memory_space<vmem>>)
        %dma_start3A_1749 = arith.constant 1 : i32
        %dma_start3A_1750 = arith.constant 1 : i32
        %dma_start3A_1751 = arith.constant 1 : i32
        %dma_start3A_1752 = arith.constant 0 : i32
        %dma_start3A_1753 = arith.constant 0 : i32
        %dma_start3A_1754 = tpu.memref_slice %arg14[%dma_start3A_1750, %dma_start3A_1752, %dma_start3A_1753] : memref<2x128x128xf32, #tpu.memory_space<vmem>> -> memref<1x128x128xf32, #tpu.memory_space<vmem>>
        %dma_start3A_1755 = tpu.memref_squeeze %dma_start3A_1754 : memref<1x128x128xf32, #tpu.memory_space<vmem>> -> memref<128x128xf32, #tpu.memory_space<vmem>>
        %dma_start3A_1756 = arith.constant 0 : i32
        %dma_start3A_1757 = tpu.memref_slice %arg9[%dma_start3A_1749, %dma_start3A_1756] : memref<4x128xi32, #tpu.memory_space<vmem>> -> memref<1x128xi32, #tpu.memory_space<vmem>>
        %dma_start3A_1758 = tpu.memref_squeeze %dma_start3A_1757 : memref<1x128xi32, #tpu.memory_space<vmem>> -> memref<128xi32, #tpu.memory_space<vmem>>
        %dma_start3A_1759 = arith.constant 0 : i32
        %dma_start3A_1760 = arith.constant 0 : i32
        %dma_start3A_1761 = tpu.memref_slice %arg2[%dma_start3A_1759, %dma_start3A_1760] : memref<10000x128xf32, #tpu.memory_space<hbm>> -> memref<10000x128xf32, #tpu.memory_space<hbm>>
        %dma_start3A_1762 = tpu.memref_slice %arg24[%dma_start3A_1751] : memref<2x!tpu.dma_semaphore, #tpu.memory_space<semaphore_mem>> -> memref<1x!tpu.dma_semaphore, #tpu.memory_space<semaphore_mem>>
        %dma_start3A_1763 = tpu.memref_squeeze %dma_start3A_1762 : memref<1x!tpu.dma_semaphore, #tpu.memory_space<semaphore_mem>> -> memref<!tpu.dma_semaphore, #tpu.memory_space<semaphore_mem>>
        tpu.enqueue_indirect_dma source(%dma_start3A_1761 : memref<10000x128xf32, #tpu.memory_space<hbm>>) target(%dma_start3A_1755 : memref<128x128xf32, #tpu.memory_space<vmem>>) offsets(%dma_start3A_1758 : memref<128xi32, #tpu.memory_space<vmem>>) semaphore(%dma_start3A_1763 : memref<!tpu.dma_semaphore, #tpu.memory_space<semaphore_mem>>)
      } else {
      }
      %mul3A_1647 = arith.constant 2 : i32
      %mul3A_1648 = arith.muli %add3A_1573, %mul3A_1647 : i32
      %add3A_1649 = arith.constant 0 : i32
      %add3A_1650 = arith.addi %mul3A_1648, %add3A_1649 : i32
      %dma_wait3A_1651 = arith.constant 2 : i32
      %dma_wait3A_1652 = arith.constant 2 : i32
      %dma_wait3A_1653 = arith.constant 0 : i32
      %dma_wait3A_1654 = tpu.memref_slice %arg11[%dma_wait3A_1651, %dma_wait3A_1653] : memref<4x128xi32, #tpu.memory_space<vmem>> -> memref<1x128xi32, #tpu.memory_space<vmem>>
      %dma_wait3A_1655 = tpu.memref_squeeze %dma_wait3A_1654 : memref<1x128xi32, #tpu.memory_space<vmem>> -> memref<128xi32, #tpu.memory_space<vmem>>
      %dma_wait3A_1656 = arith.constant 0 : i32
      %dma_wait3A_1657 = tpu.memref_slice %arg5[%dma_wait3A_1656] : memref<327680xi32, #tpu.memory_space<hbm>> -> memref<128xi32, #tpu.memory_space<hbm>>
      %dma_wait3A_1658 = tpu.memref_slice %arg26[%dma_wait3A_1652] : memref<4x!tpu.dma_semaphore, #tpu.memory_space<semaphore_mem>> -> memref<1x!tpu.dma_semaphore, #tpu.memory_space<semaphore_mem>>
      %dma_wait3A_1659 = tpu.memref_squeeze %dma_wait3A_1658 : memref<1x!tpu.dma_semaphore, #tpu.memory_space<semaphore_mem>> -> memref<!tpu.dma_semaphore, #tpu.memory_space<semaphore_mem>>
      %dma_wait3A_1660 = arith.constant 0 : i32
      %dma_wait3A_1661 = tpu.memref_slice %arg11[%dma_wait3A_1651, %dma_wait3A_1660] : memref<4x128xi32, #tpu.memory_space<vmem>> -> memref<1x128xi32, #tpu.memory_space<vmem>>
      %dma_wait3A_1662 = tpu.memref_squeeze %dma_wait3A_1661 : memref<1x128xi32, #tpu.memory_space<vmem>> -> memref<128xi32, #tpu.memory_space<vmem>>
      %dma_wait3A_1663 = arith.constant 0 : i32
      %dma_wait3A_1664 = tpu.memref_slice %arg5[%dma_wait3A_1663] : memref<327680xi32, #tpu.memory_space<hbm>> -> memref<128xi32, #tpu.memory_space<hbm>>
      tpu.wait_dma2 semaphore(%dma_wait3A_1659 : memref<!tpu.dma_semaphore, #tpu.memory_space<semaphore_mem>>) src(%dma_wait3A_1664 : memref<128xi32, #tpu.memory_space<hbm>>) dst(%dma_wait3A_1662 : memref<128xi32, #tpu.memory_space<vmem>>)
      %dma_start3A_1665 = arith.constant 2 : i32
      %dma_start3A_1666 = arith.constant 2 : i32
      %dma_start3A_1667 = arith.constant 0 : i32
      %dma_start3A_1668 = tpu.memref_slice %arg11[%dma_start3A_1665, %dma_start3A_1667] : memref<4x128xi32, #tpu.memory_space<vmem>> -> memref<1x128xi32, #tpu.memory_space<vmem>>
      %dma_start3A_1669 = tpu.memref_squeeze %dma_start3A_1668 : memref<1x128xi32, #tpu.memory_space<vmem>> -> memref<128xi32, #tpu.memory_space<vmem>>
      %dma_start3A_1670 = arith.constant 0 : i32
      %dma_start3A_1671 = tpu.memref_slice %arg18[%dma_start3A_1670] : memref<10240xf32, #tpu.memory_space<vmem_shared>> -> memref<10240xf32, #tpu.memory_space<vmem_shared>>
      %dma_start3A_1672 = tpu.memref_slice %arg27[%dma_start3A_1666] : memref<4x!tpu.dma_semaphore, #tpu.memory_space<semaphore_mem>> -> memref<1x!tpu.dma_semaphore, #tpu.memory_space<semaphore_mem>>
      %dma_start3A_1673 = tpu.memref_squeeze %dma_start3A_1672 : memref<1x!tpu.dma_semaphore, #tpu.memory_space<semaphore_mem>> -> memref<!tpu.dma_semaphore, #tpu.memory_space<semaphore_mem>>
      tpu.enqueue_indirect_dma source(%arg16 : memref<128xf32, #tpu.memory_space<vmem>>) target(%dma_start3A_1671 : memref<10240xf32, #tpu.memory_space<vmem_shared>>) offsets(%dma_start3A_1669 : memref<128xi32, #tpu.memory_space<vmem>>) semaphore(%dma_start3A_1673 : memref<!tpu.dma_semaphore, #tpu.memory_space<semaphore_mem>>) {add = true}
      %ge3A_1674 = arith.constant 2 : i32
      %ge3A_1675 = arith.cmpi sge, %add3A_1650, %ge3A_1674 : i32
      %convert_element_type3A_1676 = arith.extui %ge3A_1675 : i1 to i32
      %cond3A_1677 = arith.constant 0 : i32
      %cond3A_1678 = arith.cmpi ne, %convert_element_type3A_1676, %cond3A_1677 : i32
      scf.if %cond3A_1678 {
        %dma_wait3A_1735 = arith.constant 0 : i32
        %dma_wait3A_1736 = arith.constant 0 : i32
        %dma_wait3A_1737 = arith.constant 0 : i32
        %dma_wait3A_1738 = tpu.memref_slice %arg11[%dma_wait3A_1735, %dma_wait3A_1737] : memref<4x128xi32, #tpu.memory_space<vmem>> -> memref<1x128xi32, #tpu.memory_space<vmem>>
        %dma_wait3A_1739 = tpu.memref_squeeze %dma_wait3A_1738 : memref<1x128xi32, #tpu.memory_space<vmem>> -> memref<128xi32, #tpu.memory_space<vmem>>
        %dma_wait3A_1740 = arith.constant 0 : i32
        %dma_wait3A_1741 = tpu.memref_slice %arg18[%dma_wait3A_1740] : memref<10240xf32, #tpu.memory_space<vmem_shared>> -> memref<10240xf32, #tpu.memory_space<vmem_shared>>
        %dma_wait3A_1742 = tpu.memref_slice %arg27[%dma_wait3A_1736] : memref<4x!tpu.dma_semaphore, #tpu.memory_space<semaphore_mem>> -> memref<1x!tpu.dma_semaphore, #tpu.memory_space<semaphore_mem>>
        %dma_wait3A_1743 = tpu.memref_squeeze %dma_wait3A_1742 : memref<1x!tpu.dma_semaphore, #tpu.memory_space<semaphore_mem>> -> memref<!tpu.dma_semaphore, #tpu.memory_space<semaphore_mem>>
        tpu.wait_indirect_dma semaphore(%dma_wait3A_1743 : memref<!tpu.dma_semaphore, #tpu.memory_space<semaphore_mem>>) src(%arg16 : memref<128xf32, #tpu.memory_space<vmem>>) dst(%dma_wait3A_1741 : memref<10240xf32, #tpu.memory_space<vmem_shared>>)
      } else {
      }
      %add3A_1679 = arith.constant 2 : i32
      %add3A_1680 = arith.addi %add3A_1650, %add3A_1679 : i32
      %ge3A_1681 = arith.constant 4 : i32
      %ge3A_1682 = arith.cmpi sge, %add3A_1680, %ge3A_1681 : i32
      %add3A_1683 = arith.constant 2 : i32
      %add3A_1684 = arith.addi %add3A_1650, %add3A_1683 : i32
      %lt3A_1685 = arith.constant 160 : i32
      %lt3A_1686 = arith.cmpi slt, %add3A_1684, %lt3A_1685 : i32
      %and3A_1687 = arith.andi %ge3A_1682, %lt3A_1686 : i1
      %convert_element_type3A_1688 = arith.extui %and3A_1687 : i1 to i32
      %cond3A_1689 = arith.constant 0 : i32
      %cond3A_1690 = arith.cmpi ne, %convert_element_type3A_1688, %cond3A_1689 : i32
      scf.if %cond3A_1690 {
        %add3A_1735 = arith.constant 2 : i32
        %add3A_1736 = arith.addi %add3A_1650, %add3A_1735 : i32
        %mul3A_1737 = arith.constant 128 : i32
        %mul3A_1738 = arith.muli %add3A_1736, %mul3A_1737 : i32
        %add3A_1739 = arith.addi %mul3A_69, %mul3A_1738 : i32
        %dma_start3A_1740 = arith.constant 0 : i32
        %dma_start3A_1741 = arith.constant 0 : i32
        %dma_start3A_1742 = arith.constant 0 : i32
        %dma_start3A_1743 = tpu.memref_slice %arg11[%dma_start3A_1740, %dma_start3A_1742] : memref<4x128xi32, #tpu.memory_space<vmem>> -> memref<1x128xi32, #tpu.memory_space<vmem>>
        %dma_start3A_1744 = tpu.memref_squeeze %dma_start3A_1743 : memref<1x128xi32, #tpu.memory_space<vmem>> -> memref<128xi32, #tpu.memory_space<vmem>>
        %dma_start3A_1745 = tpu.memref_slice %arg5[%add3A_1739] : memref<327680xi32, #tpu.memory_space<hbm>> -> memref<128xi32, #tpu.memory_space<hbm>>
        %dma_start3A_1746 = tpu.memref_slice %arg26[%dma_start3A_1741] : memref<4x!tpu.dma_semaphore, #tpu.memory_space<semaphore_mem>> -> memref<1x!tpu.dma_semaphore, #tpu.memory_space<semaphore_mem>>
        %dma_start3A_1747 = tpu.memref_squeeze %dma_start3A_1746 : memref<1x!tpu.dma_semaphore, #tpu.memory_space<semaphore_mem>> -> memref<!tpu.dma_semaphore, #tpu.memory_space<semaphore_mem>>
        %dma_start3A_1748 = arith.constant 0 : i32
        %dma_start3A_1749 = tpu.memref_slice %arg11[%dma_start3A_1740, %dma_start3A_1748] : memref<4x128xi32, #tpu.memory_space<vmem>> -> memref<1x128xi32, #tpu.memory_space<vmem>>
        %dma_start3A_1750 = tpu.memref_squeeze %dma_start3A_1749 : memref<1x128xi32, #tpu.memory_space<vmem>> -> memref<128xi32, #tpu.memory_space<vmem>>
        %dma_start3A_1751 = tpu.memref_slice %arg5[%add3A_1739] : memref<327680xi32, #tpu.memory_space<hbm>> -> memref<128xi32, #tpu.memory_space<hbm>>
        tpu.enqueue_dma source(%dma_start3A_1751 : memref<128xi32, #tpu.memory_space<hbm>>) target(%dma_start3A_1750 : memref<128xi32, #tpu.memory_space<vmem>>) target_semaphore(%dma_start3A_1747 : memref<!tpu.dma_semaphore, #tpu.memory_space<semaphore_mem>>)
      } else {
      }
      %mul3A_1691 = arith.constant 2 : i32
      %mul3A_1692 = arith.muli %add3A_1573, %mul3A_1691 : i32
      %add3A_1693 = arith.constant 1 : i32
      %add3A_1694 = arith.addi %mul3A_1692, %add3A_1693 : i32
      %dma_wait3A_1695 = arith.constant 3 : i32
      %dma_wait3A_1696 = arith.constant 3 : i32
      %dma_wait3A_1697 = arith.constant 0 : i32
      %dma_wait3A_1698 = tpu.memref_slice %arg11[%dma_wait3A_1695, %dma_wait3A_1697] : memref<4x128xi32, #tpu.memory_space<vmem>> -> memref<1x128xi32, #tpu.memory_space<vmem>>
      %dma_wait3A_1699 = tpu.memref_squeeze %dma_wait3A_1698 : memref<1x128xi32, #tpu.memory_space<vmem>> -> memref<128xi32, #tpu.memory_space<vmem>>
      %dma_wait3A_1700 = arith.constant 0 : i32
      %dma_wait3A_1701 = tpu.memref_slice %arg5[%dma_wait3A_1700] : memref<327680xi32, #tpu.memory_space<hbm>> -> memref<128xi32, #tpu.memory_space<hbm>>
      %dma_wait3A_1702 = tpu.memref_slice %arg26[%dma_wait3A_1696] : memref<4x!tpu.dma_semaphore, #tpu.memory_space<semaphore_mem>> -> memref<1x!tpu.dma_semaphore, #tpu.memory_space<semaphore_mem>>
      %dma_wait3A_1703 = tpu.memref_squeeze %dma_wait3A_1702 : memref<1x!tpu.dma_semaphore, #tpu.memory_space<semaphore_mem>> -> memref<!tpu.dma_semaphore, #tpu.memory_space<semaphore_mem>>
      %dma_wait3A_1704 = arith.constant 0 : i32
      %dma_wait3A_1705 = tpu.memref_slice %arg11[%dma_wait3A_1695, %dma_wait3A_1704] : memref<4x128xi32, #tpu.memory_space<vmem>> -> memref<1x128xi32, #tpu.memory_space<vmem>>
      %dma_wait3A_1706 = tpu.memref_squeeze %dma_wait3A_1705 : memref<1x128xi32, #tpu.memory_space<vmem>> -> memref<128xi32, #tpu.memory_space<vmem>>
      %dma_wait3A_1707 = arith.constant 0 : i32
      %dma_wait3A_1708 = tpu.memref_slice %arg5[%dma_wait3A_1707] : memref<327680xi32, #tpu.memory_space<hbm>> -> memref<128xi32, #tpu.memory_space<hbm>>
      tpu.wait_dma2 semaphore(%dma_wait3A_1703 : memref<!tpu.dma_semaphore, #tpu.memory_space<semaphore_mem>>) src(%dma_wait3A_1708 : memref<128xi32, #tpu.memory_space<hbm>>) dst(%dma_wait3A_1706 : memref<128xi32, #tpu.memory_space<vmem>>)
      %dma_start3A_1709 = arith.constant 3 : i32
      %dma_start3A_1710 = arith.constant 3 : i32
      %dma_start3A_1711 = arith.constant 0 : i32
      %dma_start3A_1712 = tpu.memref_slice %arg11[%dma_start3A_1709, %dma_start3A_1711] : memref<4x128xi32, #tpu.memory_space<vmem>> -> memref<1x128xi32, #tpu.memory_space<vmem>>
      %dma_start3A_1713 = tpu.memref_squeeze %dma_start3A_1712 : memref<1x128xi32, #tpu.memory_space<vmem>> -> memref<128xi32, #tpu.memory_space<vmem>>
      %dma_start3A_1714 = arith.constant 0 : i32
      %dma_start3A_1715 = tpu.memref_slice %arg18[%dma_start3A_1714] : memref<10240xf32, #tpu.memory_space<vmem_shared>> -> memref<10240xf32, #tpu.memory_space<vmem_shared>>
      %dma_start3A_1716 = tpu.memref_slice %arg27[%dma_start3A_1710] : memref<4x!tpu.dma_semaphore, #tpu.memory_space<semaphore_mem>> -> memref<1x!tpu.dma_semaphore, #tpu.memory_space<semaphore_mem>>
      %dma_start3A_1717 = tpu.memref_squeeze %dma_start3A_1716 : memref<1x!tpu.dma_semaphore, #tpu.memory_space<semaphore_mem>> -> memref<!tpu.dma_semaphore, #tpu.memory_space<semaphore_mem>>
      tpu.enqueue_indirect_dma source(%arg16 : memref<128xf32, #tpu.memory_space<vmem>>) target(%dma_start3A_1715 : memref<10240xf32, #tpu.memory_space<vmem_shared>>) offsets(%dma_start3A_1713 : memref<128xi32, #tpu.memory_space<vmem>>) semaphore(%dma_start3A_1717 : memref<!tpu.dma_semaphore, #tpu.memory_space<semaphore_mem>>) {add = true}
      %ge3A_1718 = arith.constant 2 : i32
      %ge3A_1719 = arith.cmpi sge, %add3A_1694, %ge3A_1718 : i32
      %convert_element_type3A_1720 = arith.extui %ge3A_1719 : i1 to i32
      %cond3A_1721 = arith.constant 0 : i32
      %cond3A_1722 = arith.cmpi ne, %convert_element_type3A_1720, %cond3A_1721 : i32
      scf.if %cond3A_1722 {
        %dma_wait3A_1735 = arith.constant 1 : i32
        %dma_wait3A_1736 = arith.constant 1 : i32
        %dma_wait3A_1737 = arith.constant 0 : i32
        %dma_wait3A_1738 = tpu.memref_slice %arg11[%dma_wait3A_1735, %dma_wait3A_1737] : memref<4x128xi32, #tpu.memory_space<vmem>> -> memref<1x128xi32, #tpu.memory_space<vmem>>
        %dma_wait3A_1739 = tpu.memref_squeeze %dma_wait3A_1738 : memref<1x128xi32, #tpu.memory_space<vmem>> -> memref<128xi32, #tpu.memory_space<vmem>>
        %dma_wait3A_1740 = arith.constant 0 : i32
        %dma_wait3A_1741 = tpu.memref_slice %arg18[%dma_wait3A_1740] : memref<10240xf32, #tpu.memory_space<vmem_shared>> -> memref<10240xf32, #tpu.memory_space<vmem_shared>>
        %dma_wait3A_1742 = tpu.memref_slice %arg27[%dma_wait3A_1736] : memref<4x!tpu.dma_semaphore, #tpu.memory_space<semaphore_mem>> -> memref<1x!tpu.dma_semaphore, #tpu.memory_space<semaphore_mem>>
        %dma_wait3A_1743 = tpu.memref_squeeze %dma_wait3A_1742 : memref<1x!tpu.dma_semaphore, #tpu.memory_space<semaphore_mem>> -> memref<!tpu.dma_semaphore, #tpu.memory_space<semaphore_mem>>
        tpu.wait_indirect_dma semaphore(%dma_wait3A_1743 : memref<!tpu.dma_semaphore, #tpu.memory_space<semaphore_mem>>) src(%arg16 : memref<128xf32, #tpu.memory_space<vmem>>) dst(%dma_wait3A_1741 : memref<10240xf32, #tpu.memory_space<vmem_shared>>)
      } else {
      }
      %add3A_1723 = arith.constant 2 : i32
      %add3A_1724 = arith.addi %add3A_1694, %add3A_1723 : i32
      %ge3A_1725 = arith.constant 4 : i32
      %ge3A_1726 = arith.cmpi sge, %add3A_1724, %ge3A_1725 : i32
      %add3A_1727 = arith.constant 2 : i32
      %add3A_1728 = arith.addi %add3A_1694, %add3A_1727 : i32
      %lt3A_1729 = arith.constant 160 : i32
      %lt3A_1730 = arith.cmpi slt, %add3A_1728, %lt3A_1729 : i32
      %and3A_1731 = arith.andi %ge3A_1726, %lt3A_1730 : i1
      %convert_element_type3A_1732 = arith.extui %and3A_1731 : i1 to i32
      %cond3A_1733 = arith.constant 0 : i32
      %cond3A_1734 = arith.cmpi ne, %convert_element_type3A_1732, %cond3A_1733 : i32
      scf.if %cond3A_1734 {
        %add3A_1735 = arith.constant 2 : i32
        %add3A_1736 = arith.addi %add3A_1694, %add3A_1735 : i32
        %mul3A_1737 = arith.constant 128 : i32
        %mul3A_1738 = arith.muli %add3A_1736, %mul3A_1737 : i32
        %add3A_1739 = arith.addi %mul3A_69, %mul3A_1738 : i32
        %dma_start3A_1740 = arith.constant 1 : i32
        %dma_start3A_1741 = arith.constant 1 : i32
        %dma_start3A_1742 = arith.constant 0 : i32
        %dma_start3A_1743 = tpu.memref_slice %arg11[%dma_start3A_1740, %dma_start3A_1742] : memref<4x128xi32, #tpu.memory_space<vmem>> -> memref<1x128xi32, #tpu.memory_space<vmem>>
        %dma_start3A_1744 = tpu.memref_squeeze %dma_start3A_1743 : memref<1x128xi32, #tpu.memory_space<vmem>> -> memref<128xi32, #tpu.memory_space<vmem>>
        %dma_start3A_1745 = tpu.memref_slice %arg5[%add3A_1739] : memref<327680xi32, #tpu.memory_space<hbm>> -> memref<128xi32, #tpu.memory_space<hbm>>
        %dma_start3A_1746 = tpu.memref_slice %arg26[%dma_start3A_1741] : memref<4x!tpu.dma_semaphore, #tpu.memory_space<semaphore_mem>> -> memref<1x!tpu.dma_semaphore, #tpu.memory_space<semaphore_mem>>
        %dma_start3A_1747 = tpu.memref_squeeze %dma_start3A_1746 : memref<1x!tpu.dma_semaphore, #tpu.memory_space<semaphore_mem>> -> memref<!tpu.dma_semaphore, #tpu.memory_space<semaphore_mem>>
        %dma_start3A_1748 = arith.constant 0 : i32
        %dma_start3A_1749 = tpu.memref_slice %arg11[%dma_start3A_1740, %dma_start3A_1748] : memref<4x128xi32, #tpu.memory_space<vmem>> -> memref<1x128xi32, #tpu.memory_space<vmem>>
        %dma_start3A_1750 = tpu.memref_squeeze %dma_start3A_1749 : memref<1x128xi32, #tpu.memory_space<vmem>> -> memref<128xi32, #tpu.memory_space<vmem>>
        %dma_start3A_1751 = tpu.memref_slice %arg5[%add3A_1739] : memref<327680xi32, #tpu.memory_space<hbm>> -> memref<128xi32, #tpu.memory_space<hbm>>
        tpu.enqueue_dma source(%dma_start3A_1751 : memref<128xi32, #tpu.memory_space<hbm>>) target(%dma_start3A_1750 : memref<128xi32, #tpu.memory_space<vmem>>) target_semaphore(%dma_start3A_1747 : memref<!tpu.dma_semaphore, #tpu.memory_space<semaphore_mem>>)
      } else {
      }
    }
    %scan3A_299 = arith.constant 10 : i32
    %dma_wait3A_300 = arith.constant 2 : i32
    %dma_wait3A_301 = arith.constant 2 : i32
    %dma_wait3A_302 = arith.constant 0 : i32
    %dma_wait3A_303 = tpu.memref_slice %arg11[%dma_wait3A_300, %dma_wait3A_302] : memref<4x128xi32, #tpu.memory_space<vmem>> -> memref<1x128xi32, #tpu.memory_space<vmem>>
    %dma_wait3A_304 = tpu.memref_squeeze %dma_wait3A_303 : memref<1x128xi32, #tpu.memory_space<vmem>> -> memref<128xi32, #tpu.memory_space<vmem>>
    %dma_wait3A_305 = arith.constant 0 : i32
    %dma_wait3A_306 = tpu.memref_slice %arg18[%dma_wait3A_305] : memref<10240xf32, #tpu.memory_space<vmem_shared>> -> memref<10240xf32, #tpu.memory_space<vmem_shared>>
    %dma_wait3A_307 = tpu.memref_slice %arg27[%dma_wait3A_301] : memref<4x!tpu.dma_semaphore, #tpu.memory_space<semaphore_mem>> -> memref<1x!tpu.dma_semaphore, #tpu.memory_space<semaphore_mem>>
    %dma_wait3A_308 = tpu.memref_squeeze %dma_wait3A_307 : memref<1x!tpu.dma_semaphore, #tpu.memory_space<semaphore_mem>> -> memref<!tpu.dma_semaphore, #tpu.memory_space<semaphore_mem>>
    tpu.wait_indirect_dma semaphore(%dma_wait3A_308 : memref<!tpu.dma_semaphore, #tpu.memory_space<semaphore_mem>>) src(%arg16 : memref<128xf32, #tpu.memory_space<vmem>>) dst(%dma_wait3A_306 : memref<10240xf32, #tpu.memory_space<vmem_shared>>)
    %dma_wait3A_309 = arith.constant 3 : i32
    %dma_wait3A_310 = arith.constant 3 : i32
    %dma_wait3A_311 = arith.constant 0 : i32
    %dma_wait3A_312 = tpu.memref_slice %arg11[%dma_wait3A_309, %dma_wait3A_311] : memref<4x128xi32, #tpu.memory_space<vmem>> -> memref<1x128xi32, #tpu.memory_space<vmem>>
    %dma_wait3A_313 = tpu.memref_squeeze %dma_wait3A_312 : memref<1x128xi32, #tpu.memory_space<vmem>> -> memref<128xi32, #tpu.memory_space<vmem>>
    %dma_wait3A_314 = arith.constant 0 : i32
    %dma_wait3A_315 = tpu.memref_slice %arg18[%dma_wait3A_314] : memref<10240xf32, #tpu.memory_space<vmem_shared>> -> memref<10240xf32, #tpu.memory_space<vmem_shared>>
    %dma_wait3A_316 = tpu.memref_slice %arg27[%dma_wait3A_310] : memref<4x!tpu.dma_semaphore, #tpu.memory_space<semaphore_mem>> -> memref<1x!tpu.dma_semaphore, #tpu.memory_space<semaphore_mem>>
    %dma_wait3A_317 = tpu.memref_squeeze %dma_wait3A_316 : memref<1x!tpu.dma_semaphore, #tpu.memory_space<semaphore_mem>> -> memref<!tpu.dma_semaphore, #tpu.memory_space<semaphore_mem>>
    tpu.wait_indirect_dma semaphore(%dma_wait3A_317 : memref<!tpu.dma_semaphore, #tpu.memory_space<semaphore_mem>>) src(%arg16 : memref<128xf32, #tpu.memory_space<vmem>>) dst(%dma_wait3A_315 : memref<10240xf32, #tpu.memory_space<vmem_shared>>)
    %barrier3A_318 = arith.constant 0 : index
    tpu.barrier barrier_id(%barrier3A_318)
    "tpu.region"() ({
      %run_scoped3A_417 = tpu.sem_alloc : memref<!tpu.dma_semaphore, #tpu.memory_space<semaphore_mem>>
      %dma_start3A_418 = tpu.memref_slice %arg18[%mul3A_45] : memref<10240xf32, #tpu.memory_space<vmem_shared>> -> memref<640xf32, #tpu.memory_space<vmem_shared>>
      %dma_start3A_419 = tpu.memref_slice %arg18[%mul3A_45] : memref<10240xf32, #tpu.memory_space<vmem_shared>> -> memref<640xf32, #tpu.memory_space<vmem_shared>>
      tpu.enqueue_dma source(%dma_start3A_419 : memref<640xf32, #tpu.memory_space<vmem_shared>>) target(%arg17 : memref<640xf32, #tpu.memory_space<vmem>>) target_semaphore(%run_scoped3A_417 : memref<!tpu.dma_semaphore, #tpu.memory_space<semaphore_mem>>)
      %dma_wait3A_420 = tpu.memref_slice %arg18[%mul3A_45] : memref<10240xf32, #tpu.memory_space<vmem_shared>> -> memref<640xf32, #tpu.memory_space<vmem_shared>>
      %dma_wait3A_421 = tpu.memref_slice %arg18[%mul3A_45] : memref<10240xf32, #tpu.memory_space<vmem_shared>> -> memref<640xf32, #tpu.memory_space<vmem_shared>>
      tpu.wait_dma2 semaphore(%run_scoped3A_417 : memref<!tpu.dma_semaphore, #tpu.memory_space<semaphore_mem>>) src(%dma_wait3A_421 : memref<640xf32, #tpu.memory_space<vmem_shared>>) dst(%arg17 : memref<640xf32, #tpu.memory_space<vmem>>)
      tpu.yield
    }) : () -> ()
    %scan3A_319 = arith.constant 0 : i32
    %scan3A_320 = arith.constant 0 : i32
    %scan3A_321 = arith.constant 40 : i32
    %scan3A_322 = arith.addi %scan3A_320, %scan3A_321 : i32
    %scan3A_323 = arith.constant 1 : i32
    scf.for %scan3A_417 = %scan3A_320 to %scan3A_322 step %scan3A_323  : i32 {
      %mul3A_418 = arith.constant 16 : i32
      %mul3A_419 = arith.muli %scan3A_417, %mul3A_418 : i32
      %get3A = arith.index_cast %mul3A_419 : i32 to index
      %get3A_420 = tpu.vector_load %arg17[%get3A] {strides = array<i32>} : memref<640xf32, #tpu.memory_space<vmem>>, vector<16xf32>,
      %get3A_421 = vector.shape_cast %get3A_420 : vector<16xf32> to vector<16xf32>
      %max3A = arith.constant 1.000000e+00 : f32
      %max3A_422 = vector.broadcast %max3A : f32 to vector<16xf32>
      %max3A_423 = arith.maximumf %get3A_421, %max3A_422 : vector<16xf32>
      %div3A = arith.constant 1.000000e+00 : f32
      %div3A_424 = vector.broadcast %div3A : f32 to vector<16xf32>
      %div3A_425 = arith.divf %div3A_424, %max3A_423 : vector<16xf32>
      %mul3A_426 = arith.constant 16 : i32
      %mul3A_427 = arith.muli %scan3A_417, %mul3A_426 : i32
      %swap3A_428 = arith.index_cast %mul3A_427 : i32 to index
      %swap3A_429 = tpu.vector_load %arg17[%swap3A_428] {strides = array<i32>} : memref<640xf32, #tpu.memory_space<vmem>>, vector<16xf32>,
      %swap3A_430 = vector.shape_cast %swap3A_429 : vector<16xf32> to vector<16xf32>
      %swap3A_431 = vector.shape_cast %div3A_425 : vector<16xf32> to vector<16xf32>
      tpu.vector_store %arg17[%swap3A_428], %swap3A_431 {strides = array<i32>} : memref<640xf32, #tpu.memory_space<vmem>>, vector<16xf32>,
    }
    %scan3A_324 = arith.constant 40 : i32
    "tpu.region"() ({
      %run_scoped3A_417 = tpu.sem_alloc : memref<!tpu.dma_semaphore, #tpu.memory_space<semaphore_mem>>
      %dma_start3A_418 = tpu.memref_slice %arg19[%mul3A_45] : memref<10240xf32, #tpu.memory_space<vmem_shared>> -> memref<640xf32, #tpu.memory_space<vmem_shared>>
      %dma_start3A_419 = tpu.memref_slice %arg19[%mul3A_45] : memref<10240xf32, #tpu.memory_space<vmem_shared>> -> memref<640xf32, #tpu.memory_space<vmem_shared>>
      tpu.enqueue_dma source(%arg17 : memref<640xf32, #tpu.memory_space<vmem>>) target(%dma_start3A_419 : memref<640xf32, #tpu.memory_space<vmem_shared>>) target_semaphore(%run_scoped3A_417 : memref<!tpu.dma_semaphore, #tpu.memory_space<semaphore_mem>>)
      %dma_wait3A_420 = tpu.memref_slice %arg19[%mul3A_45] : memref<10240xf32, #tpu.memory_space<vmem_shared>> -> memref<640xf32, #tpu.memory_space<vmem_shared>>
      %dma_wait3A_421 = tpu.memref_slice %arg19[%mul3A_45] : memref<10240xf32, #tpu.memory_space<vmem_shared>> -> memref<640xf32, #tpu.memory_space<vmem_shared>>
      tpu.wait_dma2 semaphore(%run_scoped3A_417 : memref<!tpu.dma_semaphore, #tpu.memory_space<semaphore_mem>>) src(%arg17 : memref<640xf32, #tpu.memory_space<vmem>>) dst(%dma_wait3A_421 : memref<640xf32, #tpu.memory_space<vmem_shared>>)
      tpu.yield
    }) : () -> ()
    %barrier3A_325 = arith.constant 0 : index
    tpu.barrier barrier_id(%barrier3A_325)
    %add3A_326 = arith.constant 0 : i32
    %add3A_327 = arith.addi %mul3A_65, %add3A_326 : i32
    %dma_start3A_328 = arith.constant 0 : i32
    %dma_start3A_329 = arith.constant 0 : i32
    %dma_start3A_330 = arith.constant 0 : i32
    %dma_start3A_331 = tpu.memref_slice %arg12[%dma_start3A_328, %dma_start3A_330] : memref<4x128xi32, #tpu.memory_space<vmem>> -> memref<1x128xi32, #tpu.memory_space<vmem>>
    %dma_start3A_332 = tpu.memref_squeeze %dma_start3A_331 : memref<1x128xi32, #tpu.memory_space<vmem>> -> memref<128xi32, #tpu.memory_space<vmem>>
    %dma_start3A_333 = tpu.memref_slice %arg5[%add3A_327] : memref<327680xi32, #tpu.memory_space<hbm>> -> memref<128xi32, #tpu.memory_space<hbm>>
    %dma_start3A_334 = tpu.memref_slice %arg28[%dma_start3A_329] : memref<2x!tpu.dma_semaphore, #tpu.memory_space<semaphore_mem>> -> memref<1x!tpu.dma_semaphore, #tpu.memory_space<semaphore_mem>>
    %dma_start3A_335 = tpu.memref_squeeze %dma_start3A_334 : memref<1x!tpu.dma_semaphore, #tpu.memory_space<semaphore_mem>> -> memref<!tpu.dma_semaphore, #tpu.memory_space<semaphore_mem>>
    %dma_start3A_336 = arith.constant 0 : i32
    %dma_start3A_337 = tpu.memref_slice %arg12[%dma_start3A_328, %dma_start3A_336] : memref<4x128xi32, #tpu.memory_space<vmem>> -> memref<1x128xi32, #tpu.memory_space<vmem>>
    %dma_start3A_338 = tpu.memref_squeeze %dma_start3A_337 : memref<1x128xi32, #tpu.memory_space<vmem>> -> memref<128xi32, #tpu.memory_space<vmem>>
    %dma_start3A_339 = tpu.memref_slice %arg5[%add3A_327] : memref<327680xi32, #tpu.memory_space<hbm>> -> memref<128xi32, #tpu.memory_space<hbm>>
    tpu.enqueue_dma source(%dma_start3A_339 : memref<128xi32, #tpu.memory_space<hbm>>) target(%dma_start3A_338 : memref<128xi32, #tpu.memory_space<vmem>>) target_semaphore(%dma_start3A_335 : memref<!tpu.dma_semaphore, #tpu.memory_space<semaphore_mem>>)
    %add3A_340 = arith.constant 0 : i32
    %add3A_341 = arith.addi %mul3A_65, %add3A_340 : i32
    %dma_start3A_342 = arith.constant 0 : i32
    %dma_start3A_343 = arith.constant 0 : i32
    %dma_start3A_344 = arith.constant 0 : i32
    %dma_start3A_345 = tpu.memref_slice %arg13[%dma_start3A_342, %dma_start3A_344] : memref<4x128xi32, #tpu.memory_space<vmem>> -> memref<1x128xi32, #tpu.memory_space<vmem>>
    %dma_start3A_346 = tpu.memref_squeeze %dma_start3A_345 : memref<1x128xi32, #tpu.memory_space<vmem>> -> memref<128xi32, #tpu.memory_space<vmem>>
    %dma_start3A_347 = tpu.memref_slice %arg4[%add3A_341] : memref<327680xi32, #tpu.memory_space<hbm>> -> memref<128xi32, #tpu.memory_space<hbm>>
    %dma_start3A_348 = tpu.memref_slice %arg29[%dma_start3A_343] : memref<4x!tpu.dma_semaphore, #tpu.memory_space<semaphore_mem>> -> memref<1x!tpu.dma_semaphore, #tpu.memory_space<semaphore_mem>>
    %dma_start3A_349 = tpu.memref_squeeze %dma_start3A_348 : memref<1x!tpu.dma_semaphore, #tpu.memory_space<semaphore_mem>> -> memref<!tpu.dma_semaphore, #tpu.memory_space<semaphore_mem>>
    %dma_start3A_350 = arith.constant 0 : i32
    %dma_start3A_351 = tpu.memref_slice %arg13[%dma_start3A_342, %dma_start3A_350] : memref<4x128xi32, #tpu.memory_space<vmem>> -> memref<1x128xi32, #tpu.memory_space<vmem>>
    %dma_start3A_352 = tpu.memref_squeeze %dma_start3A_351 : memref<1x128xi32, #tpu.memory_space<vmem>> -> memref<128xi32, #tpu.memory_space<vmem>>
    %dma_start3A_353 = tpu.memref_slice %arg4[%add3A_341] : memref<327680xi32, #tpu.memory_space<hbm>> -> memref<128xi32, #tpu.memory_space<hbm>>
    tpu.enqueue_dma source(%dma_start3A_353 : memref<128xi32, #tpu.memory_space<hbm>>) target(%dma_start3A_352 : memref<128xi32, #tpu.memory_space<vmem>>) target_semaphore(%dma_start3A_349 : memref<!tpu.dma_semaphore, #tpu.memory_space<semaphore_mem>>)
    %add3A_354 = arith.constant 128 : i32
    %add3A_355 = arith.addi %mul3A_65, %add3A_354 : i32
    %dma_start3A_356 = arith.constant 1 : i32
    %dma_start3A_357 = arith.constant 1 : i32
    %dma_start3A_358 = arith.constant 0 : i32
    %dma_start3A_359 = tpu.memref_slice %arg12[%dma_start3A_356, %dma_start3A_358] : memref<4x128xi32, #tpu.memory_space<vmem>> -> memref<1x128xi32, #tpu.memory_space<vmem>>
    %dma_start3A_360 = tpu.memref_squeeze %dma_start3A_359 : memref<1x128xi32, #tpu.memory_space<vmem>> -> memref<128xi32, #tpu.memory_space<vmem>>
    %dma_start3A_361 = tpu.memref_slice %arg5[%add3A_355] : memref<327680xi32, #tpu.memory_space<hbm>> -> memref<128xi32, #tpu.memory_space<hbm>>
    %dma_start3A_362 = tpu.memref_slice %arg28[%dma_start3A_357] : memref<2x!tpu.dma_semaphore, #tpu.memory_space<semaphore_mem>> -> memref<1x!tpu.dma_semaphore, #tpu.memory_space<semaphore_mem>>
    %dma_start3A_363 = tpu.memref_squeeze %dma_start3A_362 : memref<1x!tpu.dma_semaphore, #tpu.memory_space<semaphore_mem>> -> memref<!tpu.dma_semaphore, #tpu.memory_space<semaphore_mem>>
    %dma_start3A_364 = arith.constant 0 : i32
    %dma_start3A_365 = tpu.memref_slice %arg12[%dma_start3A_356, %dma_start3A_364] : memref<4x128xi32, #tpu.memory_space<vmem>> -> memref<1x128xi32, #tpu.memory_space<vmem>>
    %dma_start3A_366 = tpu.memref_squeeze %dma_start3A_365 : memref<1x128xi32, #tpu.memory_space<vmem>> -> memref<128xi32, #tpu.memory_space<vmem>>
    %dma_start3A_367 = tpu.memref_slice %arg5[%add3A_355] : memref<327680xi32, #tpu.memory_space<hbm>> -> memref<128xi32, #tpu.memory_space<hbm>>
    tpu.enqueue_dma source(%dma_start3A_367 : memref<128xi32, #tpu.memory_space<hbm>>) target(%dma_start3A_366 : memref<128xi32, #tpu.memory_space<vmem>>) target_semaphore(%dma_start3A_363 : memref<!tpu.dma_semaphore, #tpu.memory_space<semaphore_mem>>)
    %add3A_368 = arith.constant 128 : i32
    %add3A_369 = arith.addi %mul3A_65, %add3A_368 : i32
    %dma_start3A_370 = arith.constant 1 : i32
    %dma_start3A_371 = arith.constant 1 : i32
    %dma_start3A_372 = arith.constant 0 : i32
    %dma_start3A_373 = tpu.memref_slice %arg13[%dma_start3A_370, %dma_start3A_372] : memref<4x128xi32, #tpu.memory_space<vmem>> -> memref<1x128xi32, #tpu.memory_space<vmem>>
    %dma_start3A_374 = tpu.memref_squeeze %dma_start3A_373 : memref<1x128xi32, #tpu.memory_space<vmem>> -> memref<128xi32, #tpu.memory_space<vmem>>
    %dma_start3A_375 = tpu.memref_slice %arg4[%add3A_369] : memref<327680xi32, #tpu.memory_space<hbm>> -> memref<128xi32, #tpu.memory_space<hbm>>
    %dma_start3A_376 = tpu.memref_slice %arg29[%dma_start3A_371] : memref<4x!tpu.dma_semaphore, #tpu.memory_space<semaphore_mem>> -> memref<1x!tpu.dma_semaphore, #tpu.memory_space<semaphore_mem>>
    %dma_start3A_377 = tpu.memref_squeeze %dma_start3A_376 : memref<1x!tpu.dma_semaphore, #tpu.memory_space<semaphore_mem>> -> memref<!tpu.dma_semaphore, #tpu.memory_space<semaphore_mem>>
    %dma_start3A_378 = arith.constant 0 : i32
    %dma_start3A_379 = tpu.memref_slice %arg13[%dma_start3A_370, %dma_start3A_378] : memref<4x128xi32, #tpu.memory_space<vmem>> -> memref<1x128xi32, #tpu.memory_space<vmem>>
    %dma_start3A_380 = tpu.memref_squeeze %dma_start3A_379 : memref<1x128xi32, #tpu.memory_space<vmem>> -> memref<128xi32, #tpu.memory_space<vmem>>
    %dma_start3A_381 = tpu.memref_slice %arg4[%add3A_369] : memref<327680xi32, #tpu.memory_space<hbm>> -> memref<128xi32, #tpu.memory_space<hbm>>
    tpu.enqueue_dma source(%dma_start3A_381 : memref<128xi32, #tpu.memory_space<hbm>>) target(%dma_start3A_380 : memref<128xi32, #tpu.memory_space<vmem>>) target_semaphore(%dma_start3A_377 : memref<!tpu.dma_semaphore, #tpu.memory_space<semaphore_mem>>)
    %scan3A_382 = arith.constant 0 : i32
    %scan3A_383 = arith.constant 0 : i32
    %scan3A_384 = arith.constant 20 : i32
    %scan3A_385 = arith.addi %scan3A_383, %scan3A_384 : i32
    %scan3A_386 = arith.constant 1 : i32
    scf.for %scan3A_417 = %scan3A_383 to %scan3A_385 step %scan3A_386  : i32 {
      %mul3A_418 = arith.constant 4 : i32
      %mul3A_419 = arith.muli %scan3A_417, %mul3A_418 : i32
      %add3A_420 = arith.constant 0 : i32
      %add3A_421 = arith.addi %mul3A_419, %add3A_420 : i32
      %ge3A = arith.constant 2 : i32
      %ge3A_422 = arith.cmpi sge, %add3A_421, %ge3A : i32
      %convert_element_type3A_423 = arith.extui %ge3A_422 : i1 to i32
      %cond3A_424 = arith.constant 0 : i32
      %cond3A_425 = arith.cmpi ne, %convert_element_type3A_423, %cond3A_424 : i32
      scf.if %cond3A_425 {
        %dma_wait3A_776 = arith.constant 0 : i32
        %dma_wait3A_777 = arith.constant 2 : i32
        %dma_wait3A_778 = arith.constant 0 : i32
        %dma_wait3A_779 = arith.constant 0 : i32
        %dma_wait3A_780 = tpu.memref_slice %arg15[%dma_wait3A_776, %dma_wait3A_779] : memref<2x128xf32, #tpu.memory_space<vmem>> -> memref<1x128xf32, #tpu.memory_space<vmem>>
        %dma_wait3A_781 = tpu.memref_squeeze %dma_wait3A_780 : memref<1x128xf32, #tpu.memory_space<vmem>> -> memref<128xf32, #tpu.memory_space<vmem>>
        %dma_wait3A_782 = arith.constant 0 : i32
        %dma_wait3A_783 = tpu.memref_slice %arg13[%dma_wait3A_777, %dma_wait3A_782] : memref<4x128xi32, #tpu.memory_space<vmem>> -> memref<1x128xi32, #tpu.memory_space<vmem>>
        %dma_wait3A_784 = tpu.memref_squeeze %dma_wait3A_783 : memref<1x128xi32, #tpu.memory_space<vmem>> -> memref<128xi32, #tpu.memory_space<vmem>>
        %dma_wait3A_785 = arith.constant 0 : i32
        %dma_wait3A_786 = tpu.memref_slice %arg20[%dma_wait3A_785] : memref<10240xf32, #tpu.memory_space<vmem_shared>> -> memref<10240xf32, #tpu.memory_space<vmem_shared>>
        %dma_wait3A_787 = tpu.memref_slice %arg30[%dma_wait3A_778] : memref<2x!tpu.dma_semaphore, #tpu.memory_space<semaphore_mem>> -> memref<1x!tpu.dma_semaphore, #tpu.memory_space<semaphore_mem>>
        %dma_wait3A_788 = tpu.memref_squeeze %dma_wait3A_787 : memref<1x!tpu.dma_semaphore, #tpu.memory_space<semaphore_mem>> -> memref<!tpu.dma_semaphore, #tpu.memory_space<semaphore_mem>>
        tpu.wait_indirect_dma semaphore(%dma_wait3A_788 : memref<!tpu.dma_semaphore, #tpu.memory_space<semaphore_mem>>) src(%dma_wait3A_781 : memref<128xf32, #tpu.memory_space<vmem>>) dst(%dma_wait3A_786 : memref<10240xf32, #tpu.memory_space<vmem_shared>>)
      } else {
      }
      %add3A_426 = arith.constant 2 : i32
      %add3A_427 = arith.addi %add3A_421, %add3A_426 : i32
      %lt3A = arith.constant 80 : i32
      %lt3A_428 = arith.cmpi slt, %add3A_427, %lt3A : i32
      %convert_element_type3A_429 = arith.extui %lt3A_428 : i1 to i32
      %cond3A_430 = arith.constant 0 : i32
      %cond3A_431 = arith.cmpi ne, %convert_element_type3A_429, %cond3A_430 : i32
      scf.if %cond3A_431 {
        %add3A_776 = arith.constant 2 : i32
        %add3A_777 = arith.addi %add3A_421, %add3A_776 : i32
        %mul3A_778 = arith.constant 128 : i32
        %mul3A_779 = arith.muli %add3A_777, %mul3A_778 : i32
        %add3A_780 = arith.addi %mul3A_65, %mul3A_779 : i32
        %dma_start3A_781 = arith.constant 2 : i32
        %dma_start3A_782 = arith.constant 2 : i32
        %dma_start3A_783 = arith.constant 0 : i32
        %dma_start3A_784 = tpu.memref_slice %arg13[%dma_start3A_781, %dma_start3A_783] : memref<4x128xi32, #tpu.memory_space<vmem>> -> memref<1x128xi32, #tpu.memory_space<vmem>>
        %dma_start3A_785 = tpu.memref_squeeze %dma_start3A_784 : memref<1x128xi32, #tpu.memory_space<vmem>> -> memref<128xi32, #tpu.memory_space<vmem>>
        %dma_start3A_786 = tpu.memref_slice %arg4[%add3A_780] : memref<327680xi32, #tpu.memory_space<hbm>> -> memref<128xi32, #tpu.memory_space<hbm>>
        %dma_start3A_787 = tpu.memref_slice %arg29[%dma_start3A_782] : memref<4x!tpu.dma_semaphore, #tpu.memory_space<semaphore_mem>> -> memref<1x!tpu.dma_semaphore, #tpu.memory_space<semaphore_mem>>
        %dma_start3A_788 = tpu.memref_squeeze %dma_start3A_787 : memref<1x!tpu.dma_semaphore, #tpu.memory_space<semaphore_mem>> -> memref<!tpu.dma_semaphore, #tpu.memory_space<semaphore_mem>>
        %dma_start3A_789 = arith.constant 0 : i32
        %dma_start3A_790 = tpu.memref_slice %arg13[%dma_start3A_781, %dma_start3A_789] : memref<4x128xi32, #tpu.memory_space<vmem>> -> memref<1x128xi32, #tpu.memory_space<vmem>>
        %dma_start3A_791 = tpu.memref_squeeze %dma_start3A_790 : memref<1x128xi32, #tpu.memory_space<vmem>> -> memref<128xi32, #tpu.memory_space<vmem>>
        %dma_start3A_792 = tpu.memref_slice %arg4[%add3A_780] : memref<327680xi32, #tpu.memory_space<hbm>> -> memref<128xi32, #tpu.memory_space<hbm>>
        tpu.enqueue_dma source(%dma_start3A_792 : memref<128xi32, #tpu.memory_space<hbm>>) target(%dma_start3A_791 : memref<128xi32, #tpu.memory_space<vmem>>) target_semaphore(%dma_start3A_788 : memref<!tpu.dma_semaphore, #tpu.memory_space<semaphore_mem>>)
      } else {
      }
      %dma_wait3A_432 = arith.constant 0 : i32
      %dma_wait3A_433 = arith.constant 0 : i32
      %dma_wait3A_434 = arith.constant 0 : i32
      %dma_wait3A_435 = tpu.memref_slice %arg12[%dma_wait3A_432, %dma_wait3A_434] : memref<4x128xi32, #tpu.memory_space<vmem>> -> memref<1x128xi32, #tpu.memory_space<vmem>>
      %dma_wait3A_436 = tpu.memref_squeeze %dma_wait3A_435 : memref<1x128xi32, #tpu.memory_space<vmem>> -> memref<128xi32, #tpu.memory_space<vmem>>
      %dma_wait3A_437 = arith.constant 0 : i32
      %dma_wait3A_438 = tpu.memref_slice %arg5[%dma_wait3A_437] : memref<327680xi32, #tpu.memory_space<hbm>> -> memref<128xi32, #tpu.memory_space<hbm>>
      %dma_wait3A_439 = tpu.memref_slice %arg28[%dma_wait3A_433] : memref<2x!tpu.dma_semaphore, #tpu.memory_space<semaphore_mem>> -> memref<1x!tpu.dma_semaphore, #tpu.memory_space<semaphore_mem>>
      %dma_wait3A_440 = tpu.memref_squeeze %dma_wait3A_439 : memref<1x!tpu.dma_semaphore, #tpu.memory_space<semaphore_mem>> -> memref<!tpu.dma_semaphore, #tpu.memory_space<semaphore_mem>>
      %dma_wait3A_441 = arith.constant 0 : i32
      %dma_wait3A_442 = tpu.memref_slice %arg12[%dma_wait3A_432, %dma_wait3A_441] : memref<4x128xi32, #tpu.memory_space<vmem>> -> memref<1x128xi32, #tpu.memory_space<vmem>>
      %dma_wait3A_443 = tpu.memref_squeeze %dma_wait3A_442 : memref<1x128xi32, #tpu.memory_space<vmem>> -> memref<128xi32, #tpu.memory_space<vmem>>
      %dma_wait3A_444 = arith.constant 0 : i32
      %dma_wait3A_445 = tpu.memref_slice %arg5[%dma_wait3A_444] : memref<327680xi32, #tpu.memory_space<hbm>> -> memref<128xi32, #tpu.memory_space<hbm>>
      tpu.wait_dma2 semaphore(%dma_wait3A_440 : memref<!tpu.dma_semaphore, #tpu.memory_space<semaphore_mem>>) src(%dma_wait3A_445 : memref<128xi32, #tpu.memory_space<hbm>>) dst(%dma_wait3A_443 : memref<128xi32, #tpu.memory_space<vmem>>)
      %dma_start3A_446 = arith.constant 0 : i32
      %dma_start3A_447 = arith.constant 0 : i32
      %dma_start3A_448 = arith.constant 0 : i32
      %dma_start3A_449 = arith.constant 0 : i32
      %dma_start3A_450 = tpu.memref_slice %arg15[%dma_start3A_447, %dma_start3A_449] : memref<2x128xf32, #tpu.memory_space<vmem>> -> memref<1x128xf32, #tpu.memory_space<vmem>>
      %dma_start3A_451 = tpu.memref_squeeze %dma_start3A_450 : memref<1x128xf32, #tpu.memory_space<vmem>> -> memref<128xf32, #tpu.memory_space<vmem>>
      %dma_start3A_452 = arith.constant 0 : i32
      %dma_start3A_453 = tpu.memref_slice %arg12[%dma_start3A_446, %dma_start3A_452] : memref<4x128xi32, #tpu.memory_space<vmem>> -> memref<1x128xi32, #tpu.memory_space<vmem>>
      %dma_start3A_454 = tpu.memref_squeeze %dma_start3A_453 : memref<1x128xi32, #tpu.memory_space<vmem>> -> memref<128xi32, #tpu.memory_space<vmem>>
      %dma_start3A_455 = arith.constant 0 : i32
      %dma_start3A_456 = tpu.memref_slice %arg19[%dma_start3A_455] : memref<10240xf32, #tpu.memory_space<vmem_shared>> -> memref<10240xf32, #tpu.memory_space<vmem_shared>>
      %dma_start3A_457 = tpu.memref_slice %arg24[%dma_start3A_448] : memref<2x!tpu.dma_semaphore, #tpu.memory_space<semaphore_mem>> -> memref<1x!tpu.dma_semaphore, #tpu.memory_space<semaphore_mem>>
      %dma_start3A_458 = tpu.memref_squeeze %dma_start3A_457 : memref<1x!tpu.dma_semaphore, #tpu.memory_space<semaphore_mem>> -> memref<!tpu.dma_semaphore, #tpu.memory_space<semaphore_mem>>
      tpu.enqueue_indirect_dma source(%dma_start3A_456 : memref<10240xf32, #tpu.memory_space<vmem_shared>>) target(%dma_start3A_451 : memref<128xf32, #tpu.memory_space<vmem>>) offsets(%dma_start3A_454 : memref<128xi32, #tpu.memory_space<vmem>>) semaphore(%dma_start3A_458 : memref<!tpu.dma_semaphore, #tpu.memory_space<semaphore_mem>>)
      %dma_wait3A_459 = arith.constant 0 : i32
      %dma_wait3A_460 = arith.constant 0 : i32
      %dma_wait3A_461 = arith.constant 0 : i32
      %dma_wait3A_462 = arith.constant 0 : i32
      %dma_wait3A_463 = tpu.memref_slice %arg15[%dma_wait3A_460, %dma_wait3A_462] : memref<2x128xf32, #tpu.memory_space<vmem>> -> memref<1x128xf32, #tpu.memory_space<vmem>>
      %dma_wait3A_464 = tpu.memref_squeeze %dma_wait3A_463 : memref<1x128xf32, #tpu.memory_space<vmem>> -> memref<128xf32, #tpu.memory_space<vmem>>
      %dma_wait3A_465 = arith.constant 0 : i32
      %dma_wait3A_466 = tpu.memref_slice %arg12[%dma_wait3A_459, %dma_wait3A_465] : memref<4x128xi32, #tpu.memory_space<vmem>> -> memref<1x128xi32, #tpu.memory_space<vmem>>
      %dma_wait3A_467 = tpu.memref_squeeze %dma_wait3A_466 : memref<1x128xi32, #tpu.memory_space<vmem>> -> memref<128xi32, #tpu.memory_space<vmem>>
      %dma_wait3A_468 = arith.constant 0 : i32
      %dma_wait3A_469 = tpu.memref_slice %arg19[%dma_wait3A_468] : memref<10240xf32, #tpu.memory_space<vmem_shared>> -> memref<10240xf32, #tpu.memory_space<vmem_shared>>
      %dma_wait3A_470 = tpu.memref_slice %arg24[%dma_wait3A_461] : memref<2x!tpu.dma_semaphore, #tpu.memory_space<semaphore_mem>> -> memref<1x!tpu.dma_semaphore, #tpu.memory_space<semaphore_mem>>
      %dma_wait3A_471 = tpu.memref_squeeze %dma_wait3A_470 : memref<1x!tpu.dma_semaphore, #tpu.memory_space<semaphore_mem>> -> memref<!tpu.dma_semaphore, #tpu.memory_space<semaphore_mem>>
      tpu.wait_indirect_dma semaphore(%dma_wait3A_471 : memref<!tpu.dma_semaphore, #tpu.memory_space<semaphore_mem>>) src(%dma_wait3A_469 : memref<10240xf32, #tpu.memory_space<vmem_shared>>) dst(%dma_wait3A_464 : memref<128xf32, #tpu.memory_space<vmem>>)
      %dma_wait3A_472 = arith.constant 0 : i32
      %dma_wait3A_473 = arith.constant 0 : i32
      %dma_wait3A_474 = arith.constant 0 : i32
      %dma_wait3A_475 = tpu.memref_slice %arg13[%dma_wait3A_472, %dma_wait3A_474] : memref<4x128xi32, #tpu.memory_space<vmem>> -> memref<1x128xi32, #tpu.memory_space<vmem>>
      %dma_wait3A_476 = tpu.memref_squeeze %dma_wait3A_475 : memref<1x128xi32, #tpu.memory_space<vmem>> -> memref<128xi32, #tpu.memory_space<vmem>>
      %dma_wait3A_477 = arith.constant 0 : i32
      %dma_wait3A_478 = tpu.memref_slice %arg4[%dma_wait3A_477] : memref<327680xi32, #tpu.memory_space<hbm>> -> memref<128xi32, #tpu.memory_space<hbm>>
      %dma_wait3A_479 = tpu.memref_slice %arg29[%dma_wait3A_473] : memref<4x!tpu.dma_semaphore, #tpu.memory_space<semaphore_mem>> -> memref<1x!tpu.dma_semaphore, #tpu.memory_space<semaphore_mem>>
      %dma_wait3A_480 = tpu.memref_squeeze %dma_wait3A_479 : memref<1x!tpu.dma_semaphore, #tpu.memory_space<semaphore_mem>> -> memref<!tpu.dma_semaphore, #tpu.memory_space<semaphore_mem>>
      %dma_wait3A_481 = arith.constant 0 : i32
      %dma_wait3A_482 = tpu.memref_slice %arg13[%dma_wait3A_472, %dma_wait3A_481] : memref<4x128xi32, #tpu.memory_space<vmem>> -> memref<1x128xi32, #tpu.memory_space<vmem>>
      %dma_wait3A_483 = tpu.memref_squeeze %dma_wait3A_482 : memref<1x128xi32, #tpu.memory_space<vmem>> -> memref<128xi32, #tpu.memory_space<vmem>>
      %dma_wait3A_484 = arith.constant 0 : i32
      %dma_wait3A_485 = tpu.memref_slice %arg4[%dma_wait3A_484] : memref<327680xi32, #tpu.memory_space<hbm>> -> memref<128xi32, #tpu.memory_space<hbm>>
      tpu.wait_dma2 semaphore(%dma_wait3A_480 : memref<!tpu.dma_semaphore, #tpu.memory_space<semaphore_mem>>) src(%dma_wait3A_485 : memref<128xi32, #tpu.memory_space<hbm>>) dst(%dma_wait3A_483 : memref<128xi32, #tpu.memory_space<vmem>>)
      %dma_start3A_486 = arith.constant 0 : i32
      %dma_start3A_487 = arith.constant 0 : i32
      %dma_start3A_488 = arith.constant 0 : i32
      %dma_start3A_489 = arith.constant 0 : i32
      %dma_start3A_490 = tpu.memref_slice %arg15[%dma_start3A_486, %dma_start3A_489] : memref<2x128xf32, #tpu.memory_space<vmem>> -> memref<1x128xf32, #tpu.memory_space<vmem>>
      %dma_start3A_491 = tpu.memref_squeeze %dma_start3A_490 : memref<1x128xf32, #tpu.memory_space<vmem>> -> memref<128xf32, #tpu.memory_space<vmem>>
      %dma_start3A_492 = arith.constant 0 : i32
      %dma_start3A_493 = tpu.memref_slice %arg13[%dma_start3A_487, %dma_start3A_492] : memref<4x128xi32, #tpu.memory_space<vmem>> -> memref<1x128xi32, #tpu.memory_space<vmem>>
      %dma_start3A_494 = tpu.memref_squeeze %dma_start3A_493 : memref<1x128xi32, #tpu.memory_space<vmem>> -> memref<128xi32, #tpu.memory_space<vmem>>
      %dma_start3A_495 = arith.constant 0 : i32
      %dma_start3A_496 = tpu.memref_slice %arg20[%dma_start3A_495] : memref<10240xf32, #tpu.memory_space<vmem_shared>> -> memref<10240xf32, #tpu.memory_space<vmem_shared>>
      %dma_start3A_497 = tpu.memref_slice %arg30[%dma_start3A_488] : memref<2x!tpu.dma_semaphore, #tpu.memory_space<semaphore_mem>> -> memref<1x!tpu.dma_semaphore, #tpu.memory_space<semaphore_mem>>
      %dma_start3A_498 = tpu.memref_squeeze %dma_start3A_497 : memref<1x!tpu.dma_semaphore, #tpu.memory_space<semaphore_mem>> -> memref<!tpu.dma_semaphore, #tpu.memory_space<semaphore_mem>>
      tpu.enqueue_indirect_dma source(%dma_start3A_491 : memref<128xf32, #tpu.memory_space<vmem>>) target(%dma_start3A_496 : memref<10240xf32, #tpu.memory_space<vmem_shared>>) offsets(%dma_start3A_494 : memref<128xi32, #tpu.memory_space<vmem>>) semaphore(%dma_start3A_498 : memref<!tpu.dma_semaphore, #tpu.memory_space<semaphore_mem>>) {add = true}
      %add3A_499 = arith.constant 2 : i32
      %add3A_500 = arith.addi %add3A_421, %add3A_499 : i32
      %lt3A_501 = arith.constant 80 : i32
      %lt3A_502 = arith.cmpi slt, %add3A_500, %lt3A_501 : i32
      %convert_element_type3A_503 = arith.extui %lt3A_502 : i1 to i32
      %cond3A_504 = arith.constant 0 : i32
      %cond3A_505 = arith.cmpi ne, %convert_element_type3A_503, %cond3A_504 : i32
      scf.if %cond3A_505 {
        %add3A_776 = arith.constant 2 : i32
        %add3A_777 = arith.addi %add3A_421, %add3A_776 : i32
        %mul3A_778 = arith.constant 128 : i32
        %mul3A_779 = arith.muli %add3A_777, %mul3A_778 : i32
        %add3A_780 = arith.addi %mul3A_65, %mul3A_779 : i32
        %dma_start3A_781 = arith.constant 0 : i32
        %dma_start3A_782 = arith.constant 0 : i32
        %dma_start3A_783 = arith.constant 0 : i32
        %dma_start3A_784 = tpu.memref_slice %arg12[%dma_start3A_781, %dma_start3A_783] : memref<4x128xi32, #tpu.memory_space<vmem>> -> memref<1x128xi32, #tpu.memory_space<vmem>>
        %dma_start3A_785 = tpu.memref_squeeze %dma_start3A_784 : memref<1x128xi32, #tpu.memory_space<vmem>> -> memref<128xi32, #tpu.memory_space<vmem>>
        %dma_start3A_786 = tpu.memref_slice %arg5[%add3A_780] : memref<327680xi32, #tpu.memory_space<hbm>> -> memref<128xi32, #tpu.memory_space<hbm>>
        %dma_start3A_787 = tpu.memref_slice %arg28[%dma_start3A_782] : memref<2x!tpu.dma_semaphore, #tpu.memory_space<semaphore_mem>> -> memref<1x!tpu.dma_semaphore, #tpu.memory_space<semaphore_mem>>
        %dma_start3A_788 = tpu.memref_squeeze %dma_start3A_787 : memref<1x!tpu.dma_semaphore, #tpu.memory_space<semaphore_mem>> -> memref<!tpu.dma_semaphore, #tpu.memory_space<semaphore_mem>>
        %dma_start3A_789 = arith.constant 0 : i32
        %dma_start3A_790 = tpu.memref_slice %arg12[%dma_start3A_781, %dma_start3A_789] : memref<4x128xi32, #tpu.memory_space<vmem>> -> memref<1x128xi32, #tpu.memory_space<vmem>>
        %dma_start3A_791 = tpu.memref_squeeze %dma_start3A_790 : memref<1x128xi32, #tpu.memory_space<vmem>> -> memref<128xi32, #tpu.memory_space<vmem>>
        %dma_start3A_792 = tpu.memref_slice %arg5[%add3A_780] : memref<327680xi32, #tpu.memory_space<hbm>> -> memref<128xi32, #tpu.memory_space<hbm>>
        tpu.enqueue_dma source(%dma_start3A_792 : memref<128xi32, #tpu.memory_space<hbm>>) target(%dma_start3A_791 : memref<128xi32, #tpu.memory_space<vmem>>) target_semaphore(%dma_start3A_788 : memref<!tpu.dma_semaphore, #tpu.memory_space<semaphore_mem>>)
      } else {
      }
      %mul3A_506 = arith.constant 4 : i32
      %mul3A_507 = arith.muli %scan3A_417, %mul3A_506 : i32
      %add3A_508 = arith.constant 1 : i32
      %add3A_509 = arith.addi %mul3A_507, %add3A_508 : i32
      %ge3A_510 = arith.constant 2 : i32
      %ge3A_511 = arith.cmpi sge, %add3A_509, %ge3A_510 : i32
      %convert_element_type3A_512 = arith.extui %ge3A_511 : i1 to i32
      %cond3A_513 = arith.constant 0 : i32
      %cond3A_514 = arith.cmpi ne, %convert_element_type3A_512, %cond3A_513 : i32
      scf.if %cond3A_514 {
        %dma_wait3A_776 = arith.constant 1 : i32
        %dma_wait3A_777 = arith.constant 3 : i32
        %dma_wait3A_778 = arith.constant 1 : i32
        %dma_wait3A_779 = arith.constant 0 : i32
        %dma_wait3A_780 = tpu.memref_slice %arg15[%dma_wait3A_776, %dma_wait3A_779] : memref<2x128xf32, #tpu.memory_space<vmem>> -> memref<1x128xf32, #tpu.memory_space<vmem>>
        %dma_wait3A_781 = tpu.memref_squeeze %dma_wait3A_780 : memref<1x128xf32, #tpu.memory_space<vmem>> -> memref<128xf32, #tpu.memory_space<vmem>>
        %dma_wait3A_782 = arith.constant 0 : i32
        %dma_wait3A_783 = tpu.memref_slice %arg13[%dma_wait3A_777, %dma_wait3A_782] : memref<4x128xi32, #tpu.memory_space<vmem>> -> memref<1x128xi32, #tpu.memory_space<vmem>>
        %dma_wait3A_784 = tpu.memref_squeeze %dma_wait3A_783 : memref<1x128xi32, #tpu.memory_space<vmem>> -> memref<128xi32, #tpu.memory_space<vmem>>
        %dma_wait3A_785 = arith.constant 0 : i32
        %dma_wait3A_786 = tpu.memref_slice %arg20[%dma_wait3A_785] : memref<10240xf32, #tpu.memory_space<vmem_shared>> -> memref<10240xf32, #tpu.memory_space<vmem_shared>>
        %dma_wait3A_787 = tpu.memref_slice %arg30[%dma_wait3A_778] : memref<2x!tpu.dma_semaphore, #tpu.memory_space<semaphore_mem>> -> memref<1x!tpu.dma_semaphore, #tpu.memory_space<semaphore_mem>>
        %dma_wait3A_788 = tpu.memref_squeeze %dma_wait3A_787 : memref<1x!tpu.dma_semaphore, #tpu.memory_space<semaphore_mem>> -> memref<!tpu.dma_semaphore, #tpu.memory_space<semaphore_mem>>
        tpu.wait_indirect_dma semaphore(%dma_wait3A_788 : memref<!tpu.dma_semaphore, #tpu.memory_space<semaphore_mem>>) src(%dma_wait3A_781 : memref<128xf32, #tpu.memory_space<vmem>>) dst(%dma_wait3A_786 : memref<10240xf32, #tpu.memory_space<vmem_shared>>)
      } else {
      }
      %add3A_515 = arith.constant 2 : i32
      %add3A_516 = arith.addi %add3A_509, %add3A_515 : i32
      %lt3A_517 = arith.constant 80 : i32
      %lt3A_518 = arith.cmpi slt, %add3A_516, %lt3A_517 : i32
      %convert_element_type3A_519 = arith.extui %lt3A_518 : i1 to i32
      %cond3A_520 = arith.constant 0 : i32
      %cond3A_521 = arith.cmpi ne, %convert_element_type3A_519, %cond3A_520 : i32
      scf.if %cond3A_521 {
        %add3A_776 = arith.constant 2 : i32
        %add3A_777 = arith.addi %add3A_509, %add3A_776 : i32
        %mul3A_778 = arith.constant 128 : i32
        %mul3A_779 = arith.muli %add3A_777, %mul3A_778 : i32
        %add3A_780 = arith.addi %mul3A_65, %mul3A_779 : i32
        %dma_start3A_781 = arith.constant 3 : i32
        %dma_start3A_782 = arith.constant 3 : i32
        %dma_start3A_783 = arith.constant 0 : i32
        %dma_start3A_784 = tpu.memref_slice %arg13[%dma_start3A_781, %dma_start3A_783] : memref<4x128xi32, #tpu.memory_space<vmem>> -> memref<1x128xi32, #tpu.memory_space<vmem>>
        %dma_start3A_785 = tpu.memref_squeeze %dma_start3A_784 : memref<1x128xi32, #tpu.memory_space<vmem>> -> memref<128xi32, #tpu.memory_space<vmem>>
        %dma_start3A_786 = tpu.memref_slice %arg4[%add3A_780] : memref<327680xi32, #tpu.memory_space<hbm>> -> memref<128xi32, #tpu.memory_space<hbm>>
        %dma_start3A_787 = tpu.memref_slice %arg29[%dma_start3A_782] : memref<4x!tpu.dma_semaphore, #tpu.memory_space<semaphore_mem>> -> memref<1x!tpu.dma_semaphore, #tpu.memory_space<semaphore_mem>>
        %dma_start3A_788 = tpu.memref_squeeze %dma_start3A_787 : memref<1x!tpu.dma_semaphore, #tpu.memory_space<semaphore_mem>> -> memref<!tpu.dma_semaphore, #tpu.memory_space<semaphore_mem>>
        %dma_start3A_789 = arith.constant 0 : i32
        %dma_start3A_790 = tpu.memref_slice %arg13[%dma_start3A_781, %dma_start3A_789] : memref<4x128xi32, #tpu.memory_space<vmem>> -> memref<1x128xi32, #tpu.memory_space<vmem>>
        %dma_start3A_791 = tpu.memref_squeeze %dma_start3A_790 : memref<1x128xi32, #tpu.memory_space<vmem>> -> memref<128xi32, #tpu.memory_space<vmem>>
        %dma_start3A_792 = tpu.memref_slice %arg4[%add3A_780] : memref<327680xi32, #tpu.memory_space<hbm>> -> memref<128xi32, #tpu.memory_space<hbm>>
        tpu.enqueue_dma source(%dma_start3A_792 : memref<128xi32, #tpu.memory_space<hbm>>) target(%dma_start3A_791 : memref<128xi32, #tpu.memory_space<vmem>>) target_semaphore(%dma_start3A_788 : memref<!tpu.dma_semaphore, #tpu.memory_space<semaphore_mem>>)
      } else {
      }
      %dma_wait3A_522 = arith.constant 1 : i32
      %dma_wait3A_523 = arith.constant 1 : i32
      %dma_wait3A_524 = arith.constant 0 : i32
      %dma_wait3A_525 = tpu.memref_slice %arg12[%dma_wait3A_522, %dma_wait3A_524] : memref<4x128xi32, #tpu.memory_space<vmem>> -> memref<1x128xi32, #tpu.memory_space<vmem>>
      %dma_wait3A_526 = tpu.memref_squeeze %dma_wait3A_525 : memref<1x128xi32, #tpu.memory_space<vmem>> -> memref<128xi32, #tpu.memory_space<vmem>>
      %dma_wait3A_527 = arith.constant 0 : i32
      %dma_wait3A_528 = tpu.memref_slice %arg5[%dma_wait3A_527] : memref<327680xi32, #tpu.memory_space<hbm>> -> memref<128xi32, #tpu.memory_space<hbm>>
      %dma_wait3A_529 = tpu.memref_slice %arg28[%dma_wait3A_523] : memref<2x!tpu.dma_semaphore, #tpu.memory_space<semaphore_mem>> -> memref<1x!tpu.dma_semaphore, #tpu.memory_space<semaphore_mem>>
      %dma_wait3A_530 = tpu.memref_squeeze %dma_wait3A_529 : memref<1x!tpu.dma_semaphore, #tpu.memory_space<semaphore_mem>> -> memref<!tpu.dma_semaphore, #tpu.memory_space<semaphore_mem>>
      %dma_wait3A_531 = arith.constant 0 : i32
      %dma_wait3A_532 = tpu.memref_slice %arg12[%dma_wait3A_522, %dma_wait3A_531] : memref<4x128xi32, #tpu.memory_space<vmem>> -> memref<1x128xi32, #tpu.memory_space<vmem>>
      %dma_wait3A_533 = tpu.memref_squeeze %dma_wait3A_532 : memref<1x128xi32, #tpu.memory_space<vmem>> -> memref<128xi32, #tpu.memory_space<vmem>>
      %dma_wait3A_534 = arith.constant 0 : i32
      %dma_wait3A_535 = tpu.memref_slice %arg5[%dma_wait3A_534] : memref<327680xi32, #tpu.memory_space<hbm>> -> memref<128xi32, #tpu.memory_space<hbm>>
      tpu.wait_dma2 semaphore(%dma_wait3A_530 : memref<!tpu.dma_semaphore, #tpu.memory_space<semaphore_mem>>) src(%dma_wait3A_535 : memref<128xi32, #tpu.memory_space<hbm>>) dst(%dma_wait3A_533 : memref<128xi32, #tpu.memory_space<vmem>>)
      %dma_start3A_536 = arith.constant 1 : i32
      %dma_start3A_537 = arith.constant 1 : i32
      %dma_start3A_538 = arith.constant 1 : i32
      %dma_start3A_539 = arith.constant 0 : i32
      %dma_start3A_540 = tpu.memref_slice %arg15[%dma_start3A_537, %dma_start3A_539] : memref<2x128xf32, #tpu.memory_space<vmem>> -> memref<1x128xf32, #tpu.memory_space<vmem>>
      %dma_start3A_541 = tpu.memref_squeeze %dma_start3A_540 : memref<1x128xf32, #tpu.memory_space<vmem>> -> memref<128xf32, #tpu.memory_space<vmem>>
      %dma_start3A_542 = arith.constant 0 : i32
      %dma_start3A_543 = tpu.memref_slice %arg12[%dma_start3A_536, %dma_start3A_542] : memref<4x128xi32, #tpu.memory_space<vmem>> -> memref<1x128xi32, #tpu.memory_space<vmem>>
      %dma_start3A_544 = tpu.memref_squeeze %dma_start3A_543 : memref<1x128xi32, #tpu.memory_space<vmem>> -> memref<128xi32, #tpu.memory_space<vmem>>
      %dma_start3A_545 = arith.constant 0 : i32
      %dma_start3A_546 = tpu.memref_slice %arg19[%dma_start3A_545] : memref<10240xf32, #tpu.memory_space<vmem_shared>> -> memref<10240xf32, #tpu.memory_space<vmem_shared>>
      %dma_start3A_547 = tpu.memref_slice %arg24[%dma_start3A_538] : memref<2x!tpu.dma_semaphore, #tpu.memory_space<semaphore_mem>> -> memref<1x!tpu.dma_semaphore, #tpu.memory_space<semaphore_mem>>
      %dma_start3A_548 = tpu.memref_squeeze %dma_start3A_547 : memref<1x!tpu.dma_semaphore, #tpu.memory_space<semaphore_mem>> -> memref<!tpu.dma_semaphore, #tpu.memory_space<semaphore_mem>>
      tpu.enqueue_indirect_dma source(%dma_start3A_546 : memref<10240xf32, #tpu.memory_space<vmem_shared>>) target(%dma_start3A_541 : memref<128xf32, #tpu.memory_space<vmem>>) offsets(%dma_start3A_544 : memref<128xi32, #tpu.memory_space<vmem>>) semaphore(%dma_start3A_548 : memref<!tpu.dma_semaphore, #tpu.memory_space<semaphore_mem>>)
      %dma_wait3A_549 = arith.constant 1 : i32
      %dma_wait3A_550 = arith.constant 1 : i32
      %dma_wait3A_551 = arith.constant 1 : i32
      %dma_wait3A_552 = arith.constant 0 : i32
      %dma_wait3A_553 = tpu.memref_slice %arg15[%dma_wait3A_550, %dma_wait3A_552] : memref<2x128xf32, #tpu.memory_space<vmem>> -> memref<1x128xf32, #tpu.memory_space<vmem>>
      %dma_wait3A_554 = tpu.memref_squeeze %dma_wait3A_553 : memref<1x128xf32, #tpu.memory_space<vmem>> -> memref<128xf32, #tpu.memory_space<vmem>>
      %dma_wait3A_555 = arith.constant 0 : i32
      %dma_wait3A_556 = tpu.memref_slice %arg12[%dma_wait3A_549, %dma_wait3A_555] : memref<4x128xi32, #tpu.memory_space<vmem>> -> memref<1x128xi32, #tpu.memory_space<vmem>>
      %dma_wait3A_557 = tpu.memref_squeeze %dma_wait3A_556 : memref<1x128xi32, #tpu.memory_space<vmem>> -> memref<128xi32, #tpu.memory_space<vmem>>
      %dma_wait3A_558 = arith.constant 0 : i32
      %dma_wait3A_559 = tpu.memref_slice %arg19[%dma_wait3A_558] : memref<10240xf32, #tpu.memory_space<vmem_shared>> -> memref<10240xf32, #tpu.memory_space<vmem_shared>>
      %dma_wait3A_560 = tpu.memref_slice %arg24[%dma_wait3A_551] : memref<2x!tpu.dma_semaphore, #tpu.memory_space<semaphore_mem>> -> memref<1x!tpu.dma_semaphore, #tpu.memory_space<semaphore_mem>>
      %dma_wait3A_561 = tpu.memref_squeeze %dma_wait3A_560 : memref<1x!tpu.dma_semaphore, #tpu.memory_space<semaphore_mem>> -> memref<!tpu.dma_semaphore, #tpu.memory_space<semaphore_mem>>
      tpu.wait_indirect_dma semaphore(%dma_wait3A_561 : memref<!tpu.dma_semaphore, #tpu.memory_space<semaphore_mem>>) src(%dma_wait3A_559 : memref<10240xf32, #tpu.memory_space<vmem_shared>>) dst(%dma_wait3A_554 : memref<128xf32, #tpu.memory_space<vmem>>)
      %dma_wait3A_562 = arith.constant 1 : i32
      %dma_wait3A_563 = arith.constant 1 : i32
      %dma_wait3A_564 = arith.constant 0 : i32
      %dma_wait3A_565 = tpu.memref_slice %arg13[%dma_wait3A_562, %dma_wait3A_564] : memref<4x128xi32, #tpu.memory_space<vmem>> -> memref<1x128xi32, #tpu.memory_space<vmem>>
      %dma_wait3A_566 = tpu.memref_squeeze %dma_wait3A_565 : memref<1x128xi32, #tpu.memory_space<vmem>> -> memref<128xi32, #tpu.memory_space<vmem>>
      %dma_wait3A_567 = arith.constant 0 : i32
      %dma_wait3A_568 = tpu.memref_slice %arg4[%dma_wait3A_567] : memref<327680xi32, #tpu.memory_space<hbm>> -> memref<128xi32, #tpu.memory_space<hbm>>
      %dma_wait3A_569 = tpu.memref_slice %arg29[%dma_wait3A_563] : memref<4x!tpu.dma_semaphore, #tpu.memory_space<semaphore_mem>> -> memref<1x!tpu.dma_semaphore, #tpu.memory_space<semaphore_mem>>
      %dma_wait3A_570 = tpu.memref_squeeze %dma_wait3A_569 : memref<1x!tpu.dma_semaphore, #tpu.memory_space<semaphore_mem>> -> memref<!tpu.dma_semaphore, #tpu.memory_space<semaphore_mem>>
      %dma_wait3A_571 = arith.constant 0 : i32
      %dma_wait3A_572 = tpu.memref_slice %arg13[%dma_wait3A_562, %dma_wait3A_571] : memref<4x128xi32, #tpu.memory_space<vmem>> -> memref<1x128xi32, #tpu.memory_space<vmem>>
      %dma_wait3A_573 = tpu.memref_squeeze %dma_wait3A_572 : memref<1x128xi32, #tpu.memory_space<vmem>> -> memref<128xi32, #tpu.memory_space<vmem>>
      %dma_wait3A_574 = arith.constant 0 : i32
      %dma_wait3A_575 = tpu.memref_slice %arg4[%dma_wait3A_574] : memref<327680xi32, #tpu.memory_space<hbm>> -> memref<128xi32, #tpu.memory_space<hbm>>
      tpu.wait_dma2 semaphore(%dma_wait3A_570 : memref<!tpu.dma_semaphore, #tpu.memory_space<semaphore_mem>>) src(%dma_wait3A_575 : memref<128xi32, #tpu.memory_space<hbm>>) dst(%dma_wait3A_573 : memref<128xi32, #tpu.memory_space<vmem>>)
      %dma_start3A_576 = arith.constant 1 : i32
      %dma_start3A_577 = arith.constant 1 : i32
      %dma_start3A_578 = arith.constant 1 : i32
      %dma_start3A_579 = arith.constant 0 : i32
      %dma_start3A_580 = tpu.memref_slice %arg15[%dma_start3A_576, %dma_start3A_579] : memref<2x128xf32, #tpu.memory_space<vmem>> -> memref<1x128xf32, #tpu.memory_space<vmem>>
      %dma_start3A_581 = tpu.memref_squeeze %dma_start3A_580 : memref<1x128xf32, #tpu.memory_space<vmem>> -> memref<128xf32, #tpu.memory_space<vmem>>
      %dma_start3A_582 = arith.constant 0 : i32
      %dma_start3A_583 = tpu.memref_slice %arg13[%dma_start3A_577, %dma_start3A_582] : memref<4x128xi32, #tpu.memory_space<vmem>> -> memref<1x128xi32, #tpu.memory_space<vmem>>
      %dma_start3A_584 = tpu.memref_squeeze %dma_start3A_583 : memref<1x128xi32, #tpu.memory_space<vmem>> -> memref<128xi32, #tpu.memory_space<vmem>>
      %dma_start3A_585 = arith.constant 0 : i32
      %dma_start3A_586 = tpu.memref_slice %arg20[%dma_start3A_585] : memref<10240xf32, #tpu.memory_space<vmem_shared>> -> memref<10240xf32, #tpu.memory_space<vmem_shared>>
      %dma_start3A_587 = tpu.memref_slice %arg30[%dma_start3A_578] : memref<2x!tpu.dma_semaphore, #tpu.memory_space<semaphore_mem>> -> memref<1x!tpu.dma_semaphore, #tpu.memory_space<semaphore_mem>>
      %dma_start3A_588 = tpu.memref_squeeze %dma_start3A_587 : memref<1x!tpu.dma_semaphore, #tpu.memory_space<semaphore_mem>> -> memref<!tpu.dma_semaphore, #tpu.memory_space<semaphore_mem>>
      tpu.enqueue_indirect_dma source(%dma_start3A_581 : memref<128xf32, #tpu.memory_space<vmem>>) target(%dma_start3A_586 : memref<10240xf32, #tpu.memory_space<vmem_shared>>) offsets(%dma_start3A_584 : memref<128xi32, #tpu.memory_space<vmem>>) semaphore(%dma_start3A_588 : memref<!tpu.dma_semaphore, #tpu.memory_space<semaphore_mem>>) {add = true}
      %add3A_589 = arith.constant 2 : i32
      %add3A_590 = arith.addi %add3A_509, %add3A_589 : i32
      %lt3A_591 = arith.constant 80 : i32
      %lt3A_592 = arith.cmpi slt, %add3A_590, %lt3A_591 : i32
      %convert_element_type3A_593 = arith.extui %lt3A_592 : i1 to i32
      %cond3A_594 = arith.constant 0 : i32
      %cond3A_595 = arith.cmpi ne, %convert_element_type3A_593, %cond3A_594 : i32
      scf.if %cond3A_595 {
        %add3A_776 = arith.constant 2 : i32
        %add3A_777 = arith.addi %add3A_509, %add3A_776 : i32
        %mul3A_778 = arith.constant 128 : i32
        %mul3A_779 = arith.muli %add3A_777, %mul3A_778 : i32
        %add3A_780 = arith.addi %mul3A_65, %mul3A_779 : i32
        %dma_start3A_781 = arith.constant 1 : i32
        %dma_start3A_782 = arith.constant 1 : i32
        %dma_start3A_783 = arith.constant 0 : i32
        %dma_start3A_784 = tpu.memref_slice %arg12[%dma_start3A_781, %dma_start3A_783] : memref<4x128xi32, #tpu.memory_space<vmem>> -> memref<1x128xi32, #tpu.memory_space<vmem>>
        %dma_start3A_785 = tpu.memref_squeeze %dma_start3A_784 : memref<1x128xi32, #tpu.memory_space<vmem>> -> memref<128xi32, #tpu.memory_space<vmem>>
        %dma_start3A_786 = tpu.memref_slice %arg5[%add3A_780] : memref<327680xi32, #tpu.memory_space<hbm>> -> memref<128xi32, #tpu.memory_space<hbm>>
        %dma_start3A_787 = tpu.memref_slice %arg28[%dma_start3A_782] : memref<2x!tpu.dma_semaphore, #tpu.memory_space<semaphore_mem>> -> memref<1x!tpu.dma_semaphore, #tpu.memory_space<semaphore_mem>>
        %dma_start3A_788 = tpu.memref_squeeze %dma_start3A_787 : memref<1x!tpu.dma_semaphore, #tpu.memory_space<semaphore_mem>> -> memref<!tpu.dma_semaphore, #tpu.memory_space<semaphore_mem>>
        %dma_start3A_789 = arith.constant 0 : i32
        %dma_start3A_790 = tpu.memref_slice %arg12[%dma_start3A_781, %dma_start3A_789] : memref<4x128xi32, #tpu.memory_space<vmem>> -> memref<1x128xi32, #tpu.memory_space<vmem>>
        %dma_start3A_791 = tpu.memref_squeeze %dma_start3A_790 : memref<1x128xi32, #tpu.memory_space<vmem>> -> memref<128xi32, #tpu.memory_space<vmem>>
        %dma_start3A_792 = tpu.memref_slice %arg5[%add3A_780] : memref<327680xi32, #tpu.memory_space<hbm>> -> memref<128xi32, #tpu.memory_space<hbm>>
        tpu.enqueue_dma source(%dma_start3A_792 : memref<128xi32, #tpu.memory_space<hbm>>) target(%dma_start3A_791 : memref<128xi32, #tpu.memory_space<vmem>>) target_semaphore(%dma_start3A_788 : memref<!tpu.dma_semaphore, #tpu.memory_space<semaphore_mem>>)
      } else {
      }
      %mul3A_596 = arith.constant 4 : i32
      %mul3A_597 = arith.muli %scan3A_417, %mul3A_596 : i32
      %add3A_598 = arith.constant 2 : i32
      %add3A_599 = arith.addi %mul3A_597, %add3A_598 : i32
      %ge3A_600 = arith.constant 2 : i32
      %ge3A_601 = arith.cmpi sge, %add3A_599, %ge3A_600 : i32
      %convert_element_type3A_602 = arith.extui %ge3A_601 : i1 to i32
      %cond3A_603 = arith.constant 0 : i32
      %cond3A_604 = arith.cmpi ne, %convert_element_type3A_602, %cond3A_603 : i32
      scf.if %cond3A_604 {
        %dma_wait3A_776 = arith.constant 0 : i32
        %dma_wait3A_777 = arith.constant 0 : i32
        %dma_wait3A_778 = arith.constant 0 : i32
        %dma_wait3A_779 = arith.constant 0 : i32
        %dma_wait3A_780 = tpu.memref_slice %arg15[%dma_wait3A_776, %dma_wait3A_779] : memref<2x128xf32, #tpu.memory_space<vmem>> -> memref<1x128xf32, #tpu.memory_space<vmem>>
        %dma_wait3A_781 = tpu.memref_squeeze %dma_wait3A_780 : memref<1x128xf32, #tpu.memory_space<vmem>> -> memref<128xf32, #tpu.memory_space<vmem>>
        %dma_wait3A_782 = arith.constant 0 : i32
        %dma_wait3A_783 = tpu.memref_slice %arg13[%dma_wait3A_777, %dma_wait3A_782] : memref<4x128xi32, #tpu.memory_space<vmem>> -> memref<1x128xi32, #tpu.memory_space<vmem>>
        %dma_wait3A_784 = tpu.memref_squeeze %dma_wait3A_783 : memref<1x128xi32, #tpu.memory_space<vmem>> -> memref<128xi32, #tpu.memory_space<vmem>>
        %dma_wait3A_785 = arith.constant 0 : i32
        %dma_wait3A_786 = tpu.memref_slice %arg20[%dma_wait3A_785] : memref<10240xf32, #tpu.memory_space<vmem_shared>> -> memref<10240xf32, #tpu.memory_space<vmem_shared>>
        %dma_wait3A_787 = tpu.memref_slice %arg30[%dma_wait3A_778] : memref<2x!tpu.dma_semaphore, #tpu.memory_space<semaphore_mem>> -> memref<1x!tpu.dma_semaphore, #tpu.memory_space<semaphore_mem>>
        %dma_wait3A_788 = tpu.memref_squeeze %dma_wait3A_787 : memref<1x!tpu.dma_semaphore, #tpu.memory_space<semaphore_mem>> -> memref<!tpu.dma_semaphore, #tpu.memory_space<semaphore_mem>>
        tpu.wait_indirect_dma semaphore(%dma_wait3A_788 : memref<!tpu.dma_semaphore, #tpu.memory_space<semaphore_mem>>) src(%dma_wait3A_781 : memref<128xf32, #tpu.memory_space<vmem>>) dst(%dma_wait3A_786 : memref<10240xf32, #tpu.memory_space<vmem_shared>>)
      } else {
      }
      %add3A_605 = arith.constant 2 : i32
      %add3A_606 = arith.addi %add3A_599, %add3A_605 : i32
      %lt3A_607 = arith.constant 80 : i32
      %lt3A_608 = arith.cmpi slt, %add3A_606, %lt3A_607 : i32
      %convert_element_type3A_609 = arith.extui %lt3A_608 : i1 to i32
      %cond3A_610 = arith.constant 0 : i32
      %cond3A_611 = arith.cmpi ne, %convert_element_type3A_609, %cond3A_610 : i32
      scf.if %cond3A_611 {
        %add3A_776 = arith.constant 2 : i32
        %add3A_777 = arith.addi %add3A_599, %add3A_776 : i32
        %mul3A_778 = arith.constant 128 : i32
        %mul3A_779 = arith.muli %add3A_777, %mul3A_778 : i32
        %add3A_780 = arith.addi %mul3A_65, %mul3A_779 : i32
        %dma_start3A_781 = arith.constant 0 : i32
        %dma_start3A_782 = arith.constant 0 : i32
        %dma_start3A_783 = arith.constant 0 : i32
        %dma_start3A_784 = tpu.memref_slice %arg13[%dma_start3A_781, %dma_start3A_783] : memref<4x128xi32, #tpu.memory_space<vmem>> -> memref<1x128xi32, #tpu.memory_space<vmem>>
        %dma_start3A_785 = tpu.memref_squeeze %dma_start3A_784 : memref<1x128xi32, #tpu.memory_space<vmem>> -> memref<128xi32, #tpu.memory_space<vmem>>
        %dma_start3A_786 = tpu.memref_slice %arg4[%add3A_780] : memref<327680xi32, #tpu.memory_space<hbm>> -> memref<128xi32, #tpu.memory_space<hbm>>
        %dma_start3A_787 = tpu.memref_slice %arg29[%dma_start3A_782] : memref<4x!tpu.dma_semaphore, #tpu.memory_space<semaphore_mem>> -> memref<1x!tpu.dma_semaphore, #tpu.memory_space<semaphore_mem>>
        %dma_start3A_788 = tpu.memref_squeeze %dma_start3A_787 : memref<1x!tpu.dma_semaphore, #tpu.memory_space<semaphore_mem>> -> memref<!tpu.dma_semaphore, #tpu.memory_space<semaphore_mem>>
        %dma_start3A_789 = arith.constant 0 : i32
        %dma_start3A_790 = tpu.memref_slice %arg13[%dma_start3A_781, %dma_start3A_789] : memref<4x128xi32, #tpu.memory_space<vmem>> -> memref<1x128xi32, #tpu.memory_space<vmem>>
        %dma_start3A_791 = tpu.memref_squeeze %dma_start3A_790 : memref<1x128xi32, #tpu.memory_space<vmem>> -> memref<128xi32, #tpu.memory_space<vmem>>
        %dma_start3A_792 = tpu.memref_slice %arg4[%add3A_780] : memref<327680xi32, #tpu.memory_space<hbm>> -> memref<128xi32, #tpu.memory_space<hbm>>
        tpu.enqueue_dma source(%dma_start3A_792 : memref<128xi32, #tpu.memory_space<hbm>>) target(%dma_start3A_791 : memref<128xi32, #tpu.memory_space<vmem>>) target_semaphore(%dma_start3A_788 : memref<!tpu.dma_semaphore, #tpu.memory_space<semaphore_mem>>)
      } else {
      }
      %dma_wait3A_612 = arith.constant 0 : i32
      %dma_wait3A_613 = arith.constant 0 : i32
      %dma_wait3A_614 = arith.constant 0 : i32
      %dma_wait3A_615 = tpu.memref_slice %arg12[%dma_wait3A_612, %dma_wait3A_614] : memref<4x128xi32, #tpu.memory_space<vmem>> -> memref<1x128xi32, #tpu.memory_space<vmem>>
      %dma_wait3A_616 = tpu.memref_squeeze %dma_wait3A_615 : memref<1x128xi32, #tpu.memory_space<vmem>> -> memref<128xi32, #tpu.memory_space<vmem>>
      %dma_wait3A_617 = arith.constant 0 : i32
      %dma_wait3A_618 = tpu.memref_slice %arg5[%dma_wait3A_617] : memref<327680xi32, #tpu.memory_space<hbm>> -> memref<128xi32, #tpu.memory_space<hbm>>
      %dma_wait3A_619 = tpu.memref_slice %arg28[%dma_wait3A_613] : memref<2x!tpu.dma_semaphore, #tpu.memory_space<semaphore_mem>> -> memref<1x!tpu.dma_semaphore, #tpu.memory_space<semaphore_mem>>
      %dma_wait3A_620 = tpu.memref_squeeze %dma_wait3A_619 : memref<1x!tpu.dma_semaphore, #tpu.memory_space<semaphore_mem>> -> memref<!tpu.dma_semaphore, #tpu.memory_space<semaphore_mem>>
      %dma_wait3A_621 = arith.constant 0 : i32
      %dma_wait3A_622 = tpu.memref_slice %arg12[%dma_wait3A_612, %dma_wait3A_621] : memref<4x128xi32, #tpu.memory_space<vmem>> -> memref<1x128xi32, #tpu.memory_space<vmem>>
      %dma_wait3A_623 = tpu.memref_squeeze %dma_wait3A_622 : memref<1x128xi32, #tpu.memory_space<vmem>> -> memref<128xi32, #tpu.memory_space<vmem>>
      %dma_wait3A_624 = arith.constant 0 : i32
      %dma_wait3A_625 = tpu.memref_slice %arg5[%dma_wait3A_624] : memref<327680xi32, #tpu.memory_space<hbm>> -> memref<128xi32, #tpu.memory_space<hbm>>
      tpu.wait_dma2 semaphore(%dma_wait3A_620 : memref<!tpu.dma_semaphore, #tpu.memory_space<semaphore_mem>>) src(%dma_wait3A_625 : memref<128xi32, #tpu.memory_space<hbm>>) dst(%dma_wait3A_623 : memref<128xi32, #tpu.memory_space<vmem>>)
      %dma_start3A_626 = arith.constant 0 : i32
      %dma_start3A_627 = arith.constant 0 : i32
      %dma_start3A_628 = arith.constant 0 : i32
      %dma_start3A_629 = arith.constant 0 : i32
      %dma_start3A_630 = tpu.memref_slice %arg15[%dma_start3A_627, %dma_start3A_629] : memref<2x128xf32, #tpu.memory_space<vmem>> -> memref<1x128xf32, #tpu.memory_space<vmem>>
      %dma_start3A_631 = tpu.memref_squeeze %dma_start3A_630 : memref<1x128xf32, #tpu.memory_space<vmem>> -> memref<128xf32, #tpu.memory_space<vmem>>
      %dma_start3A_632 = arith.constant 0 : i32
      %dma_start3A_633 = tpu.memref_slice %arg12[%dma_start3A_626, %dma_start3A_632] : memref<4x128xi32, #tpu.memory_space<vmem>> -> memref<1x128xi32, #tpu.memory_space<vmem>>
      %dma_start3A_634 = tpu.memref_squeeze %dma_start3A_633 : memref<1x128xi32, #tpu.memory_space<vmem>> -> memref<128xi32, #tpu.memory_space<vmem>>
      %dma_start3A_635 = arith.constant 0 : i32
      %dma_start3A_636 = tpu.memref_slice %arg19[%dma_start3A_635] : memref<10240xf32, #tpu.memory_space<vmem_shared>> -> memref<10240xf32, #tpu.memory_space<vmem_shared>>
      %dma_start3A_637 = tpu.memref_slice %arg24[%dma_start3A_628] : memref<2x!tpu.dma_semaphore, #tpu.memory_space<semaphore_mem>> -> memref<1x!tpu.dma_semaphore, #tpu.memory_space<semaphore_mem>>
      %dma_start3A_638 = tpu.memref_squeeze %dma_start3A_637 : memref<1x!tpu.dma_semaphore, #tpu.memory_space<semaphore_mem>> -> memref<!tpu.dma_semaphore, #tpu.memory_space<semaphore_mem>>
      tpu.enqueue_indirect_dma source(%dma_start3A_636 : memref<10240xf32, #tpu.memory_space<vmem_shared>>) target(%dma_start3A_631 : memref<128xf32, #tpu.memory_space<vmem>>) offsets(%dma_start3A_634 : memref<128xi32, #tpu.memory_space<vmem>>) semaphore(%dma_start3A_638 : memref<!tpu.dma_semaphore, #tpu.memory_space<semaphore_mem>>)
      %dma_wait3A_639 = arith.constant 0 : i32
      %dma_wait3A_640 = arith.constant 0 : i32
      %dma_wait3A_641 = arith.constant 0 : i32
      %dma_wait3A_642 = arith.constant 0 : i32
      %dma_wait3A_643 = tpu.memref_slice %arg15[%dma_wait3A_640, %dma_wait3A_642] : memref<2x128xf32, #tpu.memory_space<vmem>> -> memref<1x128xf32, #tpu.memory_space<vmem>>
      %dma_wait3A_644 = tpu.memref_squeeze %dma_wait3A_643 : memref<1x128xf32, #tpu.memory_space<vmem>> -> memref<128xf32, #tpu.memory_space<vmem>>
      %dma_wait3A_645 = arith.constant 0 : i32
      %dma_wait3A_646 = tpu.memref_slice %arg12[%dma_wait3A_639, %dma_wait3A_645] : memref<4x128xi32, #tpu.memory_space<vmem>> -> memref<1x128xi32, #tpu.memory_space<vmem>>
      %dma_wait3A_647 = tpu.memref_squeeze %dma_wait3A_646 : memref<1x128xi32, #tpu.memory_space<vmem>> -> memref<128xi32, #tpu.memory_space<vmem>>
      %dma_wait3A_648 = arith.constant 0 : i32
      %dma_wait3A_649 = tpu.memref_slice %arg19[%dma_wait3A_648] : memref<10240xf32, #tpu.memory_space<vmem_shared>> -> memref<10240xf32, #tpu.memory_space<vmem_shared>>
      %dma_wait3A_650 = tpu.memref_slice %arg24[%dma_wait3A_641] : memref<2x!tpu.dma_semaphore, #tpu.memory_space<semaphore_mem>> -> memref<1x!tpu.dma_semaphore, #tpu.memory_space<semaphore_mem>>
      %dma_wait3A_651 = tpu.memref_squeeze %dma_wait3A_650 : memref<1x!tpu.dma_semaphore, #tpu.memory_space<semaphore_mem>> -> memref<!tpu.dma_semaphore, #tpu.memory_space<semaphore_mem>>
      tpu.wait_indirect_dma semaphore(%dma_wait3A_651 : memref<!tpu.dma_semaphore, #tpu.memory_space<semaphore_mem>>) src(%dma_wait3A_649 : memref<10240xf32, #tpu.memory_space<vmem_shared>>) dst(%dma_wait3A_644 : memref<128xf32, #tpu.memory_space<vmem>>)
      %dma_wait3A_652 = arith.constant 2 : i32
      %dma_wait3A_653 = arith.constant 2 : i32
      %dma_wait3A_654 = arith.constant 0 : i32
      %dma_wait3A_655 = tpu.memref_slice %arg13[%dma_wait3A_652, %dma_wait3A_654] : memref<4x128xi32, #tpu.memory_space<vmem>> -> memref<1x128xi32, #tpu.memory_space<vmem>>
      %dma_wait3A_656 = tpu.memref_squeeze %dma_wait3A_655 : memref<1x128xi32, #tpu.memory_space<vmem>> -> memref<128xi32, #tpu.memory_space<vmem>>
      %dma_wait3A_657 = arith.constant 0 : i32
      %dma_wait3A_658 = tpu.memref_slice %arg4[%dma_wait3A_657] : memref<327680xi32, #tpu.memory_space<hbm>> -> memref<128xi32, #tpu.memory_space<hbm>>
      %dma_wait3A_659 = tpu.memref_slice %arg29[%dma_wait3A_653] : memref<4x!tpu.dma_semaphore, #tpu.memory_space<semaphore_mem>> -> memref<1x!tpu.dma_semaphore, #tpu.memory_space<semaphore_mem>>
      %dma_wait3A_660 = tpu.memref_squeeze %dma_wait3A_659 : memref<1x!tpu.dma_semaphore, #tpu.memory_space<semaphore_mem>> -> memref<!tpu.dma_semaphore, #tpu.memory_space<semaphore_mem>>
      %dma_wait3A_661 = arith.constant 0 : i32
      %dma_wait3A_662 = tpu.memref_slice %arg13[%dma_wait3A_652, %dma_wait3A_661] : memref<4x128xi32, #tpu.memory_space<vmem>> -> memref<1x128xi32, #tpu.memory_space<vmem>>
      %dma_wait3A_663 = tpu.memref_squeeze %dma_wait3A_662 : memref<1x128xi32, #tpu.memory_space<vmem>> -> memref<128xi32, #tpu.memory_space<vmem>>
      %dma_wait3A_664 = arith.constant 0 : i32
      %dma_wait3A_665 = tpu.memref_slice %arg4[%dma_wait3A_664] : memref<327680xi32, #tpu.memory_space<hbm>> -> memref<128xi32, #tpu.memory_space<hbm>>
      tpu.wait_dma2 semaphore(%dma_wait3A_660 : memref<!tpu.dma_semaphore, #tpu.memory_space<semaphore_mem>>) src(%dma_wait3A_665 : memref<128xi32, #tpu.memory_space<hbm>>) dst(%dma_wait3A_663 : memref<128xi32, #tpu.memory_space<vmem>>)
      %dma_start3A_666 = arith.constant 0 : i32
      %dma_start3A_667 = arith.constant 2 : i32
      %dma_start3A_668 = arith.constant 0 : i32
      %dma_start3A_669 = arith.constant 0 : i32
      %dma_start3A_670 = tpu.memref_slice %arg15[%dma_start3A_666, %dma_start3A_669] : memref<2x128xf32, #tpu.memory_space<vmem>> -> memref<1x128xf32, #tpu.memory_space<vmem>>
      %dma_start3A_671 = tpu.memref_squeeze %dma_start3A_670 : memref<1x128xf32, #tpu.memory_space<vmem>> -> memref<128xf32, #tpu.memory_space<vmem>>
      %dma_start3A_672 = arith.constant 0 : i32
      %dma_start3A_673 = tpu.memref_slice %arg13[%dma_start3A_667, %dma_start3A_672] : memref<4x128xi32, #tpu.memory_space<vmem>> -> memref<1x128xi32, #tpu.memory_space<vmem>>
      %dma_start3A_674 = tpu.memref_squeeze %dma_start3A_673 : memref<1x128xi32, #tpu.memory_space<vmem>> -> memref<128xi32, #tpu.memory_space<vmem>>
      %dma_start3A_675 = arith.constant 0 : i32
      %dma_start3A_676 = tpu.memref_slice %arg20[%dma_start3A_675] : memref<10240xf32, #tpu.memory_space<vmem_shared>> -> memref<10240xf32, #tpu.memory_space<vmem_shared>>
      %dma_start3A_677 = tpu.memref_slice %arg30[%dma_start3A_668] : memref<2x!tpu.dma_semaphore, #tpu.memory_space<semaphore_mem>> -> memref<1x!tpu.dma_semaphore, #tpu.memory_space<semaphore_mem>>
      %dma_start3A_678 = tpu.memref_squeeze %dma_start3A_677 : memref<1x!tpu.dma_semaphore, #tpu.memory_space<semaphore_mem>> -> memref<!tpu.dma_semaphore, #tpu.memory_space<semaphore_mem>>
      tpu.enqueue_indirect_dma source(%dma_start3A_671 : memref<128xf32, #tpu.memory_space<vmem>>) target(%dma_start3A_676 : memref<10240xf32, #tpu.memory_space<vmem_shared>>) offsets(%dma_start3A_674 : memref<128xi32, #tpu.memory_space<vmem>>) semaphore(%dma_start3A_678 : memref<!tpu.dma_semaphore, #tpu.memory_space<semaphore_mem>>) {add = true}
      %add3A_679 = arith.constant 2 : i32
      %add3A_680 = arith.addi %add3A_599, %add3A_679 : i32
      %lt3A_681 = arith.constant 80 : i32
      %lt3A_682 = arith.cmpi slt, %add3A_680, %lt3A_681 : i32
      %convert_element_type3A_683 = arith.extui %lt3A_682 : i1 to i32
      %cond3A_684 = arith.constant 0 : i32
      %cond3A_685 = arith.cmpi ne, %convert_element_type3A_683, %cond3A_684 : i32
      scf.if %cond3A_685 {
        %add3A_776 = arith.constant 2 : i32
        %add3A_777 = arith.addi %add3A_599, %add3A_776 : i32
        %mul3A_778 = arith.constant 128 : i32
        %mul3A_779 = arith.muli %add3A_777, %mul3A_778 : i32
        %add3A_780 = arith.addi %mul3A_65, %mul3A_779 : i32
        %dma_start3A_781 = arith.constant 0 : i32
        %dma_start3A_782 = arith.constant 0 : i32
        %dma_start3A_783 = arith.constant 0 : i32
        %dma_start3A_784 = tpu.memref_slice %arg12[%dma_start3A_781, %dma_start3A_783] : memref<4x128xi32, #tpu.memory_space<vmem>> -> memref<1x128xi32, #tpu.memory_space<vmem>>
        %dma_start3A_785 = tpu.memref_squeeze %dma_start3A_784 : memref<1x128xi32, #tpu.memory_space<vmem>> -> memref<128xi32, #tpu.memory_space<vmem>>
        %dma_start3A_786 = tpu.memref_slice %arg5[%add3A_780] : memref<327680xi32, #tpu.memory_space<hbm>> -> memref<128xi32, #tpu.memory_space<hbm>>
        %dma_start3A_787 = tpu.memref_slice %arg28[%dma_start3A_782] : memref<2x!tpu.dma_semaphore, #tpu.memory_space<semaphore_mem>> -> memref<1x!tpu.dma_semaphore, #tpu.memory_space<semaphore_mem>>
        %dma_start3A_788 = tpu.memref_squeeze %dma_start3A_787 : memref<1x!tpu.dma_semaphore, #tpu.memory_space<semaphore_mem>> -> memref<!tpu.dma_semaphore, #tpu.memory_space<semaphore_mem>>
        %dma_start3A_789 = arith.constant 0 : i32
        %dma_start3A_790 = tpu.memref_slice %arg12[%dma_start3A_781, %dma_start3A_789] : memref<4x128xi32, #tpu.memory_space<vmem>> -> memref<1x128xi32, #tpu.memory_space<vmem>>
        %dma_start3A_791 = tpu.memref_squeeze %dma_start3A_790 : memref<1x128xi32, #tpu.memory_space<vmem>> -> memref<128xi32, #tpu.memory_space<vmem>>
        %dma_start3A_792 = tpu.memref_slice %arg5[%add3A_780] : memref<327680xi32, #tpu.memory_space<hbm>> -> memref<128xi32, #tpu.memory_space<hbm>>
        tpu.enqueue_dma source(%dma_start3A_792 : memref<128xi32, #tpu.memory_space<hbm>>) target(%dma_start3A_791 : memref<128xi32, #tpu.memory_space<vmem>>) target_semaphore(%dma_start3A_788 : memref<!tpu.dma_semaphore, #tpu.memory_space<semaphore_mem>>)
      } else {
      }
      %mul3A_686 = arith.constant 4 : i32
      %mul3A_687 = arith.muli %scan3A_417, %mul3A_686 : i32
      %add3A_688 = arith.constant 3 : i32
      %add3A_689 = arith.addi %mul3A_687, %add3A_688 : i32
      %ge3A_690 = arith.constant 2 : i32
      %ge3A_691 = arith.cmpi sge, %add3A_689, %ge3A_690 : i32
      %convert_element_type3A_692 = arith.extui %ge3A_691 : i1 to i32
      %cond3A_693 = arith.constant 0 : i32
      %cond3A_694 = arith.cmpi ne, %convert_element_type3A_692, %cond3A_693 : i32
      scf.if %cond3A_694 {
        %dma_wait3A_776 = arith.constant 1 : i32
        %dma_wait3A_777 = arith.constant 1 : i32
        %dma_wait3A_778 = arith.constant 1 : i32
        %dma_wait3A_779 = arith.constant 0 : i32
        %dma_wait3A_780 = tpu.memref_slice %arg15[%dma_wait3A_776, %dma_wait3A_779] : memref<2x128xf32, #tpu.memory_space<vmem>> -> memref<1x128xf32, #tpu.memory_space<vmem>>
        %dma_wait3A_781 = tpu.memref_squeeze %dma_wait3A_780 : memref<1x128xf32, #tpu.memory_space<vmem>> -> memref<128xf32, #tpu.memory_space<vmem>>
        %dma_wait3A_782 = arith.constant 0 : i32
        %dma_wait3A_783 = tpu.memref_slice %arg13[%dma_wait3A_777, %dma_wait3A_782] : memref<4x128xi32, #tpu.memory_space<vmem>> -> memref<1x128xi32, #tpu.memory_space<vmem>>
        %dma_wait3A_784 = tpu.memref_squeeze %dma_wait3A_783 : memref<1x128xi32, #tpu.memory_space<vmem>> -> memref<128xi32, #tpu.memory_space<vmem>>
        %dma_wait3A_785 = arith.constant 0 : i32
        %dma_wait3A_786 = tpu.memref_slice %arg20[%dma_wait3A_785] : memref<10240xf32, #tpu.memory_space<vmem_shared>> -> memref<10240xf32, #tpu.memory_space<vmem_shared>>
        %dma_wait3A_787 = tpu.memref_slice %arg30[%dma_wait3A_778] : memref<2x!tpu.dma_semaphore, #tpu.memory_space<semaphore_mem>> -> memref<1x!tpu.dma_semaphore, #tpu.memory_space<semaphore_mem>>
        %dma_wait3A_788 = tpu.memref_squeeze %dma_wait3A_787 : memref<1x!tpu.dma_semaphore, #tpu.memory_space<semaphore_mem>> -> memref<!tpu.dma_semaphore, #tpu.memory_space<semaphore_mem>>
        tpu.wait_indirect_dma semaphore(%dma_wait3A_788 : memref<!tpu.dma_semaphore, #tpu.memory_space<semaphore_mem>>) src(%dma_wait3A_781 : memref<128xf32, #tpu.memory_space<vmem>>) dst(%dma_wait3A_786 : memref<10240xf32, #tpu.memory_space<vmem_shared>>)
      } else {
      }
      %add3A_695 = arith.constant 2 : i32
      %add3A_696 = arith.addi %add3A_689, %add3A_695 : i32
      %lt3A_697 = arith.constant 80 : i32
      %lt3A_698 = arith.cmpi slt, %add3A_696, %lt3A_697 : i32
      %convert_element_type3A_699 = arith.extui %lt3A_698 : i1 to i32
      %cond3A_700 = arith.constant 0 : i32
      %cond3A_701 = arith.cmpi ne, %convert_element_type3A_699, %cond3A_700 : i32
      scf.if %cond3A_701 {
        %add3A_776 = arith.constant 2 : i32
        %add3A_777 = arith.addi %add3A_689, %add3A_776 : i32
        %mul3A_778 = arith.constant 128 : i32
        %mul3A_779 = arith.muli %add3A_777, %mul3A_778 : i32
        %add3A_780 = arith.addi %mul3A_65, %mul3A_779 : i32
        %dma_start3A_781 = arith.constant 1 : i32
        %dma_start3A_782 = arith.constant 1 : i32
        %dma_start3A_783 = arith.constant 0 : i32
        %dma_start3A_784 = tpu.memref_slice %arg13[%dma_start3A_781, %dma_start3A_783] : memref<4x128xi32, #tpu.memory_space<vmem>> -> memref<1x128xi32, #tpu.memory_space<vmem>>
        %dma_start3A_785 = tpu.memref_squeeze %dma_start3A_784 : memref<1x128xi32, #tpu.memory_space<vmem>> -> memref<128xi32, #tpu.memory_space<vmem>>
        %dma_start3A_786 = tpu.memref_slice %arg4[%add3A_780] : memref<327680xi32, #tpu.memory_space<hbm>> -> memref<128xi32, #tpu.memory_space<hbm>>
        %dma_start3A_787 = tpu.memref_slice %arg29[%dma_start3A_782] : memref<4x!tpu.dma_semaphore, #tpu.memory_space<semaphore_mem>> -> memref<1x!tpu.dma_semaphore, #tpu.memory_space<semaphore_mem>>
        %dma_start3A_788 = tpu.memref_squeeze %dma_start3A_787 : memref<1x!tpu.dma_semaphore, #tpu.memory_space<semaphore_mem>> -> memref<!tpu.dma_semaphore, #tpu.memory_space<semaphore_mem>>
        %dma_start3A_789 = arith.constant 0 : i32
        %dma_start3A_790 = tpu.memref_slice %arg13[%dma_start3A_781, %dma_start3A_789] : memref<4x128xi32, #tpu.memory_space<vmem>> -> memref<1x128xi32, #tpu.memory_space<vmem>>
        %dma_start3A_791 = tpu.memref_squeeze %dma_start3A_790 : memref<1x128xi32, #tpu.memory_space<vmem>> -> memref<128xi32, #tpu.memory_space<vmem>>
        %dma_start3A_792 = tpu.memref_slice %arg4[%add3A_780] : memref<327680xi32, #tpu.memory_space<hbm>> -> memref<128xi32, #tpu.memory_space<hbm>>
        tpu.enqueue_dma source(%dma_start3A_792 : memref<128xi32, #tpu.memory_space<hbm>>) target(%dma_start3A_791 : memref<128xi32, #tpu.memory_space<vmem>>) target_semaphore(%dma_start3A_788 : memref<!tpu.dma_semaphore, #tpu.memory_space<semaphore_mem>>)
      } else {
      }
      %dma_wait3A_702 = arith.constant 1 : i32
      %dma_wait3A_703 = arith.constant 1 : i32
      %dma_wait3A_704 = arith.constant 0 : i32
      %dma_wait3A_705 = tpu.memref_slice %arg12[%dma_wait3A_702, %dma_wait3A_704] : memref<4x128xi32, #tpu.memory_space<vmem>> -> memref<1x128xi32, #tpu.memory_space<vmem>>
      %dma_wait3A_706 = tpu.memref_squeeze %dma_wait3A_705 : memref<1x128xi32, #tpu.memory_space<vmem>> -> memref<128xi32, #tpu.memory_space<vmem>>
      %dma_wait3A_707 = arith.constant 0 : i32
      %dma_wait3A_708 = tpu.memref_slice %arg5[%dma_wait3A_707] : memref<327680xi32, #tpu.memory_space<hbm>> -> memref<128xi32, #tpu.memory_space<hbm>>
      %dma_wait3A_709 = tpu.memref_slice %arg28[%dma_wait3A_703] : memref<2x!tpu.dma_semaphore, #tpu.memory_space<semaphore_mem>> -> memref<1x!tpu.dma_semaphore, #tpu.memory_space<semaphore_mem>>
      %dma_wait3A_710 = tpu.memref_squeeze %dma_wait3A_709 : memref<1x!tpu.dma_semaphore, #tpu.memory_space<semaphore_mem>> -> memref<!tpu.dma_semaphore, #tpu.memory_space<semaphore_mem>>
      %dma_wait3A_711 = arith.constant 0 : i32
      %dma_wait3A_712 = tpu.memref_slice %arg12[%dma_wait3A_702, %dma_wait3A_711] : memref<4x128xi32, #tpu.memory_space<vmem>> -> memref<1x128xi32, #tpu.memory_space<vmem>>
      %dma_wait3A_713 = tpu.memref_squeeze %dma_wait3A_712 : memref<1x128xi32, #tpu.memory_space<vmem>> -> memref<128xi32, #tpu.memory_space<vmem>>
      %dma_wait3A_714 = arith.constant 0 : i32
      %dma_wait3A_715 = tpu.memref_slice %arg5[%dma_wait3A_714] : memref<327680xi32, #tpu.memory_space<hbm>> -> memref<128xi32, #tpu.memory_space<hbm>>
      tpu.wait_dma2 semaphore(%dma_wait3A_710 : memref<!tpu.dma_semaphore, #tpu.memory_space<semaphore_mem>>) src(%dma_wait3A_715 : memref<128xi32, #tpu.memory_space<hbm>>) dst(%dma_wait3A_713 : memref<128xi32, #tpu.memory_space<vmem>>)
      %dma_start3A_716 = arith.constant 1 : i32
      %dma_start3A_717 = arith.constant 1 : i32
      %dma_start3A_718 = arith.constant 1 : i32
      %dma_start3A_719 = arith.constant 0 : i32
      %dma_start3A_720 = tpu.memref_slice %arg15[%dma_start3A_717, %dma_start3A_719] : memref<2x128xf32, #tpu.memory_space<vmem>> -> memref<1x128xf32, #tpu.memory_space<vmem>>
      %dma_start3A_721 = tpu.memref_squeeze %dma_start3A_720 : memref<1x128xf32, #tpu.memory_space<vmem>> -> memref<128xf32, #tpu.memory_space<vmem>>
      %dma_start3A_722 = arith.constant 0 : i32
      %dma_start3A_723 = tpu.memref_slice %arg12[%dma_start3A_716, %dma_start3A_722] : memref<4x128xi32, #tpu.memory_space<vmem>> -> memref<1x128xi32, #tpu.memory_space<vmem>>
      %dma_start3A_724 = tpu.memref_squeeze %dma_start3A_723 : memref<1x128xi32, #tpu.memory_space<vmem>> -> memref<128xi32, #tpu.memory_space<vmem>>
      %dma_start3A_725 = arith.constant 0 : i32
      %dma_start3A_726 = tpu.memref_slice %arg19[%dma_start3A_725] : memref<10240xf32, #tpu.memory_space<vmem_shared>> -> memref<10240xf32, #tpu.memory_space<vmem_shared>>
      %dma_start3A_727 = tpu.memref_slice %arg24[%dma_start3A_718] : memref<2x!tpu.dma_semaphore, #tpu.memory_space<semaphore_mem>> -> memref<1x!tpu.dma_semaphore, #tpu.memory_space<semaphore_mem>>
      %dma_start3A_728 = tpu.memref_squeeze %dma_start3A_727 : memref<1x!tpu.dma_semaphore, #tpu.memory_space<semaphore_mem>> -> memref<!tpu.dma_semaphore, #tpu.memory_space<semaphore_mem>>
      tpu.enqueue_indirect_dma source(%dma_start3A_726 : memref<10240xf32, #tpu.memory_space<vmem_shared>>) target(%dma_start3A_721 : memref<128xf32, #tpu.memory_space<vmem>>) offsets(%dma_start3A_724 : memref<128xi32, #tpu.memory_space<vmem>>) semaphore(%dma_start3A_728 : memref<!tpu.dma_semaphore, #tpu.memory_space<semaphore_mem>>)
      %dma_wait3A_729 = arith.constant 1 : i32
      %dma_wait3A_730 = arith.constant 1 : i32
      %dma_wait3A_731 = arith.constant 1 : i32
      %dma_wait3A_732 = arith.constant 0 : i32
      %dma_wait3A_733 = tpu.memref_slice %arg15[%dma_wait3A_730, %dma_wait3A_732] : memref<2x128xf32, #tpu.memory_space<vmem>> -> memref<1x128xf32, #tpu.memory_space<vmem>>
      %dma_wait3A_734 = tpu.memref_squeeze %dma_wait3A_733 : memref<1x128xf32, #tpu.memory_space<vmem>> -> memref<128xf32, #tpu.memory_space<vmem>>
      %dma_wait3A_735 = arith.constant 0 : i32
      %dma_wait3A_736 = tpu.memref_slice %arg12[%dma_wait3A_729, %dma_wait3A_735] : memref<4x128xi32, #tpu.memory_space<vmem>> -> memref<1x128xi32, #tpu.memory_space<vmem>>
      %dma_wait3A_737 = tpu.memref_squeeze %dma_wait3A_736 : memref<1x128xi32, #tpu.memory_space<vmem>> -> memref<128xi32, #tpu.memory_space<vmem>>
      %dma_wait3A_738 = arith.constant 0 : i32
      %dma_wait3A_739 = tpu.memref_slice %arg19[%dma_wait3A_738] : memref<10240xf32, #tpu.memory_space<vmem_shared>> -> memref<10240xf32, #tpu.memory_space<vmem_shared>>
      %dma_wait3A_740 = tpu.memref_slice %arg24[%dma_wait3A_731] : memref<2x!tpu.dma_semaphore, #tpu.memory_space<semaphore_mem>> -> memref<1x!tpu.dma_semaphore, #tpu.memory_space<semaphore_mem>>
      %dma_wait3A_741 = tpu.memref_squeeze %dma_wait3A_740 : memref<1x!tpu.dma_semaphore, #tpu.memory_space<semaphore_mem>> -> memref<!tpu.dma_semaphore, #tpu.memory_space<semaphore_mem>>
      tpu.wait_indirect_dma semaphore(%dma_wait3A_741 : memref<!tpu.dma_semaphore, #tpu.memory_space<semaphore_mem>>) src(%dma_wait3A_739 : memref<10240xf32, #tpu.memory_space<vmem_shared>>) dst(%dma_wait3A_734 : memref<128xf32, #tpu.memory_space<vmem>>)
      %dma_wait3A_742 = arith.constant 3 : i32
      %dma_wait3A_743 = arith.constant 3 : i32
      %dma_wait3A_744 = arith.constant 0 : i32
      %dma_wait3A_745 = tpu.memref_slice %arg13[%dma_wait3A_742, %dma_wait3A_744] : memref<4x128xi32, #tpu.memory_space<vmem>> -> memref<1x128xi32, #tpu.memory_space<vmem>>
      %dma_wait3A_746 = tpu.memref_squeeze %dma_wait3A_745 : memref<1x128xi32, #tpu.memory_space<vmem>> -> memref<128xi32, #tpu.memory_space<vmem>>
      %dma_wait3A_747 = arith.constant 0 : i32
      %dma_wait3A_748 = tpu.memref_slice %arg4[%dma_wait3A_747] : memref<327680xi32, #tpu.memory_space<hbm>> -> memref<128xi32, #tpu.memory_space<hbm>>
      %dma_wait3A_749 = tpu.memref_slice %arg29[%dma_wait3A_743] : memref<4x!tpu.dma_semaphore, #tpu.memory_space<semaphore_mem>> -> memref<1x!tpu.dma_semaphore, #tpu.memory_space<semaphore_mem>>
      %dma_wait3A_750 = tpu.memref_squeeze %dma_wait3A_749 : memref<1x!tpu.dma_semaphore, #tpu.memory_space<semaphore_mem>> -> memref<!tpu.dma_semaphore, #tpu.memory_space<semaphore_mem>>
      %dma_wait3A_751 = arith.constant 0 : i32
      %dma_wait3A_752 = tpu.memref_slice %arg13[%dma_wait3A_742, %dma_wait3A_751] : memref<4x128xi32, #tpu.memory_space<vmem>> -> memref<1x128xi32, #tpu.memory_space<vmem>>
      %dma_wait3A_753 = tpu.memref_squeeze %dma_wait3A_752 : memref<1x128xi32, #tpu.memory_space<vmem>> -> memref<128xi32, #tpu.memory_space<vmem>>
      %dma_wait3A_754 = arith.constant 0 : i32
      %dma_wait3A_755 = tpu.memref_slice %arg4[%dma_wait3A_754] : memref<327680xi32, #tpu.memory_space<hbm>> -> memref<128xi32, #tpu.memory_space<hbm>>
      tpu.wait_dma2 semaphore(%dma_wait3A_750 : memref<!tpu.dma_semaphore, #tpu.memory_space<semaphore_mem>>) src(%dma_wait3A_755 : memref<128xi32, #tpu.memory_space<hbm>>) dst(%dma_wait3A_753 : memref<128xi32, #tpu.memory_space<vmem>>)
      %dma_start3A_756 = arith.constant 1 : i32
      %dma_start3A_757 = arith.constant 3 : i32
      %dma_start3A_758 = arith.constant 1 : i32
      %dma_start3A_759 = arith.constant 0 : i32
      %dma_start3A_760 = tpu.memref_slice %arg15[%dma_start3A_756, %dma_start3A_759] : memref<2x128xf32, #tpu.memory_space<vmem>> -> memref<1x128xf32, #tpu.memory_space<vmem>>
      %dma_start3A_761 = tpu.memref_squeeze %dma_start3A_760 : memref<1x128xf32, #tpu.memory_space<vmem>> -> memref<128xf32, #tpu.memory_space<vmem>>
      %dma_start3A_762 = arith.constant 0 : i32
      %dma_start3A_763 = tpu.memref_slice %arg13[%dma_start3A_757, %dma_start3A_762] : memref<4x128xi32, #tpu.memory_space<vmem>> -> memref<1x128xi32, #tpu.memory_space<vmem>>
      %dma_start3A_764 = tpu.memref_squeeze %dma_start3A_763 : memref<1x128xi32, #tpu.memory_space<vmem>> -> memref<128xi32, #tpu.memory_space<vmem>>
      %dma_start3A_765 = arith.constant 0 : i32
      %dma_start3A_766 = tpu.memref_slice %arg20[%dma_start3A_765] : memref<10240xf32, #tpu.memory_space<vmem_shared>> -> memref<10240xf32, #tpu.memory_space<vmem_shared>>
      %dma_start3A_767 = tpu.memref_slice %arg30[%dma_start3A_758] : memref<2x!tpu.dma_semaphore, #tpu.memory_space<semaphore_mem>> -> memref<1x!tpu.dma_semaphore, #tpu.memory_space<semaphore_mem>>
      %dma_start3A_768 = tpu.memref_squeeze %dma_start3A_767 : memref<1x!tpu.dma_semaphore, #tpu.memory_space<semaphore_mem>> -> memref<!tpu.dma_semaphore, #tpu.memory_space<semaphore_mem>>
      tpu.enqueue_indirect_dma source(%dma_start3A_761 : memref<128xf32, #tpu.memory_space<vmem>>) target(%dma_start3A_766 : memref<10240xf32, #tpu.memory_space<vmem_shared>>) offsets(%dma_start3A_764 : memref<128xi32, #tpu.memory_space<vmem>>) semaphore(%dma_start3A_768 : memref<!tpu.dma_semaphore, #tpu.memory_space<semaphore_mem>>) {add = true}
      %add3A_769 = arith.constant 2 : i32
      %add3A_770 = arith.addi %add3A_689, %add3A_769 : i32
      %lt3A_771 = arith.constant 80 : i32
      %lt3A_772 = arith.cmpi slt, %add3A_770, %lt3A_771 : i32
      %convert_element_type3A_773 = arith.extui %lt3A_772 : i1 to i32
      %cond3A_774 = arith.constant 0 : i32
      %cond3A_775 = arith.cmpi ne, %convert_element_type3A_773, %cond3A_774 : i32
      scf.if %cond3A_775 {
        %add3A_776 = arith.constant 2 : i32
        %add3A_777 = arith.addi %add3A_689, %add3A_776 : i32
        %mul3A_778 = arith.constant 128 : i32
        %mul3A_779 = arith.muli %add3A_777, %mul3A_778 : i32
        %add3A_780 = arith.addi %mul3A_65, %mul3A_779 : i32
        %dma_start3A_781 = arith.constant 1 : i32
        %dma_start3A_782 = arith.constant 1 : i32
        %dma_start3A_783 = arith.constant 0 : i32
        %dma_start3A_784 = tpu.memref_slice %arg12[%dma_start3A_781, %dma_start3A_783] : memref<4x128xi32, #tpu.memory_space<vmem>> -> memref<1x128xi32, #tpu.memory_space<vmem>>
        %dma_start3A_785 = tpu.memref_squeeze %dma_start3A_784 : memref<1x128xi32, #tpu.memory_space<vmem>> -> memref<128xi32, #tpu.memory_space<vmem>>
        %dma_start3A_786 = tpu.memref_slice %arg5[%add3A_780] : memref<327680xi32, #tpu.memory_space<hbm>> -> memref<128xi32, #tpu.memory_space<hbm>>
        %dma_start3A_787 = tpu.memref_slice %arg28[%dma_start3A_782] : memref<2x!tpu.dma_semaphore, #tpu.memory_space<semaphore_mem>> -> memref<1x!tpu.dma_semaphore, #tpu.memory_space<semaphore_mem>>
        %dma_start3A_788 = tpu.memref_squeeze %dma_start3A_787 : memref<1x!tpu.dma_semaphore, #tpu.memory_space<semaphore_mem>> -> memref<!tpu.dma_semaphore, #tpu.memory_space<semaphore_mem>>
        %dma_start3A_789 = arith.constant 0 : i32
        %dma_start3A_790 = tpu.memref_slice %arg12[%dma_start3A_781, %dma_start3A_789] : memref<4x128xi32, #tpu.memory_space<vmem>> -> memref<1x128xi32, #tpu.memory_space<vmem>>
        %dma_start3A_791 = tpu.memref_squeeze %dma_start3A_790 : memref<1x128xi32, #tpu.memory_space<vmem>> -> memref<128xi32, #tpu.memory_space<vmem>>
        %dma_start3A_792 = tpu.memref_slice %arg5[%add3A_780] : memref<327680xi32, #tpu.memory_space<hbm>> -> memref<128xi32, #tpu.memory_space<hbm>>
        tpu.enqueue_dma source(%dma_start3A_792 : memref<128xi32, #tpu.memory_space<hbm>>) target(%dma_start3A_791 : memref<128xi32, #tpu.memory_space<vmem>>) target_semaphore(%dma_start3A_788 : memref<!tpu.dma_semaphore, #tpu.memory_space<semaphore_mem>>)
      } else {
      }
    }
    %scan3A_387 = arith.constant 20 : i32
    %dma_wait3A_388 = arith.constant 0 : i32
    %dma_wait3A_389 = arith.constant 2 : i32
    %dma_wait3A_390 = arith.constant 0 : i32
    %dma_wait3A_391 = arith.constant 0 : i32
    %dma_wait3A_392 = tpu.memref_slice %arg15[%dma_wait3A_388, %dma_wait3A_391] : memref<2x128xf32, #tpu.memory_space<vmem>> -> memref<1x128xf32, #tpu.memory_space<vmem>>
    %dma_wait3A_393 = tpu.memref_squeeze %dma_wait3A_392 : memref<1x128xf32, #tpu.memory_space<vmem>> -> memref<128xf32, #tpu.memory_space<vmem>>
    %dma_wait3A_394 = arith.constant 0 : i32
    %dma_wait3A_395 = tpu.memref_slice %arg13[%dma_wait3A_389, %dma_wait3A_394] : memref<4x128xi32, #tpu.memory_space<vmem>> -> memref<1x128xi32, #tpu.memory_space<vmem>>
    %dma_wait3A_396 = tpu.memref_squeeze %dma_wait3A_395 : memref<1x128xi32, #tpu.memory_space<vmem>> -> memref<128xi32, #tpu.memory_space<vmem>>
    %dma_wait3A_397 = arith.constant 0 : i32
    %dma_wait3A_398 = tpu.memref_slice %arg20[%dma_wait3A_397] : memref<10240xf32, #tpu.memory_space<vmem_shared>> -> memref<10240xf32, #tpu.memory_space<vmem_shared>>
    %dma_wait3A_399 = tpu.memref_slice %arg30[%dma_wait3A_390] : memref<2x!tpu.dma_semaphore, #tpu.memory_space<semaphore_mem>> -> memref<1x!tpu.dma_semaphore, #tpu.memory_space<semaphore_mem>>
    %dma_wait3A_400 = tpu.memref_squeeze %dma_wait3A_399 : memref<1x!tpu.dma_semaphore, #tpu.memory_space<semaphore_mem>> -> memref<!tpu.dma_semaphore, #tpu.memory_space<semaphore_mem>>
    tpu.wait_indirect_dma semaphore(%dma_wait3A_400 : memref<!tpu.dma_semaphore, #tpu.memory_space<semaphore_mem>>) src(%dma_wait3A_393 : memref<128xf32, #tpu.memory_space<vmem>>) dst(%dma_wait3A_398 : memref<10240xf32, #tpu.memory_space<vmem_shared>>)
    %dma_wait3A_401 = arith.constant 1 : i32
    %dma_wait3A_402 = arith.constant 3 : i32
    %dma_wait3A_403 = arith.constant 1 : i32
    %dma_wait3A_404 = arith.constant 0 : i32
    %dma_wait3A_405 = tpu.memref_slice %arg15[%dma_wait3A_401, %dma_wait3A_404] : memref<2x128xf32, #tpu.memory_space<vmem>> -> memref<1x128xf32, #tpu.memory_space<vmem>>
    %dma_wait3A_406 = tpu.memref_squeeze %dma_wait3A_405 : memref<1x128xf32, #tpu.memory_space<vmem>> -> memref<128xf32, #tpu.memory_space<vmem>>
    %dma_wait3A_407 = arith.constant 0 : i32
    %dma_wait3A_408 = tpu.memref_slice %arg13[%dma_wait3A_402, %dma_wait3A_407] : memref<4x128xi32, #tpu.memory_space<vmem>> -> memref<1x128xi32, #tpu.memory_space<vmem>>
    %dma_wait3A_409 = tpu.memref_squeeze %dma_wait3A_408 : memref<1x128xi32, #tpu.memory_space<vmem>> -> memref<128xi32, #tpu.memory_space<vmem>>
    %dma_wait3A_410 = arith.constant 0 : i32
    %dma_wait3A_411 = tpu.memref_slice %arg20[%dma_wait3A_410] : memref<10240xf32, #tpu.memory_space<vmem_shared>> -> memref<10240xf32, #tpu.memory_space<vmem_shared>>
    %dma_wait3A_412 = tpu.memref_slice %arg30[%dma_wait3A_403] : memref<2x!tpu.dma_semaphore, #tpu.memory_space<semaphore_mem>> -> memref<1x!tpu.dma_semaphore, #tpu.memory_space<semaphore_mem>>
    %dma_wait3A_413 = tpu.memref_squeeze %dma_wait3A_412 : memref<1x!tpu.dma_semaphore, #tpu.memory_space<semaphore_mem>> -> memref<!tpu.dma_semaphore, #tpu.memory_space<semaphore_mem>>
    tpu.wait_indirect_dma semaphore(%dma_wait3A_413 : memref<!tpu.dma_semaphore, #tpu.memory_space<semaphore_mem>>) src(%dma_wait3A_406 : memref<128xf32, #tpu.memory_space<vmem>>) dst(%dma_wait3A_411 : memref<10240xf32, #tpu.memory_space<vmem_shared>>)
    %barrier3A_414 = arith.constant 0 : index
    tpu.barrier barrier_id(%barrier3A_414)
    "tpu.region"() ({
      %run_scoped3A_417 = tpu.sem_alloc : memref<!tpu.dma_semaphore, #tpu.memory_space<semaphore_mem>>
      %dma_start3A_418 = arith.constant 0 : i32
      %dma_start3A_419 = tpu.memref_slice %arg6[%arg0, %mul3A_45, %dma_start3A_418] : memref<2x10240x128xf32, #tpu.memory_space<hbm>> -> memref<1x640x128xf32, #tpu.memory_space<hbm>>
      %dma_start3A_420 = tpu.memref_squeeze %dma_start3A_419 : memref<1x640x128xf32, #tpu.memory_space<hbm>> -> memref<640x128xf32, #tpu.memory_space<hbm>>
      %dma_start3A_421 = arith.constant 0 : i32
      %dma_start3A_422 = tpu.memref_slice %arg21[%mul3A_45, %dma_start3A_421] : memref<10240x128xf32, #tpu.memory_space<vmem_shared>> -> memref<640x128xf32, #tpu.memory_space<vmem_shared>>
      tpu.enqueue_dma source(%dma_start3A_422 : memref<640x128xf32, #tpu.memory_space<vmem_shared>>) target(%dma_start3A_420 : memref<640x128xf32, #tpu.memory_space<hbm>>) target_semaphore(%run_scoped3A_417 : memref<!tpu.dma_semaphore, #tpu.memory_space<semaphore_mem>>)
      %dma_wait3A_423 = arith.constant 0 : i32
      %dma_wait3A_424 = tpu.memref_slice %arg6[%arg0, %mul3A_45, %dma_wait3A_423] : memref<2x10240x128xf32, #tpu.memory_space<hbm>> -> memref<1x640x128xf32, #tpu.memory_space<hbm>>
      %dma_wait3A_425 = tpu.memref_squeeze %dma_wait3A_424 : memref<1x640x128xf32, #tpu.memory_space<hbm>> -> memref<640x128xf32, #tpu.memory_space<hbm>>
      %dma_wait3A_426 = arith.constant 0 : i32
      %dma_wait3A_427 = tpu.memref_slice %arg21[%mul3A_45, %dma_wait3A_426] : memref<10240x128xf32, #tpu.memory_space<vmem_shared>> -> memref<640x128xf32, #tpu.memory_space<vmem_shared>>
      tpu.wait_dma2 semaphore(%run_scoped3A_417 : memref<!tpu.dma_semaphore, #tpu.memory_space<semaphore_mem>>) src(%dma_wait3A_427 : memref<640x128xf32, #tpu.memory_space<vmem_shared>>) dst(%dma_wait3A_425 : memref<640x128xf32, #tpu.memory_space<hbm>>)
      tpu.yield
    }) : () -> ()
    "tpu.region"() ({
      %run_scoped3A_417 = tpu.sem_alloc : memref<!tpu.dma_semaphore, #tpu.memory_space<semaphore_mem>>
      %dma_start3A_418 = tpu.memref_slice %arg7[%arg0, %mul3A_45] : memref<2x10240xf32, #tpu.memory_space<hbm>> -> memref<1x640xf32, #tpu.memory_space<hbm>>
      %dma_start3A_419 = tpu.memref_squeeze %dma_start3A_418 : memref<1x640xf32, #tpu.memory_space<hbm>> -> memref<640xf32, #tpu.memory_space<hbm>>
      %dma_start3A_420 = tpu.memref_slice %arg20[%mul3A_45] : memref<10240xf32, #tpu.memory_space<vmem_shared>> -> memref<640xf32, #tpu.memory_space<vmem_shared>>
      tpu.enqueue_dma source(%dma_start3A_420 : memref<640xf32, #tpu.memory_space<vmem_shared>>) target(%dma_start3A_419 : memref<640xf32, #tpu.memory_space<hbm>>) target_semaphore(%run_scoped3A_417 : memref<!tpu.dma_semaphore, #tpu.memory_space<semaphore_mem>>)
      %dma_wait3A_421 = tpu.memref_slice %arg7[%arg0, %mul3A_45] : memref<2x10240xf32, #tpu.memory_space<hbm>> -> memref<1x640xf32, #tpu.memory_space<hbm>>
      %dma_wait3A_422 = tpu.memref_squeeze %dma_wait3A_421 : memref<1x640xf32, #tpu.memory_space<hbm>> -> memref<640xf32, #tpu.memory_space<hbm>>
      %dma_wait3A_423 = tpu.memref_slice %arg20[%mul3A_45] : memref<10240xf32, #tpu.memory_space<vmem_shared>> -> memref<640xf32, #tpu.memory_space<vmem_shared>>
      tpu.wait_dma2 semaphore(%run_scoped3A_417 : memref<!tpu.dma_semaphore, #tpu.memory_space<semaphore_mem>>) src(%dma_wait3A_423 : memref<640xf32, #tpu.memory_space<vmem_shared>>) dst(%dma_wait3A_422 : memref<640xf32, #tpu.memory_space<hbm>>)
      tpu.yield
    }) : () -> ()
    %eq3A = arith.constant 0 : i32
    %eq3A_415 = arith.cmpi eq, %arg0, %eq3A : i32
    %convert_element_type3A = arith.extui %eq3A_415 : i1 to i32
    %cond3A = arith.constant 0 : i32
    %cond3A_416 = arith.cmpi ne, %convert_element_type3A, %cond3A : i32
    scf.if %cond3A_416 {
      "tpu.region"() ({
        %run_scoped3A_417 = tpu.sem_alloc : memref<!tpu.dma_semaphore, #tpu.memory_space<semaphore_mem>>
        %dma_start3A_418 = tpu.memref_slice %arg8[%mul3A_45] : memref<10240xf32, #tpu.memory_space<hbm>> -> memref<640xf32, #tpu.memory_space<hbm>>
        %dma_start3A_419 = tpu.memref_slice %arg19[%mul3A_45] : memref<10240xf32, #tpu.memory_space<vmem_shared>> -> memref<640xf32, #tpu.memory_space<vmem_shared>>
        tpu.enqueue_dma source(%dma_start3A_419 : memref<640xf32, #tpu.memory_space<vmem_shared>>) target(%dma_start3A_418 : memref<640xf32, #tpu.memory_space<hbm>>) target_semaphore(%run_scoped3A_417 : memref<!tpu.dma_semaphore, #tpu.memory_space<semaphore_mem>>)
        %dma_wait3A_420 = tpu.memref_slice %arg8[%mul3A_45] : memref<10240xf32, #tpu.memory_space<hbm>> -> memref<640xf32, #tpu.memory_space<hbm>>
        %dma_wait3A_421 = tpu.memref_slice %arg19[%mul3A_45] : memref<10240xf32, #tpu.memory_space<vmem_shared>> -> memref<640xf32, #tpu.memory_space<vmem_shared>>
        tpu.wait_dma2 semaphore(%run_scoped3A_417 : memref<!tpu.dma_semaphore, #tpu.memory_space<semaphore_mem>>) src(%dma_wait3A_421 : memref<640xf32, #tpu.memory_space<vmem_shared>>) dst(%dma_wait3A_420 : memref<640xf32, #tpu.memory_space<hbm>>)
        tpu.yield
      }) : () -> ()
    } else {
    }
    return
  }
}

module attributes {stable_mosaic.version = 14 : i64} {
  func.func @_tc_body(%arg0: i32, %arg1: memref<640x128xf32, #tpu.memory_space<vmem>>, %arg2: memref<2x640x128xf32, #tpu.memory_space<vmem>>, %arg3: memref<2x1x640xf32, #tpu.memory_space<vmem>>, %arg4: memref<1x640xf32, #tpu.memory_space<vmem>>, %arg5: memref<128x128xf32, #tpu.memory_space<vmem>>, %arg6: memref<128x128xf32, #tpu.memory_space<vmem>>, %arg7: memref<1x128xf32, #tpu.memory_space<vmem>>, %arg8: memref<128x128xf32, #tpu.memory_space<vmem>>, %arg9: memref<128x128xf32, #tpu.memory_space<vmem>>, %arg10: memref<1x128xf32, #tpu.memory_space<vmem>>, %arg11: memref<128x128xf32, #tpu.memory_space<vmem>>, %arg12: memref<1x128xf32, #tpu.memory_space<vmem>>, %arg13: memref<8x128xf32, #tpu.memory_space<vmem>>, %arg14: memref<1x128xf32, #tpu.memory_space<vmem>>, %arg15: memref<1x128xf32, #tpu.memory_space<vmem>>) attributes {dimension_semantics = [#tpu.dimension_semantics<arbitrary>], iteration_bounds = array<i64: 16>, scalar_prefetch = 0 : i64, scratch_operands = 2 : i64, tpu.core_type = #tpu.core_type<tc>, window_params = [{transform_indices = @transform_0, window_bounds = array<i64: 640, 128>}, {transform_indices = @transform_1, window_bounds = array<i64: 2, 640, 128>}, {transform_indices = @transform_2, window_bounds = array<i64: 2, 1, 640>}, {transform_indices = @transform_3, window_bounds = array<i64: 1, 640>}, {pipeline_mode = #tpu.pipeline_mode<synchronous>, transform_indices = @transform_4, window_bounds = array<i64: 128, 128>}, {pipeline_mode = #tpu.pipeline_mode<synchronous>, transform_indices = @transform_5, window_bounds = array<i64: 128, 128>}, {pipeline_mode = #tpu.pipeline_mode<synchronous>, transform_indices = @transform_6, window_bounds = array<i64: 1, 128>}, {pipeline_mode = #tpu.pipeline_mode<synchronous>, transform_indices = @transform_7, window_bounds = array<i64: 128, 128>}, {pipeline_mode = #tpu.pipeline_mode<synchronous>, transform_indices = @transform_8, window_bounds = array<i64: 128, 128>}, {pipeline_mode = #tpu.pipeline_mode<synchronous>, transform_indices = @transform_9, window_bounds = array<i64: 1, 128>}, {pipeline_mode = #tpu.pipeline_mode<synchronous>, transform_indices = @transform_10, window_bounds = array<i64: 128, 128>}, {pipeline_mode = #tpu.pipeline_mode<synchronous>, transform_indices = @transform_11, window_bounds = array<i64: 1, 128>}, {pipeline_mode = #tpu.pipeline_mode<synchronous>, transform_indices = @transform_12, window_bounds = array<i64: 8, 128>}]} {
    %eq3A = arith.constant 0 : i32
    %eq3A_0 = arith.cmpi eq, %arg0, %eq3A : i32
    %convert_element_type3A = arith.extui %eq3A_0 : i1 to i32
    %cond3A = arith.constant 0 : i32
    %cond3A_1 = arith.cmpi ne, %convert_element_type3A, %cond3A : i32
    scf.if %cond3A_1 {
      %broadcast_in_dim3A_117 = arith.constant 0.000000e+00 : f32
      %broadcast_in_dim3A_118 = vector.broadcast %broadcast_in_dim3A_117 : f32 to vector<1x128xf32>
      %swap3A_119 = arith.constant 0 : index
      %swap3A_120 = arith.constant 0 : index
      %swap3A_121 = vector.load %arg14[%swap3A_119, %swap3A_120] : memref<1x128xf32, #tpu.memory_space<vmem>>, vector<1x128xf32>
      tpu.vector_store %arg14[%swap3A_119, %swap3A_120], %broadcast_in_dim3A_118 {strides = array<i32>} : memref<1x128xf32, #tpu.memory_space<vmem>>, vector<1x128xf32>,
      %broadcast_in_dim3A_122 = arith.constant 0.000000e+00 : f32
      %broadcast_in_dim3A_123 = vector.broadcast %broadcast_in_dim3A_122 : f32 to vector<1x128xf32>
      %swap3A_124 = arith.constant 0 : index
      %swap3A_125 = arith.constant 0 : index
      %swap3A_126 = vector.load %arg15[%swap3A_124, %swap3A_125] : memref<1x128xf32, #tpu.memory_space<vmem>>, vector<1x128xf32>
      tpu.vector_store %arg15[%swap3A_124, %swap3A_125], %broadcast_in_dim3A_123 {strides = array<i32>} : memref<1x128xf32, #tpu.memory_space<vmem>>, vector<1x128xf32>,
    } else {
    }
    %iota3A = tpu.iota {dimensions = array<i32: 0>} : vector<640x640xi32>
    %iota3A_2 = tpu.iota {dimensions = array<i32: 1>} : vector<640x640xi32>
    %eq3A_3 = arith.cmpi eq, %iota3A, %iota3A_2 : vector<640x640xi32>
    %get3A = arith.constant 0 : index
    %get3A_4 = arith.constant 0 : index
    %get3A_5 = vector.load %arg4[%get3A, %get3A_4] : memref<1x640xf32, #tpu.memory_space<vmem>>, vector<1x640xf32>
    %jit3A = arith.constant 0.000000e+00 : f32
    %broadcast_in_dim3A = vector.shape_cast %get3A_5 : vector<1x640xf32> to vector<1x640xf32>
    %broadcast_in_dim3A_6 = vector.broadcast %broadcast_in_dim3A : vector<1x640xf32> to vector<640x640xf32>
    %broadcast_in_dim3A_7 = vector.broadcast %jit3A : f32 to vector<640x640xf32>
    %select_n3A = arith.select %eq3A_3, %broadcast_in_dim3A_6, %broadcast_in_dim3A_7 : vector<640x640xi1>, vector<640x640xf32>
    %get3A_8 = arith.constant 0 : index
    %get3A_9 = arith.constant 0 : index
    %get3A_10 = arith.constant 0 : index
    %get3A_11 = vector.load %arg2[%get3A_8, %get3A_9, %get3A_10] : memref<2x640x128xf32, #tpu.memory_space<vmem>>, vector<1x640x128xf32>
    %get3A_12 = vector.shape_cast %get3A_11 : vector<1x640x128xf32> to vector<640x128xf32>
    %get3A_13 = arith.constant 1 : index
    %get3A_14 = arith.constant 0 : index
    %get3A_15 = arith.constant 0 : index
    %get3A_16 = vector.load %arg2[%get3A_13, %get3A_14, %get3A_15] : memref<2x640x128xf32, #tpu.memory_space<vmem>>, vector<1x640x128xf32>
    %get3A_17 = vector.shape_cast %get3A_16 : vector<1x640x128xf32> to vector<640x128xf32>
    %add3A = arith.addf %get3A_12, %get3A_17 : vector<640x128xf32>
    %convert_element_type3A_18 = arith.truncf %select_n3A : vector<640x640xf32> to vector<640x640xbf16>
    %convert_element_type3A_19 = arith.extf %convert_element_type3A_18 : vector<640x640xbf16> to vector<640x640xf32>
    %sub3A = arith.subf %select_n3A, %convert_element_type3A_19 : vector<640x640xf32>
    %convert_element_type3A_20 = arith.truncf %sub3A : vector<640x640xf32> to vector<640x640xbf16>
    %convert_element_type3A_21 = arith.truncf %add3A : vector<640x128xf32> to vector<640x128xbf16>
    %convert_element_type3A_22 = arith.extf %convert_element_type3A_21 : vector<640x128xbf16> to vector<640x128xf32>
    %sub3A_23 = arith.subf %add3A, %convert_element_type3A_22 : vector<640x128xf32>
    %convert_element_type3A_24 = arith.truncf %sub3A_23 : vector<640x128xf32> to vector<640x128xbf16>
    %dot_general3A = arith.constant dense<0.000000e+00> : vector<640x128xf32>
    %dot_general3A_25 = tpu.matmul %convert_element_type3A_18, %convert_element_type3A_21, %dot_general3A {dimension_numbers = #tpu.dot_dimension_numbers<[1], [0], [0], [1], [0, 0, 1, 1], [], []>, transpose_lhs_hint = false} : vector<640x640xbf16>, vector<640x128xbf16>, vector<640x128xf32> -> vector<640x128xf32>
    %dot_general3A_26 = arith.constant dense<0.000000e+00> : vector<640x128xf32>
    %dot_general3A_27 = tpu.matmul %convert_element_type3A_18, %convert_element_type3A_24, %dot_general3A_26 {dimension_numbers = #tpu.dot_dimension_numbers<[1], [0], [0], [1], [0, 0, 1, 1], [], []>, transpose_lhs_hint = false} : vector<640x640xbf16>, vector<640x128xbf16>, vector<640x128xf32> -> vector<640x128xf32>
    %add3A_28 = arith.addf %dot_general3A_25, %dot_general3A_27 : vector<640x128xf32>
    %dot_general3A_29 = arith.constant dense<0.000000e+00> : vector<640x128xf32>
    %dot_general3A_30 = tpu.matmul %convert_element_type3A_20, %convert_element_type3A_21, %dot_general3A_29 {dimension_numbers = #tpu.dot_dimension_numbers<[1], [0], [0], [1], [0, 0, 1, 1], [], []>, transpose_lhs_hint = false} : vector<640x640xbf16>, vector<640x128xbf16>, vector<640x128xf32> -> vector<640x128xf32>
    %add3A_31 = arith.addf %add3A_28, %dot_general3A_30 : vector<640x128xf32>
    %get3A_32 = arith.constant 0 : index
    %get3A_33 = arith.constant 0 : index
    %get3A_34 = vector.load %arg1[%get3A_32, %get3A_33] : memref<640x128xf32, #tpu.memory_space<vmem>>, vector<640x128xf32>
    %convert_element_type3A_35 = arith.truncf %get3A_34 : vector<640x128xf32> to vector<640x128xbf16>
    %get3A_36 = arith.constant 0 : index
    %get3A_37 = arith.constant 0 : index
    %get3A_38 = vector.load %arg5[%get3A_36, %get3A_37] : memref<128x128xf32, #tpu.memory_space<vmem>>, vector<128x128xf32>
    %convert_element_type3A_39 = arith.truncf %get3A_38 : vector<128x128xf32> to vector<128x128xbf16>
    %dot_general3A_40 = arith.constant dense<0.000000e+00> : vector<640x128xf32>
    %dot_general3A_41 = tpu.matmul %convert_element_type3A_35, %convert_element_type3A_39, %dot_general3A_40 {dimension_numbers = #tpu.dot_dimension_numbers<[1], [0], [0], [1], [0, 0, 1, 1], [], []>, transpose_lhs_hint = false} : vector<640x128xbf16>, vector<128x128xbf16>, vector<640x128xf32> -> vector<640x128xf32>
    %convert_element_type3A_42 = arith.truncf %add3A_31 : vector<640x128xf32> to vector<640x128xbf16>
    %get3A_43 = arith.constant 0 : index
    %get3A_44 = arith.constant 0 : index
    %get3A_45 = vector.load %arg6[%get3A_43, %get3A_44] : memref<128x128xf32, #tpu.memory_space<vmem>>, vector<128x128xf32>
    %convert_element_type3A_46 = arith.truncf %get3A_45 : vector<128x128xf32> to vector<128x128xbf16>
    %dot_general3A_47 = arith.constant dense<0.000000e+00> : vector<640x128xf32>
    %dot_general3A_48 = tpu.matmul %convert_element_type3A_42, %convert_element_type3A_46, %dot_general3A_47 {dimension_numbers = #tpu.dot_dimension_numbers<[1], [0], [0], [1], [0, 0, 1, 1], [], []>, transpose_lhs_hint = false} : vector<640x128xbf16>, vector<128x128xbf16>, vector<640x128xf32> -> vector<640x128xf32>
    %add3A_49 = arith.addf %dot_general3A_41, %dot_general3A_48 : vector<640x128xf32>
    %get3A_50 = arith.constant 0 : index
    %get3A_51 = arith.constant 0 : index
    %get3A_52 = vector.load %arg7[%get3A_50, %get3A_51] : memref<1x128xf32, #tpu.memory_space<vmem>>, vector<1x128xf32>
    %add3A_53 = vector.broadcast %get3A_52 : vector<1x128xf32> to vector<640x128xf32>
    %add3A_54 = arith.addf %add3A_49, %add3A_53 : vector<640x128xf32>
    %max3A = arith.constant 0.000000e+00 : f32
    %max3A_55 = vector.broadcast %max3A : f32 to vector<640x128xf32>
    %max3A_56 = arith.maximumf %add3A_54, %max3A_55 : vector<640x128xf32>
    %mul3A = arith.constant 640 : i32
    %mul3A_57 = arith.muli %arg0, %mul3A : i32
    %iota3A_58 = tpu.iota {dimensions = array<i32: 0>} : vector<640x1xi32>
    %add3A_59 = vector.broadcast %mul3A_57 : i32 to vector<640x1xi32>
    %add3A_60 = arith.addi %add3A_59, %iota3A_58 : vector<640x1xi32>
    %lt3A = arith.constant 10000 : i32
    %lt3A_61 = vector.broadcast %lt3A : i32 to vector<640x1xi32>
    %lt3A_62 = arith.cmpi slt, %add3A_60, %lt3A_61 : vector<640x1xi32>
    %jit3A_63 = arith.constant 0.000000e+00 : f32
    %broadcast_in_dim3A_64 = vector.shape_cast %lt3A_62 : vector<640x1xi1> to vector<640x1xi1>
    %broadcast_in_dim3A_65 = vector.broadcast %broadcast_in_dim3A_64 : vector<640x1xi1> to vector<640x128xi1>
    %broadcast_in_dim3A_66 = vector.broadcast %jit3A_63 : f32 to vector<640x128xf32>
    %select_n3A_67 = arith.select %broadcast_in_dim3A_65, %max3A_56, %broadcast_in_dim3A_66 : vector<640x128xi1>, vector<640x128xf32>
    %get3A_68 = arith.constant 0 : index
    %get3A_69 = arith.constant 0 : index
    %get3A_70 = arith.constant 0 : index
    %get3A_71 = vector.load %arg3[%get3A_68, %get3A_69, %get3A_70] : memref<2x1x640xf32, #tpu.memory_space<vmem>>, vector<1x1x640xf32>
    %get3A_72 = vector.shape_cast %get3A_71 : vector<1x1x640xf32> to vector<1x640xf32>
    %get3A_73 = arith.constant 1 : index
    %get3A_74 = arith.constant 0 : index
    %get3A_75 = arith.constant 0 : index
    %get3A_76 = vector.load %arg3[%get3A_73, %get3A_74, %get3A_75] : memref<2x1x640xf32, #tpu.memory_space<vmem>>, vector<1x1x640xf32>
    %get3A_77 = vector.shape_cast %get3A_76 : vector<1x1x640xf32> to vector<1x640xf32>
    %add3A_78 = arith.addf %get3A_72, %get3A_77 : vector<1x640xf32>
    %convert_element_type3A_79 = arith.truncf %select_n3A_67 : vector<640x128xf32> to vector<640x128xbf16>
    %convert_element_type3A_80 = arith.extf %convert_element_type3A_79 : vector<640x128xbf16> to vector<640x128xf32>
    %get3A_81 = arith.constant 0 : index
    %get3A_82 = arith.constant 0 : index
    %get3A_83 = vector.load %arg14[%get3A_81, %get3A_82] : memref<1x128xf32, #tpu.memory_space<vmem>>, vector<1x128xf32>
    %reduce_sum3A = arith.constant dense<0.000000e+00> : vector<128xf32>
    %reduce_sum3A_84 = vector.multi_reduction <add>, %convert_element_type3A_80, %reduce_sum3A [0] : vector<640x128xf32> to vector<128xf32>
    %broadcast_in_dim3A_85 = vector.shape_cast %reduce_sum3A_84 : vector<128xf32> to vector<1x128xf32>
    %add3A_86 = arith.addf %get3A_83, %broadcast_in_dim3A_85 : vector<1x128xf32>
    %swap3A = arith.constant 0 : index
    %swap3A_87 = arith.constant 0 : index
    %swap3A_88 = vector.load %arg14[%swap3A, %swap3A_87] : memref<1x128xf32, #tpu.memory_space<vmem>>, vector<1x128xf32>
    tpu.vector_store %arg14[%swap3A, %swap3A_87], %add3A_86 {strides = array<i32>} : memref<1x128xf32, #tpu.memory_space<vmem>>, vector<1x128xf32>,
    %get3A_89 = arith.constant 0 : index
    %get3A_90 = arith.constant 0 : index
    %get3A_91 = vector.load %arg15[%get3A_89, %get3A_90] : memref<1x128xf32, #tpu.memory_space<vmem>>, vector<1x128xf32>
    %convert_element_type3A_92 = arith.truncf %add3A_78 : vector<1x640xf32> to vector<1x640xbf16>
    %convert_element_type3A_93 = arith.extf %convert_element_type3A_92 : vector<1x640xbf16> to vector<1x640xf32>
    %sub3A_94 = arith.subf %add3A_78, %convert_element_type3A_93 : vector<1x640xf32>
    %convert_element_type3A_95 = arith.truncf %sub3A_94 : vector<1x640xf32> to vector<1x640xbf16>
    %convert_element_type3A_96 = arith.truncf %select_n3A_67 : vector<640x128xf32> to vector<640x128xbf16>
    %convert_element_type3A_97 = arith.extf %convert_element_type3A_96 : vector<640x128xbf16> to vector<640x128xf32>
    %sub3A_98 = arith.subf %select_n3A_67, %convert_element_type3A_97 : vector<640x128xf32>
    %convert_element_type3A_99 = arith.truncf %sub3A_98 : vector<640x128xf32> to vector<640x128xbf16>
    %dot_general3A_100 = arith.constant dense<0.000000e+00> : vector<1x128xf32>
    %dot_general3A_101 = tpu.matmul %convert_element_type3A_92, %convert_element_type3A_96, %dot_general3A_100 {dimension_numbers = #tpu.dot_dimension_numbers<[1], [0], [0], [1], [0, 0, 1, 1], [], []>, transpose_lhs_hint = false} : vector<1x640xbf16>, vector<640x128xbf16>, vector<1x128xf32> -> vector<1x128xf32>
    %dot_general3A_102 = arith.constant dense<0.000000e+00> : vector<1x128xf32>
    %dot_general3A_103 = tpu.matmul %convert_element_type3A_92, %convert_element_type3A_99, %dot_general3A_102 {dimension_numbers = #tpu.dot_dimension_numbers<[1], [0], [0], [1], [0, 0, 1, 1], [], []>, transpose_lhs_hint = false} : vector<1x640xbf16>, vector<640x128xbf16>, vector<1x128xf32> -> vector<1x128xf32>
    %add3A_104 = arith.addf %dot_general3A_101, %dot_general3A_103 : vector<1x128xf32>
    %dot_general3A_105 = arith.constant dense<0.000000e+00> : vector<1x128xf32>
    %dot_general3A_106 = tpu.matmul %convert_element_type3A_95, %convert_element_type3A_96, %dot_general3A_105 {dimension_numbers = #tpu.dot_dimension_numbers<[1], [0], [0], [1], [0, 0, 1, 1], [], []>, transpose_lhs_hint = false} : vector<1x640xbf16>, vector<640x128xbf16>, vector<1x128xf32> -> vector<1x128xf32>
    %add3A_107 = arith.addf %add3A_104, %dot_general3A_106 : vector<1x128xf32>
    %add3A_108 = arith.addf %get3A_91, %add3A_107 : vector<1x128xf32>
    %swap3A_109 = arith.constant 0 : index
    %swap3A_110 = arith.constant 0 : index
    %swap3A_111 = vector.load %arg15[%swap3A_109, %swap3A_110] : memref<1x128xf32, #tpu.memory_space<vmem>>, vector<1x128xf32>
    tpu.vector_store %arg15[%swap3A_109, %swap3A_110], %add3A_108 {strides = array<i32>} : memref<1x128xf32, #tpu.memory_space<vmem>>, vector<1x128xf32>,
    %eq3A_112 = arith.constant 15 : i32
    %eq3A_113 = arith.cmpi eq, %arg0, %eq3A_112 : i32
    %convert_element_type3A_114 = arith.extui %eq3A_113 : i1 to i32
    %cond3A_115 = arith.constant 0 : i32
    %cond3A_116 = arith.cmpi ne, %convert_element_type3A_114, %cond3A_115 : i32
    scf.if %cond3A_116 {
      %get3A_117 = arith.constant 0 : index
      %get3A_118 = arith.constant 0 : index
      %get3A_119 = vector.load %arg14[%get3A_117, %get3A_118] : memref<1x128xf32, #tpu.memory_space<vmem>>, vector<1x128xf32>
      %get3A_120 = arith.constant 0 : index
      %get3A_121 = arith.constant 0 : index
      %get3A_122 = vector.load %arg15[%get3A_120, %get3A_121] : memref<1x128xf32, #tpu.memory_space<vmem>>, vector<1x128xf32>
      %broadcast_in_dim3A_123 = arith.constant 0.000000e+00 : f32
      %broadcast_in_dim3A_124 = vector.broadcast %broadcast_in_dim3A_123 : f32 to vector<6x128xf32>
      %concatenate3A = tpu.concatenate %get3A_119, %get3A_122, %broadcast_in_dim3A_124 in 0 : vector<1x128xf32>, vector<1x128xf32>, vector<6x128xf32> -> vector<8x128xf32>
      %swap3A_125 = arith.constant 0 : index
      %swap3A_126 = arith.constant 0 : index
      %swap3A_127 = vector.load %arg13[%swap3A_125, %swap3A_126] : memref<8x128xf32, #tpu.memory_space<vmem>>, vector<8x128xf32>
      tpu.vector_store %arg13[%swap3A_125, %swap3A_126], %concatenate3A {strides = array<i32>} : memref<8x128xf32, #tpu.memory_space<vmem>>, vector<8x128xf32>,
    } else {
    }
    return
  }
  func.func @transform_0(%arg0: i32) -> (i32, i32) {
    %c0_i32 = arith.constant 0 : i32
    %c0_i32_0 = arith.constant 0 : i32
    return %arg0, %c0_i32 : i32, i32
  }
  func.func @transform_1(%arg0: i32) -> (i32, i32, i32) {
    %c0_i32 = arith.constant 0 : i32
    %c0_i32_0 = arith.constant 0 : i32
    %c0_i32_1 = arith.constant 0 : i32
    return %c0_i32, %arg0, %c0_i32_0 : i32, i32, i32
  }
  func.func @transform_2(%arg0: i32) -> (i32, i32, i32) {
    %c0_i32 = arith.constant 0 : i32
    %c0_i32_0 = arith.constant 0 : i32
    %c0_i32_1 = arith.constant 0 : i32
    return %c0_i32, %c0_i32_0, %arg0 : i32, i32, i32
  }
  func.func @transform_3(%arg0: i32) -> (i32, i32) {
    %c0_i32 = arith.constant 0 : i32
    %c0_i32_0 = arith.constant 0 : i32
    return %c0_i32, %arg0 : i32, i32
  }
  func.func @transform_4(%arg0: i32) -> (i32, i32) {
    %c0_i32 = arith.constant 0 : i32
    %c0_i32_0 = arith.constant 0 : i32
    %c0_i32_1 = arith.constant 0 : i32
    return %c0_i32, %c0_i32_0 : i32, i32
  }
  func.func @transform_5(%arg0: i32) -> (i32, i32) {
    %c0_i32 = arith.constant 0 : i32
    %c0_i32_0 = arith.constant 0 : i32
    %c0_i32_1 = arith.constant 0 : i32
    return %c0_i32, %c0_i32_0 : i32, i32
  }
  func.func @transform_6(%arg0: i32) -> (i32, i32) {
    %c0_i32 = arith.constant 0 : i32
    %c0_i32_0 = arith.constant 0 : i32
    %c0_i32_1 = arith.constant 0 : i32
    return %c0_i32, %c0_i32_0 : i32, i32
  }
  func.func @transform_7(%arg0: i32) -> (i32, i32) {
    %c0_i32 = arith.constant 0 : i32
    %c0_i32_0 = arith.constant 0 : i32
    %c0_i32_1 = arith.constant 0 : i32
    return %c0_i32, %c0_i32_0 : i32, i32
  }
  func.func @transform_8(%arg0: i32) -> (i32, i32) {
    %c0_i32 = arith.constant 0 : i32
    %c0_i32_0 = arith.constant 0 : i32
    %c0_i32_1 = arith.constant 0 : i32
    return %c0_i32, %c0_i32_0 : i32, i32
  }
  func.func @transform_9(%arg0: i32) -> (i32, i32) {
    %c0_i32 = arith.constant 0 : i32
    %c0_i32_0 = arith.constant 0 : i32
    %c0_i32_1 = arith.constant 0 : i32
    return %c0_i32, %c0_i32_0 : i32, i32
  }
  func.func @transform_10(%arg0: i32) -> (i32, i32) {
    %c0_i32 = arith.constant 0 : i32
    %c0_i32_0 = arith.constant 0 : i32
    %c0_i32_1 = arith.constant 0 : i32
    return %c0_i32, %c0_i32_0 : i32, i32
  }
  func.func @transform_11(%arg0: i32) -> (i32, i32) {
    %c0_i32 = arith.constant 0 : i32
    %c0_i32_0 = arith.constant 0 : i32
    %c0_i32_1 = arith.constant 0 : i32
    return %c0_i32, %c0_i32_0 : i32, i32
  }
  func.func @transform_12(%arg0: i32) -> (i32, i32) {
    %c0_i32 = arith.constant 0 : i32
    %c0_i32_0 = arith.constant 0 : i32
    %c0_i32_1 = arith.constant 0 : i32
    return %c0_i32, %c0_i32_0 : i32, i32
  }
}

</mosaic_0001>

<sc_bundles>
// kernel: kernel.4.cloned.1.call-start
scs
__scs_entry_jumppad:
0x0: {  	(pc) =	sbr.rel $0x88, $3  }
0x1: {  	(tag) =	ssettag $0x0;
	lr =	simm.s32 $0x1  }
0x2: {  	[smem:$0x3F97] =	sst lr;
	_ =	strace $0xD0000000  }
0x3: {  	_ = 	snop  }
0x4: {  	_ = 	snop  }
0x5: {  	_ = 	snop  }
0x6: {  	_ = 	snop  }
0x7: {  	_ = 	snop  }
__scs_overlays_trampoline_lowered:
0x8: {  	[smem:$0x3FA6] =	sst s0  }
0x9: {  	[smem:$0x3FA7] =	sst s1  }
0xa: {  	[smem:$0x3FA8] =	sst s2  }
0xb: {  	[smem:$0x3FA9] =	sst s3  }
0xc: {  	[smem:$0x3FAA] =	sst s4  }
0xd: {  	[smem:$0x3FAB] =	sst s5  }
0xe: {  	[smem:$0x3FAC] =	sst s6  }
0xf: {  	[smem:$0x3FAD] =	sst s7  }
0x10: {  	[smem:$0x3FAE] =	sst s8  }
0x11: {  	[smem:$0x3FAF] =	sst s9;
	s0 =	simm.s32 @!p0 $0x0  }
0x12: {  	s1 =	sld [smem:$0x3F95];
	s0 =	simm.s32 @p0 $0x1  }
0x13: {  	[smem:$0x3FB0] =	sst s0;
	s0 =	simm.s32 @!p1 $0x0  }
0x14: {  	s2 =	sld [smem:$0x3F94];
	s0 =	simm.s32 @p1 $0x1  }
0x15: {  	[smem:$0x3FB1] =	sst s0;
	s0 =	simm.s32 @!p2 $0x0  }
0x16: {  	s3 =	sld [smem:$0x3FDB];
	s0 =	simm.s32 @p2 $0x1  }
0x17: {  	s4 =	simm.s32 $0x1BF5;
	[smem:$0x3FB3] =	sst s0  }
0x18: {  	s0 =	sld [smem:$0x3F96];
	_ =	swait.ge [sflag:s4], $0x0  }
0x19: {  	s7 =	sld [smem:$0x3F97]  }
0x1a: {  	s8 =	sadd.s32 $0xFFFFE003, lr  }
0x1b: {  	s9 =	sadd.s32 $0xFFFFFEF7, lr;
	s5 =	simm.s32 $0xFFFFFFFF;
	p2 =	slt.u32 s8, $0xFFFFF086  }
0x1c: {  	p1 =	slt.u32 s9, $0xF7A;
	s5 =	simm.s32 @!p2 $0x0  }
0x1d: {  	s5 =	simm.s32 @p1 $0x1;
	p0 =	seq.s32 s7, s2  }
0x1e: {  	s7 =	smul.u32 @!p0 $0xF7A, s2;
	p2 =	seq.s32 @!p0 s5, $0x0  }
0x1f: {  	s9 =	smul.u32 $0xF7A, s1;
	s8 =	simm.s32 @!p0 $0x1BF5;
	p2 =	por !p2, p0  }
0x20: {  	[sflag:s8] =	ssyncset.s32 @!p0 $0xFFFFF086;
	s6 =	sadd.s32 @!p0 s3, s7;
	s7 =	simm.s32 @!p0 $0x108  }
0x21: {  	s3 =	sadd.s32 s3, s9;
	s6 =	sadd.s32 @!p0 $0x88, s6;
	s7 =	simm.s32 @p2 $0x1082  }
0x22: {  	[simem:s7], [sflag:s8] =	dma.local @!p0 [hbm:s6], $0xF7A  }
0x23: {  	s9 =	sor.u32 $0xD0000000, s2;
	s6 =	simm.s32 $0x108;
	_ =	swait.ge @!p0 [sflag:s8], $0x0  }
0x24: {  	s3 =	sadd.s32 $0x88, s3;
	s6 =	simm.s32 @!p1 $0x1082;
	[sflag:s4] =	ssyncset.s32 $0xFFFFF086  }
0x25: {  	[simem:s6], [sflag:s4] =	dma.local [hbm:s3], $0xF7A  }
0x26: {  	[smem:$0x3F97] =	sst s1;
	(tag) =	ssettag s2;
	_ =	strace s9  }
0x27: {  	s1 =	sld [smem:$0x3FA7]  }
0x28: {  	s2 =	sld [smem:$0x3FA8]  }
0x29: {  	s4 =	sld [smem:$0x3FAA]  }
0x2a: {  	p0 =	seq.s32 s5, $0x0;
	s5 =	sld [smem:$0x3FAB]  }
0x2b: {  	s6 =	sld [smem:$0x3FAC]  }
0x2c: {  	s7 =	sld [smem:$0x3FAD]  }
0x2d: {  	s3 =	simm.s32 $0x108;
	s8 =	sld [smem:$0x3FAE]  }
0x2e: {  	s3 =	simm.s32 @!p0 $0x1082;
	s9 =	sld [smem:$0x3FAF]  }
0x2f: {  	lr =	sadd.s32 s0, s3;
	s0 =	sld [smem:$0x3FA6]  }
0x30: {  	s3 =	sld [smem:$0x3FA9]  }
0x31: {  	[smem:$0x3FB2] =	sst s10  }
0x32: {  	s10 =	sld [smem:$0x3FB0];
	_ =	sdelay $0x3  }
0x33: {  	p0 =	seq.s32 s10, $0x1;
	s10 =	sld [smem:$0x3FB2];
	_ =	sdelay $0x3  }
0x34: {  	[smem:$0x3FB2] =	sst s10  }
0x35: {  	s10 =	sld [smem:$0x3FB1];
	_ =	sdelay $0x3  }
0x36: {  	p1 =	seq.s32 s10, $0x1;
	s10 =	sld [smem:$0x3FB2];
	_ =	sdelay $0x3  }
0x37: {  	[smem:$0x3FB2] =	sst s10  }
0x38: {  	s10 =	sld [smem:$0x3FB3]  }
0x39: {  	_ = 	snop;
	(pc) =	sbr.ind lr, $3  }
0x3a: {  	_ = 	snop  }
0x3b: {  	_ = 	snop  }
0x3c: {  	p2 =	seq.s32 s10, $0x1;
	s10 =	sld [smem:$0x3FB2]  }
0x3d: {  	_ =	shalt  }
0x3e: {  	_ =	shalt  }
0x3f: {  	_ =	shalt  }
0x40: {  	_ =	shalt  }
0x41: {  	_ =	shalt  }
0x42: {  	_ =	shalt  }
0x43: {  	_ =	shalt  }
0x44: {  	_ =	shalt  }
0x45: {  	_ =	shalt  }
0x46: {  	_ =	shalt  }
0x47: {  	_ =	shalt  }
0x48: {  	_ =	shalt  }
0x49: {  	_ =	shalt  }
0x4a: {  	_ =	shalt  }
0x4b: {  	_ =	shalt  }
0x4c: {  	_ =	shalt  }
0x4d: {  	_ =	shalt  }
0x4e: {  	_ =	shalt  }
0x4f: {  	_ =	shalt  }
0x50: {  	_ =	shalt  }
0x51: {  	_ =	shalt  }
0x52: {  	_ =	shalt  }
0x53: {  	_ =	shalt  }
0x54: {  	_ =	shalt  }
0x55: {  	_ =	shalt  }
0x56: {  	_ =	shalt  }
0x57: {  	_ =	shalt  }
0x58: {  	_ =	shalt  }
0x59: {  	_ =	shalt  }
0x5a: {  	_ =	shalt  }
0x5b: {  	_ =	shalt  }
0x5c: {  	_ =	shalt  }
0x5d: {  	_ =	shalt  }
0x5e: {  	_ =	shalt  }
0x5f: {  	_ =	shalt  }
0x60: {  	_ =	shalt  }
0x61: {  	_ =	shalt  }
0x62: {  	_ =	shalt  }
0x63: {  	_ =	shalt  }
0x64: {  	_ =	shalt  }
0x65: {  	_ =	shalt  }
0x66: {  	_ =	shalt  }
0x67: {  	_ =	shalt  }
0x68: {  	_ =	shalt  }
0x69: {  	_ =	shalt  }
0x6a: {  	_ =	shalt  }
0x6b: {  	_ =	shalt  }
0x6c: {  	_ =	shalt  }
0x6d: {  	_ =	shalt  }
0x6e: {  	_ =	shalt  }
0x6f: {  	_ =	shalt  }
0x70: {  	_ =	shalt  }
0x71: {  	_ =	shalt  }
0x72: {  	_ =	shalt  }
0x73: {  	_ =	shalt  }
0x74: {  	_ =	shalt  }
0x75: {  	_ =	shalt  }
0x76: {  	_ =	shalt  }
0x77: {  	_ =	shalt  }
0x78: {  	_ =	shalt  }
0x79: {  	_ =	shalt  }
0x7a: {  	_ =	shalt  }
0x7b: {  	_ =	shalt  }
0x7c: {  	_ =	shalt  }
0x7d: {  	_ =	shalt  }
0x7e: {  	_ =	shalt  }
0x7f: {  	_ =	shalt  }
0x80: {  	_ =	shalt  }
0x81: {  	_ =	shalt  }
0x82: {  	_ =	shalt  }
0x83: {  	_ =	shalt  }
0x84: {  	_ =	shalt  }
0x85: {  	_ =	shalt  }
0x86: {  	_ =	shalt  }
0x87: {  	_ =	shalt  }
.Lfunc_end0:
.L_simem_size_0:
called_computation_lowered:
.L_overlay_start_0:
0x88: {  	s2 =	sld [smem:$0x3FD9]  }
0x89: {  	s3 =	sld [smem:$0x3FFE];
	_ =	sdelay $0x1  }
0x8a: {  	s1 =	srdreg.scid  }
0x8b: {  	s0 =	sand.u32 $0x1, s1  }
0x8c: {  	s17 =	sshll.u32 s0, $0xA;
	s2 =	sadd.s32 s3, s2  }
0x8d: {  	s2 =	sadd.s32 s2, s17  }
0x8e: {  	[smem:$0x3FBE] =	sst s2  }
0x8f: {  	_ = 	snop  }
0x90: {  	s2 =	sld [smem:$0x3FC9];
	(tm) =	ssettm $0x1  }
0x91: {  	s18 =	sld [smem:$0x3FFB];
	_ =	sdelay $0x3  }
0x92: {  	_ =	strace s18  }
0x93: {  	s3 =	sld [smem:$0x3FFC];
	_ =	sdelay $0x3  }
0x94: {  	_ =	strace s3  }
0x95: {  	s3 =	sld [smem:$0x3FFD];
	_ =	sdelay $0x3  }
0x96: {  	_ =	strace s3  }
0x97: {  	_ =	strace $0x8FFFFFFF  }
0x98: {  	s19 =	sld [smem:$0x3FDB];
	_ =	sdelay $0x1  }
0x99: {  	s4 =	simm.s32 $_scs_section_size  }
0x9a: {  	s5 =	simm.s32 $_size__tile_overlayer_lowered;
	s6 =	simm.s32 $_tile_overlayer_lowered  }
0x9b: {  	s22 =	simm.s32 $0x1BFF;
	s21 =	sshll.u32 s6, $0x1;
	s3 =	sadd.s32 s4, s19  }
0x9c: {  	s7 =	simm.s32 $0x0;
	s20 =	sshll.u32 s5, $0x1;
	s5 =	sadd.s32 s21, s3  }
0x9d: {  	[timem:s7], [sflag:s22] =	dma.local [hbm:s5], s20  }
0x9e: {  	_ =	swait.ge [sflag:s22], s20  }
0x9f: {  	s4 =	ssub.s32 $0x0, s20;
	[sflag:s22] =	ssyncset.done $0x0  }
0xa0: {  	[sflag:s22] =	ssyncadd.s32 s4;
	_ =	sdelay $0x1  }
0xa1: {  	s23 =	simm.s32 $0x1B8B  }
0xa2: {  	_ =	swait.ge [sflag:s23], $0x1  }
0xa3: {  	[sflag:s23] =	ssyncset.done $0x0  }
0xa4: {  	s25 =	simm.s32 $0x1B8E;
	s24 =	sld [smem:$0x3FFE];
	[sflag:s23] =	ssyncadd.s32 $0xFFFFFFFF  }
0xa5: {  	s26 =	simm.s32 $execute0_lowered;
	[smem:$0x3FD2] =	sst s25  }
0xa6: {  	s5 =	sshll.u32 s26, $0x1;
	_ =	strace $0x80000046;
	[dreg:$0x1] =	wrdreg $0xFFFFFFFF  }
0xa7: {  	s28 =	simm.s32 $_size_execute0_lowered;
	s3 =	sadd.s32 s3, s5;
	[dreg:$0x0] =	wrdreg $0x0  }
0xa8: {  	s5 =	sshll.u32 s28, $0x1;
	[dreg:$0x2] =	wrdreg s3  }
0xa9: {  	[dreg:$0x3] =	wrdreg s5  }
0xaa: {  	[dreg:$0x4] =	wrdreg $0xC0  }
0xab: {  	_ =	task [dreg:s7], $0x5FFFF  }
0xac: {  	[dreg:$0x1] =	wrdreg $0xFFFFFFFF  }
0xad: {  	[dreg:$0x0] =	wrdreg $0x60  }
0xae: {  	[dreg:$0x2] =	wrdreg s2  }
0xaf: {  	[dreg:$0x3] =	wrdreg s24  }
0xb0: {  	[dreg:$0x4] =	wrdreg $0x95800  }
0xb1: {  	[dreg:$0x5] =	wrdreg $0x8E000  }
0xb2: {  	[dreg:$0x6] =	wrdreg $0x93000  }
0xb3: {  	[dreg:$0x7] =	wrdreg $0x90800  }
0xb4: {  	[dreg:$0x8] =	wrdreg $0x9  }
0xb5: {  	_ =	task.clear_ibuf [dreg:s7], $0x9FFFF;
	_ =	strace $0x90000046  }
0xb6: {  	s29 =	simm.s32 $0x9;
	_ =	strace $0x80000048  }
0xb7: {  	_ =	swait.ge [sflag:s29], $0x1  }
0xb8: {  	[sflag:s29] =	ssyncadd.s32 $0xFFFFFFFF  }
0xb9: {  	_ =	strace $0x90000048  }
0xba: {  	_ =	sfence  }
0xbb: {  	s30 =	sld [smem:$0x0];
	_ =	sdelay $0x2  }
0xbc: {  	s31 =	sshll.u32 s1, $0xD;
	s1 =	sshrl.u32 s1, $0x2  }
0xbd: {  	s3 =	sand.u32 $0x4000, s31;
	s1 =	sadd.s32 s1, s30  }
0xbe: {  	s0 =	sor.u32 s3, s0;
	s1 =	sshll.u32 s1, $0x11  }
0xbf: {  	s0 =	sor.u32 s1, s0  }
0xc0: {  	s0 =	sadd.s32 $0x8F2B, s0  }
0xc1: {  	[sflag:s0] =	ssyncadd.remote.s32 $0x1  }
0xc2: {  	_ =	sfence.sel $0xFFFF  }
0xc3: {  	[dreg:$0x0] =	wrdreg $0xFFFFFFFF;
	(pc) =	sbr.abs _section_cstart, $3  }
0xc4: {  	[dreg:$0x1] =	wrdreg $0xFFFFFFFF  }
0xc5: {  	_ =	task.clear_ibuf [dreg:s7], $0x2FFFF;
	_ =	strace $0x9FFFFFFF  }
0xc6: {  	(tm) =	ssettm $0x7FFFFFFF  }
0xc7: {  	_ =	shalt  }
tec
execute0_lowered:
.L_overlay_start_1:
0x0: {  	(tag) =	ssettag $0x1  }
0x1: {  	s25 =	rddreg [dreg:$0x0]  }
0x2: {  	s0 =	rddreg [dreg:$0x1]  }
0x3: {  	s30 =	rddreg [dreg:$0x2]  }
0x4: {  	s3 =	rddreg [dreg:$0x3]  }
0x5: {  	s2 =	rddreg [dreg:$0x4];
	s17 =	stileid.u32  }
0x6: {  	s16 =	rddreg [dreg:$0x5];
	s14 =	smul.u32 $0x14000, s17  }
0x7: {  	s1 =	srdreg.scid;
	s6 =	smul.u32 $0x500, s17  }
0x8: {  	s5 =	simm.s32 $0x0;
	s1 =	sand.u32 $0x1, s1;
	s10 =	smul.u32 $0x280, s17  }
0x9: {  	[smem:$0x7FF] =	sst s5;
	s7 =	sadd.s32 $0xBA00, s0;
	s12 =	smul.u32 $0x50000, s17  }
0xa: {  	s8 =	sadd.s32 $0x1A00, s0;
	s9 =	sadd.s32 $0x15A00, s0;
	s4 =	smul.u32 $0x140000, s1  }
0xb: {  	_ =	strace $0x80000047;
	s15 =	sshll.u32 s1, $0x7;
	s18 =	ssub.s32 $0x2, s1  }
0xc: {  	s13 =	smul.u32 $0x500, s1;
	[dreg:$0xd] =	wrdreg s7;
	s5 =	sor.u32 s15, s6  }
0xd: {  	s11 =	sshrl.u32 s10, $0x3;
	s12 =	sshrl.u32 s12, $0x2;
	s15 =	smul.u32 $0x50, s17  }
0xe: {  	s22 =	sadd.s32 s10, s3;
	s24 =	sadd.s32 s10, s2;
	s4 =	sadd.s32 s14, s4  }
0xf: {  	s5 =	sshrl.u32 s5, $0x3;
	s14 =	sshrl.u32 s18, $0x1;
	[dreg:$0x10] =	wrdreg s22  }
0x10: {  	[dreg:$0x11] =	wrdreg s24;
	s4 =	sshrl.u32 s4, $0x3;
	s5 =	sadd.s32 s5, s0  }
0x11: {  	s13 =	sadd.s32 s15, s13;
	s4 =	sadd.s32 s4, s0;
	s0 =	sadd.s32 s11, s0  }
0x12: {  	s11 =	ssub.s32 s18, s14;
	s18 =	sadd.s32 s12, s30;
	s13 =	sshll.u32 s13, $0x4  }
0x13: {  	s15 =	sadd.s32 s7, s13;
	[dreg:$0xf] =	wrdreg s18  }
0x14: {  	s4 =	sadd.s32 $0x20400, s4;
	[dreg:$0x19] =	wrdreg s15  }
0x15: {  	s12 =	smul.u32 $0x5000, s17;
	s0 =	sadd.s32 $0x70400, s0;
	[dreg:$0x1f] =	wrdreg s4  }
0x16: {  	s28 =	sadd.s32 s9, s13;
	[smem:$0x7F2] =	sst s0  }
0x17: {  	s20 =	sor.u32 $0x200, s12;
	[dreg:$0x1a] =	wrdreg s28  }
0x18: {  	s21 =	sor.u32 $0x280, s12;
	[dreg:$0x7] =	wrdreg s20  }
0x19: {  	s23 =	sor.u32 $0x20, s13;
	s26 =	sor.u32 $0x300, s12;
	[dreg:$0x8] =	wrdreg s21  }
0x1a: {  	s19 =	sshrl.u32 s12, $0x3;
	s12 =	sor.u32 $0x380, s12;
	[dreg:$0x9] =	wrdreg s26  }
0x1b: {  	[dreg:$0xa] =	wrdreg s12;
	s20 =	sadd.s32 s7, s23  }
0x1c: {  	s21 =	sadd.s32 s9, s23;
	[dreg:$0x13] =	wrdreg s20  }
0x1d: {  	s2 =	sadd.s32 s9, s19;
	s23 =	sor.u32 $0x30, s13;
	[dreg:$0x14] =	wrdreg s21  }
0x1e: {  	s26 =	sadd.s32 s7, s23;
	[dreg:$0x12] =	wrdreg s2  }
0x1f: {  	s14 =	sadd.s32 s9, s23;
	[dreg:$0x16] =	wrdreg s26  }
0x20: {  	s20 =	sadd.s32 s8, s13;
	[dreg:$0x17] =	wrdreg s14  }
0x21: {  	s23 =	sadd.s32 s10, s16;
	s10 =	sadd.s32 $0x4000, s18;
	[dreg:$0x1b] =	wrdreg s20  }
0x22: {  	s19 =	smul.u32 $0x5000, s1;
	s15 =	sadd.s32 $0x10, s2;
	[smem:$0x7F5] =	sst s10  }
0x23: {  	s31 =	simm.s32 $0xC;
	[smem:$0x7F9] =	sst s15  }
0x24: {  	s12 =	sadd.s32 s6, s19;
	s6 =	sadd.s32 $0x1FA00, s5;
	[dreg:$0x18] =	wrdreg s23  }
0x25: {  	s19 =	sor.u32 $0x10, s13;
	s13 =	sadd.s32 $0xC000, s18;
	[smem:$0x7F1] =	sst s6  }
0x26: {  	s29 =	simm.s32 $0xF;
	s14 =	sadd.s32 $0x10000, s18;
	[smem:$0x7F7] =	sst s13  }
0x27: {  	p0 =	sne.s32 s1, $0x0;
	s20 =	sadd.s32 $0x30, s2;
	[smem:$0x7F8] =	sst s14  }
0x28: {  	s4 =	simm.s32 $0x9;
	s16 =	simm.s32 $0x0;
	[smem:$0x7FB] =	sst s20  }
0x29: {  	s15 =	simm.s32 $0x300;
	s21 =	sadd.s32 s7, s19;
	[dreg:$0x15] =	wrdreg s12  }
0x2a: {  	s10 =	simm.s32 $0xB;
	s26 =	sadd.s32 s9, s19;
	[dreg:$0x1c] =	wrdreg s21  }
0x2b: {  	s5 =	simm.s32 $0x0;
	s1 =	sadd.s32 s8, s19;
	[dreg:$0x1d] =	wrdreg s26  }
0x2c: {  	s7 =	smax.u32 s11, $0x1;
	s8 =	sadd.s32 s8, s12;
	[dreg:$0x1e] =	wrdreg s1  }
0x2d: {  	s11 =	sadd.s32 $0x8000, s18;
	s19 =	sadd.s32 $0x20, s2;
	[smem:$0x7F3] =	sst s7  }
0x2e: {  	s2 =	simm.s32 $0xA00;
	s13 =	simm.s32 $0x1D;
	[smem:$0x7F4] =	sst s8  }
0x2f: {  	s6 =	simm.s32 $0x480;
	s14 =	simm.s32 $0x100;
	[smem:$0x7F6] =	sst s11  }
.Ltmp0:
0x30: {  	s20 =	simm.s32 $0x180;
	[smem:$0x7FA] =	sst s19;
	(pc) =	sbr.rel .LBB2_1-.Ltmp0, $4  }
0x31: {  	s21 =	smul.u32 $0xA00, s17;
	s26 =	sadd.s32 s9, s12;
	s8 =	simm.s32 $0x200  }
0x32: {  	s17 =	simm.s32 $0x400;
	s1 =	simm.s32 $0x80;
	s19 =	simm.s32 $0x500  }
0x33: {  	s11 =	simm.s32 $0x8B00;
	s7 =	simm.s32 $0xA;
	[smem:$0x7FD] =	sst s26  }
0x34: {  	v0 =	vimm.f32 $0.0e+00;
	v1 =	vimm.f32 $1.000000000e+00;
	s26 =	simm.s32 $0x11;
	[smem:$0x7FC] =	sst s21;
	s21 =	simm.s32 $0xD  }
.LBB2_10:
0x35: {  	s0 =	simm.s32 $0x1B  }
0x36: {  	_ =	swait.ge [sflag:s0], $0x80  }
0x37: {  	[sflag:s0] =	ssyncset.done $0x0  }
0x38: {  	s17 =	simm.s32 $0x1C;
	[sflag:s0] =	ssyncadd.s32 $0xFFFFFF80  }
0x39: {  	_ =	swait.ge [sflag:s17], $0x80  }
0x3a: {  	[sflag:s17] =	ssyncset.done $0x0  }
0x3b: {  	s19 =	stileid.u32;
	[sflag:s17] =	ssyncadd.s32 $0xFFFFFF80  }
0x3c: {  	s0 =	sshll.u32 s19, $0x6;
	[bflag:$0x0] =	sbarrier.arrive $0xFFFF  }
0x3d: {  	s2 =	sshrl.u32 s18, $0x3;
	s0 =	sor.u32 $0x1C1D, s0;
	s5 =	rddreg [dreg:$0x1f]  }
0x3e: {  	[hbm:s5], [sflag:s0] =	dma.local [spmem:s2], $0x2800  }
0x3f: {  	_ =	swait.ge [sflag:s13], $0x2800  }
0x40: {  	s22 =	sld [smem:$0x7F1]  }
0x41: {  	s20 =	sshrl.u32 s31, $0x3;
	s8 =	simm.s32 $0x10;
	[sflag:s13] =	ssyncset.done $0x0  }
0x42: {  	s6 =	simm.s32 $0x20;
	s10 =	simm.s32 $0x1;
	[sflag:s13] =	ssyncadd.s32 $0xFFFFD800  }
0x43: {  	[hbm:s22@s6], [sflag:s0] =	dma.strided [spmem:s20@s8], $0x50, s10, $0x10   }
0x44: {  	_ =	swait.ge [sflag:s13], $0x50  }
0x45: {  	s5 =	sld [smem:$0x7F2]  }
0x46: {  	[sflag:s13] =	ssyncset.done $0x0  }
0x47: {  	s2 =	sshrl.u32 @!p0 s23, $0x3;
	[sflag:s13] =	ssyncadd.s32 $0xFFFFFFB0  }
0x48: {  	[hbm:s5], [sflag:s0] =	dma.local @!p0 [spmem:s2], $0x50  }
0x49: {  	s0 =	simm.s32 @!p0 $0x1D  }
0x4a: {  	_ =	swait.ge @!p0 [sflag:s0], $0x50  }
0x4b: {  	s23 =	sld [smem:$0x7F0]  }
0x4c: {  	s26 =	sld [smem:$0x7F3];
	_ =	sdelay $0x1  }
0x4d: {  	s5 =	sadd.s32 $0x1, s23  }
0x4e: {  	s24 =	smov.u32 s31;
	s14 =	simm.s32 $0x100;
	p1 =	sne.s32 s5, s26  }
.Ltmp1:
0x4f: {  	s15 =	simm.s32 $0x300;
	s29 =	simm.s32 $0xF;
	(pc) =	sbr.rel @!p1 .LBB2_11-.Ltmp1, $4  }
0x50: {  	s31 =	simm.s32 $0xC;
	s19 =	simm.s32 $0x500;
	s17 =	simm.s32 $0x400  }
0x51: {  	s8 =	simm.s32 $0x200;
	s6 =	simm.s32 $0x480;
	s20 =	simm.s32 $0x180  }
0x52: {  	s10 =	simm.s32 $0xB;
	s2 =	simm.s32 $0xA00;
	[sflag:s0] =	ssyncset.done @!p0 $0x0  }
0x53: {  	s22 =	rddreg [dreg:$0x10];
	[sflag:s0] =	ssyncadd.s32 @!p0 $0xFFFFFFB0;
	s26 =	simm.s32 $0x11  }
.LBB2_1:
0x54: {  	[tilespmem:$0x8B80] =	vst v0  }
0x55: {  	[tilespmem:$0x8B90] =	vst v0  }
0x56: {  	[tilespmem:$0x8BA0] =	vst v0  }
0x57: {  	[tilespmem:$0x8BB0] =	vst v0  }
0x58: {  	[tilespmem:$0x8BC0] =	vst v0  }
0x59: {  	[tilespmem:$0x8BD0] =	vst v0  }
0x5a: {  	[tilespmem:$0x8BE0] =	vst v0  }
0x5b: {  	[tilespmem:$0x8BF0] =	vst v0  }
0x5c: {  	[tilespmem:$0x8C00] =	vst v0  }
0x5d: {  	[tilespmem:$0x8C10] =	vst v0  }
0x5e: {  	[tilespmem:$0x8C20] =	vst v0  }
0x5f: {  	[tilespmem:$0x8C30] =	vst v0  }
0x60: {  	[tilespmem:$0x8C40] =	vst v0  }
0x61: {  	[tilespmem:$0x8C50] =	vst v0  }
0x62: {  	[tilespmem:$0x8C60] =	vst v0  }
0x63: {  	[tilespmem:$0x8C70] =	vst v0  }
0x64: {  	[tilespmem:$0x8C80] =	vst v0  }
0x65: {  	[tilespmem:$0x8C90] =	vst v0  }
0x66: {  	[tilespmem:$0x8CA0] =	vst v0  }
0x67: {  	[tilespmem:$0x8CB0] =	vst v0  }
0x68: {  	[tilespmem:$0x8CC0] =	vst v0  }
0x69: {  	[tilespmem:$0x8CD0] =	vst v0  }
0x6a: {  	[tilespmem:$0x8CE0] =	vst v0  }
0x6b: {  	[tilespmem:$0x8CF0] =	vst v0  }
0x6c: {  	[tilespmem:$0x8D00] =	vst v0  }
0x6d: {  	[tilespmem:$0x8D10] =	vst v0  }
0x6e: {  	[tilespmem:$0x8D20] =	vst v0  }
0x6f: {  	[tilespmem:$0x8D30] =	vst v0  }
0x70: {  	[tilespmem:$0x8D40] =	vst v0  }
0x71: {  	[tilespmem:$0x8D50] =	vst v0  }
0x72: {  	[tilespmem:$0x8D60] =	vst v0  }
0x73: {  	[tilespmem:$0x8D70] =	vst v0  }
0x74: {  	[tilespmem:$0x8D80] =	vst v0  }
0x75: {  	[tilespmem:$0x8D90] =	vst v0  }
0x76: {  	[tilespmem:$0x8DA0] =	vst v0  }
0x77: {  	[tilespmem:$0x8DB0] =	vst v0  }
0x78: {  	[tilespmem:$0x8DC0] =	vst v0  }
0x79: {  	[tilespmem:$0x8DD0] =	vst v0  }
0x7a: {  	[tilespmem:$0x8DE0] =	vst v0  }
0x7b: {  	[tilespmem:$0x8DF0] =	vst v0  }
0x7c: {  	[tilespmem:$0x8B00] =	vst v1  }
0x7d: {  	[tilespmem:$0x8B10] =	vst v1  }
0x7e: {  	[tilespmem:$0x8B20] =	vst v1  }
0x7f: {  	[tilespmem:$0x8B30] =	vst v1  }
0x80: {  	[tilespmem:$0x8B40] =	vst v1  }
0x81: {  	[tilespmem:$0x8B50] =	vst v1  }
0x82: {  	[tilespmem:$0x8B60] =	vst v1  }
0x83: {  	[smem:$0x7F0] =	sst s5;
	[tilespmem:$0x8B70] =	vst v1;
	s0 =	simm.s32 $0x0;
	s5 =	simm.s32 $0x200  }
.LBB2_2:
0x84: {  	p1 =	sne.s32 s5, $0xFE00;
	[tilespmem:s0+$0xA70] =	vst v0  }
0x85: {  	[tilespmem:s0+$0xA00] =	vst v0  }
0x86: {  	[tilespmem:s0+$0xA10] =	vst v0  }
.Ltmp2:
0x87: {  	[tilespmem:s0+$0xA20] =	vst v0;
	(pc) =	sbr.rel @p1 .LBB2_2-.Ltmp2, $4  }
0x88: {  	[tilespmem:s0+$0xA30] =	vst v0  }
0x89: {  	[tilespmem:s0+$0xA40] =	vst v0  }
0x8a: {  	[tilespmem:s0+$0xA50] =	vst v0  }
0x8b: {  	[tilespmem:s0+$0xA60] =	vst v0;
	s0 =	sshra.s32 s5, $0x2;
	s5 =	sadd.s32 $0x200, s5  }
0x8c: {  	[tilespmem:s0+$0xA70] =	vst v0  }
0x8d: {  	[tilespmem:s0+$0xA00] =	vst v0  }
0x8e: {  	[tilespmem:s0+$0xA10] =	vst v0  }
0x8f: {  	[tilespmem:s0+$0xA20] =	vst v0  }
0x90: {  	[tilespmem:s0+$0xA30] =	vst v0  }
0x91: {  	[tilespmem:s0+$0xA40] =	vst v0  }
0x92: {  	[tilespmem:s0+$0xA50] =	vst v0  }
0x93: {  	[tilespmem:s0+$0xA60] =	vst v0  }
0x94: {  	[spmem:s18] =	stream.linear.scatter [tilespmem:s2], [sflag:$0x1D], $0x4000, $0x38;
	[tilespmem:$0x1D580] =	vst v63  }
0x95: {  	_ =	swait.ge [sflag:s13], $0x4000  }
0x96: {  	s12 =	sld [smem:$0x7F5]  }
0x97: {  	[sflag:s13] =	ssyncset.done $0x0  }
0x98: {  	[sflag:s13] =	ssyncadd.s32 $0xFFFFC000  }
0x99: {  	[spmem:s12] =	stream.linear.scatter [tilespmem:s2], [sflag:$0x1D], $0x4000, $0x38;
	[tilespmem:$0x1D580] =	vst v63  }
0x9a: {  	_ =	swait.ge [sflag:s13], $0x4000  }
0x9b: {  	s18 =	sld [smem:$0x7F6]  }
0x9c: {  	[sflag:s13] =	ssyncset.done $0x0  }
0x9d: {  	[sflag:s13] =	ssyncadd.s32 $0xFFFFC000  }
0x9e: {  	[spmem:s18] =	stream.linear.scatter [tilespmem:s2], [sflag:$0x1D], $0x4000, $0x38;
	[tilespmem:$0x1D580] =	vst v63  }
0x9f: {  	_ =	swait.ge [sflag:s13], $0x4000  }
0xa0: {  	s23 =	sld [smem:$0x7F7]  }
0xa1: {  	[sflag:s13] =	ssyncset.done $0x0  }
0xa2: {  	[sflag:s13] =	ssyncadd.s32 $0xFFFFC000  }
0xa3: {  	[spmem:s23] =	stream.linear.scatter [tilespmem:s2], [sflag:$0x1D], $0x4000, $0x38;
	[tilespmem:$0x1D580] =	vst v63  }
0xa4: {  	_ =	swait.ge [sflag:s13], $0x4000  }
0xa5: {  	s5 =	sld [smem:$0x7F8]  }
0xa6: {  	[sflag:s13] =	ssyncset.done $0x0  }
0xa7: {  	[sflag:s13] =	ssyncadd.s32 $0xFFFFC000  }
0xa8: {  	[spmem:s5] =	stream.linear.scatter [tilespmem:s2], [sflag:$0x1D], $0x4000, $0x38;
	[tilespmem:$0x1D580] =	vst v63  }
0xa9: {  	_ =	swait.ge [sflag:s13], $0x4000  }
0xaa: {  	[sflag:s13] =	ssyncset.done $0x0  }
0xab: {  	s12 =	simm.s32 $0x8B80;
	[sflag:s13] =	ssyncadd.s32 $0xFFFFC000  }
0xac: {  	[spmem:s22] =	stream.linear.scatter [tilespmem:s12], [sflag:$0x1D], $0x280, $0x38;
	[tilespmem:$0x1D580] =	vst v63  }
0xad: {  	_ =	swait.ge [sflag:s13], $0x280  }
0xae: {  	[sflag:s13] =	ssyncset.done $0x0  }
0xaf: {  	[sflag:s13] =	ssyncadd.s32 $0xFFFFFD80  }
0xb0: {  	[spmem:s24] =	stream.linear.scatter [tilespmem:s12], [sflag:$0x1D], $0x280, $0x38;
	[tilespmem:$0x1D580] =	vst v63  }
0xb1: {  	_ =	swait.ge [sflag:s13], $0x280  }
0xb2: {  	[sflag:s13] =	ssyncset.done $0x0  }
0xb3: {  	[sflag:s13] =	ssyncadd.s32 $0xFFFFFD80  }
0xb4: {  	[bflag:$0x0] =	sbarrier.arrive $0xFFFF  }
0xb5: {  	s5 =	simm.s32 $0x0;
	s18 =	rddreg [dreg:$0x19]  }
0xb6: {  	[tilespmem:s5], [sflag:$0x1] =	stream.linear.gather [hbm4b:s18+s5], $0x80, $0x38;
	[tilespmem:$0x1D580] =	vst v63  }
0xb7: {  	s22 =	rddreg [dreg:$0x12]  }
0xb8: {  	[tilespmem:s8], [sflag:$0x5] =	stream.linear.gather [hbm4b:s28+s5], $0x80, $0x38;
	[tilespmem:$0x1D580] =	vst v63  }
0xb9: {  	s23 =	rddreg [dreg:$0x1c]  }
0xba: {  	[tilespmem:s17], [sflag:$0xD] =	stream.linear.gather [hbm4b:s22+s5], $0x80, $0x38;
	[tilespmem:$0x1D580] =	vst v63  }
0xbb: {  	s24 =	rddreg [dreg:$0x1d]  }
0xbc: {  	[tilespmem:s1], [sflag:$0x2] =	stream.linear.gather [hbm4b:s23+s5], $0x80, $0x38;
	[tilespmem:$0x1D580] =	vst v63  }
0xbd: {  	s12 =	simm.s32 $0x280;
	s13 =	sld [smem:$0x7F9]  }
0xbe: {  	[tilespmem:s12], [sflag:$0x6] =	stream.linear.gather [hbm4b:s24+s5], $0x80, $0x38;
	[tilespmem:$0x1D580] =	vst v63  }
0xbf: {  	s18 =	rddreg [dreg:$0x13]  }
0xc0: {  	[tilespmem:s6], [sflag:$0xE] =	stream.linear.gather [hbm4b:s13+s5], $0x80, $0x38;
	[tilespmem:$0x1D580] =	vst v63  }
0xc1: {  	s22 =	rddreg [dreg:$0x14]  }
0xc2: {  	[tilespmem:s14], [sflag:$0x3] =	stream.linear.gather [hbm4b:s18+s5], $0x80, $0x38;
	[tilespmem:$0x1D580] =	vst v63  }
0xc3: {  	s23 =	sld [smem:$0x7FA]  }
0xc4: {  	[tilespmem:s15], [sflag:$0x7] =	stream.linear.gather [hbm4b:s22+s5], $0x80, $0x38;
	[tilespmem:$0x1D580] =	vst v63  }
0xc5: {  	s24 =	rddreg [dreg:$0x16]  }
0xc6: {  	[tilespmem:s19], [sflag:$0xF] =	stream.linear.gather [hbm4b:s23+s5], $0x80, $0x38;
	[tilespmem:$0x1D580] =	vst v63  }
0xc7: {  	s12 =	sld [smem:$0x7FB]  }
0xc8: {  	[tilespmem:s20], [sflag:$0x4] =	stream.linear.gather [hbm4b:s24+s5], $0x80, $0x38;
	[tilespmem:$0x1D580] =	vst v63  }
0xc9: {  	s6 =	rddreg [dreg:$0x17];
	s19 =	simm.s32 $0x380  }
0xca: {  	[tilespmem:s19], [sflag:$0x8] =	stream.linear.gather [hbm4b:s6+s5], $0x80, $0x38;
	[tilespmem:$0x1D580] =	vst v63  }
0xcb: {  	s13 =	simm.s32 $0x580  }
0xcc: {  	[tilespmem:s13], [sflag:$0x10] =	stream.linear.gather [hbm4b:s12+s5], $0x80, $0x38;
	[tilespmem:$0x1D580] =	vst v63  }
0xcd: {  	s12 =	simm.s32 $0x1  }
0xce: {  	_ =	swait.ge [sflag:s12], $0x80  }
0xcf: {  	[sflag:s12] =	ssyncset.done $0x0  }
0xd0: {  	s15 =	simm.s32 $0x2;
	[sflag:s12] =	ssyncadd.s32 $0xFFFFFF80  }
0xd1: {  	[tilespmem:s2], [sflag:$0x9] =	stream.indirect.gather [hbm4b:s25+s1], $0x80, s5, s1, $0xb8;
	[tilespmem:$0x1D580] =	vst v63  }
0xd2: {  	_ =	swait.ge [sflag:s15], $0x80  }
0xd3: {  	[sflag:s15] =	ssyncset.done $0x0  }
0xd4: {  	s18 =	simm.s32 $0x4A00;
	[sflag:s15] =	ssyncadd.s32 $0xFFFFFF80  }
0xd5: {  	[tilespmem:s18], [sflag:$0xA] =	stream.indirect.gather [hbm4b:s25+s1], $0x80, s1, s1, $0xb8;
	[tilespmem:$0x1D580] =	vst v63  }
0xd6: {  	_ =	swait.ge [sflag:s4], $0x4000  }
0xd7: {  	[sflag:s4] =	ssyncset.done $0x0  }
0xd8: {  	s20 =	simm.s32 $0x5;
	[sflag:s4] =	ssyncadd.s32 $0xFFFFC000  }
0xd9: {  	_ =	swait.ge [sflag:s20], $0x80  }
0xda: {  	[sflag:s20] =	ssyncset.done $0x0  }
0xdb: {  	[sflag:s20] =	ssyncadd.s32 $0xFFFFFF80  }
0xdc: {  	[spmem:s30] =	stream.indirect.scatter.add.f32 [tilespmem:s2], [sflag:$0xB], $0x80, s8, s1, $0xb8;
	[tilespmem:$0x1D580] =	vst v63  }
0xdd: {  	_ =	swait.ge [sflag:s10], $0x4000  }
0xde: {  	s23 =	rddreg [dreg:$0x15]  }
0xdf: {  	s2 =	rddreg [dreg:$0xd]  }
0xe0: {  	[sflag:s10] =	ssyncset.done $0x0;
	s8 =	sadd.s32 s23, s2  }
0xe1: {  	s2 =	sadd.s32 s23, s9;
	[sflag:s10] =	ssyncadd.s32 $0xFFFFC000;
	s4 =	sadd.s32 $0x40, s8  }
0xe2: {  	[tilespmem:s16], [sflag:$0x1] =	stream.linear.gather [hbm4b:s4+s16], $0x80, $0x38;
	[tilespmem:$0x1D580] =	vst v63  }
0xe3: {  	s24 =	simm.s32 $0x200;
	s13 =	simm.s32 $0x3;
	s10 =	sadd.s32 $0x40, s2  }
0xe4: {  	[tilespmem:s24], [sflag:$0x5] =	stream.linear.gather [hbm4b:s10+s16], $0x80, $0x38;
	[tilespmem:$0x1D580] =	vst v63  }
0xe5: {  	_ =	swait.ge [sflag:s13], $0x80  }
0xe6: {  	[sflag:s13] =	ssyncset.done $0x0  }
0xe7: {  	s22 =	simm.s32 $0xA00;
	[sflag:s13] =	ssyncadd.s32 $0xFFFFFF80  }
0xe8: {  	[tilespmem:s22], [sflag:$0x9] =	stream.indirect.gather [hbm4b:s25+s1], $0x80, s14, s1, $0xb8;
	[tilespmem:$0x1D580] =	vst v63  }
0xe9: {  	_ =	swait.ge [sflag:s21], $0x80  }
0xea: {  	p1 =	por $0x1, $0x1;
	[sflag:s21] =	ssyncset.done $0x0  }
0xeb: {  	s0 =	simm.s32 @p1 $0xE;
	[sflag:s21] =	ssyncadd.s32 $0xFFFFFF80  }
0xec: {  	[spmem:s3] =	stream.indirect.scatter.add.f32 [tilespmem:s11], [sflag:$0x11], $0x1, s17, s1, $0xb8;
	[tilespmem:$0x1D580] =	vst v63  }
0xed: {  	s18 =	simm.s32 @p1 $0x80;
	_ =	swait.ge @p1 [sflag:s0], $0x80  }
0xee: {  	s20 =	simm.s32 @p1 $0x480;
	s14 =	simm.s32 @p1 $0x8B00;
	[sflag:s0] =	ssyncset.done @p1 $0x0  }
0xef: {  	s28 =	sld [smem:$0x7FC];
	[sflag:s0] =	ssyncadd.s32 @p1 $0xFFFFFF80;
	s0 =	simm.s32 @!p1 $0x13  }
0xf0: {  	[spmem:s3] =	stream.indirect.scatter.add.f32 @p1 [tilespmem:s14], [sflag:$0x12], $0x1, s20, s18, $0xb8;
	[tilespmem:$0x1D580] =	vst v63  }
0xf1: {  	s21 =	simm.s32 @!p1 $0x500;
	_ =	swait.ge @!p1 [sflag:s0], $0x80  }
0xf2: {  	s20 =	simm.s32 @!p1 $0x0;
	s14 =	sadd.s32 @!p1 s28, s9;
	[sflag:s0] =	ssyncset.done @!p1 $0x0  }
0xf3: {  	s18 =	sadd.s32 @!p1 $0x20, s14;
	[sflag:s0] =	ssyncadd.s32 @!p1 $0xFFFFFF80;
	s0 =	simm.s32 @!p1 $0xE  }
0xf4: {  	[tilespmem:s21], [sflag:$0xF] =	stream.linear.gather @!p1 [hbm4b:s18+s20], $0x80, $0x38;
	[tilespmem:$0x1D580] =	vst v63  }
0xf5: {  	_ =	swait.ge @!p1 [sflag:s0], $0x80  }
0xf6: {  	s18 =	simm.s32 @!p1 $0x8B00;
	[sflag:s0] =	ssyncset.done @!p1 $0x0  }
0xf7: {  	s21 =	simm.s32 @!p1 $0x80;
	[sflag:s0] =	ssyncadd.s32 @!p1 $0xFFFFFF80;
	s0 =	simm.s32 @!p1 $0x480  }
0xf8: {  	[spmem:s3] =	stream.indirect.scatter.add.f32 @!p1 [tilespmem:s18], [sflag:$0x12], $0x1, s0, s21, $0xb8;
	[tilespmem:$0x1D580] =	vst v63  }
0xf9: {  	s0 =	simm.s32 @!p1 $0x14  }
0xfa: {  	_ =	swait.ge @!p1 [sflag:s0], $0x80  }
0xfb: {  	[sflag:s0] =	ssyncset.done @!p1 $0x0  }
0xfc: {  	s14 =	sadd.s32 @!p1 $0x30, s14;
	s18 =	simm.s32 @!p1 $0x580;
	[sflag:s0] =	ssyncadd.s32 @!p1 $0xFFFFFF80  }
0xfd: {  	[tilespmem:s18], [sflag:$0x10] =	stream.linear.gather @!p1 [hbm4b:s14+s20], $0x80, $0x38;
	[tilespmem:$0x1D580] =	vst v63  }
0xfe: {  	_ =	swait.ge [sflag:s7], $0x4000  }
0xff: {  	[sflag:s7] =	ssyncset.done $0x0  }
0x100: {  	s18 =	simm.s32 $0x6;
	[sflag:s7] =	ssyncadd.s32 $0xFFFFC000  }
0x101: {  	_ =	swait.ge [sflag:s18], $0x80  }
0x102: {  	[sflag:s18] =	ssyncset.done $0x0  }
0x103: {  	s21 =	simm.s32 $0x280;
	s20 =	simm.s32 $0x4A00;
	[sflag:s18] =	ssyncadd.s32 $0xFFFFFF80  }
0x104: {  	[spmem:s30] =	stream.indirect.scatter.add.f32 [tilespmem:s20], [sflag:$0xC], $0x80, s21, s1, $0xb8;
	[tilespmem:$0x1D580] =	vst v63  }
0x105: {  	_ =	swait.ge [sflag:s31], $0x4000  }
0x106: {  	[sflag:s31] =	ssyncset.done $0x0  }
0x107: {  	s24 =	simm.s32 $0x0;
	s22 =	sadd.s32 $0x50, s8;
	[sflag:s31] =	ssyncadd.s32 $0xFFFFC000  }
0x108: {  	[tilespmem:s1], [sflag:$0x2] =	stream.linear.gather [hbm4b:s22+s24], $0x80, $0x38;
	[tilespmem:$0x1D580] =	vst v63  }
0x109: {  	s4 =	simm.s32 $0x4;
	s31 =	sadd.s32 $0x50, s2  }
0x10a: {  	[tilespmem:s21], [sflag:$0x6] =	stream.linear.gather [hbm4b:s31+s24], $0x80, $0x38;
	[tilespmem:$0x1D580] =	vst v63  }
0x10b: {  	_ =	swait.ge [sflag:s4], $0x80  }
0x10c: {  	[sflag:s4] =	ssyncset.done $0x0  }
0x10d: {  	s16 =	simm.s32 $0x180;
	[sflag:s4] =	ssyncadd.s32 $0xFFFFFF80  }
0x10e: {  	[tilespmem:s20], [sflag:$0xA] =	stream.indirect.gather [hbm4b:s25+s1], $0x80, s16, s1, $0xb8;
	[tilespmem:$0x1D580] =	vst v63  }
0x10f: {  	_ =	swait.ge [sflag:s29], $0x80  }
0x110: {  	[sflag:s29] =	ssyncset.done $0x0  }
0x111: {  	s15 =	simm.s32 $0x500;
	[sflag:s29] =	ssyncadd.s32 $0xFFFFFF80  }
0x112: {  	[spmem:s3] =	stream.indirect.scatter.add.f32 [tilespmem:s11], [sflag:$0x13], $0x1, s15, s1, $0xb8;
	[tilespmem:$0x1D580] =	vst v63  }
0x113: {  	_ =	swait.ge [sflag:s26], $0x80  }
0x114: {  	s5 =	simm.s32 @p1 $0x0;
	s6 =	rddreg [dreg:$0x7]  }
0x115: {  	s0 =	sadd.s32 s5, s6  }
0x116: {  	[sflag:s26] =	ssyncset.done $0x0;
	s0 =	sshrl.u32 s0, $0x3  }
0x117: {  	s4 =	simm.s32 $0x10;
	[sflag:s26] =	ssyncadd.s32 $0xFFFFFF80;
	s0 =	sadd.s32 s9, s0  }
0x118: {  	[tilespmem:s17], [sflag:$0xD] =	stream.linear.gather [hbm4b:s0+s24], $0x80, $0x38;
	[tilespmem:$0x1D580] =	vst v63  }
0x119: {  	_ =	swait.ge [sflag:s4], $0x80  }
0x11a: {  	[sflag:s4] =	ssyncset.done $0x0  }
0x11b: {  	s10 =	simm.s32 $0x12;
	s16 =	simm.s32 $0x580;
	[sflag:s4] =	ssyncadd.s32 $0xFFFFFF80  }
0x11c: {  	[spmem:s3] =	stream.indirect.scatter.add.f32 [tilespmem:s11], [sflag:$0x14], $0x1, s16, s1, $0xb8;
	[tilespmem:$0x1D580] =	vst v63  }
0x11d: {  	_ =	swait.ge [sflag:s10], $0x80  }
0x11e: {  	s7 =	rddreg [dreg:$0x8]  }
0x11f: {  	s0 =	sadd.s32 s5, s7  }
0x120: {  	s21 =	simm.s32 $0x9;
	[sflag:s10] =	ssyncset.done $0x0;
	s0 =	sshrl.u32 s0, $0x3  }
0x121: {  	[sflag:s10] =	ssyncadd.s32 $0xFFFFFF80;
	s7 =	simm.s32 $0x480;
	s0 =	sadd.s32 s9, s0  }
0x122: {  	[tilespmem:s7], [sflag:$0xE] =	stream.linear.gather [hbm4b:s0+s24], $0x80, $0x38;
	[tilespmem:$0x1D580] =	vst v63  }
0x123: {  	_ =	swait.ge [sflag:s21], $0x4000  }
0x124: {  	[sflag:s21] =	ssyncset.done $0x0  }
0x125: {  	s13 =	simm.s32 $0x7;
	[sflag:s21] =	ssyncadd.s32 $0xFFFFC000  }
0x126: {  	_ =	swait.ge [sflag:s13], $0x80  }
0x127: {  	s31 =	simm.s32 $0xB;
	[sflag:s13] =	ssyncset.done $0x0  }
0x128: {  	s29 =	simm.s32 $0x300;
	s6 =	simm.s32 $0xA00;
	[sflag:s13] =	ssyncadd.s32 $0xFFFFFF80  }
0x129: {  	[spmem:s30] =	stream.indirect.scatter.add.f32 [tilespmem:s6], [sflag:$0xB], $0x80, s29, s1, $0xb8;
	[tilespmem:$0x1D580] =	vst v63  }
0x12a: {  	_ =	swait.ge [sflag:s31], $0x4000  }
0x12b: {  	[sflag:s31] =	ssyncset.done $0x0  }
0x12c: {  	s14 =	sadd.s32 $0x60, s8;
	s13 =	simm.s32 $0x100;
	[sflag:s31] =	ssyncadd.s32 $0xFFFFC000  }
0x12d: {  	[tilespmem:s13], [sflag:$0x3] =	stream.linear.gather [hbm4b:s14+s24], $0x80, $0x38;
	[tilespmem:$0x1D580] =	vst v63  }
0x12e: {  	s13 =	sadd.s32 $0x60, s2  }
0x12f: {  	[tilespmem:s29], [sflag:$0x7] =	stream.linear.gather [hbm4b:s13+s24], $0x80, $0x38;
	[tilespmem:$0x1D580] =	vst v63  }
0x130: {  	_ =	swait.ge [sflag:s12], $0x80  }
0x131: {  	[sflag:s12] =	ssyncset.done $0x0  }
0x132: {  	s15 =	simm.s32 $0xD;
	[sflag:s12] =	ssyncadd.s32 $0xFFFFFF80  }
0x133: {  	[tilespmem:s6], [sflag:$0x9] =	stream.indirect.gather [hbm4b:s25+s1], $0x80, s24, s1, $0xb8;
	[tilespmem:$0x1D580] =	vst v63  }
0x134: {  	_ =	swait.ge [sflag:s15], $0x80  }
0x135: {  	[sflag:s15] =	ssyncset.done $0x0  }
0x136: {  	[sflag:s15] =	ssyncadd.s32 $0xFFFFFF80  }
0x137: {  	[spmem:s3] =	stream.indirect.scatter.add.f32 [tilespmem:s11], [sflag:$0x11], $0x1, s17, s1, $0xb8;
	[tilespmem:$0x1D580] =	vst v63  }
0x138: {  	s1 =	simm.s32 $0x13  }
0x139: {  	_ =	swait.ge [sflag:s1], $0x80  }
0x13a: {  	s14 =	rddreg [dreg:$0x9]  }
0x13b: {  	s0 =	sadd.s32 s5, s14  }
0x13c: {  	s13 =	simm.s32 $0x500;
	[sflag:s1] =	ssyncset.done $0x0;
	s0 =	sshrl.u32 s0, $0x3  }
0x13d: {  	s6 =	simm.s32 $0xE;
	[sflag:s1] =	ssyncadd.s32 $0xFFFFFF80;
	s0 =	sadd.s32 s9, s0  }
0x13e: {  	[tilespmem:s13], [sflag:$0xF] =	stream.linear.gather [hbm4b:s0+s24], $0x80, $0x38;
	[tilespmem:$0x1D580] =	vst v63  }
0x13f: {  	_ =	swait.ge [sflag:s6], $0x80  }
0x140: {  	[sflag:s6] =	ssyncset.done $0x0  }
0x141: {  	s12 =	simm.s32 $0x80;
	[sflag:s6] =	ssyncadd.s32 $0xFFFFFF80  }
0x142: {  	[spmem:s3] =	stream.indirect.scatter.add.f32 [tilespmem:s11], [sflag:$0x12], $0x1, s7, s12, $0xb8;
	[tilespmem:$0x1D580] =	vst v63  }
0x143: {  	s7 =	simm.s32 $0x14  }
0x144: {  	_ =	swait.ge [sflag:s7], $0x80  }
0x145: {  	s29 =	rddreg [dreg:$0xa]  }
0x146: {  	s0 =	sadd.s32 s5, s29  }
0x147: {  	[sflag:s7] =	ssyncset.done $0x0;
	s0 =	sshrl.u32 s0, $0x3  }
0x148: {  	s22 =	simm.s32 $0xA;
	[sflag:s7] =	ssyncadd.s32 $0xFFFFFF80;
	s0 =	sadd.s32 s9, s0  }
0x149: {  	[tilespmem:s16], [sflag:$0x10] =	stream.linear.gather [hbm4b:s0+s24], $0x80, $0x38;
	[tilespmem:$0x1D580] =	vst v63  }
0x14a: {  	_ =	swait.ge [sflag:s22], $0x4000  }
0x14b: {  	[sflag:s22] =	ssyncset.done $0x0  }
0x14c: {  	s29 =	simm.s32 $0x8;
	[sflag:s22] =	ssyncadd.s32 $0xFFFFC000  }
0x14d: {  	_ =	swait.ge [sflag:s29], $0x80  }
0x14e: {  	[sflag:s29] =	ssyncset.done $0x0  }
0x14f: {  	s26 =	simm.s32 $0xC;
	s5 =	simm.s32 $0x4A00;
	[sflag:s29] =	ssyncadd.s32 $0xFFFFFF80  }
0x150: {  	[spmem:s30] =	stream.indirect.scatter.add.f32 [tilespmem:s5], [sflag:$0xC], $0x80, s19, s12, $0xb8;
	[tilespmem:$0x1D580] =	vst v63  }
0x151: {  	_ =	swait.ge [sflag:s26], $0x4000  }
0x152: {  	[sflag:s26] =	ssyncset.done $0x0  }
0x153: {  	s0 =	sadd.s32 $0x70, s8;
	s8 =	simm.s32 $0x180;
	[sflag:s26] =	ssyncadd.s32 $0xFFFFC000  }
0x154: {  	[tilespmem:s8], [sflag:$0x4] =	stream.linear.gather [hbm4b:s0+s24], $0x80, $0x38;
	[tilespmem:$0x1D580] =	vst v63  }
0x155: {  	s2 =	sadd.s32 $0x70, s2;
	s8 =	simm.s32 $0x2  }
0x156: {  	[tilespmem:s19], [sflag:$0x8] =	stream.linear.gather [hbm4b:s2+s24], $0x80, $0x38;
	[tilespmem:$0x1D580] =	vst v63  }
0x157: {  	_ =	swait.ge [sflag:s8], $0x80  }
0x158: {  	[sflag:s8] =	ssyncset.done $0x0  }
0x159: {  	s18 =	simm.s32 $0xF;
	[sflag:s8] =	ssyncadd.s32 $0xFFFFFF80  }
0x15a: {  	[tilespmem:s5], [sflag:$0xA] =	stream.indirect.gather [hbm4b:s25+s12], $0x80, s12, s12, $0xb8;
	[tilespmem:$0x1D580] =	vst v63  }
0x15b: {  	_ =	swait.ge [sflag:s18], $0x80  }
0x15c: {  	[sflag:s18] =	ssyncset.done $0x0  }
0x15d: {  	s20 =	simm.s32 $0x11;
	[sflag:s18] =	ssyncadd.s32 $0xFFFFFF80  }
0x15e: {  	[spmem:s3] =	stream.indirect.scatter.add.f32 [tilespmem:s11], [sflag:$0x13], $0x1, s13, s12, $0xb8;
	[tilespmem:$0x1D580] =	vst v63  }
0x15f: {  	_ =	swait.ge [sflag:s20], $0x80  }
0x160: {  	s5 =	sadd.s32 s28, s9;
	[sflag:s20] =	ssyncset.done $0x0  }
0x161: {  	s13 =	sadd.s32 $0x80, s5;
	[sflag:s20] =	ssyncadd.s32 $0xFFFFFF80  }
0x162: {  	[tilespmem:s17], [sflag:$0xD] =	stream.linear.gather [hbm4b:s13+s24], $0x80, $0x38;
	[tilespmem:$0x1D580] =	vst v63  }
0x163: {  	_ =	swait.ge [sflag:s4], $0x80  }
0x164: {  	[sflag:s4] =	ssyncset.done $0x0  }
0x165: {  	s16 =	simm.s32 $0x580;
	[sflag:s4] =	ssyncadd.s32 $0xFFFFFF80  }
0x166: {  	[spmem:s3] =	stream.indirect.scatter.add.f32 [tilespmem:s11], [sflag:$0x14], $0x1, s16, s12, $0xb8;
	[tilespmem:$0x1D580] =	vst v63  }
0x167: {  	_ =	swait.ge [sflag:s10], $0x80  }
0x168: {  	[sflag:s10] =	ssyncset.done $0x0  }
0x169: {  	s14 =	simm.s32 $0x480;
	s16 =	sadd.s32 $0x90, s5;
	[sflag:s10] =	ssyncadd.s32 $0xFFFFFF80  }
0x16a: {  	[tilespmem:s14], [sflag:$0xE] =	stream.linear.gather [hbm4b:s16+s24], $0x80, $0x38;
	[tilespmem:$0x1D580] =	vst v63  }
0x16b: {  	_ =	swait.ge [sflag:s21], $0x4000  }
0x16c: {  	[sflag:s21] =	ssyncset.done $0x0  }
0x16d: {  	s19 =	simm.s32 $0x5;
	[sflag:s21] =	ssyncadd.s32 $0xFFFFC000  }
0x16e: {  	_ =	swait.ge [sflag:s19], $0x80  }
0x16f: {  	[sflag:s19] =	ssyncset.done $0x0  }
0x170: {  	s18 =	simm.s32 $0x200;
	s13 =	simm.s32 $0xA00;
	[sflag:s19] =	ssyncadd.s32 $0xFFFFFF80  }
0x171: {  	[spmem:s30] =	stream.indirect.scatter.add.f32 [tilespmem:s13], [sflag:$0xB], $0x80, s18, s12, $0xb8;
	[tilespmem:$0x1D580] =	vst v63  }
0x172: {  	_ =	swait.ge [sflag:s31], $0x4000  }
0x173: {  	p1 =	por $0x0, $0x0;
	s0 =	rddreg [dreg:$0xd]  }
0x174: {  	s2 =	simm.s32 @!p1 $0x0;
	[sflag:s31] =	ssyncset.done $0x0;
	s14 =	sadd.s32 @!p1 s23, s0  }
0x175: {  	s8 =	sadd.s32 @!p1 s23, s9;
	[sflag:s31] =	ssyncadd.s32 $0xFFFFC000;
	s0 =	sadd.s32 @!p1 $0x80, s14  }
0x176: {  	[tilespmem:s2], [sflag:$0x1] =	stream.linear.gather @!p1 [hbm4b:s0+s2], $0x80, $0x38;
	[tilespmem:$0x1D580] =	vst v63  }
0x177: {  	s20 =	simm.s32 $0x3;
	s18 =	simm.s32 @!p1 $0x200;
	s0 =	sadd.s32 @!p1 $0x80, s8  }
0x178: {  	[tilespmem:s18], [sflag:$0x5] =	stream.linear.gather @!p1 [hbm4b:s0+s2], $0x80, $0x38;
	[tilespmem:$0x1D580] =	vst v63  }
0x179: {  	_ =	swait.ge [sflag:s20], $0x80  }
0x17a: {  	[sflag:s20] =	ssyncset.done $0x0  }
0x17b: {  	s23 =	simm.s32 $0x100;
	[sflag:s20] =	ssyncadd.s32 $0xFFFFFF80  }
0x17c: {  	[tilespmem:s13], [sflag:$0x9] =	stream.indirect.gather [hbm4b:s25+s12], $0x80, s23, s12, $0xb8;
	[tilespmem:$0x1D580] =	vst v63  }
0x17d: {  	_ =	swait.ge [sflag:s15], $0x80  }
0x17e: {  	[sflag:s15] =	ssyncset.done $0x0  }
0x17f: {  	[sflag:s15] =	ssyncadd.s32 $0xFFFFFF80  }
0x180: {  	[spmem:s3] =	stream.indirect.scatter.add.f32 [tilespmem:s11], [sflag:$0x11], $0x1, s17, s12, $0xb8;
	[tilespmem:$0x1D580] =	vst v63  }
0x181: {  	_ =	swait.ge [sflag:s1], $0x80  }
0x182: {  	s16 =	simm.s32 $0x0;
	[sflag:s1] =	ssyncset.done $0x0  }
0x183: {  	s13 =	sadd.s32 $0xA0, s5;
	s23 =	simm.s32 $0x500;
	[sflag:s1] =	ssyncadd.s32 $0xFFFFFF80  }
0x184: {  	[tilespmem:s23], [sflag:$0xF] =	stream.linear.gather [hbm4b:s13+s16], $0x80, $0x38;
	[tilespmem:$0x1D580] =	vst v63  }
0x185: {  	_ =	swait.ge [sflag:s6], $0x80  }
0x186: {  	[sflag:s6] =	ssyncset.done $0x0  }
0x187: {  	s24 =	simm.s32 $0x480;
	[sflag:s6] =	ssyncadd.s32 $0xFFFFFF80  }
0x188: {  	[spmem:s3] =	stream.indirect.scatter.add.f32 [tilespmem:s11], [sflag:$0x12], $0x1, s24, s12, $0xb8;
	[tilespmem:$0x1D580] =	vst v63  }
0x189: {  	_ =	swait.ge [sflag:s7], $0x80  }
0x18a: {  	[sflag:s7] =	ssyncset.done $0x0  }
0x18b: {  	s18 =	sadd.s32 $0xB0, s5;
	s13 =	simm.s32 $0x580;
	[sflag:s7] =	ssyncadd.s32 $0xFFFFFF80  }
0x18c: {  	[tilespmem:s13], [sflag:$0x10] =	stream.linear.gather [hbm4b:s18+s16], $0x80, $0x38;
	[tilespmem:$0x1D580] =	vst v63  }
0x18d: {  	_ =	swait.ge [sflag:s22], $0x4000  }
0x18e: {  	[sflag:s22] =	ssyncset.done $0x0  }
0x18f: {  	s20 =	simm.s32 $0x6;
	[sflag:s22] =	ssyncadd.s32 $0xFFFFC000  }
0x190: {  	_ =	swait.ge [sflag:s20], $0x80  }
0x191: {  	[sflag:s20] =	ssyncset.done $0x0  }
0x192: {  	s24 =	simm.s32 $0x280;
	s18 =	simm.s32 $0x4A00;
	[sflag:s20] =	ssyncadd.s32 $0xFFFFFF80  }
0x193: {  	[spmem:s30] =	stream.indirect.scatter.add.f32 [tilespmem:s18], [sflag:$0xC], $0x80, s24, s12, $0xb8;
	[tilespmem:$0x1D580] =	vst v63  }
0x194: {  	_ =	swait.ge [sflag:s26], $0x4000  }
0x195: {  	[sflag:s26] =	ssyncset.done $0x0  }
0x196: {  	s0 =	sadd.s32 @!p1 $0x90, s14;
	s24 =	simm.s32 @!p1 $0x80;
	[sflag:s26] =	ssyncadd.s32 $0xFFFFC000  }
0x197: {  	[tilespmem:s24], [sflag:$0x2] =	stream.linear.gather @!p1 [hbm4b:s0+s2], $0x80, $0x38;
	[tilespmem:$0x1D580] =	vst v63  }
0x198: {  	s20 =	simm.s32 @!p1 $0x280;
	s0 =	sadd.s32 @!p1 $0x90, s8  }
0x199: {  	[tilespmem:s20], [sflag:$0x6] =	stream.linear.gather @!p1 [hbm4b:s0+s2], $0x80, $0x38;
	[tilespmem:$0x1D580] =	vst v63  }
0x19a: {  	s20 =	simm.s32 $0x4  }
0x19b: {  	_ =	swait.ge [sflag:s20], $0x80  }
0x19c: {  	[sflag:s20] =	ssyncset.done $0x0  }
0x19d: {  	[sflag:s20] =	ssyncadd.s32 $0xFFFFFF80;
	s20 =	simm.s32 $0x180  }
0x19e: {  	[tilespmem:s18], [sflag:$0xA] =	stream.indirect.gather [hbm4b:s25+s12], $0x80, s20, s12, $0xb8;
	[tilespmem:$0x1D580] =	vst v63  }
0x19f: {  	s20 =	simm.s32 $0xF  }
0x1a0: {  	_ =	swait.ge [sflag:s20], $0x80  }
0x1a1: {  	[sflag:s20] =	ssyncset.done $0x0  }
0x1a2: {  	s0 =	simm.s32 $0x11;
	[sflag:s20] =	ssyncadd.s32 $0xFFFFFF80  }
0x1a3: {  	[spmem:s3] =	stream.indirect.scatter.add.f32 [tilespmem:s11], [sflag:$0x13], $0x1, s23, s12, $0xb8;
	[tilespmem:$0x1D580] =	vst v63  }
0x1a4: {  	_ =	swait.ge [sflag:s0], $0x80  }
0x1a5: {  	[sflag:s0] =	ssyncset.done $0x0  }
0x1a6: {  	s20 =	sadd.s32 $0xC0, s5;
	[sflag:s0] =	ssyncadd.s32 $0xFFFFFF80  }
0x1a7: {  	[tilespmem:s17], [sflag:$0xD] =	stream.linear.gather [hbm4b:s20+s16], $0x80, $0x38;
	[tilespmem:$0x1D580] =	vst v63  }
0x1a8: {  	_ =	swait.ge [sflag:s4], $0x80  }
0x1a9: {  	[sflag:s4] =	ssyncset.done $0x0  }
0x1aa: {  	[sflag:s4] =	ssyncadd.s32 $0xFFFFFF80  }
0x1ab: {  	[spmem:s3] =	stream.indirect.scatter.add.f32 [tilespmem:s11], [sflag:$0x14], $0x1, s13, s12, $0xb8;
	[tilespmem:$0x1D580] =	vst v63  }
0x1ac: {  	_ =	swait.ge [sflag:s10], $0x80  }
0x1ad: {  	[sflag:s10] =	ssyncset.done $0x0  }
0x1ae: {  	s20 =	sadd.s32 $0xD0, s5;
	[sflag:s10] =	ssyncadd.s32 $0xFFFFFF80;
	s10 =	simm.s32 $0x480  }
0x1af: {  	[tilespmem:s10], [sflag:$0xE] =	stream.linear.gather [hbm4b:s20+s16], $0x80, $0x38;
	[tilespmem:$0x1D580] =	vst v63  }
0x1b0: {  	_ =	swait.ge [sflag:s21], $0x4000  }
0x1b1: {  	[sflag:s21] =	ssyncset.done $0x0  }
0x1b2: {  	s13 =	simm.s32 $0x7;
	[sflag:s21] =	ssyncadd.s32 $0xFFFFC000  }
0x1b3: {  	_ =	swait.ge [sflag:s13], $0x80  }
0x1b4: {  	[sflag:s13] =	ssyncset.done $0x0  }
0x1b5: {  	s20 =	simm.s32 $0x300;
	s21 =	simm.s32 $0xA00;
	[sflag:s13] =	ssyncadd.s32 $0xFFFFFF80  }
0x1b6: {  	[spmem:s30] =	stream.indirect.scatter.add.f32 [tilespmem:s21], [sflag:$0xB], $0x80, s20, s12, $0xb8;
	[tilespmem:$0x1D580] =	vst v63  }
0x1b7: {  	_ =	swait.ge [sflag:s31], $0x4000  }
0x1b8: {  	[sflag:s31] =	ssyncset.done $0x0  }
0x1b9: {  	s0 =	sadd.s32 @!p1 $0xA0, s14;
	s20 =	simm.s32 @!p1 $0x100;
	[sflag:s31] =	ssyncadd.s32 $0xFFFFC000  }
0x1ba: {  	[tilespmem:s20], [sflag:$0x3] =	stream.linear.gather @!p1 [hbm4b:s0+s2], $0x80, $0x38;
	[tilespmem:$0x1D580] =	vst v63  }
0x1bb: {  	s21 =	simm.s32 @!p1 $0x1;
	s0 =	sadd.s32 @!p1 $0xA0, s8;
	s20 =	simm.s32 @!p1 $0x300  }
0x1bc: {  	[tilespmem:s20], [sflag:$0x7] =	stream.linear.gather @!p1 [hbm4b:s0+s2], $0x80, $0x38;
	[tilespmem:$0x1D580] =	vst v63  }
0x1bd: {  	_ =	swait.ge @!p1 [sflag:s21], $0x80  }
0x1be: {  	[sflag:s21] =	ssyncset.done @!p1 $0x0  }
0x1bf: {  	s0 =	simm.s32 @!p1 $0xA00;
	[sflag:s21] =	ssyncadd.s32 @!p1 $0xFFFFFF80  }
0x1c0: {  	[tilespmem:s0], [sflag:$0x9] =	stream.indirect.gather @!p1 [hbm4b:s25+s24], $0x80, s2, s24, $0xb8;
	[tilespmem:$0x1D580] =	vst v63  }
0x1c1: {  	_ =	swait.ge [sflag:s15], $0x80  }
0x1c2: {  	[sflag:s15] =	ssyncset.done $0x0  }
0x1c3: {  	[sflag:s15] =	ssyncadd.s32 $0xFFFFFF80  }
0x1c4: {  	[spmem:s3] =	stream.indirect.scatter.add.f32 [tilespmem:s11], [sflag:$0x11], $0x1, s17, s12, $0xb8;
	[tilespmem:$0x1D580] =	vst v63  }
0x1c5: {  	_ =	swait.ge [sflag:s1], $0x80  }
0x1c6: {  	[sflag:s1] =	ssyncset.done $0x0  }
0x1c7: {  	s23 =	simm.s32 $0x500;
	s20 =	sadd.s32 $0xE0, s5;
	[sflag:s1] =	ssyncadd.s32 $0xFFFFFF80  }
0x1c8: {  	[tilespmem:s23], [sflag:$0xF] =	stream.linear.gather [hbm4b:s20+s16], $0x80, $0x38;
	[tilespmem:$0x1D580] =	vst v63  }
0x1c9: {  	_ =	swait.ge [sflag:s6], $0x80  }
0x1ca: {  	[sflag:s6] =	ssyncset.done $0x0  }
0x1cb: {  	s1 =	simm.s32 $0x80;
	[sflag:s6] =	ssyncadd.s32 $0xFFFFFF80  }
0x1cc: {  	[spmem:s3] =	stream.indirect.scatter.add.f32 [tilespmem:s11], [sflag:$0x12], $0x1, s10, s1, $0xb8;
	[tilespmem:$0x1D580] =	vst v63  }
0x1cd: {  	_ =	swait.ge [sflag:s7], $0x80  }
0x1ce: {  	[sflag:s7] =	ssyncset.done $0x0  }
0x1cf: {  	s4 =	simm.s32 $0x580;
	s21 =	sadd.s32 $0xF0, s5;
	[sflag:s7] =	ssyncadd.s32 $0xFFFFFF80  }
0x1d0: {  	[tilespmem:s4], [sflag:$0x10] =	stream.linear.gather [hbm4b:s21+s16], $0x80, $0x38;
	[tilespmem:$0x1D580] =	vst v63  }
0x1d1: {  	_ =	swait.ge [sflag:s22], $0x4000  }
0x1d2: {  	[sflag:s22] =	ssyncset.done $0x0  }
0x1d3: {  	[sflag:s22] =	ssyncadd.s32 $0xFFFFC000  }
0x1d4: {  	_ =	swait.ge [sflag:s29], $0x80  }
0x1d5: {  	[sflag:s29] =	ssyncset.done $0x0  }
0x1d6: {  	s22 =	simm.s32 $0x380;
	[sflag:s29] =	ssyncadd.s32 $0xFFFFFF80;
	s29 =	simm.s32 $0x4A00  }
0x1d7: {  	[spmem:s30] =	stream.indirect.scatter.add.f32 [tilespmem:s29], [sflag:$0xC], $0x80, s22, s1, $0xb8;
	[tilespmem:$0x1D580] =	vst v63  }
0x1d8: {  	_ =	swait.ge [sflag:s26], $0x4000  }
0x1d9: {  	[sflag:s26] =	ssyncset.done $0x0  }
0x1da: {  	s5 =	simm.s32 @!p1 $0x180;
	s0 =	sadd.s32 @!p1 $0xB0, s14;
	[sflag:s26] =	ssyncadd.s32 $0xFFFFC000  }
0x1db: {  	[tilespmem:s5], [sflag:$0x4] =	stream.linear.gather @!p1 [hbm4b:s0+s2], $0x80, $0x38;
	[tilespmem:$0x1D580] =	vst v63  }
0x1dc: {  	s0 =	sadd.s32 @!p1 $0xB0, s8;
	s5 =	simm.s32 @!p1 $0x380;
	s8 =	simm.s32 @!p1 $0x2  }
0x1dd: {  	[tilespmem:s5], [sflag:$0x8] =	stream.linear.gather @!p1 [hbm4b:s0+s2], $0x80, $0x38;
	[tilespmem:$0x1D580] =	vst v63  }
0x1de: {  	_ =	swait.ge @!p1 [sflag:s8], $0x80  }
0x1df: {  	[sflag:s8] =	ssyncset.done @!p1 $0x0  }
0x1e0: {  	s28 =	simm.s32 $0xF;
	s0 =	simm.s32 @!p1 $0x4A00;
	[sflag:s8] =	ssyncadd.s32 @!p1 $0xFFFFFF80  }
0x1e1: {  	[tilespmem:s0], [sflag:$0xA] =	stream.indirect.gather @!p1 [hbm4b:s25+s24], $0x80, s24, s24, $0xb8;
	[tilespmem:$0x1D580] =	vst v63  }
0x1e2: {  	_ =	swait.ge [sflag:s28], $0x80  }
0x1e3: {  	[sflag:s28] =	ssyncset.done $0x0  }
0x1e4: {  	s18 =	simm.s32 $0x11;
	[sflag:s28] =	ssyncadd.s32 $0xFFFFFF80  }
0x1e5: {  	[spmem:s3] =	stream.indirect.scatter.add.f32 [tilespmem:s11], [sflag:$0x13], $0x1, s23, s1, $0xb8;
	[tilespmem:$0x1D580] =	vst v63  }
0x1e6: {  	_ =	swait.ge [sflag:s18], $0x80  }
0x1e7: {  	p2 =	por $0x0, $0x0;
	[sflag:s18] =	ssyncset.done $0x0  }
0x1e8: {  	s0 =	simm.s32 @p2 $0x10;
	[sflag:s18] =	ssyncadd.s32 $0xFFFFFF80  }
0x1e9: {  	s5 =	simm.s32 @p2 $0x8B00;
	_ =	swait.ge @p2 [sflag:s0], $0x80  }
0x1ea: {  	s2 =	simm.s32 @p2 $0x580;
	s8 =	simm.s32 @p2 $0x80;
	[sflag:s0] =	ssyncset.done @p2 $0x0  }
0x1eb: {  	s13 =	sld [smem:$0x7FC];
	[sflag:s0] =	ssyncadd.s32 @p2 $0xFFFFFF80;
	s0 =	simm.s32 @p2 $0x12  }
0x1ec: {  	[spmem:s3] =	stream.indirect.scatter.add.f32 @p2 [tilespmem:s5], [sflag:$0x14], $0x1, s2, s8, $0xb8;
	[tilespmem:$0x1D580] =	vst v63  }
0x1ed: {  	s14 =	simm.s32 @!p2 $0x400;
	_ =	swait.ge @p2 [sflag:s0], $0x80  }
0x1ee: {  	s8 =	simm.s32 @!p2 $0x0;
	s2 =	sadd.s32 @!p2 s13, s9;
	[sflag:s0] =	ssyncset.done @p2 $0x0  }
0x1ef: {  	s5 =	sadd.s32 @!p2 $0x100, s2;
	[sflag:s0] =	ssyncadd.s32 @p2 $0xFFFFFF80;
	s0 =	simm.s32 @!p2 $0x10  }
0x1f0: {  	[tilespmem:s14], [sflag:$0xD] =	stream.linear.gather @!p2 [hbm4b:s5+s8], $0x80, $0x38;
	[tilespmem:$0x1D580] =	vst v63  }
0x1f1: {  	_ =	swait.ge @!p2 [sflag:s0], $0x80  }
0x1f2: {  	s20 =	simm.s32 @!p2 $0x8B00;
	s21 =	simm.s32 @!p2 $0x80;
	[sflag:s0] =	ssyncset.done @!p2 $0x0  }
0x1f3: {  	s18 =	simm.s32 @!p2 $0x580;
	s5 =	simm.s32 @!p2 $0x12;
	[sflag:s0] =	ssyncadd.s32 @!p2 $0xFFFFFF80  }
0x1f4: {  	[spmem:s3] =	stream.indirect.scatter.add.f32 @!p2 [tilespmem:s20], [sflag:$0x14], $0x1, s18, s21, $0xb8;
	[tilespmem:$0x1D580] =	vst v63  }
0x1f5: {  	s6 =	simm.s32 $0xF;
	_ =	swait.ge @!p2 [sflag:s5], $0x80  }
0x1f6: {  	s4 =	simm.s32 $0x800;
	s0 =	sadd.s32 @!p2 $0x110, s2;
	s31 =	rddreg [dreg:$0x15]  }
0x1f7: {  	s18 =	simm.s32 @!p2 $0x480;
	[sflag:s5] =	ssyncset.done @!p2 $0x0;
	s28 =	sadd.s32 $0x80, s31  }
.LBB2_4:
0x1f8: {  	[dreg:$0xc] =	wrdreg s6;
	s31 =	sadd.s32 $0x800, s4  }
0x1f9: {  	[sflag:s5] =	ssyncadd.s32 @!p2 $0xFFFFFF80;
	s2 =	simm.s32 $0x9;
	[dreg:$0xb] =	wrdreg s31  }
0x1fa: {  	[tilespmem:s18], [sflag:$0xE] =	stream.linear.gather @!p2 [hbm4b:s0+s8], $0x80, $0x38;
	[tilespmem:$0x1D580] =	vst v63  }
0x1fb: {  	_ =	swait.ge [sflag:s2], $0x4000  }
0x1fc: {  	[sflag:s2] =	ssyncset.done $0x0  }
0x1fd: {  	[sflag:s2] =	ssyncadd.s32 $0xFFFFC000  }
0x1fe: {  	_ =	swait.ge [sflag:s19], $0x80  }
0x1ff: {  	s6 =	simm.s32 $0xA00;
	[sflag:s19] =	ssyncset.done $0x0  }
0x200: {  	s10 =	simm.s32 $0xB;
	s2 =	simm.s32 $0x200;
	[sflag:s19] =	ssyncadd.s32 $0xFFFFFF80  }
0x201: {  	[spmem:s30] =	stream.indirect.scatter.add.f32 [tilespmem:s6], [sflag:$0xB], $0x80, s2, s1, $0xb8;
	[tilespmem:$0x1D580] =	vst v63  }
0x202: {  	_ =	swait.ge [sflag:s10], $0x4000  }
0x203: {  	s26 =	rddreg [dreg:$0xd]  }
0x204: {  	[sflag:s10] =	ssyncset.done $0x0;
	s23 =	sadd.s32 s28, s26  }
0x205: {  	s20 =	sadd.s32 s28, s9;
	[sflag:s10] =	ssyncadd.s32 $0xFFFFC000;
	s12 =	sadd.s32 $0x40, s23  }
0x206: {  	[tilespmem:s16], [sflag:$0x1] =	stream.linear.gather [hbm4b:s12+s16], $0x80, $0x38;
	[tilespmem:$0x1D580] =	vst v63  }
0x207: {  	s7 =	simm.s32 $0x200;
	s14 =	sadd.s32 $0x40, s20;
	s2 =	simm.s32 $0x3  }
0x208: {  	[tilespmem:s7], [sflag:$0x5] =	stream.linear.gather [hbm4b:s14+s16], $0x80, $0x38;
	[tilespmem:$0x1D580] =	vst v63  }
0x209: {  	_ =	swait.ge [sflag:s2], $0x80  }
0x20a: {  	s15 =	simm.s32 $0x100;
	[sflag:s2] =	ssyncset.done $0x0  }
0x20b: {  	s8 =	simm.s32 $0xA00;
	s19 =	simm.s32 $0xD;
	[sflag:s2] =	ssyncadd.s32 $0xFFFFFF80  }
0x20c: {  	[tilespmem:s8], [sflag:$0x9] =	stream.indirect.gather [hbm4b:s25+s1], $0x80, s15, s1, $0xb8;
	[tilespmem:$0x1D580] =	vst v63  }
0x20d: {  	s5 =	smov.u32 s4;
	_ =	swait.ge [sflag:s19], $0x80  }
0x20e: {  	p2 =	seq.s32 s5, $0x0;
	[sflag:s19] =	ssyncset.done $0x0  }
0x20f: {  	s13 =	sadd.s32 $0x100, s13;
	s0 =	simm.s32 @p2 $0xE;
	[sflag:s19] =	ssyncadd.s32 $0xFFFFFF80  }
0x210: {  	[spmem:s3] =	stream.indirect.scatter.add.f32 [tilespmem:s11], [sflag:$0x11], $0x1, s17, s1, $0xb8;
	[tilespmem:$0x1D580] =	vst v63  }
0x211: {  	s18 =	simm.s32 @p2 $0x8B00;
	s15 =	smov.u32 s25;
	_ =	swait.ge @p2 [sflag:s0], $0x80  }
0x212: {  	s25 =	simm.s32 @p2 $0x80;
	s17 =	smov.u32 s30;
	[sflag:s0] =	ssyncset.done @p2 $0x0  }
0x213: {  	s30 =	simm.s32 @p2 $0x480;
	[sflag:s0] =	ssyncadd.s32 @p2 $0xFFFFFF80;
	s0 =	simm.s32 @!p2 $0x13  }
0x214: {  	[spmem:s3] =	stream.indirect.scatter.add.f32 @p2 [tilespmem:s18], [sflag:$0x12], $0x1, s30, s25, $0xb8;
	[tilespmem:$0x1D580] =	vst v63  }
0x215: {  	s8 =	sadd.s32 @!p2 s13, s9;
	_ =	swait.ge @!p2 [sflag:s0], $0x80  }
0x216: {  	s21 =	sadd.s32 @!p2 $0x20, s8;
	s18 =	simm.s32 @!p2 $0x0;
	[sflag:s0] =	ssyncset.done @!p2 $0x0  }
0x217: {  	s25 =	simm.s32 @!p2 $0x500;
	[sflag:s0] =	ssyncadd.s32 @!p2 $0xFFFFFF80;
	s0 =	simm.s32 @!p2 $0xE  }
0x218: {  	[tilespmem:s25], [sflag:$0xF] =	stream.linear.gather @!p2 [hbm4b:s21+s18], $0x80, $0x38;
	[tilespmem:$0x1D580] =	vst v63  }
0x219: {  	_ =	swait.ge @!p2 [sflag:s0], $0x80  }
0x21a: {  	s30 =	simm.s32 @!p2 $0x480;
	s21 =	simm.s32 @!p2 $0x8B00;
	[sflag:s0] =	ssyncset.done @!p2 $0x0  }
0x21b: {  	s25 =	simm.s32 @!p2 $0x80;
	[sflag:s0] =	ssyncadd.s32 @!p2 $0xFFFFFF80;
	s0 =	simm.s32 @!p2 $0x14  }
0x21c: {  	[spmem:s3] =	stream.indirect.scatter.add.f32 @!p2 [tilespmem:s21], [sflag:$0x12], $0x1, s30, s25, $0xb8;
	[tilespmem:$0x1D580] =	vst v63  }
0x21d: {  	_ =	swait.ge @!p2 [sflag:s0], $0x80  }
0x21e: {  	s12 =	simm.s32 $0xA;
	[sflag:s0] =	ssyncset.done @!p2 $0x0  }
0x21f: {  	s8 =	sadd.s32 @!p2 $0x30, s8;
	s21 =	simm.s32 @!p2 $0x580;
	[sflag:s0] =	ssyncadd.s32 @!p2 $0xFFFFFF80  }
0x220: {  	[tilespmem:s21], [sflag:$0x10] =	stream.linear.gather @!p2 [hbm4b:s8+s18], $0x80, $0x38;
	[tilespmem:$0x1D580] =	vst v63  }
0x221: {  	_ =	swait.ge [sflag:s12], $0x4000  }
0x222: {  	[sflag:s12] =	ssyncset.done $0x0  }
0x223: {  	s18 =	simm.s32 $0x6;
	[sflag:s12] =	ssyncadd.s32 $0xFFFFC000  }
0x224: {  	_ =	swait.ge [sflag:s18], $0x80  }
0x225: {  	s24 =	simm.s32 $0x280;
	[sflag:s18] =	ssyncset.done $0x0  }
0x226: {  	s10 =	simm.s32 $0xC;
	s21 =	simm.s32 $0x4A00;
	[sflag:s18] =	ssyncadd.s32 $0xFFFFFF80  }
0x227: {  	[spmem:s17] =	stream.indirect.scatter.add.f32 [tilespmem:s21], [sflag:$0xC], $0x80, s24, s1, $0xb8;
	[tilespmem:$0x1D580] =	vst v63  }
0x228: {  	_ =	swait.ge [sflag:s10], $0x4000  }
0x229: {  	[sflag:s10] =	ssyncset.done $0x0  }
0x22a: {  	s4 =	simm.s32 $0x4;
	s29 =	sadd.s32 $0x50, s23;
	[sflag:s10] =	ssyncadd.s32 $0xFFFFC000  }
0x22b: {  	[tilespmem:s1], [sflag:$0x2] =	stream.linear.gather [hbm4b:s29+s16], $0x80, $0x38;
	[tilespmem:$0x1D580] =	vst v63  }
0x22c: {  	p1 =	sne.s32 s31, $0x5000;
	s31 =	sadd.s32 $0x50, s20;
	s25 =	simm.s32 $0x280  }
0x22d: {  	[tilespmem:s25], [sflag:$0x6] =	stream.linear.gather [hbm4b:s31+s16], $0x80, $0x38;
	[tilespmem:$0x1D580] =	vst v63  }
0x22e: {  	_ =	swait.ge [sflag:s4], $0x80  }
0x22f: {  	[sflag:s4] =	ssyncset.done $0x0  }
0x230: {  	s6 =	simm.s32 $0x180;
	s7 =	simm.s32 $0x4A00;
	[sflag:s4] =	ssyncadd.s32 $0xFFFFFF80  }
0x231: {  	[tilespmem:s7], [sflag:$0xA] =	stream.indirect.gather [hbm4b:s15+s1], $0x80, s6, s1, $0xb8;
	[tilespmem:$0x1D580] =	vst v63  }
0x232: {  	s7 =	simm.s32 $0xF  }
0x233: {  	_ =	swait.ge [sflag:s7], $0x80  }
0x234: {  	[sflag:s7] =	ssyncset.done $0x0  }
0x235: {  	s8 =	simm.s32 $0x500;
	s29 =	simm.s32 $0x11;
	[sflag:s7] =	ssyncadd.s32 $0xFFFFFF80  }
0x236: {  	[spmem:s3] =	stream.indirect.scatter.add.f32 [tilespmem:s11], [sflag:$0x13], $0x1, s8, s1, $0xb8;
	[tilespmem:$0x1D580] =	vst v63  }
0x237: {  	s8 =	smov.u32 s5;
	_ =	swait.ge [sflag:s29], $0x80  }
0x238: {  	s8 =	simm.s32 @p2 $0x0;
	s14 =	rddreg [dreg:$0x7]  }
0x239: {  	s0 =	sadd.s32 s8, s14  }
0x23a: {  	s18 =	simm.s32 $0x400;
	[sflag:s29] =	ssyncset.done $0x0;
	s0 =	sshrl.u32 s0, $0x3  }
0x23b: {  	s31 =	simm.s32 $0x10;
	[sflag:s29] =	ssyncadd.s32 $0xFFFFFF80;
	s0 =	sadd.s32 s9, s0  }
0x23c: {  	[tilespmem:s18], [sflag:$0xD] =	stream.linear.gather [hbm4b:s0+s16], $0x80, $0x38;
	[tilespmem:$0x1D580] =	vst v63  }
0x23d: {  	_ =	swait.ge [sflag:s31], $0x80  }
0x23e: {  	s21 =	simm.s32 $0x580;
	[sflag:s31] =	ssyncset.done $0x0  }
0x23f: {  	s4 =	simm.s32 $0x12;
	s16 =	simm.s32 $0x8B00;
	[sflag:s31] =	ssyncadd.s32 $0xFFFFFF80  }
0x240: {  	[spmem:s3] =	stream.indirect.scatter.add.f32 [tilespmem:s16], [sflag:$0x14], $0x1, s21, s1, $0xb8;
	[tilespmem:$0x1D580] =	vst v63  }
0x241: {  	_ =	swait.ge [sflag:s4], $0x80  }
0x242: {  	s24 =	rddreg [dreg:$0x8]  }
0x243: {  	s6 =	simm.s32 $0x9;
	s0 =	sadd.s32 s8, s24  }
0x244: {  	s11 =	simm.s32 $0x0;
	[sflag:s4] =	ssyncset.done $0x0;
	s0 =	sshrl.u32 s0, $0x3  }
0x245: {  	s14 =	simm.s32 $0x480;
	[sflag:s4] =	ssyncadd.s32 $0xFFFFFF80;
	s0 =	sadd.s32 s9, s0  }
0x246: {  	[tilespmem:s14], [sflag:$0xE] =	stream.linear.gather [hbm4b:s0+s11], $0x80, $0x38;
	[tilespmem:$0x1D580] =	vst v63  }
0x247: {  	_ =	swait.ge [sflag:s6], $0x4000  }
0x248: {  	[sflag:s6] =	ssyncset.done $0x0  }
0x249: {  	s14 =	simm.s32 $0x7;
	[sflag:s6] =	ssyncadd.s32 $0xFFFFC000  }
0x24a: {  	_ =	swait.ge [sflag:s14], $0x80  }
0x24b: {  	s18 =	simm.s32 $0x300;
	[sflag:s14] =	ssyncset.done $0x0  }
0x24c: {  	s0 =	simm.s32 $0xB;
	[sflag:s14] =	ssyncadd.s32 $0xFFFFFF80;
	s14 =	simm.s32 $0xA00  }
0x24d: {  	[spmem:s17] =	stream.indirect.scatter.add.f32 [tilespmem:s14], [sflag:$0xB], $0x80, s18, s1, $0xb8;
	[tilespmem:$0x1D580] =	vst v63  }
0x24e: {  	_ =	swait.ge [sflag:s0], $0x4000  }
0x24f: {  	[sflag:s0] =	ssyncset.done $0x0  }
0x250: {  	s22 =	simm.s32 $0x100;
	s18 =	sadd.s32 $0x60, s23;
	[sflag:s0] =	ssyncadd.s32 $0xFFFFC000  }
0x251: {  	[tilespmem:s22], [sflag:$0x3] =	stream.linear.gather [hbm4b:s18+s11], $0x80, $0x38;
	[tilespmem:$0x1D580] =	vst v63  }
0x252: {  	s30 =	simm.s32 $0x300;
	s6 =	sadd.s32 $0x60, s20  }
0x253: {  	[tilespmem:s30], [sflag:$0x7] =	stream.linear.gather [hbm4b:s6+s11], $0x80, $0x38;
	[tilespmem:$0x1D580] =	vst v63  }
0x254: {  	s6 =	simm.s32 $0x1  }
0x255: {  	_ =	swait.ge [sflag:s6], $0x80  }
0x256: {  	[sflag:s6] =	ssyncset.done $0x0  }
0x257: {  	[sflag:s6] =	ssyncadd.s32 $0xFFFFFF80  }
0x258: {  	[tilespmem:s14], [sflag:$0x9] =	stream.indirect.gather [hbm4b:s15+s1], $0x80, s11, s1, $0xb8;
	[tilespmem:$0x1D580] =	vst v63  }
0x259: {  	_ =	swait.ge [sflag:s19], $0x80  }
0x25a: {  	[sflag:s19] =	ssyncset.done $0x0  }
0x25b: {  	s18 =	simm.s32 $0x400;
	[sflag:s19] =	ssyncadd.s32 $0xFFFFFF80  }
0x25c: {  	[spmem:s3] =	stream.indirect.scatter.add.f32 [tilespmem:s16], [sflag:$0x11], $0x1, s18, s1, $0xb8;
	[tilespmem:$0x1D580] =	vst v63  }
0x25d: {  	s1 =	simm.s32 $0x13  }
0x25e: {  	_ =	swait.ge [sflag:s1], $0x80  }
0x25f: {  	s22 =	rddreg [dreg:$0x9]  }
0x260: {  	s0 =	sadd.s32 s8, s22  }
0x261: {  	s18 =	simm.s32 $0x500;
	[sflag:s1] =	ssyncset.done $0x0;
	s0 =	sshrl.u32 s0, $0x3  }
0x262: {  	[sflag:s1] =	ssyncadd.s32 $0xFFFFFF80;
	s22 =	simm.s32 $0xE;
	s0 =	sadd.s32 s9, s0  }
0x263: {  	[tilespmem:s18], [sflag:$0xF] =	stream.linear.gather [hbm4b:s0+s11], $0x80, $0x38;
	[tilespmem:$0x1D580] =	vst v63  }
0x264: {  	_ =	swait.ge [sflag:s22], $0x80  }
0x265: {  	[sflag:s22] =	ssyncset.done $0x0  }
0x266: {  	s24 =	simm.s32 $0x480;
	s14 =	simm.s32 $0x80;
	[sflag:s22] =	ssyncadd.s32 $0xFFFFFF80  }
0x267: {  	[spmem:s3] =	stream.indirect.scatter.add.f32 [tilespmem:s16], [sflag:$0x12], $0x1, s24, s14, $0xb8;
	[tilespmem:$0x1D580] =	vst v63  }
0x268: {  	s24 =	simm.s32 $0x14  }
0x269: {  	_ =	swait.ge [sflag:s24], $0x80  }
0x26a: {  	s6 =	rddreg [dreg:$0xa]  }
0x26b: {  	s0 =	sadd.s32 s8, s6  }
0x26c: {  	[sflag:s24] =	ssyncset.done $0x0;
	s0 =	sshrl.u32 s0, $0x3  }
0x26d: {  	s21 =	simm.s32 $0x580;
	[sflag:s24] =	ssyncadd.s32 $0xFFFFFF80;
	s0 =	sadd.s32 s9, s0  }
0x26e: {  	[tilespmem:s21], [sflag:$0x10] =	stream.linear.gather [hbm4b:s0+s11], $0x80, $0x38;
	[tilespmem:$0x1D580] =	vst v63  }
0x26f: {  	_ =	swait.ge [sflag:s12], $0x4000  }
0x270: {  	[sflag:s12] =	ssyncset.done $0x0  }
0x271: {  	s6 =	simm.s32 $0x8;
	[sflag:s12] =	ssyncadd.s32 $0xFFFFC000  }
0x272: {  	_ =	swait.ge [sflag:s6], $0x80  }
0x273: {  	[sflag:s6] =	ssyncset.done $0x0  }
0x274: {  	s8 =	simm.s32 $0x380;
	[sflag:s6] =	ssyncadd.s32 $0xFFFFFF80;
	s6 =	simm.s32 $0x4A00  }
0x275: {  	[spmem:s17] =	stream.indirect.scatter.add.f32 [tilespmem:s6], [sflag:$0xC], $0x80, s8, s14, $0xb8;
	[tilespmem:$0x1D580] =	vst v63  }
0x276: {  	_ =	swait.ge [sflag:s10], $0x4000  }
0x277: {  	[sflag:s10] =	ssyncset.done $0x0  }
0x278: {  	s25 =	simm.s32 $0x180;
	s8 =	sadd.s32 $0x70, s23;
	[sflag:s10] =	ssyncadd.s32 $0xFFFFC000  }
0x279: {  	[tilespmem:s25], [sflag:$0x4] =	stream.linear.gather [hbm4b:s8+s11], $0x80, $0x38;
	[tilespmem:$0x1D580] =	vst v63  }
0x27a: {  	s20 =	sadd.s32 $0x70, s20;
	s23 =	simm.s32 $0x380;
	s25 =	simm.s32 $0x2  }
0x27b: {  	[tilespmem:s23], [sflag:$0x8] =	stream.linear.gather [hbm4b:s20+s11], $0x80, $0x38;
	[tilespmem:$0x1D580] =	vst v63  }
0x27c: {  	_ =	swait.ge [sflag:s25], $0x80  }
0x27d: {  	[sflag:s25] =	ssyncset.done $0x0  }
0x27e: {  	s6 =	simm.s32 $0x4A00;
	[sflag:s25] =	ssyncadd.s32 $0xFFFFFF80  }
0x27f: {  	[tilespmem:s6], [sflag:$0xA] =	stream.indirect.gather [hbm4b:s15+s14], $0x80, s14, s14, $0xb8;
	[tilespmem:$0x1D580] =	vst v63  }
0x280: {  	_ =	swait.ge [sflag:s7], $0x80  }
0x281: {  	[sflag:s7] =	ssyncset.done $0x0  }
0x282: {  	[sflag:s7] =	ssyncadd.s32 $0xFFFFFF80  }
0x283: {  	[spmem:s3] =	stream.indirect.scatter.add.f32 [tilespmem:s16], [sflag:$0x13], $0x1, s18, s14, $0xb8;
	[tilespmem:$0x1D580] =	vst v63  }
0x284: {  	_ =	swait.ge [sflag:s29], $0x80  }
0x285: {  	s20 =	sadd.s32 s13, s9;
	[sflag:s29] =	ssyncset.done $0x0  }
0x286: {  	s8 =	sadd.s32 $0x80, s20;
	s18 =	simm.s32 $0x400;
	[sflag:s29] =	ssyncadd.s32 $0xFFFFFF80  }
0x287: {  	[tilespmem:s18], [sflag:$0xD] =	stream.linear.gather [hbm4b:s8+s11], $0x80, $0x38;
	[tilespmem:$0x1D580] =	vst v63  }
0x288: {  	_ =	swait.ge [sflag:s31], $0x80  }
0x289: {  	[sflag:s31] =	ssyncset.done $0x0  }
0x28a: {  	[sflag:s31] =	ssyncadd.s32 $0xFFFFFF80  }
0x28b: {  	[spmem:s3] =	stream.indirect.scatter.add.f32 [tilespmem:s16], [sflag:$0x14], $0x1, s21, s14, $0xb8;
	[tilespmem:$0x1D580] =	vst v63  }
0x28c: {  	_ =	swait.ge [sflag:s4], $0x80  }
0x28d: {  	s30 =	simm.s32 $0x480;
	[sflag:s4] =	ssyncset.done $0x0  }
0x28e: {  	s23 =	sadd.s32 $0x90, s20;
	s25 =	simm.s32 $0x9;
	[sflag:s4] =	ssyncadd.s32 $0xFFFFFF80  }
0x28f: {  	[tilespmem:s30], [sflag:$0xE] =	stream.linear.gather [hbm4b:s23+s11], $0x80, $0x38;
	[tilespmem:$0x1D580] =	vst v63  }
0x290: {  	_ =	swait.ge [sflag:s25], $0x4000  }
0x291: {  	[sflag:s25] =	ssyncset.done $0x0  }
0x292: {  	s29 =	simm.s32 $0x5;
	[sflag:s25] =	ssyncadd.s32 $0xFFFFC000  }
0x293: {  	s6 =	simm.s32 $0x5;
	_ =	swait.ge [sflag:s29], $0x80  }
0x294: {  	s8 =	simm.s32 $0x5;
	s18 =	simm.s32 $0x200;
	[sflag:s6] =	ssyncset.done $0x0  }
0x295: {  	s21 =	simm.s32 $0xB;
	s29 =	simm.s32 $0xA00;
	[sflag:s8] =	ssyncadd.s32 $0xFFFFFF80  }
0x296: {  	[spmem:s17] =	stream.indirect.scatter.add.f32 [tilespmem:s29], [sflag:$0xB], $0x80, s18, s14, $0xb8;
	[tilespmem:$0x1D580] =	vst v63  }
0x297: {  	p2 =	seq.s32 s5, $0x4800;
	_ =	swait.ge [sflag:s21], $0x4000  }
0x298: {  	s5 =	simm.s32 @!p2 $0x0;
	s8 =	sadd.s32 @!p2 s28, s26;
	[sflag:s21] =	ssyncset.done $0x0  }
0x299: {  	s23 =	sadd.s32 @!p2 s28, s9;
	s0 =	sadd.s32 @!p2 $0x80, s8;
	[sflag:s21] =	ssyncadd.s32 $0xFFFFC000  }
0x29a: {  	[tilespmem:s5], [sflag:$0x1] =	stream.linear.gather @!p2 [hbm4b:s0+s5], $0x80, $0x38;
	[tilespmem:$0x1D580] =	vst v63  }
0x29b: {  	s25 =	simm.s32 @!p2 $0x200;
	s18 =	sadd.s32 @!p2 $0x80, s23  }
0x29c: {  	[tilespmem:s25], [sflag:$0x5] =	stream.linear.gather @!p2 [hbm4b:s18+s5], $0x80, $0x38;
	[tilespmem:$0x1D580] =	vst v63  }
0x29d: {  	_ =	swait.ge [sflag:s2], $0x80  }
0x29e: {  	s6 =	sadd.s32 @!p2 $0xB0, s8;
	[sflag:s2] =	ssyncset.done $0x0  }
0x29f: {  	s25 =	simm.s32 $0x100;
	[dreg:$0xe] =	wrdreg s6;
	[sflag:s2] =	ssyncadd.s32 $0xFFFFFF80  }
0x2a0: {  	[tilespmem:s29], [sflag:$0x9] =	stream.indirect.gather [hbm4b:s15+s14], $0x80, s25, s14, $0xb8;
	[tilespmem:$0x1D580] =	vst v63  }
0x2a1: {  	_ =	swait.ge [sflag:s19], $0x80  }
0x2a2: {  	[sflag:s19] =	ssyncset.done $0x0  }
0x2a3: {  	s26 =	simm.s32 $0x400;
	[sflag:s19] =	ssyncadd.s32 $0xFFFFFF80  }
0x2a4: {  	[spmem:s3] =	stream.indirect.scatter.add.f32 [tilespmem:s16], [sflag:$0x11], $0x1, s26, s14, $0xb8;
	[tilespmem:$0x1D580] =	vst v63  }
0x2a5: {  	_ =	swait.ge [sflag:s1], $0x80  }
0x2a6: {  	s30 =	sadd.s32 @!p2 $0xA0, s8;
	s0 =	sadd.s32 @!p2 $0x90, s8;
	[sflag:s1] =	ssyncset.done $0x0  }
0x2a7: {  	s8 =	simm.s32 $0x500;
	s29 =	sadd.s32 $0xA0, s20;
	[sflag:s1] =	ssyncadd.s32 $0xFFFFFF80  }
0x2a8: {  	[tilespmem:s8], [sflag:$0xF] =	stream.linear.gather [hbm4b:s29+s11], $0x80, $0x38;
	[tilespmem:$0x1D580] =	vst v63  }
0x2a9: {  	_ =	swait.ge [sflag:s22], $0x80  }
0x2aa: {  	[sflag:s22] =	ssyncset.done $0x0  }
0x2ab: {  	s6 =	simm.s32 $0x480;
	[sflag:s22] =	ssyncadd.s32 $0xFFFFFF80  }
0x2ac: {  	[spmem:s3] =	stream.indirect.scatter.add.f32 [tilespmem:s16], [sflag:$0x12], $0x1, s6, s14, $0xb8;
	[tilespmem:$0x1D580] =	vst v63  }
0x2ad: {  	_ =	swait.ge [sflag:s24], $0x80  }
0x2ae: {  	[sflag:s24] =	ssyncset.done $0x0  }
0x2af: {  	s2 =	sadd.s32 $0xB0, s20;
	s26 =	simm.s32 $0x580;
	[sflag:s24] =	ssyncadd.s32 $0xFFFFFF80  }
0x2b0: {  	[tilespmem:s26], [sflag:$0x10] =	stream.linear.gather [hbm4b:s2+s11], $0x80, $0x38;
	[tilespmem:$0x1D580] =	vst v63  }
0x2b1: {  	_ =	swait.ge [sflag:s12], $0x4000  }
0x2b2: {  	[sflag:s12] =	ssyncset.done $0x0  }
0x2b3: {  	s25 =	simm.s32 $0x6;
	[sflag:s12] =	ssyncadd.s32 $0xFFFFC000  }
0x2b4: {  	_ =	swait.ge [sflag:s25], $0x80  }
0x2b5: {  	s29 =	simm.s32 $0x6;
	[sflag:s25] =	ssyncset.done $0x0  }
0x2b6: {  	s25 =	simm.s32 $0x4A00;
	[sflag:s29] =	ssyncadd.s32 $0xFFFFFF80;
	s29 =	simm.s32 $0x280  }
0x2b7: {  	[spmem:s17] =	stream.indirect.scatter.add.f32 [tilespmem:s25], [sflag:$0xC], $0x80, s29, s14, $0xb8;
	[tilespmem:$0x1D580] =	vst v63  }
0x2b8: {  	_ =	swait.ge [sflag:s10], $0x4000  }
0x2b9: {  	[sflag:s10] =	ssyncset.done $0x0  }
0x2ba: {  	s25 =	simm.s32 @!p2 $0x80;
	[sflag:s10] =	ssyncadd.s32 $0xFFFFC000  }
0x2bb: {  	[tilespmem:s25], [sflag:$0x2] =	stream.linear.gather @!p2 [hbm4b:s0+s5], $0x80, $0x38;
	[tilespmem:$0x1D580] =	vst v63  }
0x2bc: {  	s21 =	sadd.s32 @!p2 $0x90, s23;
	s2 =	simm.s32 @!p2 $0x280  }
0x2bd: {  	[tilespmem:s2], [sflag:$0x6] =	stream.linear.gather @!p2 [hbm4b:s21+s5], $0x80, $0x38;
	[tilespmem:$0x1D580] =	vst v63  }
0x2be: {  	s21 =	simm.s32 $0x4  }
0x2bf: {  	_ =	swait.ge [sflag:s21], $0x80  }
0x2c0: {  	s29 =	simm.s32 $0x4;
	[sflag:s21] =	ssyncset.done $0x0  }
0x2c1: {  	s2 =	simm.s32 $0x4A00;
	s21 =	simm.s32 $0x180;
	[sflag:s29] =	ssyncadd.s32 $0xFFFFFF80  }
0x2c2: {  	[tilespmem:s2], [sflag:$0xA] =	stream.indirect.gather [hbm4b:s15+s14], $0x80, s21, s14, $0xb8;
	[tilespmem:$0x1D580] =	vst v63  }
0x2c3: {  	_ =	swait.ge [sflag:s7], $0x80  }
0x2c4: {  	[sflag:s7] =	ssyncset.done $0x0  }
0x2c5: {  	s29 =	simm.s32 $0x11;
	[sflag:s7] =	ssyncadd.s32 $0xFFFFFF80  }
0x2c6: {  	[spmem:s3] =	stream.indirect.scatter.add.f32 [tilespmem:s16], [sflag:$0x13], $0x1, s8, s14, $0xb8;
	[tilespmem:$0x1D580] =	vst v63  }
0x2c7: {  	_ =	swait.ge [sflag:s29], $0x80  }
0x2c8: {  	[sflag:s29] =	ssyncset.done $0x0  }
0x2c9: {  	s0 =	sadd.s32 $0xC0, s20;
	s21 =	simm.s32 $0x400;
	[sflag:s29] =	ssyncadd.s32 $0xFFFFFF80  }
0x2ca: {  	[tilespmem:s21], [sflag:$0xD] =	stream.linear.gather [hbm4b:s0+s11], $0x80, $0x38;
	[tilespmem:$0x1D580] =	vst v63  }
0x2cb: {  	_ =	swait.ge [sflag:s31], $0x80  }
0x2cc: {  	[sflag:s31] =	ssyncset.done $0x0  }
0x2cd: {  	[sflag:s31] =	ssyncadd.s32 $0xFFFFFF80  }
0x2ce: {  	[spmem:s3] =	stream.indirect.scatter.add.f32 [tilespmem:s16], [sflag:$0x14], $0x1, s26, s14, $0xb8;
	[tilespmem:$0x1D580] =	vst v63  }
0x2cf: {  	_ =	swait.ge [sflag:s4], $0x80  }
0x2d0: {  	[sflag:s4] =	ssyncset.done $0x0  }
0x2d1: {  	s2 =	simm.s32 $0x9;
	s26 =	sadd.s32 $0xD0, s20;
	[sflag:s4] =	ssyncadd.s32 $0xFFFFFF80  }
0x2d2: {  	[tilespmem:s6], [sflag:$0xE] =	stream.linear.gather [hbm4b:s26+s11], $0x80, $0x38;
	[tilespmem:$0x1D580] =	vst v63  }
0x2d3: {  	s4 =	rddreg [dreg:$0xb];
	_ =	swait.ge [sflag:s2], $0x4000  }
0x2d4: {  	s6 =	simm.s32 $0x9;
	[sflag:s2] =	ssyncset.done $0x0  }
0x2d5: {  	s2 =	simm.s32 $0x7;
	[sflag:s6] =	ssyncadd.s32 $0xFFFFC000  }
0x2d6: {  	_ =	swait.ge [sflag:s2], $0x80  }
0x2d7: {  	s6 =	simm.s32 $0x7;
	[sflag:s2] =	ssyncset.done $0x0  }
0x2d8: {  	s2 =	simm.s32 $0x300;
	[sflag:s6] =	ssyncadd.s32 $0xFFFFFF80;
	s6 =	simm.s32 $0xA00  }
0x2d9: {  	[spmem:s17] =	stream.indirect.scatter.add.f32 [tilespmem:s6], [sflag:$0xB], $0x80, s2, s14, $0xb8;
	[tilespmem:$0x1D580] =	vst v63  }
0x2da: {  	s2 =	simm.s32 $0xB  }
0x2db: {  	_ =	swait.ge [sflag:s2], $0x4000  }
0x2dc: {  	s6 =	simm.s32 $0xB;
	[sflag:s2] =	ssyncset.done $0x0  }
0x2dd: {  	s0 =	simm.s32 @!p2 $0x100;
	[sflag:s6] =	ssyncadd.s32 $0xFFFFC000  }
0x2de: {  	[tilespmem:s0], [sflag:$0x3] =	stream.linear.gather @!p2 [hbm4b:s30+s5], $0x80, $0x38;
	[tilespmem:$0x1D580] =	vst v63  }
0x2df: {  	s18 =	sadd.s32 @!p2 $0xA0, s23;
	s2 =	simm.s32 @!p2 $0x300;
	s0 =	simm.s32 @!p2 $0x1  }
0x2e0: {  	[tilespmem:s2], [sflag:$0x7] =	stream.linear.gather @!p2 [hbm4b:s18+s5], $0x80, $0x38;
	[tilespmem:$0x1D580] =	vst v63  }
0x2e1: {  	_ =	swait.ge @!p2 [sflag:s0], $0x80  }
0x2e2: {  	[sflag:s0] =	ssyncset.done @!p2 $0x0  }
0x2e3: {  	s2 =	simm.s32 @!p2 $0xA00;
	[sflag:s0] =	ssyncadd.s32 @!p2 $0xFFFFFF80  }
0x2e4: {  	[tilespmem:s2], [sflag:$0x9] =	stream.indirect.gather @!p2 [hbm4b:s15+s25], $0x80, s5, s25, $0xb8;
	[tilespmem:$0x1D580] =	vst v63  }
0x2e5: {  	_ =	swait.ge [sflag:s19], $0x80  }
0x2e6: {  	[sflag:s19] =	ssyncset.done $0x0  }
0x2e7: {  	s30 =	smov.u32 s17;
	s17 =	simm.s32 $0x400;
	[sflag:s19] =	ssyncadd.s32 $0xFFFFFF80  }
0x2e8: {  	[spmem:s3] =	stream.indirect.scatter.add.f32 [tilespmem:s16], [sflag:$0x11], $0x1, s17, s14, $0xb8;
	[tilespmem:$0x1D580] =	vst v63  }
0x2e9: {  	s6 =	rddreg [dreg:$0xc];
	_ =	swait.ge [sflag:s1], $0x80  }
0x2ea: {  	[sflag:s1] =	ssyncset.done $0x0  }
0x2eb: {  	s8 =	simm.s32 $0x500;
	s19 =	sadd.s32 $0xE0, s20;
	[sflag:s1] =	ssyncadd.s32 $0xFFFFFF80  }
0x2ec: {  	[tilespmem:s8], [sflag:$0xF] =	stream.linear.gather [hbm4b:s19+s11], $0x80, $0x38;
	[tilespmem:$0x1D580] =	vst v63  }
0x2ed: {  	_ =	swait.ge [sflag:s22], $0x80  }
0x2ee: {  	[sflag:s22] =	ssyncset.done $0x0  }
0x2ef: {  	s26 =	simm.s32 $0x480;
	s1 =	simm.s32 $0x80;
	[sflag:s22] =	ssyncadd.s32 $0xFFFFFF80  }
0x2f0: {  	[spmem:s3] =	stream.indirect.scatter.add.f32 [tilespmem:s16], [sflag:$0x12], $0x1, s26, s1, $0xb8;
	[tilespmem:$0x1D580] =	vst v63  }
0x2f1: {  	_ =	swait.ge [sflag:s24], $0x80  }
0x2f2: {  	s31 =	simm.s32 $0x580;
	[sflag:s24] =	ssyncset.done $0x0  }
0x2f3: {  	s22 =	sadd.s32 $0xF0, s20;
	s16 =	simm.s32 $0x0;
	[sflag:s24] =	ssyncadd.s32 $0xFFFFFF80  }
0x2f4: {  	[tilespmem:s31], [sflag:$0x10] =	stream.linear.gather [hbm4b:s22+s16], $0x80, $0x38;
	[tilespmem:$0x1D580] =	vst v63  }
0x2f5: {  	_ =	swait.ge [sflag:s12], $0x4000  }
0x2f6: {  	[sflag:s12] =	ssyncset.done $0x0  }
0x2f7: {  	s24 =	simm.s32 $0x8;
	[sflag:s12] =	ssyncadd.s32 $0xFFFFC000  }
0x2f8: {  	_ =	swait.ge [sflag:s24], $0x80  }
0x2f9: {  	s26 =	simm.s32 $0x8;
	[sflag:s24] =	ssyncset.done $0x0  }
0x2fa: {  	s21 =	simm.s32 $0x380;
	s31 =	simm.s32 $0x4A00;
	[sflag:s26] =	ssyncadd.s32 $0xFFFFFF80  }
0x2fb: {  	[spmem:s30] =	stream.indirect.scatter.add.f32 [tilespmem:s31], [sflag:$0xC], $0x80, s21, s1, $0xb8;
	[tilespmem:$0x1D580] =	vst v63  }
0x2fc: {  	_ =	swait.ge [sflag:s10], $0x4000  }
0x2fd: {  	[sflag:s10] =	ssyncset.done $0x0  }
0x2fe: {  	s0 =	simm.s32 @!p2 $0x180;
	[sflag:s10] =	ssyncadd.s32 $0xFFFFC000;
	s10 =	rddreg [dreg:$0xe]  }
0x2ff: {  	[tilespmem:s0], [sflag:$0x4] =	stream.linear.gather @!p2 [hbm4b:s10+s5], $0x80, $0x38;
	[tilespmem:$0x1D580] =	vst v63  }
0x300: {  	s23 =	sadd.s32 @!p2 $0xB0, s23;
	s2 =	simm.s32 @!p2 $0x380;
	s0 =	simm.s32 @!p2 $0x2  }
0x301: {  	[tilespmem:s2], [sflag:$0x8] =	stream.linear.gather @!p2 [hbm4b:s23+s5], $0x80, $0x38;
	[tilespmem:$0x1D580] =	vst v63  }
0x302: {  	_ =	swait.ge @!p2 [sflag:s0], $0x80  }
0x303: {  	[sflag:s0] =	ssyncset.done @!p2 $0x0  }
0x304: {  	s2 =	simm.s32 @!p2 $0x4A00;
	[sflag:s0] =	ssyncadd.s32 @!p2 $0xFFFFFF80  }
0x305: {  	[tilespmem:s2], [sflag:$0xA] =	stream.indirect.gather @!p2 [hbm4b:s15+s25], $0x80, s25, s25, $0xb8;
	[tilespmem:$0x1D580] =	vst v63  }
0x306: {  	_ =	swait.ge [sflag:s7], $0x80  }
0x307: {  	[sflag:s7] =	ssyncset.done $0x0  }
0x308: {  	s29 =	simm.s32 $0x11;
	s11 =	simm.s32 $0x8B00;
	[sflag:s7] =	ssyncadd.s32 $0xFFFFFF80  }
0x309: {  	[spmem:s3] =	stream.indirect.scatter.add.f32 [tilespmem:s11], [sflag:$0x13], $0x1, s8, s1, $0xb8;
	[tilespmem:$0x1D580] =	vst v63  }
0x30a: {  	_ =	swait.ge [sflag:s29], $0x80  }
0x30b: {  	p2 =	sgt.u32 s6, $0x4E;
	[sflag:s29] =	ssyncset.done $0x0  }
0x30c: {  	s2 =	simm.s32 @p2 $0x10;
	[sflag:s29] =	ssyncadd.s32 $0xFFFFFF80  }
0x30d: {  	_ =	swait.ge @p2 [sflag:s2], $0x80  }
0x30e: {  	s18 =	simm.s32 @p2 $0x80;
	s20 =	simm.s32 @p2 $0x580;
	[sflag:s2] =	ssyncset.done @p2 $0x0  }
0x30f: {  	s8 =	simm.s32 @p2 $0x8B00;
	[sflag:s2] =	ssyncadd.s32 @p2 $0xFFFFFF80;
	s2 =	simm.s32 @p2 $0x12  }
0x310: {  	[spmem:s3] =	stream.indirect.scatter.add.f32 @p2 [tilespmem:s8], [sflag:$0x14], $0x1, s20, s18, $0xb8;
	[tilespmem:$0x1D580] =	vst v63  }
0x311: {  	s28 =	sadd.s32 $0x80, s28;
	s0 =	sadd.s32 @!p2 s13, s9;
	_ =	swait.ge @p2 [sflag:s2], $0x80  }
0x312: {  	s5 =	sadd.s32 @!p2 $0x100, s0;
	s8 =	simm.s32 @!p2 $0x0;
	[sflag:s2] =	ssyncset.done @p2 $0x0  }
0x313: {  	s18 =	simm.s32 @!p2 $0x400;
	[sflag:s2] =	ssyncadd.s32 @p2 $0xFFFFFF80;
	s2 =	simm.s32 @!p2 $0x10  }
0x314: {  	[tilespmem:s18], [sflag:$0xD] =	stream.linear.gather @!p2 [hbm4b:s5+s8], $0x80, $0x38;
	[tilespmem:$0x1D580] =	vst v63  }
0x315: {  	s19 =	simm.s32 $0x5;
	s21 =	simm.s32 @!p2 $0x80;
	_ =	swait.ge @!p2 [sflag:s2], $0x80  }
.Ltmp3:
0x316: {  	s20 =	simm.s32 @!p2 $0x8B00;
	[sflag:s2] =	ssyncset.done @!p2 $0x0;
	(pc) =	sbr.rel @p1 .LBB2_4-.Ltmp3, $4  }
0x317: {  	s18 =	simm.s32 @!p2 $0x580;
	s5 =	simm.s32 @!p2 $0x12;
	[sflag:s2] =	ssyncadd.s32 @!p2 $0xFFFFFF80  }
0x318: {  	[spmem:s3] =	stream.indirect.scatter.add.f32 @!p2 [tilespmem:s20], [sflag:$0x14], $0x1, s18, s21, $0xb8;
	[tilespmem:$0x1D580] =	vst v63  }
0x319: {  	s25 =	smov.u32 s15;
	s6 =	sadd.s32 $0x8, s6;
	_ =	swait.ge @!p2 [sflag:s5], $0x80  }
0x31a: {  	s0 =	sadd.s32 @!p2 $0x110, s0;
	s18 =	simm.s32 @!p2 $0x480;
	[sflag:s5] =	ssyncset.done @!p2 $0x0  }
0x31b: {  	[sflag:s5] =	ssyncadd.s32 @!p2 $0xFFFFFF80;
	s28 =	simm.s32 $0x13  }
0x31c: {  	[tilespmem:s18], [sflag:$0xE] =	stream.linear.gather @!p2 [hbm4b:s0+s8], $0x80, $0x38;
	[tilespmem:$0x1D580] =	vst v63  }
0x31d: {  	_ =	swait.ge [sflag:s28], $0x80  }
0x31e: {  	[sflag:s28] =	ssyncset.done $0x0  }
0x31f: {  	s29 =	simm.s32 $0x14;
	[sflag:s28] =	ssyncadd.s32 $0xFFFFFF80  }
0x320: {  	_ =	swait.ge [sflag:s29], $0x80  }
0x321: {  	[sflag:s29] =	ssyncset.done $0x0  }
0x322: {  	[sflag:s29] =	ssyncadd.s32 $0xFFFFFF80  }
0x323: {  	[bflag:$0x0] =	sbarrier.arrive $0xFFFF  }
0x324: {  	s31 =	simm.s32 $0x8B80;
	s13 =	simm.s32 $0x1D;
	s2 =	rddreg [dreg:$0x10]  }
0x325: {  	[tilespmem:s31], [sflag:$0x1D] =	stream.linear.gather [spmem:s2], $0x280, $0x38;
	[tilespmem:$0x1D580] =	vst v63  }
0x326: {  	_ =	swait.ge [sflag:s13], $0x280  }
0x327: {  	[sflag:s13] =	ssyncset.done $0x0  }
0x328: {  	s5 =	simm.s32 $0x40;
	s0 =	simm.s32 $0x0;
	[sflag:s13] =	ssyncadd.s32 $0xFFFFFD80  }
.LBB2_6:
0x329: {  	p1 =	sne.s32 s5, $0x9C0;
	v2 =	vld [tilespmem:s0+$0x8B80];
	_ =	sdelay $0x4  }
0x32a: {  	v2 =	vmax.f32 v2, $1.000000000e+00  }
0x32b: {  	(erf) = vrcp.f32 v2;
	_ =	sdelay $0x5  }
.Ltmp4:
0x32c: {  	(pc) =	sbr.rel @p1 .LBB2_6-.Ltmp4, $3  }
0x32d: {  	_ =	sdelay $0x1  }
0x32e: {  	v2 =	vpop (erf)  }
0x32f: {  	[tilespmem:s0+$0x8B80] =	vst v2;
	s0 =	sshra.s32 s5, $0x2;
	s5 =	sadd.s32 $0x40, s5  }
0x330: {  	v2 =	vld [tilespmem:s0+$0x8B80];
	_ =	sdelay $0x4  }
0x331: {  	v2 =	vmax.f32 v2, $1.000000000e+00  }
0x332: {  	(erf) = vrcp.f32 v2;
	_ =	sdelay $0x8  }
0x333: {  	v2 =	vpop (erf)  }
0x334: {  	s23 =	rddreg [dreg:$0x18];
	s20 =	simm.s32 $0x8B80;
	[tilespmem:s0+$0x8B80] =	vst v2  }
0x335: {  	[spmem:s23] =	stream.linear.scatter [tilespmem:s20], [sflag:$0x1D], $0x280, $0x38;
	[tilespmem:$0x1D580] =	vst v63  }
0x336: {  	_ =	swait.ge [sflag:s13], $0x280  }
0x337: {  	[sflag:s13] =	ssyncset.done $0x0  }
0x338: {  	[sflag:s13] =	ssyncadd.s32 $0xFFFFFD80  }
0x339: {  	[bflag:$0x0] =	sbarrier.arrive $0xFFFF  }
0x33a: {  	s28 =	rddreg [dreg:$0x1a]  }
0x33b: {  	s22 =	rddreg [dreg:$0x1b]  }
0x33c: {  	s24 =	rddreg [dreg:$0x1d]  }
0x33d: {  	s26 =	rddreg [dreg:$0x1e]  }
0x33e: {  	s5 =	simm.s32 $0x0;
	s21 =	simm.s32 $0x600;
	s15 =	rddreg [dreg:$0x4]  }
0x33f: {  	[tilespmem:s21], [sflag:$0x15] =	stream.linear.gather [hbm4b:s28+s5], $0x80, $0x38;
	[tilespmem:$0x1D580] =	vst v63  }
0x340: {  	s2 =	simm.s32 $0x800;
	s14 =	simm.s32 $0x680;
	s17 =	rddreg [dreg:$0x5]  }
0x341: {  	[tilespmem:s2], [sflag:$0x17] =	stream.linear.gather [hbm4b:s22+s5], $0x80, $0x38;
	[tilespmem:$0x1D580] =	vst v63  }
0x342: {  	s29 =	simm.s32 $0x880;
	s4 =	simm.s32 $0x9;
	s18 =	rddreg [dreg:$0xf]  }
0x343: {  	[tilespmem:s14], [sflag:$0x16] =	stream.linear.gather [hbm4b:s24+s5], $0x80, $0x38;
	[tilespmem:$0x1D580] =	vst v63  }
0x344: {  	s7 =	simm.s32 $0xA;
	s31 =	rddreg [dreg:$0x11];
	s21 =	simm.s32 $0xD  }
0x345: {  	[tilespmem:s29], [sflag:$0x18] =	stream.linear.gather [hbm4b:s26+s5], $0x80, $0x38;
	[tilespmem:$0x1D580] =	vst v63  }
.LBB2_8:
0x346: {  	p1 =	seq.s32 s5, $0x0  }
0x347: {  	s0 =	simm.s32 @!p1 $0x1B  }
0x348: {  	_ =	swait.ge @!p1 [sflag:s0], $0x80  }
0x349: {  	s26 =	sld [smem:$0x7F4];
	_ =	sdelay $0x2  }
0x34a: {  	s19 =	simm.s32 $0x900;
	[sflag:s0] =	ssyncset.done @!p1 $0x0;
	s2 =	sadd.s32 s5, s26  }
0x34b: {  	s22 =	simm.s32 $0x15;
	[sflag:s0] =	ssyncadd.s32 @!p1 $0xFFFFFF80;
	s24 =	sadd.s32 $0x20, s2  }
0x34c: {  	[tilespmem:s19], [sflag:$0x19] =	stream.linear.gather [hbm4b:s24+s16], $0x80, $0x38;
	[tilespmem:$0x1D580] =	vst v63  }
0x34d: {  	_ =	swait.ge [sflag:s22], $0x80  }
0x34e: {  	[sflag:s22] =	ssyncset.done $0x0  }
0x34f: {  	s10 =	simm.s32 $0x600;
	s12 =	simm.s32 $0x8A00;
	[sflag:s22] =	ssyncadd.s32 $0xFFFFFF80  }
0x350: {  	[tilespmem:s12], [sflag:$0x9] =	stream.indirect.gather [spmem:s17], $0x1, s10, s1, $0xb8;
	[tilespmem:$0x1D580] =	vst v63  }
0x351: {  	_ =	swait.ge [sflag:s4], $0x80  }
0x352: {  	[sflag:s4] =	ssyncset.done $0x0  }
0x353: {  	s29 =	simm.s32 $0x17;
	[sflag:s4] =	ssyncadd.s32 $0xFFFFFF80  }
0x354: {  	_ =	swait.ge [sflag:s29], $0x80  }
0x355: {  	[sflag:s29] =	ssyncset.done $0x0;
	s20 =	sld [smem:$0x7FD]  }
0x356: {  	s6 =	simm.s32 $0x800;
	[sflag:s29] =	ssyncadd.s32 $0xFFFFFF80  }
0x357: {  	[spmem:s15] =	stream.indirect.scatter.add.f32 [tilespmem:s12], [sflag:$0x1B], $0x1, s6, s1, $0xb8;
	[tilespmem:$0x1D580] =	vst v63  }
0x358: {  	s0 =	sadd.s32 s5, s20  }
0x359: {  	s8 =	sadd.s32 $0x20, s0  }
0x35a: {  	[tilespmem:s10], [sflag:$0x15] =	stream.linear.gather [hbm4b:s8+s16], $0x80, $0x38;
	[tilespmem:$0x1D580] =	vst v63  }
0x35b: {  	s8 =	simm.s32 @!p1 $0x1C  }
0x35c: {  	_ =	swait.ge @!p1 [sflag:s8], $0x80  }
0x35d: {  	s2 =	sadd.s32 $0x30, s2;
	[sflag:s8] =	ssyncset.done @!p1 $0x0  }
0x35e: {  	s24 =	simm.s32 $0x980;
	s6 =	simm.s32 $0x16;
	[sflag:s8] =	ssyncadd.s32 @!p1 $0xFFFFFF80  }
0x35f: {  	[tilespmem:s24], [sflag:$0x1A] =	stream.linear.gather [hbm4b:s2+s16], $0x80, $0x38;
	[tilespmem:$0x1D580] =	vst v63  }
0x360: {  	_ =	swait.ge [sflag:s6], $0x80  }
0x361: {  	[sflag:s6] =	ssyncset.done $0x0  }
0x362: {  	s29 =	simm.s32 $0x8A80;
	[sflag:s6] =	ssyncadd.s32 $0xFFFFFF80  }
0x363: {  	[tilespmem:s29], [sflag:$0xA] =	stream.indirect.gather [spmem:s17], $0x1, s14, s1, $0xb8;
	[tilespmem:$0x1D580] =	vst v63  }
0x364: {  	_ =	swait.ge [sflag:s7], $0x80  }
0x365: {  	[sflag:s7] =	ssyncset.done $0x0  }
0x366: {  	s8 =	simm.s32 $0x18;
	[sflag:s7] =	ssyncadd.s32 $0xFFFFFF80  }
0x367: {  	_ =	swait.ge [sflag:s8], $0x80  }
0x368: {  	[sflag:s8] =	ssyncset.done $0x0  }
0x369: {  	[sflag:s8] =	ssyncadd.s32 $0xFFFFFF80;
	s8 =	simm.s32 $0x880  }
0x36a: {  	[spmem:s15] =	stream.indirect.scatter.add.f32 [tilespmem:s29], [sflag:$0x1C], $0x1, s8, s1, $0xb8;
	[tilespmem:$0x1D580] =	vst v63  }
0x36b: {  	s8 =	sadd.s32 $0x30, s0  }
0x36c: {  	[tilespmem:s14], [sflag:$0x16] =	stream.linear.gather [hbm4b:s8+s16], $0x80, $0x38;
	[tilespmem:$0x1D580] =	vst v63  }
0x36d: {  	s8 =	simm.s32 $0x1B  }
0x36e: {  	p1 =	seq.s32 s5, $0x4C0;
	_ =	swait.ge [sflag:s8], $0x80  }
0x36f: {  	s2 =	sadd.s32 @!p1 s5, s26;
	s26 =	simm.s32 @!p1 $0x0;
	[sflag:s8] =	ssyncset.done $0x0  }
0x370: {  	s14 =	simm.s32 @!p1 $0x800;
	[sflag:s8] =	ssyncadd.s32 $0xFFFFFF80;
	s8 =	sadd.s32 @!p1 $0x40, s2  }
0x371: {  	[tilespmem:s14], [sflag:$0x17] =	stream.linear.gather @!p1 [hbm4b:s8+s26], $0x80, $0x38;
	[tilespmem:$0x1D580] =	vst v63  }
0x372: {  	_ =	swait.ge [sflag:s22], $0x80  }
0x373: {  	[sflag:s22] =	ssyncset.done $0x0  }
0x374: {  	[sflag:s22] =	ssyncadd.s32 $0xFFFFFF80  }
0x375: {  	[tilespmem:s12], [sflag:$0x9] =	stream.indirect.gather [spmem:s17], $0x1, s10, s1, $0xb8;
	[tilespmem:$0x1D580] =	vst v63  }
0x376: {  	_ =	swait.ge [sflag:s4], $0x80  }
0x377: {  	[sflag:s4] =	ssyncset.done $0x0  }
0x378: {  	s14 =	simm.s32 $0x19;
	[sflag:s4] =	ssyncadd.s32 $0xFFFFFF80  }
0x379: {  	_ =	swait.ge [sflag:s14], $0x80  }
0x37a: {  	[sflag:s14] =	ssyncset.done $0x0  }
0x37b: {  	s8 =	sadd.s32 @!p1 s5, s20;
	[sflag:s14] =	ssyncadd.s32 $0xFFFFFF80  }
0x37c: {  	[spmem:s15] =	stream.indirect.scatter.add.f32 [tilespmem:s12], [sflag:$0x1B], $0x1, s19, s1, $0xb8;
	[tilespmem:$0x1D580] =	vst v63  }
0x37d: {  	s8 =	sadd.s32 @!p1 $0x40, s8;
	s22 =	simm.s32 $0x1C;
	s14 =	simm.s32 @!p1 $0x600  }
0x37e: {  	[tilespmem:s14], [sflag:$0x15] =	stream.linear.gather @!p1 [hbm4b:s8+s26], $0x80, $0x38;
	[tilespmem:$0x1D580] =	vst v63  }
0x37f: {  	_ =	swait.ge [sflag:s22], $0x80  }
0x380: {  	[sflag:s22] =	ssyncset.done $0x0  }
0x381: {  	s2 =	sadd.s32 @!p1 $0x50, s2;
	s8 =	simm.s32 @!p1 $0x880;
	[sflag:s22] =	ssyncadd.s32 $0xFFFFFF80  }
0x382: {  	[tilespmem:s8], [sflag:$0x18] =	stream.linear.gather @!p1 [hbm4b:s2+s26], $0x80, $0x38;
	[tilespmem:$0x1D580] =	vst v63  }
0x383: {  	_ =	swait.ge [sflag:s6], $0x80  }
0x384: {  	[sflag:s6] =	ssyncset.done $0x0  }
0x385: {  	s14 =	simm.s32 $0x680;
	[sflag:s6] =	ssyncadd.s32 $0xFFFFFF80  }
0x386: {  	[tilespmem:s29], [sflag:$0xA] =	stream.indirect.gather [spmem:s17], $0x1, s14, s1, $0xb8;
	[tilespmem:$0x1D580] =	vst v63  }
0x387: {  	_ =	swait.ge [sflag:s7], $0x80  }
0x388: {  	[sflag:s7] =	ssyncset.done $0x0  }
.Ltmp5:
0x389: {  	s26 =	simm.s32 $0x1A;
	[sflag:s7] =	ssyncadd.s32 $0xFFFFFF80;
	(pc) =	sbr.rel @p1 .LBB2_10-.Ltmp5, $4  }
0x38a: {  	_ =	swait.ge [sflag:s26], $0x80  }
0x38b: {  	[sflag:s26] =	ssyncset.done $0x0  }
0x38c: {  	[sflag:s26] =	ssyncadd.s32 $0xFFFFFF80  }
0x38d: {  	[spmem:s15] =	stream.indirect.scatter.add.f32 [tilespmem:s29], [sflag:$0x1C], $0x1, s24, s1, $0xb8;
	[tilespmem:$0x1D580] =	vst v63  }
.Ltmp6:
0x38e: {  	(pc) =	sbr.rel .LBB2_8-.Ltmp6, $3  }
0x38f: {  	_ =	sdelay $0x1  }
0x390: {  	s0 =	sadd.s32 $0x50, s0;
	s5 =	sadd.s32 $0x40, s5  }
0x391: {  	[tilespmem:s14], [sflag:$0x16] =	stream.linear.gather [hbm4b:s0+s16], $0x80, $0x38;
	[tilespmem:$0x1D580] =	vst v63  }
.LBB2_11:
0x392: {  	_ =	sfence.sel $0x180000  }
0x393: {  	[bflag:$0x0] =	sbarrier.arrive $0xFFFF  }
0x394: {  	_ =	strace $0x90000047  }
0x395: {  	s0 =	stileid.u32;
	[bflag:$0x2] =	sbarrier.arrive $0xFFFF  }
0x396: {  	p0 =	sne.s32 s0, $0x0;
	s0 =	rddreg [dreg:$0x6]  }
0x397: {  	s0 =	sadd.s32 @!p0 $0x100000, s0  }
0x398: {  	[sflag:s0] =	ssyncadd.tile.s32 @!p0 $0x1;
	_ =	shalt  }
.Lfunc_end2:
_tile_overlayer_lowered:
.L_overlay_start_2:
0x399: {  	(tag) =	ssettag $0x2  }
0x39a: {  	s0 =	rddreg [dreg:$0x0];
	s2 =	stileid.u32  }
0x39b: {  	s1 =	rddreg [dreg:$0x1];
	p0 =	sne.s32 s2, $0x0  }
0x39c: {  	s3 =	rddreg [dreg:$0x2];
	[bflag:$0x3] =	sbarrier.arrive $0xFFFF;
	s2 =	simm.s32 @!p0 $0x1C1D  }
0x39d: {  	[timem:s3], [sflag:s2] =	dma.local @!p0 [hbm:s0], s1  }
0x39e: {  	s0 =	simm.s32 @!p0 $0x1D  }
0x39f: {  	_ =	swait.ge @!p0 [sflag:s0], s1  }
0x3a0: {  	s1 =	ssub.s32 @!p0 $0x0, s1;
	[sflag:s0] =	ssyncset.done @!p0 $0x0  }
0x3a1: {  	[sflag:s0] =	ssyncadd.s32 @!p0 s1  }
0x3a2: {  	[bflag:$0x3] =	sbarrier.arrive $0xFFFF  }
0x3a3: {  	_ =	shalt  }

</sc_bundles>
